<compile_context>
chip_gen: v7x
topology: tpu7x:2x2x1
jax: 0.10.2.dev20260603
libtpu: 0.0.44.dev20260713+nightly
codegen_flags: <defaults>
</compile_context>

<pallas_src>
import functools

import jax
import jax.numpy as jnp
import numpy as np
from jax import lax
from jax.experimental import pallas as pl
from jax.experimental.pallas import tpu as pltpu
from jax.experimental.pallas import tpu_sc as plsc

N = 50000
C = 128
K = 9

NC = 2
NS = 16
NW = NC * NS

BB = 32
ROWS = BB * K
GB = 48
NGATH = ROWS // GB
CHUNKS_PW = 50
NPW = BB * CHUNKS_PW
assert NW * NPW >= N and N - NPW >= 0 and ((N - NPW) * K) % 8 == 0

_BN = 1024
NPT = 49 * _BN
assert NPT >= N + 1



def _mm_body(x_ref, w_ref, o_ref):
    i = pl.program_id(0)
    row = i * _BN + lax.broadcasted_iota(jnp.int32, (_BN, 1), 0)
    x = jnp.where(row < N, x_ref[...], 0.0)
    for k in range(K):
        o_ref[k] = jnp.dot(x, w_ref[k], preferred_element_type=jnp.float32)


_mm_call = pl.pallas_call(
    _mm_body,
    grid=(NPT // _BN,),
    in_specs=[
        pl.BlockSpec((_BN, C), lambda i: (i, 0)),
        pl.BlockSpec((K, C, C), lambda i: (0, 0, 0)),
    ],
    out_specs=pl.BlockSpec((K, _BN, C), lambda i: (0, i, 0)),
    out_shape=jax.ShapeDtypeStruct((K, NPT, C), jnp.float32),
)



def _koff_vec(j):
    lane = lax.iota(jnp.int32, 16)
    return ((lane + (16 * j) % K) % K) * NPT


@functools.partial(
    pl.kernel,
    out_type=jax.ShapeDtypeStruct((N, C), jnp.float32),
    mesh=plsc.VectorSubcoreMesh(core_axis_name="c", subcore_axis_name="s"),
    scratch_types=[
        pltpu.VMEM((ROWS,), jnp.int32),
        pltpu.VMEM((ROWS,), jnp.int32),
        pltpu.VMEM((NGATH, GB), jnp.int32),
        pltpu.VMEM((NGATH, GB), jnp.int32),
        pltpu.VMEM((ROWS, C), jnp.float32),
        pltpu.VMEM((ROWS, C), jnp.float32),
        pltpu.VMEM((BB, C), jnp.float32),
        pltpu.VMEM((BB, C), jnp.float32),
        pltpu.VMEM((C,), jnp.float32),
        pltpu.SemaphoreType.DMA,
        pltpu.SemaphoreType.DMA,
    ],
)
def _sc_gather(table_hbm, idx_hbm, b_hbm, out_hbm,
               idx_a, idx_b, gidx_a, gidx_b, rows_a, rows_b,
               out_a, out_b, b_v, sem_a, sem_b):
    wid = lax.axis_index("s") * NC + lax.axis_index("c")
    base = jnp.minimum(wid * NPW, N - NPW)
    pltpu.sync_copy(b_hbm, b_v)
    bias0 = tuple(b_v[pl.ds(p * 16, 16)] for p in range(C // 16))

    def fire(c, idx_v, gidx_v, rows_v, sem):
        fb = (base + c * BB) * K
        pltpu.sync_copy(idx_hbm.at[pl.ds(fb, ROWS)], idx_v)
        for g in range(NGATH):
            for j in range(GB // 16):
                jj = g * (GB // 16) + j
                v = idx_v[pl.ds(jj * 16, 16)]
                gidx_v[g, pl.ds(j * 16, 16)] = (
                    jnp.where(v < 0, N, v) + _koff_vec(jj))
        for g in range(NGATH):
            pltpu.async_copy(
                table_hbm.at[gidx_v.at[g]],
                rows_v.at[pl.ds(g * GB, GB)],
                sem,
            )

    def process(c, gidx_v, rows_v, out_v, sem):
        for g in range(NGATH):
            pltpu.make_async_copy(
                table_hbm.at[gidx_v.at[g]],
                rows_v.at[pl.ds(g * GB, GB)],
                sem,
            ).wait()

        def node_body(n, bias):
            r0 = n * K
            for p in range(C // 16):
                acc = bias[p]
                for k in range(K):
                    acc = acc + rows_v[r0 + k, pl.ds(p * 16, 16)]
                out_v[n, pl.ds(p * 16, 16)] = acc
            return bias

        lax.fori_loop(0, BB, node_body, bias0, unroll=False)
        nb = base + c * BB
        pltpu.sync_copy(out_v, out_hbm.at[pl.ds(nb, BB)])

    fire(0, idx_a, gidx_a, rows_a, sem_a)

    def pair_body(j, carry):
        c0 = 2 * j
        fire(c0 + 1, idx_b, gidx_b, rows_b, sem_b)
        process(c0, gidx_a, rows_a, out_a, sem_a)

        @pl.when(j < (CHUNKS_PW // 2) - 1)
        def _():
            fire(c0 + 2, idx_a, gidx_a, rows_a, sem_a)

        process(c0 + 1, gidx_b, rows_b, out_b, sem_b)
        return carry

    lax.fori_loop(0, CHUNKS_PW // 2, pair_body, 0, unroll=False)


def kernel(features, neigh_idx, W, b):
    Wt = W.reshape(C, K, C).transpose(1, 2, 0)
    tables = _mm_call(features, Wt)
    merged = tables.reshape(K * NPT, C)
    idx_flat = neigh_idx.reshape(N * K).astype(jnp.int32)
    return _sc_gather(merged, idx_flat, b)

# --- scband reference (transcript-rebuilt; emitter-appended) ---
"""Pipeline reference for scband-tree-decoder-teacher-forced-16458314678317 (READ-ONLY COPY).

The authoritative reference and input builder live on the scoring server;
editing this copy changes nothing except your own understanding.
"""

import jax, jax.numpy as jnp
import numpy as np


def setup_inputs(seed: int = 0) -> dict:
    key = jax.random.key(seed)
    k1, k2, k3, k4 = jax.random.split(key, 4)
    N = 50000
    C_in = 128
    C_out = 128
    K = 9
    features = jax.random.normal(k1, (N, C_in), dtype=jnp.float32)
    neigh_idx = jax.random.randint(k2, (N, K), 0, N)
    # emulate quadtree boundary / missing-neighbor entries with -1 sentinel
    bmask = jax.random.uniform(k3, (N, K)) < 0.05
    neigh_idx = jnp.where(bmask, -1, neigh_idx)
    # QuadConv learned parameters: Linear(9*in_channels -> out_channels)
    W = jax.random.normal(k4, (C_out, K * C_in), dtype=jnp.float32) * (1.0 / np.sqrt(K * C_in))
    b = jnp.zeros((C_out,), dtype=jnp.float32)
    return {"features": features, "neigh_idx": neigh_idx, "W": W, "b": b}


def reference(features, neigh_idx, W, b):
    # Faithful translation of QuadConv.forward (the message-passing core of the
    # tree decoder at one depth):
    #   pad features with a zero row, remap -1 neighbor slots to the pad row,
    #   gather the 3x3 (K=9) neighborhood columns, flatten, apply linear.
    N, C = features.shape
    pad_vec = jnp.zeros((1, C), dtype=features.dtype)
    feat_padded = jnp.concatenate([features, pad_vec], axis=0)
    gather_idx = jnp.where(neigh_idx < 0, N, neigh_idx)
    col = jnp.take(feat_padded, gather_idx, axis=0)  # [N, 9, C] sparse gather
    col_flat = col.reshape(N, -1)                    # [N, 9*C]
    out = col_flat @ W.T + b                         # Linear(9*C -> C_out)
    return out

if __name__ == "__main__":
    import jax
    _d = setup_inputs()
    print(jax.jit(kernel)(*tuple(_d.values())))

</pallas_src>

<mosaic_0001>
#map = affine_map<(d0, d1) -> (0, 0)>
#map1 = affine_map<(d0, d1) -> (0)>
module attributes {stable_mosaic.version = 14 : i64} {
  func.func @_sc_gather(%arg0: i32, %arg1: i32, %arg2: memref<451584x128xf32, #tpu.memory_space<hbm>>, %arg3: memref<450000xi32, #tpu.memory_space<hbm>>, %arg4: memref<128xf32, #tpu.memory_space<hbm>>, %arg5: memref<50000x128xf32, #tpu.memory_space<hbm>>, %arg6: memref<288xi32, #tpu.memory_space<vmem>>, %arg7: memref<288xi32, #tpu.memory_space<vmem>>, %arg8: memref<6x48xi32, #tpu.memory_space<vmem>>, %arg9: memref<6x48xi32, #tpu.memory_space<vmem>>, %arg10: memref<288x128xf32, #tpu.memory_space<vmem>>, %arg11: memref<288x128xf32, #tpu.memory_space<vmem>>, %arg12: memref<32x128xf32, #tpu.memory_space<vmem>>, %arg13: memref<32x128xf32, #tpu.memory_space<vmem>>, %arg14: memref<128xf32, #tpu.memory_space<vmem>>, %arg15: memref<!tpu.dma_semaphore, #tpu.memory_space<semaphore_mem>>, %arg16: memref<!tpu.dma_semaphore, #tpu.memory_space<semaphore_mem>>) attributes {dimension_semantics = [#tpu.dimension_semantics<core_parallel>, #tpu.dimension_semantics<subcore_parallel>], iteration_bounds = array<i64: 2, 16>, scalar_prefetch = 0 : i64, scratch_operands = 11 : i64, tpu.core_type = #tpu.core_type<sc_vector_subcore>, window_params = [{transform_indices = #map}, {transform_indices = #map1}, {transform_indices = #map1}, {transform_indices = #map}]} {
    %mul3A = arith.constant 2 : i32
    %mul3A_0 = arith.muli %arg1, %mul3A : i32
    %add3A = arith.addi %mul3A_0, %arg0 : i32
    %mul3A_1 = arith.constant 1600 : i32
    %mul3A_2 = arith.muli %add3A, %mul3A_1 : i32
    %min3A = arith.constant 48400 : i32
    %min3A_3 = arith.minsi %mul3A_2, %min3A : i32
    "tpu.region"() ({
      %run_scoped3A = tpu.sem_alloc : memref<!tpu.dma_semaphore, #tpu.memory_space<semaphore_mem>>
      tpu.enqueue_dma source(%arg4 : memref<128xf32, #tpu.memory_space<hbm>>) target(%arg14 : memref<128xf32, #tpu.memory_space<vmem>>) target_semaphore(%run_scoped3A : memref<!tpu.dma_semaphore, #tpu.memory_space<semaphore_mem>>)
      tpu.wait_dma2 semaphore(%run_scoped3A : memref<!tpu.dma_semaphore, #tpu.memory_space<semaphore_mem>>) src(%arg4 : memref<128xf32, #tpu.memory_space<hbm>>) dst(%arg14 : memref<128xf32, #tpu.memory_space<vmem>>)
      tpu.yield
    }) : () -> ()
    %get3A = arith.constant 0 : index
    %get3A_4 = tpu.vector_load %arg14[%get3A] {strides = array<i32>} : memref<128xf32, #tpu.memory_space<vmem>>, vector<16xf32>,
    %get3A_5 = vector.shape_cast %get3A_4 : vector<16xf32> to vector<16xf32>
    %get3A_6 = arith.constant 16 : index
    %get3A_7 = tpu.vector_load %arg14[%get3A_6] {strides = array<i32>} : memref<128xf32, #tpu.memory_space<vmem>>, vector<16xf32>,
    %get3A_8 = vector.shape_cast %get3A_7 : vector<16xf32> to vector<16xf32>
    %get3A_9 = arith.constant 32 : index
    %get3A_10 = tpu.vector_load %arg14[%get3A_9] {strides = array<i32>} : memref<128xf32, #tpu.memory_space<vmem>>, vector<16xf32>,
    %get3A_11 = vector.shape_cast %get3A_10 : vector<16xf32> to vector<16xf32>
    %get3A_12 = arith.constant 48 : index
    %get3A_13 = tpu.vector_load %arg14[%get3A_12] {strides = array<i32>} : memref<128xf32, #tpu.memory_space<vmem>>, vector<16xf32>,
    %get3A_14 = vector.shape_cast %get3A_13 : vector<16xf32> to vector<16xf32>
    %get3A_15 = arith.constant 64 : index
    %get3A_16 = tpu.vector_load %arg14[%get3A_15] {strides = array<i32>} : memref<128xf32, #tpu.memory_space<vmem>>, vector<16xf32>,
    %get3A_17 = vector.shape_cast %get3A_16 : vector<16xf32> to vector<16xf32>
    %get3A_18 = arith.constant 80 : index
    %get3A_19 = tpu.vector_load %arg14[%get3A_18] {strides = array<i32>} : memref<128xf32, #tpu.memory_space<vmem>>, vector<16xf32>,
    %get3A_20 = vector.shape_cast %get3A_19 : vector<16xf32> to vector<16xf32>
    %get3A_21 = arith.constant 96 : index
    %get3A_22 = tpu.vector_load %arg14[%get3A_21] {strides = array<i32>} : memref<128xf32, #tpu.memory_space<vmem>>, vector<16xf32>,
    %get3A_23 = vector.shape_cast %get3A_22 : vector<16xf32> to vector<16xf32>
    %get3A_24 = arith.constant 112 : index
    %get3A_25 = tpu.vector_load %arg14[%get3A_24] {strides = array<i32>} : memref<128xf32, #tpu.memory_space<vmem>>, vector<16xf32>,
    %get3A_26 = vector.shape_cast %get3A_25 : vector<16xf32> to vector<16xf32>
    %add3A_27 = arith.constant 0 : i32
    %add3A_28 = arith.addi %min3A_3, %add3A_27 : i32
    %mul3A_29 = arith.constant 9 : i32
    %mul3A_30 = arith.muli %add3A_28, %mul3A_29 : i32
    "tpu.region"() ({
      %run_scoped3A = tpu.sem_alloc : memref<!tpu.dma_semaphore, #tpu.memory_space<semaphore_mem>>
      %dma_start3A_895 = tpu.memref_slice %arg3[%mul3A_30] : memref<450000xi32, #tpu.memory_space<hbm>> -> memref<288xi32, #tpu.memory_space<hbm>>
      %dma_start3A_896 = tpu.memref_slice %arg3[%mul3A_30] : memref<450000xi32, #tpu.memory_space<hbm>> -> memref<288xi32, #tpu.memory_space<hbm>>
      tpu.enqueue_dma source(%dma_start3A_896 : memref<288xi32, #tpu.memory_space<hbm>>) target(%arg6 : memref<288xi32, #tpu.memory_space<vmem>>) target_semaphore(%run_scoped3A : memref<!tpu.dma_semaphore, #tpu.memory_space<semaphore_mem>>)
      %dma_wait3A = tpu.memref_slice %arg3[%mul3A_30] : memref<450000xi32, #tpu.memory_space<hbm>> -> memref<288xi32, #tpu.memory_space<hbm>>
      %dma_wait3A_897 = tpu.memref_slice %arg3[%mul3A_30] : memref<450000xi32, #tpu.memory_space<hbm>> -> memref<288xi32, #tpu.memory_space<hbm>>
      tpu.wait_dma2 semaphore(%run_scoped3A : memref<!tpu.dma_semaphore, #tpu.memory_space<semaphore_mem>>) src(%dma_wait3A_897 : memref<288xi32, #tpu.memory_space<hbm>>) dst(%arg6 : memref<288xi32, #tpu.memory_space<vmem>>)
      tpu.yield
    }) : () -> ()
    %get3A_31 = arith.constant 0 : index
    %get3A_32 = tpu.vector_load %arg6[%get3A_31] {strides = array<i32>} : memref<288xi32, #tpu.memory_space<vmem>>, vector<16xi32>,
    %get3A_33 = vector.shape_cast %get3A_32 : vector<16xi32> to vector<16xi32>
    %lt3A = arith.constant 0 : i32
    %lt3A_34 = vector.broadcast %lt3A : i32 to vector<16xi32>
    %lt3A_35 = arith.cmpi slt, %get3A_33, %lt3A_34 : vector<16xi32>
    %jit3A = arith.constant 50000 : i32
    %broadcast_in_dim3A = vector.broadcast %jit3A : i32 to vector<16xi32>
    %select_n3A = arith.select %lt3A_35, %broadcast_in_dim3A, %get3A_33 : vector<16xi1>, vector<16xi32>
    %iota3A = tpu.iota {dimensions = array<i32: 0>} : vector<16xi32>
    %add3A_36 = arith.constant 0 : i32
    %add3A_37 = vector.broadcast %add3A_36 : i32 to vector<16xi32>
    %add3A_38 = arith.addi %iota3A, %add3A_37 : vector<16xi32>
    %jit3A_39 = arith.constant 9 : i32
    %eq3A = arith.constant 0 : i32
    %eq3A_40 = arith.cmpi eq, %jit3A_39, %eq3A : i32
    %jit3A_41 = arith.constant 1 : i32
    %select_n3A_42 = arith.select %eq3A_40, %jit3A_41, %jit3A_39 : i32
    %rem3A = vector.broadcast %select_n3A_42 : i32 to vector<16xi32>
    %rem3A_43 = arith.remsi %add3A_38, %rem3A : vector<16xi32>
    %ne3A = arith.constant 0 : i32
    %ne3A_44 = vector.broadcast %ne3A : i32 to vector<16xi32>
    %ne3A_45 = arith.cmpi ne, %rem3A_43, %ne3A_44 : vector<16xi32>
    %lt3A_46 = arith.constant 0 : i32
    %lt3A_47 = vector.broadcast %lt3A_46 : i32 to vector<16xi32>
    %lt3A_48 = arith.cmpi slt, %rem3A_43, %lt3A_47 : vector<16xi32>
    %lt3A_49 = arith.constant 0 : i32
    %lt3A_50 = arith.cmpi slt, %select_n3A_42, %lt3A_49 : i32
    %ne3A_51 = vector.broadcast %lt3A_50 : i1 to vector<16xi1>
    %ne3A_52 = vector.broadcast %ne3A_51 : vector<16xi1> to vector<16xi1>
    %ne3A_53 = arith.xori %lt3A_48, %ne3A_52 : vector<16xi1>
    %and3A = arith.andi %ne3A_53, %ne3A_45 : vector<16xi1>
    %add3A_54 = vector.broadcast %select_n3A_42 : i32 to vector<16xi32>
    %add3A_55 = arith.addi %rem3A_43, %add3A_54 : vector<16xi32>
    %select_n3A_56 = arith.select %and3A, %add3A_55, %rem3A_43 : vector<16xi1>, vector<16xi32>
    %mul3A_57 = arith.constant 50176 : i32
    %mul3A_58 = vector.broadcast %mul3A_57 : i32 to vector<16xi32>
    %mul3A_59 = arith.muli %select_n3A_56, %mul3A_58 : vector<16xi32>
    %add3A_60 = arith.addi %select_n3A, %mul3A_59 : vector<16xi32>
    %swap3A = arith.constant 0 : i32
    %swap3A_61 = arith.index_cast %swap3A : i32 to index
    %swap3A_62 = arith.constant 0 : index
    %swap3A_63 = tpu.vector_load %arg8[%swap3A_61, %swap3A_62] {strides = array<i32>} : memref<6x48xi32, #tpu.memory_space<vmem>>, vector<1x16xi32>,
    %swap3A_64 = vector.shape_cast %swap3A_63 : vector<1x16xi32> to vector<16xi32>
    %swap3A_65 = vector.shape_cast %add3A_60 : vector<16xi32> to vector<1x16xi32>
    tpu.vector_store %arg8[%swap3A_61, %swap3A_62], %swap3A_65 {strides = array<i32>} : memref<6x48xi32, #tpu.memory_space<vmem>>, vector<1x16xi32>,
    %get3A_66 = arith.constant 16 : index
    %get3A_67 = tpu.vector_load %arg6[%get3A_66] {strides = array<i32>} : memref<288xi32, #tpu.memory_space<vmem>>, vector<16xi32>,
    %get3A_68 = vector.shape_cast %get3A_67 : vector<16xi32> to vector<16xi32>
    %lt3A_69 = arith.constant 0 : i32
    %lt3A_70 = vector.broadcast %lt3A_69 : i32 to vector<16xi32>
    %lt3A_71 = arith.cmpi slt, %get3A_68, %lt3A_70 : vector<16xi32>
    %jit3A_72 = arith.constant 50000 : i32
    %broadcast_in_dim3A_73 = vector.broadcast %jit3A_72 : i32 to vector<16xi32>
    %select_n3A_74 = arith.select %lt3A_71, %broadcast_in_dim3A_73, %get3A_68 : vector<16xi1>, vector<16xi32>
    %iota3A_75 = tpu.iota {dimensions = array<i32: 0>} : vector<16xi32>
    %add3A_76 = arith.constant 7 : i32
    %add3A_77 = vector.broadcast %add3A_76 : i32 to vector<16xi32>
    %add3A_78 = arith.addi %iota3A_75, %add3A_77 : vector<16xi32>
    %jit3A_79 = arith.constant 9 : i32
    %eq3A_80 = arith.constant 0 : i32
    %eq3A_81 = arith.cmpi eq, %jit3A_79, %eq3A_80 : i32
    %jit3A_82 = arith.constant 1 : i32
    %select_n3A_83 = arith.select %eq3A_81, %jit3A_82, %jit3A_79 : i32
    %rem3A_84 = vector.broadcast %select_n3A_83 : i32 to vector<16xi32>
    %rem3A_85 = arith.remsi %add3A_78, %rem3A_84 : vector<16xi32>
    %ne3A_86 = arith.constant 0 : i32
    %ne3A_87 = vector.broadcast %ne3A_86 : i32 to vector<16xi32>
    %ne3A_88 = arith.cmpi ne, %rem3A_85, %ne3A_87 : vector<16xi32>
    %lt3A_89 = arith.constant 0 : i32
    %lt3A_90 = vector.broadcast %lt3A_89 : i32 to vector<16xi32>
    %lt3A_91 = arith.cmpi slt, %rem3A_85, %lt3A_90 : vector<16xi32>
    %lt3A_92 = arith.constant 0 : i32
    %lt3A_93 = arith.cmpi slt, %select_n3A_83, %lt3A_92 : i32
    %ne3A_94 = vector.broadcast %lt3A_93 : i1 to vector<16xi1>
    %ne3A_95 = vector.broadcast %ne3A_94 : vector<16xi1> to vector<16xi1>
    %ne3A_96 = arith.xori %lt3A_91, %ne3A_95 : vector<16xi1>
    %and3A_97 = arith.andi %ne3A_96, %ne3A_88 : vector<16xi1>
    %add3A_98 = vector.broadcast %select_n3A_83 : i32 to vector<16xi32>
    %add3A_99 = arith.addi %rem3A_85, %add3A_98 : vector<16xi32>
    %select_n3A_100 = arith.select %and3A_97, %add3A_99, %rem3A_85 : vector<16xi1>, vector<16xi32>
    %mul3A_101 = arith.constant 50176 : i32
    %mul3A_102 = vector.broadcast %mul3A_101 : i32 to vector<16xi32>
    %mul3A_103 = arith.muli %select_n3A_100, %mul3A_102 : vector<16xi32>
    %add3A_104 = arith.addi %select_n3A_74, %mul3A_103 : vector<16xi32>
    %swap3A_105 = arith.constant 0 : i32
    %swap3A_106 = arith.index_cast %swap3A_105 : i32 to index
    %swap3A_107 = arith.constant 16 : index
    %swap3A_108 = tpu.vector_load %arg8[%swap3A_106, %swap3A_107] {strides = array<i32>} : memref<6x48xi32, #tpu.memory_space<vmem>>, vector<1x16xi32>,
    %swap3A_109 = vector.shape_cast %swap3A_108 : vector<1x16xi32> to vector<16xi32>
    %swap3A_110 = vector.shape_cast %add3A_104 : vector<16xi32> to vector<1x16xi32>
    tpu.vector_store %arg8[%swap3A_106, %swap3A_107], %swap3A_110 {strides = array<i32>} : memref<6x48xi32, #tpu.memory_space<vmem>>, vector<1x16xi32>,
    %get3A_111 = arith.constant 32 : index
    %get3A_112 = tpu.vector_load %arg6[%get3A_111] {strides = array<i32>} : memref<288xi32, #tpu.memory_space<vmem>>, vector<16xi32>,
    %get3A_113 = vector.shape_cast %get3A_112 : vector<16xi32> to vector<16xi32>
    %lt3A_114 = arith.constant 0 : i32
    %lt3A_115 = vector.broadcast %lt3A_114 : i32 to vector<16xi32>
    %lt3A_116 = arith.cmpi slt, %get3A_113, %lt3A_115 : vector<16xi32>
    %jit3A_117 = arith.constant 50000 : i32
    %broadcast_in_dim3A_118 = vector.broadcast %jit3A_117 : i32 to vector<16xi32>
    %select_n3A_119 = arith.select %lt3A_116, %broadcast_in_dim3A_118, %get3A_113 : vector<16xi1>, vector<16xi32>
    %iota3A_120 = tpu.iota {dimensions = array<i32: 0>} : vector<16xi32>
    %add3A_121 = arith.constant 5 : i32
    %add3A_122 = vector.broadcast %add3A_121 : i32 to vector<16xi32>
    %add3A_123 = arith.addi %iota3A_120, %add3A_122 : vector<16xi32>
    %jit3A_124 = arith.constant 9 : i32
    %eq3A_125 = arith.constant 0 : i32
    %eq3A_126 = arith.cmpi eq, %jit3A_124, %eq3A_125 : i32
    %jit3A_127 = arith.constant 1 : i32
    %select_n3A_128 = arith.select %eq3A_126, %jit3A_127, %jit3A_124 : i32
    %rem3A_129 = vector.broadcast %select_n3A_128 : i32 to vector<16xi32>
    %rem3A_130 = arith.remsi %add3A_123, %rem3A_129 : vector<16xi32>
    %ne3A_131 = arith.constant 0 : i32
    %ne3A_132 = vector.broadcast %ne3A_131 : i32 to vector<16xi32>
    %ne3A_133 = arith.cmpi ne, %rem3A_130, %ne3A_132 : vector<16xi32>
    %lt3A_134 = arith.constant 0 : i32
    %lt3A_135 = vector.broadcast %lt3A_134 : i32 to vector<16xi32>
    %lt3A_136 = arith.cmpi slt, %rem3A_130, %lt3A_135 : vector<16xi32>
    %lt3A_137 = arith.constant 0 : i32
    %lt3A_138 = arith.cmpi slt, %select_n3A_128, %lt3A_137 : i32
    %ne3A_139 = vector.broadcast %lt3A_138 : i1 to vector<16xi1>
    %ne3A_140 = vector.broadcast %ne3A_139 : vector<16xi1> to vector<16xi1>
    %ne3A_141 = arith.xori %lt3A_136, %ne3A_140 : vector<16xi1>
    %and3A_142 = arith.andi %ne3A_141, %ne3A_133 : vector<16xi1>
    %add3A_143 = vector.broadcast %select_n3A_128 : i32 to vector<16xi32>
    %add3A_144 = arith.addi %rem3A_130, %add3A_143 : vector<16xi32>
    %select_n3A_145 = arith.select %and3A_142, %add3A_144, %rem3A_130 : vector<16xi1>, vector<16xi32>
    %mul3A_146 = arith.constant 50176 : i32
    %mul3A_147 = vector.broadcast %mul3A_146 : i32 to vector<16xi32>
    %mul3A_148 = arith.muli %select_n3A_145, %mul3A_147 : vector<16xi32>
    %add3A_149 = arith.addi %select_n3A_119, %mul3A_148 : vector<16xi32>
    %swap3A_150 = arith.constant 0 : i32
    %swap3A_151 = arith.index_cast %swap3A_150 : i32 to index
    %swap3A_152 = arith.constant 32 : index
    %swap3A_153 = tpu.vector_load %arg8[%swap3A_151, %swap3A_152] {strides = array<i32>} : memref<6x48xi32, #tpu.memory_space<vmem>>, vector<1x16xi32>,
    %swap3A_154 = vector.shape_cast %swap3A_153 : vector<1x16xi32> to vector<16xi32>
    %swap3A_155 = vector.shape_cast %add3A_149 : vector<16xi32> to vector<1x16xi32>
    tpu.vector_store %arg8[%swap3A_151, %swap3A_152], %swap3A_155 {strides = array<i32>} : memref<6x48xi32, #tpu.memory_space<vmem>>, vector<1x16xi32>,
    %get3A_156 = arith.constant 48 : index
    %get3A_157 = tpu.vector_load %arg6[%get3A_156] {strides = array<i32>} : memref<288xi32, #tpu.memory_space<vmem>>, vector<16xi32>,
    %get3A_158 = vector.shape_cast %get3A_157 : vector<16xi32> to vector<16xi32>
    %lt3A_159 = arith.constant 0 : i32
    %lt3A_160 = vector.broadcast %lt3A_159 : i32 to vector<16xi32>
    %lt3A_161 = arith.cmpi slt, %get3A_158, %lt3A_160 : vector<16xi32>
    %jit3A_162 = arith.constant 50000 : i32
    %broadcast_in_dim3A_163 = vector.broadcast %jit3A_162 : i32 to vector<16xi32>
    %select_n3A_164 = arith.select %lt3A_161, %broadcast_in_dim3A_163, %get3A_158 : vector<16xi1>, vector<16xi32>
    %iota3A_165 = tpu.iota {dimensions = array<i32: 0>} : vector<16xi32>
    %add3A_166 = arith.constant 3 : i32
    %add3A_167 = vector.broadcast %add3A_166 : i32 to vector<16xi32>
    %add3A_168 = arith.addi %iota3A_165, %add3A_167 : vector<16xi32>
    %jit3A_169 = arith.constant 9 : i32
    %eq3A_170 = arith.constant 0 : i32
    %eq3A_171 = arith.cmpi eq, %jit3A_169, %eq3A_170 : i32
    %jit3A_172 = arith.constant 1 : i32
    %select_n3A_173 = arith.select %eq3A_171, %jit3A_172, %jit3A_169 : i32
    %rem3A_174 = vector.broadcast %select_n3A_173 : i32 to vector<16xi32>
    %rem3A_175 = arith.remsi %add3A_168, %rem3A_174 : vector<16xi32>
    %ne3A_176 = arith.constant 0 : i32
    %ne3A_177 = vector.broadcast %ne3A_176 : i32 to vector<16xi32>
    %ne3A_178 = arith.cmpi ne, %rem3A_175, %ne3A_177 : vector<16xi32>
    %lt3A_179 = arith.constant 0 : i32
    %lt3A_180 = vector.broadcast %lt3A_179 : i32 to vector<16xi32>
    %lt3A_181 = arith.cmpi slt, %rem3A_175, %lt3A_180 : vector<16xi32>
    %lt3A_182 = arith.constant 0 : i32
    %lt3A_183 = arith.cmpi slt, %select_n3A_173, %lt3A_182 : i32
    %ne3A_184 = vector.broadcast %lt3A_183 : i1 to vector<16xi1>
    %ne3A_185 = vector.broadcast %ne3A_184 : vector<16xi1> to vector<16xi1>
    %ne3A_186 = arith.xori %lt3A_181, %ne3A_185 : vector<16xi1>
    %and3A_187 = arith.andi %ne3A_186, %ne3A_178 : vector<16xi1>
    %add3A_188 = vector.broadcast %select_n3A_173 : i32 to vector<16xi32>
    %add3A_189 = arith.addi %rem3A_175, %add3A_188 : vector<16xi32>
    %select_n3A_190 = arith.select %and3A_187, %add3A_189, %rem3A_175 : vector<16xi1>, vector<16xi32>
    %mul3A_191 = arith.constant 50176 : i32
    %mul3A_192 = vector.broadcast %mul3A_191 : i32 to vector<16xi32>
    %mul3A_193 = arith.muli %select_n3A_190, %mul3A_192 : vector<16xi32>
    %add3A_194 = arith.addi %select_n3A_164, %mul3A_193 : vector<16xi32>
    %swap3A_195 = arith.constant 1 : i32
    %swap3A_196 = arith.index_cast %swap3A_195 : i32 to index
    %swap3A_197 = arith.constant 0 : index
    %swap3A_198 = tpu.vector_load %arg8[%swap3A_196, %swap3A_197] {strides = array<i32>} : memref<6x48xi32, #tpu.memory_space<vmem>>, vector<1x16xi32>,
    %swap3A_199 = vector.shape_cast %swap3A_198 : vector<1x16xi32> to vector<16xi32>
    %swap3A_200 = vector.shape_cast %add3A_194 : vector<16xi32> to vector<1x16xi32>
    tpu.vector_store %arg8[%swap3A_196, %swap3A_197], %swap3A_200 {strides = array<i32>} : memref<6x48xi32, #tpu.memory_space<vmem>>, vector<1x16xi32>,
    %get3A_201 = arith.constant 64 : index
    %get3A_202 = tpu.vector_load %arg6[%get3A_201] {strides = array<i32>} : memref<288xi32, #tpu.memory_space<vmem>>, vector<16xi32>,
    %get3A_203 = vector.shape_cast %get3A_202 : vector<16xi32> to vector<16xi32>
    %lt3A_204 = arith.constant 0 : i32
    %lt3A_205 = vector.broadcast %lt3A_204 : i32 to vector<16xi32>
    %lt3A_206 = arith.cmpi slt, %get3A_203, %lt3A_205 : vector<16xi32>
    %jit3A_207 = arith.constant 50000 : i32
    %broadcast_in_dim3A_208 = vector.broadcast %jit3A_207 : i32 to vector<16xi32>
    %select_n3A_209 = arith.select %lt3A_206, %broadcast_in_dim3A_208, %get3A_203 : vector<16xi1>, vector<16xi32>
    %iota3A_210 = tpu.iota {dimensions = array<i32: 0>} : vector<16xi32>
    %add3A_211 = arith.constant 1 : i32
    %add3A_212 = vector.broadcast %add3A_211 : i32 to vector<16xi32>
    %add3A_213 = arith.addi %iota3A_210, %add3A_212 : vector<16xi32>
    %jit3A_214 = arith.constant 9 : i32
    %eq3A_215 = arith.constant 0 : i32
    %eq3A_216 = arith.cmpi eq, %jit3A_214, %eq3A_215 : i32
    %jit3A_217 = arith.constant 1 : i32
    %select_n3A_218 = arith.select %eq3A_216, %jit3A_217, %jit3A_214 : i32
    %rem3A_219 = vector.broadcast %select_n3A_218 : i32 to vector<16xi32>
    %rem3A_220 = arith.remsi %add3A_213, %rem3A_219 : vector<16xi32>
    %ne3A_221 = arith.constant 0 : i32
    %ne3A_222 = vector.broadcast %ne3A_221 : i32 to vector<16xi32>
    %ne3A_223 = arith.cmpi ne, %rem3A_220, %ne3A_222 : vector<16xi32>
    %lt3A_224 = arith.constant 0 : i32
    %lt3A_225 = vector.broadcast %lt3A_224 : i32 to vector<16xi32>
    %lt3A_226 = arith.cmpi slt, %rem3A_220, %lt3A_225 : vector<16xi32>
    %lt3A_227 = arith.constant 0 : i32
    %lt3A_228 = arith.cmpi slt, %select_n3A_218, %lt3A_227 : i32
    %ne3A_229 = vector.broadcast %lt3A_228 : i1 to vector<16xi1>
    %ne3A_230 = vector.broadcast %ne3A_229 : vector<16xi1> to vector<16xi1>
    %ne3A_231 = arith.xori %lt3A_226, %ne3A_230 : vector<16xi1>
    %and3A_232 = arith.andi %ne3A_231, %ne3A_223 : vector<16xi1>
    %add3A_233 = vector.broadcast %select_n3A_218 : i32 to vector<16xi32>
    %add3A_234 = arith.addi %rem3A_220, %add3A_233 : vector<16xi32>
    %select_n3A_235 = arith.select %and3A_232, %add3A_234, %rem3A_220 : vector<16xi1>, vector<16xi32>
    %mul3A_236 = arith.constant 50176 : i32
    %mul3A_237 = vector.broadcast %mul3A_236 : i32 to vector<16xi32>
    %mul3A_238 = arith.muli %select_n3A_235, %mul3A_237 : vector<16xi32>
    %add3A_239 = arith.addi %select_n3A_209, %mul3A_238 : vector<16xi32>
    %swap3A_240 = arith.constant 1 : i32
    %swap3A_241 = arith.index_cast %swap3A_240 : i32 to index
    %swap3A_242 = arith.constant 16 : index
    %swap3A_243 = tpu.vector_load %arg8[%swap3A_241, %swap3A_242] {strides = array<i32>} : memref<6x48xi32, #tpu.memory_space<vmem>>, vector<1x16xi32>,
    %swap3A_244 = vector.shape_cast %swap3A_243 : vector<1x16xi32> to vector<16xi32>
    %swap3A_245 = vector.shape_cast %add3A_239 : vector<16xi32> to vector<1x16xi32>
    tpu.vector_store %arg8[%swap3A_241, %swap3A_242], %swap3A_245 {strides = array<i32>} : memref<6x48xi32, #tpu.memory_space<vmem>>, vector<1x16xi32>,
    %get3A_246 = arith.constant 80 : index
    %get3A_247 = tpu.vector_load %arg6[%get3A_246] {strides = array<i32>} : memref<288xi32, #tpu.memory_space<vmem>>, vector<16xi32>,
    %get3A_248 = vector.shape_cast %get3A_247 : vector<16xi32> to vector<16xi32>
    %lt3A_249 = arith.constant 0 : i32
    %lt3A_250 = vector.broadcast %lt3A_249 : i32 to vector<16xi32>
    %lt3A_251 = arith.cmpi slt, %get3A_248, %lt3A_250 : vector<16xi32>
    %jit3A_252 = arith.constant 50000 : i32
    %broadcast_in_dim3A_253 = vector.broadcast %jit3A_252 : i32 to vector<16xi32>
    %select_n3A_254 = arith.select %lt3A_251, %broadcast_in_dim3A_253, %get3A_248 : vector<16xi1>, vector<16xi32>
    %iota3A_255 = tpu.iota {dimensions = array<i32: 0>} : vector<16xi32>
    %add3A_256 = arith.constant 8 : i32
    %add3A_257 = vector.broadcast %add3A_256 : i32 to vector<16xi32>
    %add3A_258 = arith.addi %iota3A_255, %add3A_257 : vector<16xi32>
    %jit3A_259 = arith.constant 9 : i32
    %eq3A_260 = arith.constant 0 : i32
    %eq3A_261 = arith.cmpi eq, %jit3A_259, %eq3A_260 : i32
    %jit3A_262 = arith.constant 1 : i32
    %select_n3A_263 = arith.select %eq3A_261, %jit3A_262, %jit3A_259 : i32
    %rem3A_264 = vector.broadcast %select_n3A_263 : i32 to vector<16xi32>
    %rem3A_265 = arith.remsi %add3A_258, %rem3A_264 : vector<16xi32>
    %ne3A_266 = arith.constant 0 : i32
    %ne3A_267 = vector.broadcast %ne3A_266 : i32 to vector<16xi32>
    %ne3A_268 = arith.cmpi ne, %rem3A_265, %ne3A_267 : vector<16xi32>
    %lt3A_269 = arith.constant 0 : i32
    %lt3A_270 = vector.broadcast %lt3A_269 : i32 to vector<16xi32>
    %lt3A_271 = arith.cmpi slt, %rem3A_265, %lt3A_270 : vector<16xi32>
    %lt3A_272 = arith.constant 0 : i32
    %lt3A_273 = arith.cmpi slt, %select_n3A_263, %lt3A_272 : i32
    %ne3A_274 = vector.broadcast %lt3A_273 : i1 to vector<16xi1>
    %ne3A_275 = vector.broadcast %ne3A_274 : vector<16xi1> to vector<16xi1>
    %ne3A_276 = arith.xori %lt3A_271, %ne3A_275 : vector<16xi1>
    %and3A_277 = arith.andi %ne3A_276, %ne3A_268 : vector<16xi1>
    %add3A_278 = vector.broadcast %select_n3A_263 : i32 to vector<16xi32>
    %add3A_279 = arith.addi %rem3A_265, %add3A_278 : vector<16xi32>
    %select_n3A_280 = arith.select %and3A_277, %add3A_279, %rem3A_265 : vector<16xi1>, vector<16xi32>
    %mul3A_281 = arith.constant 50176 : i32
    %mul3A_282 = vector.broadcast %mul3A_281 : i32 to vector<16xi32>
    %mul3A_283 = arith.muli %select_n3A_280, %mul3A_282 : vector<16xi32>
    %add3A_284 = arith.addi %select_n3A_254, %mul3A_283 : vector<16xi32>
    %swap3A_285 = arith.constant 1 : i32
    %swap3A_286 = arith.index_cast %swap3A_285 : i32 to index
    %swap3A_287 = arith.constant 32 : index
    %swap3A_288 = tpu.vector_load %arg8[%swap3A_286, %swap3A_287] {strides = array<i32>} : memref<6x48xi32, #tpu.memory_space<vmem>>, vector<1x16xi32>,
    %swap3A_289 = vector.shape_cast %swap3A_288 : vector<1x16xi32> to vector<16xi32>
    %swap3A_290 = vector.shape_cast %add3A_284 : vector<16xi32> to vector<1x16xi32>
    tpu.vector_store %arg8[%swap3A_286, %swap3A_287], %swap3A_290 {strides = array<i32>} : memref<6x48xi32, #tpu.memory_space<vmem>>, vector<1x16xi32>,
    %get3A_291 = arith.constant 96 : index
    %get3A_292 = tpu.vector_load %arg6[%get3A_291] {strides = array<i32>} : memref<288xi32, #tpu.memory_space<vmem>>, vector<16xi32>,
    %get3A_293 = vector.shape_cast %get3A_292 : vector<16xi32> to vector<16xi32>
    %lt3A_294 = arith.constant 0 : i32
    %lt3A_295 = vector.broadcast %lt3A_294 : i32 to vector<16xi32>
    %lt3A_296 = arith.cmpi slt, %get3A_293, %lt3A_295 : vector<16xi32>
    %jit3A_297 = arith.constant 50000 : i32
    %broadcast_in_dim3A_298 = vector.broadcast %jit3A_297 : i32 to vector<16xi32>
    %select_n3A_299 = arith.select %lt3A_296, %broadcast_in_dim3A_298, %get3A_293 : vector<16xi1>, vector<16xi32>
    %iota3A_300 = tpu.iota {dimensions = array<i32: 0>} : vector<16xi32>
    %add3A_301 = arith.constant 6 : i32
    %add3A_302 = vector.broadcast %add3A_301 : i32 to vector<16xi32>
    %add3A_303 = arith.addi %iota3A_300, %add3A_302 : vector<16xi32>
    %jit3A_304 = arith.constant 9 : i32
    %eq3A_305 = arith.constant 0 : i32
    %eq3A_306 = arith.cmpi eq, %jit3A_304, %eq3A_305 : i32
    %jit3A_307 = arith.constant 1 : i32
    %select_n3A_308 = arith.select %eq3A_306, %jit3A_307, %jit3A_304 : i32
    %rem3A_309 = vector.broadcast %select_n3A_308 : i32 to vector<16xi32>
    %rem3A_310 = arith.remsi %add3A_303, %rem3A_309 : vector<16xi32>
    %ne3A_311 = arith.constant 0 : i32
    %ne3A_312 = vector.broadcast %ne3A_311 : i32 to vector<16xi32>
    %ne3A_313 = arith.cmpi ne, %rem3A_310, %ne3A_312 : vector<16xi32>
    %lt3A_314 = arith.constant 0 : i32
    %lt3A_315 = vector.broadcast %lt3A_314 : i32 to vector<16xi32>
    %lt3A_316 = arith.cmpi slt, %rem3A_310, %lt3A_315 : vector<16xi32>
    %lt3A_317 = arith.constant 0 : i32
    %lt3A_318 = arith.cmpi slt, %select_n3A_308, %lt3A_317 : i32
    %ne3A_319 = vector.broadcast %lt3A_318 : i1 to vector<16xi1>
    %ne3A_320 = vector.broadcast %ne3A_319 : vector<16xi1> to vector<16xi1>
    %ne3A_321 = arith.xori %lt3A_316, %ne3A_320 : vector<16xi1>
    %and3A_322 = arith.andi %ne3A_321, %ne3A_313 : vector<16xi1>
    %add3A_323 = vector.broadcast %select_n3A_308 : i32 to vector<16xi32>
    %add3A_324 = arith.addi %rem3A_310, %add3A_323 : vector<16xi32>
    %select_n3A_325 = arith.select %and3A_322, %add3A_324, %rem3A_310 : vector<16xi1>, vector<16xi32>
    %mul3A_326 = arith.constant 50176 : i32
    %mul3A_327 = vector.broadcast %mul3A_326 : i32 to vector<16xi32>
    %mul3A_328 = arith.muli %select_n3A_325, %mul3A_327 : vector<16xi32>
    %add3A_329 = arith.addi %select_n3A_299, %mul3A_328 : vector<16xi32>
    %swap3A_330 = arith.constant 2 : i32
    %swap3A_331 = arith.index_cast %swap3A_330 : i32 to index
    %swap3A_332 = arith.constant 0 : index
    %swap3A_333 = tpu.vector_load %arg8[%swap3A_331, %swap3A_332] {strides = array<i32>} : memref<6x48xi32, #tpu.memory_space<vmem>>, vector<1x16xi32>,
    %swap3A_334 = vector.shape_cast %swap3A_333 : vector<1x16xi32> to vector<16xi32>
    %swap3A_335 = vector.shape_cast %add3A_329 : vector<16xi32> to vector<1x16xi32>
    tpu.vector_store %arg8[%swap3A_331, %swap3A_332], %swap3A_335 {strides = array<i32>} : memref<6x48xi32, #tpu.memory_space<vmem>>, vector<1x16xi32>,
    %get3A_336 = arith.constant 112 : index
    %get3A_337 = tpu.vector_load %arg6[%get3A_336] {strides = array<i32>} : memref<288xi32, #tpu.memory_space<vmem>>, vector<16xi32>,
    %get3A_338 = vector.shape_cast %get3A_337 : vector<16xi32> to vector<16xi32>
    %lt3A_339 = arith.constant 0 : i32
    %lt3A_340 = vector.broadcast %lt3A_339 : i32 to vector<16xi32>
    %lt3A_341 = arith.cmpi slt, %get3A_338, %lt3A_340 : vector<16xi32>
    %jit3A_342 = arith.constant 50000 : i32
    %broadcast_in_dim3A_343 = vector.broadcast %jit3A_342 : i32 to vector<16xi32>
    %select_n3A_344 = arith.select %lt3A_341, %broadcast_in_dim3A_343, %get3A_338 : vector<16xi1>, vector<16xi32>
    %iota3A_345 = tpu.iota {dimensions = array<i32: 0>} : vector<16xi32>
    %add3A_346 = arith.constant 4 : i32
    %add3A_347 = vector.broadcast %add3A_346 : i32 to vector<16xi32>
    %add3A_348 = arith.addi %iota3A_345, %add3A_347 : vector<16xi32>
    %jit3A_349 = arith.constant 9 : i32
    %eq3A_350 = arith.constant 0 : i32
    %eq3A_351 = arith.cmpi eq, %jit3A_349, %eq3A_350 : i32
    %jit3A_352 = arith.constant 1 : i32
    %select_n3A_353 = arith.select %eq3A_351, %jit3A_352, %jit3A_349 : i32
    %rem3A_354 = vector.broadcast %select_n3A_353 : i32 to vector<16xi32>
    %rem3A_355 = arith.remsi %add3A_348, %rem3A_354 : vector<16xi32>
    %ne3A_356 = arith.constant 0 : i32
    %ne3A_357 = vector.broadcast %ne3A_356 : i32 to vector<16xi32>
    %ne3A_358 = arith.cmpi ne, %rem3A_355, %ne3A_357 : vector<16xi32>
    %lt3A_359 = arith.constant 0 : i32
    %lt3A_360 = vector.broadcast %lt3A_359 : i32 to vector<16xi32>
    %lt3A_361 = arith.cmpi slt, %rem3A_355, %lt3A_360 : vector<16xi32>
    %lt3A_362 = arith.constant 0 : i32
    %lt3A_363 = arith.cmpi slt, %select_n3A_353, %lt3A_362 : i32
    %ne3A_364 = vector.broadcast %lt3A_363 : i1 to vector<16xi1>
    %ne3A_365 = vector.broadcast %ne3A_364 : vector<16xi1> to vector<16xi1>
    %ne3A_366 = arith.xori %lt3A_361, %ne3A_365 : vector<16xi1>
    %and3A_367 = arith.andi %ne3A_366, %ne3A_358 : vector<16xi1>
    %add3A_368 = vector.broadcast %select_n3A_353 : i32 to vector<16xi32>
    %add3A_369 = arith.addi %rem3A_355, %add3A_368 : vector<16xi32>
    %select_n3A_370 = arith.select %and3A_367, %add3A_369, %rem3A_355 : vector<16xi1>, vector<16xi32>
    %mul3A_371 = arith.constant 50176 : i32
    %mul3A_372 = vector.broadcast %mul3A_371 : i32 to vector<16xi32>
    %mul3A_373 = arith.muli %select_n3A_370, %mul3A_372 : vector<16xi32>
    %add3A_374 = arith.addi %select_n3A_344, %mul3A_373 : vector<16xi32>
    %swap3A_375 = arith.constant 2 : i32
    %swap3A_376 = arith.index_cast %swap3A_375 : i32 to index
    %swap3A_377 = arith.constant 16 : index
    %swap3A_378 = tpu.vector_load %arg8[%swap3A_376, %swap3A_377] {strides = array<i32>} : memref<6x48xi32, #tpu.memory_space<vmem>>, vector<1x16xi32>,
    %swap3A_379 = vector.shape_cast %swap3A_378 : vector<1x16xi32> to vector<16xi32>
    %swap3A_380 = vector.shape_cast %add3A_374 : vector<16xi32> to vector<1x16xi32>
    tpu.vector_store %arg8[%swap3A_376, %swap3A_377], %swap3A_380 {strides = array<i32>} : memref<6x48xi32, #tpu.memory_space<vmem>>, vector<1x16xi32>,
    %get3A_381 = arith.constant 128 : index
    %get3A_382 = tpu.vector_load %arg6[%get3A_381] {strides = array<i32>} : memref<288xi32, #tpu.memory_space<vmem>>, vector<16xi32>,
    %get3A_383 = vector.shape_cast %get3A_382 : vector<16xi32> to vector<16xi32>
    %lt3A_384 = arith.constant 0 : i32
    %lt3A_385 = vector.broadcast %lt3A_384 : i32 to vector<16xi32>
    %lt3A_386 = arith.cmpi slt, %get3A_383, %lt3A_385 : vector<16xi32>
    %jit3A_387 = arith.constant 50000 : i32
    %broadcast_in_dim3A_388 = vector.broadcast %jit3A_387 : i32 to vector<16xi32>
    %select_n3A_389 = arith.select %lt3A_386, %broadcast_in_dim3A_388, %get3A_383 : vector<16xi1>, vector<16xi32>
    %iota3A_390 = tpu.iota {dimensions = array<i32: 0>} : vector<16xi32>
    %add3A_391 = arith.constant 2 : i32
    %add3A_392 = vector.broadcast %add3A_391 : i32 to vector<16xi32>
    %add3A_393 = arith.addi %iota3A_390, %add3A_392 : vector<16xi32>
    %jit3A_394 = arith.constant 9 : i32
    %eq3A_395 = arith.constant 0 : i32
    %eq3A_396 = arith.cmpi eq, %jit3A_394, %eq3A_395 : i32
    %jit3A_397 = arith.constant 1 : i32
    %select_n3A_398 = arith.select %eq3A_396, %jit3A_397, %jit3A_394 : i32
    %rem3A_399 = vector.broadcast %select_n3A_398 : i32 to vector<16xi32>
    %rem3A_400 = arith.remsi %add3A_393, %rem3A_399 : vector<16xi32>
    %ne3A_401 = arith.constant 0 : i32
    %ne3A_402 = vector.broadcast %ne3A_401 : i32 to vector<16xi32>
    %ne3A_403 = arith.cmpi ne, %rem3A_400, %ne3A_402 : vector<16xi32>
    %lt3A_404 = arith.constant 0 : i32
    %lt3A_405 = vector.broadcast %lt3A_404 : i32 to vector<16xi32>
    %lt3A_406 = arith.cmpi slt, %rem3A_400, %lt3A_405 : vector<16xi32>
    %lt3A_407 = arith.constant 0 : i32
    %lt3A_408 = arith.cmpi slt, %select_n3A_398, %lt3A_407 : i32
    %ne3A_409 = vector.broadcast %lt3A_408 : i1 to vector<16xi1>
    %ne3A_410 = vector.broadcast %ne3A_409 : vector<16xi1> to vector<16xi1>
    %ne3A_411 = arith.xori %lt3A_406, %ne3A_410 : vector<16xi1>
    %and3A_412 = arith.andi %ne3A_411, %ne3A_403 : vector<16xi1>
    %add3A_413 = vector.broadcast %select_n3A_398 : i32 to vector<16xi32>
    %add3A_414 = arith.addi %rem3A_400, %add3A_413 : vector<16xi32>
    %select_n3A_415 = arith.select %and3A_412, %add3A_414, %rem3A_400 : vector<16xi1>, vector<16xi32>
    %mul3A_416 = arith.constant 50176 : i32
    %mul3A_417 = vector.broadcast %mul3A_416 : i32 to vector<16xi32>
    %mul3A_418 = arith.muli %select_n3A_415, %mul3A_417 : vector<16xi32>
    %add3A_419 = arith.addi %select_n3A_389, %mul3A_418 : vector<16xi32>
    %swap3A_420 = arith.constant 2 : i32
    %swap3A_421 = arith.index_cast %swap3A_420 : i32 to index
    %swap3A_422 = arith.constant 32 : index
    %swap3A_423 = tpu.vector_load %arg8[%swap3A_421, %swap3A_422] {strides = array<i32>} : memref<6x48xi32, #tpu.memory_space<vmem>>, vector<1x16xi32>,
    %swap3A_424 = vector.shape_cast %swap3A_423 : vector<1x16xi32> to vector<16xi32>
    %swap3A_425 = vector.shape_cast %add3A_419 : vector<16xi32> to vector<1x16xi32>
    tpu.vector_store %arg8[%swap3A_421, %swap3A_422], %swap3A_425 {strides = array<i32>} : memref<6x48xi32, #tpu.memory_space<vmem>>, vector<1x16xi32>,
    %get3A_426 = arith.constant 144 : index
    %get3A_427 = tpu.vector_load %arg6[%get3A_426] {strides = array<i32>} : memref<288xi32, #tpu.memory_space<vmem>>, vector<16xi32>,
    %get3A_428 = vector.shape_cast %get3A_427 : vector<16xi32> to vector<16xi32>
    %lt3A_429 = arith.constant 0 : i32
    %lt3A_430 = vector.broadcast %lt3A_429 : i32 to vector<16xi32>
    %lt3A_431 = arith.cmpi slt, %get3A_428, %lt3A_430 : vector<16xi32>
    %jit3A_432 = arith.constant 50000 : i32
    %broadcast_in_dim3A_433 = vector.broadcast %jit3A_432 : i32 to vector<16xi32>
    %select_n3A_434 = arith.select %lt3A_431, %broadcast_in_dim3A_433, %get3A_428 : vector<16xi1>, vector<16xi32>
    %iota3A_435 = tpu.iota {dimensions = array<i32: 0>} : vector<16xi32>
    %add3A_436 = arith.constant 0 : i32
    %add3A_437 = vector.broadcast %add3A_436 : i32 to vector<16xi32>
    %add3A_438 = arith.addi %iota3A_435, %add3A_437 : vector<16xi32>
    %jit3A_439 = arith.constant 9 : i32
    %eq3A_440 = arith.constant 0 : i32
    %eq3A_441 = arith.cmpi eq, %jit3A_439, %eq3A_440 : i32
    %jit3A_442 = arith.constant 1 : i32
    %select_n3A_443 = arith.select %eq3A_441, %jit3A_442, %jit3A_439 : i32
    %rem3A_444 = vector.broadcast %select_n3A_443 : i32 to vector<16xi32>
    %rem3A_445 = arith.remsi %add3A_438, %rem3A_444 : vector<16xi32>
    %ne3A_446 = arith.constant 0 : i32
    %ne3A_447 = vector.broadcast %ne3A_446 : i32 to vector<16xi32>
    %ne3A_448 = arith.cmpi ne, %rem3A_445, %ne3A_447 : vector<16xi32>
    %lt3A_449 = arith.constant 0 : i32
    %lt3A_450 = vector.broadcast %lt3A_449 : i32 to vector<16xi32>
    %lt3A_451 = arith.cmpi slt, %rem3A_445, %lt3A_450 : vector<16xi32>
    %lt3A_452 = arith.constant 0 : i32
    %lt3A_453 = arith.cmpi slt, %select_n3A_443, %lt3A_452 : i32
    %ne3A_454 = vector.broadcast %lt3A_453 : i1 to vector<16xi1>
    %ne3A_455 = vector.broadcast %ne3A_454 : vector<16xi1> to vector<16xi1>
    %ne3A_456 = arith.xori %lt3A_451, %ne3A_455 : vector<16xi1>
    %and3A_457 = arith.andi %ne3A_456, %ne3A_448 : vector<16xi1>
    %add3A_458 = vector.broadcast %select_n3A_443 : i32 to vector<16xi32>
    %add3A_459 = arith.addi %rem3A_445, %add3A_458 : vector<16xi32>
    %select_n3A_460 = arith.select %and3A_457, %add3A_459, %rem3A_445 : vector<16xi1>, vector<16xi32>
    %mul3A_461 = arith.constant 50176 : i32
    %mul3A_462 = vector.broadcast %mul3A_461 : i32 to vector<16xi32>
    %mul3A_463 = arith.muli %select_n3A_460, %mul3A_462 : vector<16xi32>
    %add3A_464 = arith.addi %select_n3A_434, %mul3A_463 : vector<16xi32>
    %swap3A_465 = arith.constant 3 : i32
    %swap3A_466 = arith.index_cast %swap3A_465 : i32 to index
    %swap3A_467 = arith.constant 0 : index
    %swap3A_468 = tpu.vector_load %arg8[%swap3A_466, %swap3A_467] {strides = array<i32>} : memref<6x48xi32, #tpu.memory_space<vmem>>, vector<1x16xi32>,
    %swap3A_469 = vector.shape_cast %swap3A_468 : vector<1x16xi32> to vector<16xi32>
    %swap3A_470 = vector.shape_cast %add3A_464 : vector<16xi32> to vector<1x16xi32>
    tpu.vector_store %arg8[%swap3A_466, %swap3A_467], %swap3A_470 {strides = array<i32>} : memref<6x48xi32, #tpu.memory_space<vmem>>, vector<1x16xi32>,
    %get3A_471 = arith.constant 160 : index
    %get3A_472 = tpu.vector_load %arg6[%get3A_471] {strides = array<i32>} : memref<288xi32, #tpu.memory_space<vmem>>, vector<16xi32>,
    %get3A_473 = vector.shape_cast %get3A_472 : vector<16xi32> to vector<16xi32>
    %lt3A_474 = arith.constant 0 : i32
    %lt3A_475 = vector.broadcast %lt3A_474 : i32 to vector<16xi32>
    %lt3A_476 = arith.cmpi slt, %get3A_473, %lt3A_475 : vector<16xi32>
    %jit3A_477 = arith.constant 50000 : i32
    %broadcast_in_dim3A_478 = vector.broadcast %jit3A_477 : i32 to vector<16xi32>
    %select_n3A_479 = arith.select %lt3A_476, %broadcast_in_dim3A_478, %get3A_473 : vector<16xi1>, vector<16xi32>
    %iota3A_480 = tpu.iota {dimensions = array<i32: 0>} : vector<16xi32>
    %add3A_481 = arith.constant 7 : i32
    %add3A_482 = vector.broadcast %add3A_481 : i32 to vector<16xi32>
    %add3A_483 = arith.addi %iota3A_480, %add3A_482 : vector<16xi32>
    %jit3A_484 = arith.constant 9 : i32
    %eq3A_485 = arith.constant 0 : i32
    %eq3A_486 = arith.cmpi eq, %jit3A_484, %eq3A_485 : i32
    %jit3A_487 = arith.constant 1 : i32
    %select_n3A_488 = arith.select %eq3A_486, %jit3A_487, %jit3A_484 : i32
    %rem3A_489 = vector.broadcast %select_n3A_488 : i32 to vector<16xi32>
    %rem3A_490 = arith.remsi %add3A_483, %rem3A_489 : vector<16xi32>
    %ne3A_491 = arith.constant 0 : i32
    %ne3A_492 = vector.broadcast %ne3A_491 : i32 to vector<16xi32>
    %ne3A_493 = arith.cmpi ne, %rem3A_490, %ne3A_492 : vector<16xi32>
    %lt3A_494 = arith.constant 0 : i32
    %lt3A_495 = vector.broadcast %lt3A_494 : i32 to vector<16xi32>
    %lt3A_496 = arith.cmpi slt, %rem3A_490, %lt3A_495 : vector<16xi32>
    %lt3A_497 = arith.constant 0 : i32
    %lt3A_498 = arith.cmpi slt, %select_n3A_488, %lt3A_497 : i32
    %ne3A_499 = vector.broadcast %lt3A_498 : i1 to vector<16xi1>
    %ne3A_500 = vector.broadcast %ne3A_499 : vector<16xi1> to vector<16xi1>
    %ne3A_501 = arith.xori %lt3A_496, %ne3A_500 : vector<16xi1>
    %and3A_502 = arith.andi %ne3A_501, %ne3A_493 : vector<16xi1>
    %add3A_503 = vector.broadcast %select_n3A_488 : i32 to vector<16xi32>
    %add3A_504 = arith.addi %rem3A_490, %add3A_503 : vector<16xi32>
    %select_n3A_505 = arith.select %and3A_502, %add3A_504, %rem3A_490 : vector<16xi1>, vector<16xi32>
    %mul3A_506 = arith.constant 50176 : i32
    %mul3A_507 = vector.broadcast %mul3A_506 : i32 to vector<16xi32>
    %mul3A_508 = arith.muli %select_n3A_505, %mul3A_507 : vector<16xi32>
    %add3A_509 = arith.addi %select_n3A_479, %mul3A_508 : vector<16xi32>
    %swap3A_510 = arith.constant 3 : i32
    %swap3A_511 = arith.index_cast %swap3A_510 : i32 to index
    %swap3A_512 = arith.constant 16 : index
    %swap3A_513 = tpu.vector_load %arg8[%swap3A_511, %swap3A_512] {strides = array<i32>} : memref<6x48xi32, #tpu.memory_space<vmem>>, vector<1x16xi32>,
    %swap3A_514 = vector.shape_cast %swap3A_513 : vector<1x16xi32> to vector<16xi32>
    %swap3A_515 = vector.shape_cast %add3A_509 : vector<16xi32> to vector<1x16xi32>
    tpu.vector_store %arg8[%swap3A_511, %swap3A_512], %swap3A_515 {strides = array<i32>} : memref<6x48xi32, #tpu.memory_space<vmem>>, vector<1x16xi32>,
    %get3A_516 = arith.constant 176 : index
    %get3A_517 = tpu.vector_load %arg6[%get3A_516] {strides = array<i32>} : memref<288xi32, #tpu.memory_space<vmem>>, vector<16xi32>,
    %get3A_518 = vector.shape_cast %get3A_517 : vector<16xi32> to vector<16xi32>
    %lt3A_519 = arith.constant 0 : i32
    %lt3A_520 = vector.broadcast %lt3A_519 : i32 to vector<16xi32>
    %lt3A_521 = arith.cmpi slt, %get3A_518, %lt3A_520 : vector<16xi32>
    %jit3A_522 = arith.constant 50000 : i32
    %broadcast_in_dim3A_523 = vector.broadcast %jit3A_522 : i32 to vector<16xi32>
    %select_n3A_524 = arith.select %lt3A_521, %broadcast_in_dim3A_523, %get3A_518 : vector<16xi1>, vector<16xi32>
    %iota3A_525 = tpu.iota {dimensions = array<i32: 0>} : vector<16xi32>
    %add3A_526 = arith.constant 5 : i32
    %add3A_527 = vector.broadcast %add3A_526 : i32 to vector<16xi32>
    %add3A_528 = arith.addi %iota3A_525, %add3A_527 : vector<16xi32>
    %jit3A_529 = arith.constant 9 : i32
    %eq3A_530 = arith.constant 0 : i32
    %eq3A_531 = arith.cmpi eq, %jit3A_529, %eq3A_530 : i32
    %jit3A_532 = arith.constant 1 : i32
    %select_n3A_533 = arith.select %eq3A_531, %jit3A_532, %jit3A_529 : i32
    %rem3A_534 = vector.broadcast %select_n3A_533 : i32 to vector<16xi32>
    %rem3A_535 = arith.remsi %add3A_528, %rem3A_534 : vector<16xi32>
    %ne3A_536 = arith.constant 0 : i32
    %ne3A_537 = vector.broadcast %ne3A_536 : i32 to vector<16xi32>
    %ne3A_538 = arith.cmpi ne, %rem3A_535, %ne3A_537 : vector<16xi32>
    %lt3A_539 = arith.constant 0 : i32
    %lt3A_540 = vector.broadcast %lt3A_539 : i32 to vector<16xi32>
    %lt3A_541 = arith.cmpi slt, %rem3A_535, %lt3A_540 : vector<16xi32>
    %lt3A_542 = arith.constant 0 : i32
    %lt3A_543 = arith.cmpi slt, %select_n3A_533, %lt3A_542 : i32
    %ne3A_544 = vector.broadcast %lt3A_543 : i1 to vector<16xi1>
    %ne3A_545 = vector.broadcast %ne3A_544 : vector<16xi1> to vector<16xi1>
    %ne3A_546 = arith.xori %lt3A_541, %ne3A_545 : vector<16xi1>
    %and3A_547 = arith.andi %ne3A_546, %ne3A_538 : vector<16xi1>
    %add3A_548 = vector.broadcast %select_n3A_533 : i32 to vector<16xi32>
    %add3A_549 = arith.addi %rem3A_535, %add3A_548 : vector<16xi32>
    %select_n3A_550 = arith.select %and3A_547, %add3A_549, %rem3A_535 : vector<16xi1>, vector<16xi32>
    %mul3A_551 = arith.constant 50176 : i32
    %mul3A_552 = vector.broadcast %mul3A_551 : i32 to vector<16xi32>
    %mul3A_553 = arith.muli %select_n3A_550, %mul3A_552 : vector<16xi32>
    %add3A_554 = arith.addi %select_n3A_524, %mul3A_553 : vector<16xi32>
    %swap3A_555 = arith.constant 3 : i32
    %swap3A_556 = arith.index_cast %swap3A_555 : i32 to index
    %swap3A_557 = arith.constant 32 : index
    %swap3A_558 = tpu.vector_load %arg8[%swap3A_556, %swap3A_557] {strides = array<i32>} : memref<6x48xi32, #tpu.memory_space<vmem>>, vector<1x16xi32>,
    %swap3A_559 = vector.shape_cast %swap3A_558 : vector<1x16xi32> to vector<16xi32>
    %swap3A_560 = vector.shape_cast %add3A_554 : vector<16xi32> to vector<1x16xi32>
    tpu.vector_store %arg8[%swap3A_556, %swap3A_557], %swap3A_560 {strides = array<i32>} : memref<6x48xi32, #tpu.memory_space<vmem>>, vector<1x16xi32>,
    %get3A_561 = arith.constant 192 : index
    %get3A_562 = tpu.vector_load %arg6[%get3A_561] {strides = array<i32>} : memref<288xi32, #tpu.memory_space<vmem>>, vector<16xi32>,
    %get3A_563 = vector.shape_cast %get3A_562 : vector<16xi32> to vector<16xi32>
    %lt3A_564 = arith.constant 0 : i32
    %lt3A_565 = vector.broadcast %lt3A_564 : i32 to vector<16xi32>
    %lt3A_566 = arith.cmpi slt, %get3A_563, %lt3A_565 : vector<16xi32>
    %jit3A_567 = arith.constant 50000 : i32
    %broadcast_in_dim3A_568 = vector.broadcast %jit3A_567 : i32 to vector<16xi32>
    %select_n3A_569 = arith.select %lt3A_566, %broadcast_in_dim3A_568, %get3A_563 : vector<16xi1>, vector<16xi32>
    %iota3A_570 = tpu.iota {dimensions = array<i32: 0>} : vector<16xi32>
    %add3A_571 = arith.constant 3 : i32
    %add3A_572 = vector.broadcast %add3A_571 : i32 to vector<16xi32>
    %add3A_573 = arith.addi %iota3A_570, %add3A_572 : vector<16xi32>
    %jit3A_574 = arith.constant 9 : i32
    %eq3A_575 = arith.constant 0 : i32
    %eq3A_576 = arith.cmpi eq, %jit3A_574, %eq3A_575 : i32
    %jit3A_577 = arith.constant 1 : i32
    %select_n3A_578 = arith.select %eq3A_576, %jit3A_577, %jit3A_574 : i32
    %rem3A_579 = vector.broadcast %select_n3A_578 : i32 to vector<16xi32>
    %rem3A_580 = arith.remsi %add3A_573, %rem3A_579 : vector<16xi32>
    %ne3A_581 = arith.constant 0 : i32
    %ne3A_582 = vector.broadcast %ne3A_581 : i32 to vector<16xi32>
    %ne3A_583 = arith.cmpi ne, %rem3A_580, %ne3A_582 : vector<16xi32>
    %lt3A_584 = arith.constant 0 : i32
    %lt3A_585 = vector.broadcast %lt3A_584 : i32 to vector<16xi32>
    %lt3A_586 = arith.cmpi slt, %rem3A_580, %lt3A_585 : vector<16xi32>
    %lt3A_587 = arith.constant 0 : i32
    %lt3A_588 = arith.cmpi slt, %select_n3A_578, %lt3A_587 : i32
    %ne3A_589 = vector.broadcast %lt3A_588 : i1 to vector<16xi1>
    %ne3A_590 = vector.broadcast %ne3A_589 : vector<16xi1> to vector<16xi1>
    %ne3A_591 = arith.xori %lt3A_586, %ne3A_590 : vector<16xi1>
    %and3A_592 = arith.andi %ne3A_591, %ne3A_583 : vector<16xi1>
    %add3A_593 = vector.broadcast %select_n3A_578 : i32 to vector<16xi32>
    %add3A_594 = arith.addi %rem3A_580, %add3A_593 : vector<16xi32>
    %select_n3A_595 = arith.select %and3A_592, %add3A_594, %rem3A_580 : vector<16xi1>, vector<16xi32>
    %mul3A_596 = arith.constant 50176 : i32
    %mul3A_597 = vector.broadcast %mul3A_596 : i32 to vector<16xi32>
    %mul3A_598 = arith.muli %select_n3A_595, %mul3A_597 : vector<16xi32>
    %add3A_599 = arith.addi %select_n3A_569, %mul3A_598 : vector<16xi32>
    %swap3A_600 = arith.constant 4 : i32
    %swap3A_601 = arith.index_cast %swap3A_600 : i32 to index
    %swap3A_602 = arith.constant 0 : index
    %swap3A_603 = tpu.vector_load %arg8[%swap3A_601, %swap3A_602] {strides = array<i32>} : memref<6x48xi32, #tpu.memory_space<vmem>>, vector<1x16xi32>,
    %swap3A_604 = vector.shape_cast %swap3A_603 : vector<1x16xi32> to vector<16xi32>
    %swap3A_605 = vector.shape_cast %add3A_599 : vector<16xi32> to vector<1x16xi32>
    tpu.vector_store %arg8[%swap3A_601, %swap3A_602], %swap3A_605 {strides = array<i32>} : memref<6x48xi32, #tpu.memory_space<vmem>>, vector<1x16xi32>,
    %get3A_606 = arith.constant 208 : index
    %get3A_607 = tpu.vector_load %arg6[%get3A_606] {strides = array<i32>} : memref<288xi32, #tpu.memory_space<vmem>>, vector<16xi32>,
    %get3A_608 = vector.shape_cast %get3A_607 : vector<16xi32> to vector<16xi32>
    %lt3A_609 = arith.constant 0 : i32
    %lt3A_610 = vector.broadcast %lt3A_609 : i32 to vector<16xi32>
    %lt3A_611 = arith.cmpi slt, %get3A_608, %lt3A_610 : vector<16xi32>
    %jit3A_612 = arith.constant 50000 : i32
    %broadcast_in_dim3A_613 = vector.broadcast %jit3A_612 : i32 to vector<16xi32>
    %select_n3A_614 = arith.select %lt3A_611, %broadcast_in_dim3A_613, %get3A_608 : vector<16xi1>, vector<16xi32>
    %iota3A_615 = tpu.iota {dimensions = array<i32: 0>} : vector<16xi32>
    %add3A_616 = arith.constant 1 : i32
    %add3A_617 = vector.broadcast %add3A_616 : i32 to vector<16xi32>
    %add3A_618 = arith.addi %iota3A_615, %add3A_617 : vector<16xi32>
    %jit3A_619 = arith.constant 9 : i32
    %eq3A_620 = arith.constant 0 : i32
    %eq3A_621 = arith.cmpi eq, %jit3A_619, %eq3A_620 : i32
    %jit3A_622 = arith.constant 1 : i32
    %select_n3A_623 = arith.select %eq3A_621, %jit3A_622, %jit3A_619 : i32
    %rem3A_624 = vector.broadcast %select_n3A_623 : i32 to vector<16xi32>
    %rem3A_625 = arith.remsi %add3A_618, %rem3A_624 : vector<16xi32>
    %ne3A_626 = arith.constant 0 : i32
    %ne3A_627 = vector.broadcast %ne3A_626 : i32 to vector<16xi32>
    %ne3A_628 = arith.cmpi ne, %rem3A_625, %ne3A_627 : vector<16xi32>
    %lt3A_629 = arith.constant 0 : i32
    %lt3A_630 = vector.broadcast %lt3A_629 : i32 to vector<16xi32>
    %lt3A_631 = arith.cmpi slt, %rem3A_625, %lt3A_630 : vector<16xi32>
    %lt3A_632 = arith.constant 0 : i32
    %lt3A_633 = arith.cmpi slt, %select_n3A_623, %lt3A_632 : i32
    %ne3A_634 = vector.broadcast %lt3A_633 : i1 to vector<16xi1>
    %ne3A_635 = vector.broadcast %ne3A_634 : vector<16xi1> to vector<16xi1>
    %ne3A_636 = arith.xori %lt3A_631, %ne3A_635 : vector<16xi1>
    %and3A_637 = arith.andi %ne3A_636, %ne3A_628 : vector<16xi1>
    %add3A_638 = vector.broadcast %select_n3A_623 : i32 to vector<16xi32>
    %add3A_639 = arith.addi %rem3A_625, %add3A_638 : vector<16xi32>
    %select_n3A_640 = arith.select %and3A_637, %add3A_639, %rem3A_625 : vector<16xi1>, vector<16xi32>
    %mul3A_641 = arith.constant 50176 : i32
    %mul3A_642 = vector.broadcast %mul3A_641 : i32 to vector<16xi32>
    %mul3A_643 = arith.muli %select_n3A_640, %mul3A_642 : vector<16xi32>
    %add3A_644 = arith.addi %select_n3A_614, %mul3A_643 : vector<16xi32>
    %swap3A_645 = arith.constant 4 : i32
    %swap3A_646 = arith.index_cast %swap3A_645 : i32 to index
    %swap3A_647 = arith.constant 16 : index
    %swap3A_648 = tpu.vector_load %arg8[%swap3A_646, %swap3A_647] {strides = array<i32>} : memref<6x48xi32, #tpu.memory_space<vmem>>, vector<1x16xi32>,
    %swap3A_649 = vector.shape_cast %swap3A_648 : vector<1x16xi32> to vector<16xi32>
    %swap3A_650 = vector.shape_cast %add3A_644 : vector<16xi32> to vector<1x16xi32>
    tpu.vector_store %arg8[%swap3A_646, %swap3A_647], %swap3A_650 {strides = array<i32>} : memref<6x48xi32, #tpu.memory_space<vmem>>, vector<1x16xi32>,
    %get3A_651 = arith.constant 224 : index
    %get3A_652 = tpu.vector_load %arg6[%get3A_651] {strides = array<i32>} : memref<288xi32, #tpu.memory_space<vmem>>, vector<16xi32>,
    %get3A_653 = vector.shape_cast %get3A_652 : vector<16xi32> to vector<16xi32>
    %lt3A_654 = arith.constant 0 : i32
    %lt3A_655 = vector.broadcast %lt3A_654 : i32 to vector<16xi32>
    %lt3A_656 = arith.cmpi slt, %get3A_653, %lt3A_655 : vector<16xi32>
    %jit3A_657 = arith.constant 50000 : i32
    %broadcast_in_dim3A_658 = vector.broadcast %jit3A_657 : i32 to vector<16xi32>
    %select_n3A_659 = arith.select %lt3A_656, %broadcast_in_dim3A_658, %get3A_653 : vector<16xi1>, vector<16xi32>
    %iota3A_660 = tpu.iota {dimensions = array<i32: 0>} : vector<16xi32>
    %add3A_661 = arith.constant 8 : i32
    %add3A_662 = vector.broadcast %add3A_661 : i32 to vector<16xi32>
    %add3A_663 = arith.addi %iota3A_660, %add3A_662 : vector<16xi32>
    %jit3A_664 = arith.constant 9 : i32
    %eq3A_665 = arith.constant 0 : i32
    %eq3A_666 = arith.cmpi eq, %jit3A_664, %eq3A_665 : i32
    %jit3A_667 = arith.constant 1 : i32
    %select_n3A_668 = arith.select %eq3A_666, %jit3A_667, %jit3A_664 : i32
    %rem3A_669 = vector.broadcast %select_n3A_668 : i32 to vector<16xi32>
    %rem3A_670 = arith.remsi %add3A_663, %rem3A_669 : vector<16xi32>
    %ne3A_671 = arith.constant 0 : i32
    %ne3A_672 = vector.broadcast %ne3A_671 : i32 to vector<16xi32>
    %ne3A_673 = arith.cmpi ne, %rem3A_670, %ne3A_672 : vector<16xi32>
    %lt3A_674 = arith.constant 0 : i32
    %lt3A_675 = vector.broadcast %lt3A_674 : i32 to vector<16xi32>
    %lt3A_676 = arith.cmpi slt, %rem3A_670, %lt3A_675 : vector<16xi32>
    %lt3A_677 = arith.constant 0 : i32
    %lt3A_678 = arith.cmpi slt, %select_n3A_668, %lt3A_677 : i32
    %ne3A_679 = vector.broadcast %lt3A_678 : i1 to vector<16xi1>
    %ne3A_680 = vector.broadcast %ne3A_679 : vector<16xi1> to vector<16xi1>
    %ne3A_681 = arith.xori %lt3A_676, %ne3A_680 : vector<16xi1>
    %and3A_682 = arith.andi %ne3A_681, %ne3A_673 : vector<16xi1>
    %add3A_683 = vector.broadcast %select_n3A_668 : i32 to vector<16xi32>
    %add3A_684 = arith.addi %rem3A_670, %add3A_683 : vector<16xi32>
    %select_n3A_685 = arith.select %and3A_682, %add3A_684, %rem3A_670 : vector<16xi1>, vector<16xi32>
    %mul3A_686 = arith.constant 50176 : i32
    %mul3A_687 = vector.broadcast %mul3A_686 : i32 to vector<16xi32>
    %mul3A_688 = arith.muli %select_n3A_685, %mul3A_687 : vector<16xi32>
    %add3A_689 = arith.addi %select_n3A_659, %mul3A_688 : vector<16xi32>
    %swap3A_690 = arith.constant 4 : i32
    %swap3A_691 = arith.index_cast %swap3A_690 : i32 to index
    %swap3A_692 = arith.constant 32 : index
    %swap3A_693 = tpu.vector_load %arg8[%swap3A_691, %swap3A_692] {strides = array<i32>} : memref<6x48xi32, #tpu.memory_space<vmem>>, vector<1x16xi32>,
    %swap3A_694 = vector.shape_cast %swap3A_693 : vector<1x16xi32> to vector<16xi32>
    %swap3A_695 = vector.shape_cast %add3A_689 : vector<16xi32> to vector<1x16xi32>
    tpu.vector_store %arg8[%swap3A_691, %swap3A_692], %swap3A_695 {strides = array<i32>} : memref<6x48xi32, #tpu.memory_space<vmem>>, vector<1x16xi32>,
    %get3A_696 = arith.constant 240 : index
    %get3A_697 = tpu.vector_load %arg6[%get3A_696] {strides = array<i32>} : memref<288xi32, #tpu.memory_space<vmem>>, vector<16xi32>,
    %get3A_698 = vector.shape_cast %get3A_697 : vector<16xi32> to vector<16xi32>
    %lt3A_699 = arith.constant 0 : i32
    %lt3A_700 = vector.broadcast %lt3A_699 : i32 to vector<16xi32>
    %lt3A_701 = arith.cmpi slt, %get3A_698, %lt3A_700 : vector<16xi32>
    %jit3A_702 = arith.constant 50000 : i32
    %broadcast_in_dim3A_703 = vector.broadcast %jit3A_702 : i32 to vector<16xi32>
    %select_n3A_704 = arith.select %lt3A_701, %broadcast_in_dim3A_703, %get3A_698 : vector<16xi1>, vector<16xi32>
    %iota3A_705 = tpu.iota {dimensions = array<i32: 0>} : vector<16xi32>
    %add3A_706 = arith.constant 6 : i32
    %add3A_707 = vector.broadcast %add3A_706 : i32 to vector<16xi32>
    %add3A_708 = arith.addi %iota3A_705, %add3A_707 : vector<16xi32>
    %jit3A_709 = arith.constant 9 : i32
    %eq3A_710 = arith.constant 0 : i32
    %eq3A_711 = arith.cmpi eq, %jit3A_709, %eq3A_710 : i32
    %jit3A_712 = arith.constant 1 : i32
    %select_n3A_713 = arith.select %eq3A_711, %jit3A_712, %jit3A_709 : i32
    %rem3A_714 = vector.broadcast %select_n3A_713 : i32 to vector<16xi32>
    %rem3A_715 = arith.remsi %add3A_708, %rem3A_714 : vector<16xi32>
    %ne3A_716 = arith.constant 0 : i32
    %ne3A_717 = vector.broadcast %ne3A_716 : i32 to vector<16xi32>
    %ne3A_718 = arith.cmpi ne, %rem3A_715, %ne3A_717 : vector<16xi32>
    %lt3A_719 = arith.constant 0 : i32
    %lt3A_720 = vector.broadcast %lt3A_719 : i32 to vector<16xi32>
    %lt3A_721 = arith.cmpi slt, %rem3A_715, %lt3A_720 : vector<16xi32>
    %lt3A_722 = arith.constant 0 : i32
    %lt3A_723 = arith.cmpi slt, %select_n3A_713, %lt3A_722 : i32
    %ne3A_724 = vector.broadcast %lt3A_723 : i1 to vector<16xi1>
    %ne3A_725 = vector.broadcast %ne3A_724 : vector<16xi1> to vector<16xi1>
    %ne3A_726 = arith.xori %lt3A_721, %ne3A_725 : vector<16xi1>
    %and3A_727 = arith.andi %ne3A_726, %ne3A_718 : vector<16xi1>
    %add3A_728 = vector.broadcast %select_n3A_713 : i32 to vector<16xi32>
    %add3A_729 = arith.addi %rem3A_715, %add3A_728 : vector<16xi32>
    %select_n3A_730 = arith.select %and3A_727, %add3A_729, %rem3A_715 : vector<16xi1>, vector<16xi32>
    %mul3A_731 = arith.constant 50176 : i32
    %mul3A_732 = vector.broadcast %mul3A_731 : i32 to vector<16xi32>
    %mul3A_733 = arith.muli %select_n3A_730, %mul3A_732 : vector<16xi32>
    %add3A_734 = arith.addi %select_n3A_704, %mul3A_733 : vector<16xi32>
    %swap3A_735 = arith.constant 5 : i32
    %swap3A_736 = arith.index_cast %swap3A_735 : i32 to index
    %swap3A_737 = arith.constant 0 : index
    %swap3A_738 = tpu.vector_load %arg8[%swap3A_736, %swap3A_737] {strides = array<i32>} : memref<6x48xi32, #tpu.memory_space<vmem>>, vector<1x16xi32>,
    %swap3A_739 = vector.shape_cast %swap3A_738 : vector<1x16xi32> to vector<16xi32>
    %swap3A_740 = vector.shape_cast %add3A_734 : vector<16xi32> to vector<1x16xi32>
    tpu.vector_store %arg8[%swap3A_736, %swap3A_737], %swap3A_740 {strides = array<i32>} : memref<6x48xi32, #tpu.memory_space<vmem>>, vector<1x16xi32>,
    %get3A_741 = arith.constant 256 : index
    %get3A_742 = tpu.vector_load %arg6[%get3A_741] {strides = array<i32>} : memref<288xi32, #tpu.memory_space<vmem>>, vector<16xi32>,
    %get3A_743 = vector.shape_cast %get3A_742 : vector<16xi32> to vector<16xi32>
    %lt3A_744 = arith.constant 0 : i32
    %lt3A_745 = vector.broadcast %lt3A_744 : i32 to vector<16xi32>
    %lt3A_746 = arith.cmpi slt, %get3A_743, %lt3A_745 : vector<16xi32>
    %jit3A_747 = arith.constant 50000 : i32
    %broadcast_in_dim3A_748 = vector.broadcast %jit3A_747 : i32 to vector<16xi32>
    %select_n3A_749 = arith.select %lt3A_746, %broadcast_in_dim3A_748, %get3A_743 : vector<16xi1>, vector<16xi32>
    %iota3A_750 = tpu.iota {dimensions = array<i32: 0>} : vector<16xi32>
    %add3A_751 = arith.constant 4 : i32
    %add3A_752 = vector.broadcast %add3A_751 : i32 to vector<16xi32>
    %add3A_753 = arith.addi %iota3A_750, %add3A_752 : vector<16xi32>
    %jit3A_754 = arith.constant 9 : i32
    %eq3A_755 = arith.constant 0 : i32
    %eq3A_756 = arith.cmpi eq, %jit3A_754, %eq3A_755 : i32
    %jit3A_757 = arith.constant 1 : i32
    %select_n3A_758 = arith.select %eq3A_756, %jit3A_757, %jit3A_754 : i32
    %rem3A_759 = vector.broadcast %select_n3A_758 : i32 to vector<16xi32>
    %rem3A_760 = arith.remsi %add3A_753, %rem3A_759 : vector<16xi32>
    %ne3A_761 = arith.constant 0 : i32
    %ne3A_762 = vector.broadcast %ne3A_761 : i32 to vector<16xi32>
    %ne3A_763 = arith.cmpi ne, %rem3A_760, %ne3A_762 : vector<16xi32>
    %lt3A_764 = arith.constant 0 : i32
    %lt3A_765 = vector.broadcast %lt3A_764 : i32 to vector<16xi32>
    %lt3A_766 = arith.cmpi slt, %rem3A_760, %lt3A_765 : vector<16xi32>
    %lt3A_767 = arith.constant 0 : i32
    %lt3A_768 = arith.cmpi slt, %select_n3A_758, %lt3A_767 : i32
    %ne3A_769 = vector.broadcast %lt3A_768 : i1 to vector<16xi1>
    %ne3A_770 = vector.broadcast %ne3A_769 : vector<16xi1> to vector<16xi1>
    %ne3A_771 = arith.xori %lt3A_766, %ne3A_770 : vector<16xi1>
    %and3A_772 = arith.andi %ne3A_771, %ne3A_763 : vector<16xi1>
    %add3A_773 = vector.broadcast %select_n3A_758 : i32 to vector<16xi32>
    %add3A_774 = arith.addi %rem3A_760, %add3A_773 : vector<16xi32>
    %select_n3A_775 = arith.select %and3A_772, %add3A_774, %rem3A_760 : vector<16xi1>, vector<16xi32>
    %mul3A_776 = arith.constant 50176 : i32
    %mul3A_777 = vector.broadcast %mul3A_776 : i32 to vector<16xi32>
    %mul3A_778 = arith.muli %select_n3A_775, %mul3A_777 : vector<16xi32>
    %add3A_779 = arith.addi %select_n3A_749, %mul3A_778 : vector<16xi32>
    %swap3A_780 = arith.constant 5 : i32
    %swap3A_781 = arith.index_cast %swap3A_780 : i32 to index
    %swap3A_782 = arith.constant 16 : index
    %swap3A_783 = tpu.vector_load %arg8[%swap3A_781, %swap3A_782] {strides = array<i32>} : memref<6x48xi32, #tpu.memory_space<vmem>>, vector<1x16xi32>,
    %swap3A_784 = vector.shape_cast %swap3A_783 : vector<1x16xi32> to vector<16xi32>
    %swap3A_785 = vector.shape_cast %add3A_779 : vector<16xi32> to vector<1x16xi32>
    tpu.vector_store %arg8[%swap3A_781, %swap3A_782], %swap3A_785 {strides = array<i32>} : memref<6x48xi32, #tpu.memory_space<vmem>>, vector<1x16xi32>,
    %get3A_786 = arith.constant 272 : index
    %get3A_787 = tpu.vector_load %arg6[%get3A_786] {strides = array<i32>} : memref<288xi32, #tpu.memory_space<vmem>>, vector<16xi32>,
    %get3A_788 = vector.shape_cast %get3A_787 : vector<16xi32> to vector<16xi32>
    %lt3A_789 = arith.constant 0 : i32
    %lt3A_790 = vector.broadcast %lt3A_789 : i32 to vector<16xi32>
    %lt3A_791 = arith.cmpi slt, %get3A_788, %lt3A_790 : vector<16xi32>
    %jit3A_792 = arith.constant 50000 : i32
    %broadcast_in_dim3A_793 = vector.broadcast %jit3A_792 : i32 to vector<16xi32>
    %select_n3A_794 = arith.select %lt3A_791, %broadcast_in_dim3A_793, %get3A_788 : vector<16xi1>, vector<16xi32>
    %iota3A_795 = tpu.iota {dimensions = array<i32: 0>} : vector<16xi32>
    %add3A_796 = arith.constant 2 : i32
    %add3A_797 = vector.broadcast %add3A_796 : i32 to vector<16xi32>
    %add3A_798 = arith.addi %iota3A_795, %add3A_797 : vector<16xi32>
    %jit3A_799 = arith.constant 9 : i32
    %eq3A_800 = arith.constant 0 : i32
    %eq3A_801 = arith.cmpi eq, %jit3A_799, %eq3A_800 : i32
    %jit3A_802 = arith.constant 1 : i32
    %select_n3A_803 = arith.select %eq3A_801, %jit3A_802, %jit3A_799 : i32
    %rem3A_804 = vector.broadcast %select_n3A_803 : i32 to vector<16xi32>
    %rem3A_805 = arith.remsi %add3A_798, %rem3A_804 : vector<16xi32>
    %ne3A_806 = arith.constant 0 : i32
    %ne3A_807 = vector.broadcast %ne3A_806 : i32 to vector<16xi32>
    %ne3A_808 = arith.cmpi ne, %rem3A_805, %ne3A_807 : vector<16xi32>
    %lt3A_809 = arith.constant 0 : i32
    %lt3A_810 = vector.broadcast %lt3A_809 : i32 to vector<16xi32>
    %lt3A_811 = arith.cmpi slt, %rem3A_805, %lt3A_810 : vector<16xi32>
    %lt3A_812 = arith.constant 0 : i32
    %lt3A_813 = arith.cmpi slt, %select_n3A_803, %lt3A_812 : i32
    %ne3A_814 = vector.broadcast %lt3A_813 : i1 to vector<16xi1>
    %ne3A_815 = vector.broadcast %ne3A_814 : vector<16xi1> to vector<16xi1>
    %ne3A_816 = arith.xori %lt3A_811, %ne3A_815 : vector<16xi1>
    %and3A_817 = arith.andi %ne3A_816, %ne3A_808 : vector<16xi1>
    %add3A_818 = vector.broadcast %select_n3A_803 : i32 to vector<16xi32>
    %add3A_819 = arith.addi %rem3A_805, %add3A_818 : vector<16xi32>
    %select_n3A_820 = arith.select %and3A_817, %add3A_819, %rem3A_805 : vector<16xi1>, vector<16xi32>
    %mul3A_821 = arith.constant 50176 : i32
    %mul3A_822 = vector.broadcast %mul3A_821 : i32 to vector<16xi32>
    %mul3A_823 = arith.muli %select_n3A_820, %mul3A_822 : vector<16xi32>
    %add3A_824 = arith.addi %select_n3A_794, %mul3A_823 : vector<16xi32>
    %swap3A_825 = arith.constant 5 : i32
    %swap3A_826 = arith.index_cast %swap3A_825 : i32 to index
    %swap3A_827 = arith.constant 32 : index
    %swap3A_828 = tpu.vector_load %arg8[%swap3A_826, %swap3A_827] {strides = array<i32>} : memref<6x48xi32, #tpu.memory_space<vmem>>, vector<1x16xi32>,
    %swap3A_829 = vector.shape_cast %swap3A_828 : vector<1x16xi32> to vector<16xi32>
    %swap3A_830 = vector.shape_cast %add3A_824 : vector<16xi32> to vector<1x16xi32>
    tpu.vector_store %arg8[%swap3A_826, %swap3A_827], %swap3A_830 {strides = array<i32>} : memref<6x48xi32, #tpu.memory_space<vmem>>, vector<1x16xi32>,
    %dma_start3A = arith.constant 0 : i32
    %dma_start3A_831 = arith.constant 0 : i32
    %dma_start3A_832 = arith.constant 0 : i32
    %dma_start3A_833 = tpu.memref_slice %arg10[%dma_start3A_831, %dma_start3A_832] : memref<288x128xf32, #tpu.memory_space<vmem>> -> memref<48x128xf32, #tpu.memory_space<vmem>>
    %dma_start3A_834 = arith.constant 0 : i32
    %dma_start3A_835 = tpu.memref_slice %arg8[%dma_start3A, %dma_start3A_834] : memref<6x48xi32, #tpu.memory_space<vmem>> -> memref<1x48xi32, #tpu.memory_space<vmem>>
    %dma_start3A_836 = tpu.memref_squeeze %dma_start3A_835 : memref<1x48xi32, #tpu.memory_space<vmem>> -> memref<48xi32, #tpu.memory_space<vmem>>
    %dma_start3A_837 = arith.constant 0 : i32
    %dma_start3A_838 = arith.constant 0 : i32
    %dma_start3A_839 = tpu.memref_slice %arg2[%dma_start3A_837, %dma_start3A_838] : memref<451584x128xf32, #tpu.memory_space<hbm>> -> memref<451584x128xf32, #tpu.memory_space<hbm>>
    tpu.enqueue_indirect_dma source(%dma_start3A_839 : memref<451584x128xf32, #tpu.memory_space<hbm>>) target(%dma_start3A_833 : memref<48x128xf32, #tpu.memory_space<vmem>>) offsets(%dma_start3A_836 : memref<48xi32, #tpu.memory_space<vmem>>) semaphore(%arg15 : memref<!tpu.dma_semaphore, #tpu.memory_space<semaphore_mem>>)
    %dma_start3A_840 = arith.constant 1 : i32
    %dma_start3A_841 = arith.constant 48 : i32
    %dma_start3A_842 = arith.constant 0 : i32
    %dma_start3A_843 = tpu.memref_slice %arg10[%dma_start3A_841, %dma_start3A_842] : memref<288x128xf32, #tpu.memory_space<vmem>> -> memref<48x128xf32, #tpu.memory_space<vmem>>
    %dma_start3A_844 = arith.constant 0 : i32
    %dma_start3A_845 = tpu.memref_slice %arg8[%dma_start3A_840, %dma_start3A_844] : memref<6x48xi32, #tpu.memory_space<vmem>> -> memref<1x48xi32, #tpu.memory_space<vmem>>
    %dma_start3A_846 = tpu.memref_squeeze %dma_start3A_845 : memref<1x48xi32, #tpu.memory_space<vmem>> -> memref<48xi32, #tpu.memory_space<vmem>>
    %dma_start3A_847 = arith.constant 0 : i32
    %dma_start3A_848 = arith.constant 0 : i32
    %dma_start3A_849 = tpu.memref_slice %arg2[%dma_start3A_847, %dma_start3A_848] : memref<451584x128xf32, #tpu.memory_space<hbm>> -> memref<451584x128xf32, #tpu.memory_space<hbm>>
    tpu.enqueue_indirect_dma source(%dma_start3A_849 : memref<451584x128xf32, #tpu.memory_space<hbm>>) target(%dma_start3A_843 : memref<48x128xf32, #tpu.memory_space<vmem>>) offsets(%dma_start3A_846 : memref<48xi32, #tpu.memory_space<vmem>>) semaphore(%arg15 : memref<!tpu.dma_semaphore, #tpu.memory_space<semaphore_mem>>)
    %dma_start3A_850 = arith.constant 2 : i32
    %dma_start3A_851 = arith.constant 96 : i32
    %dma_start3A_852 = arith.constant 0 : i32
    %dma_start3A_853 = tpu.memref_slice %arg10[%dma_start3A_851, %dma_start3A_852] : memref<288x128xf32, #tpu.memory_space<vmem>> -> memref<48x128xf32, #tpu.memory_space<vmem>>
    %dma_start3A_854 = arith.constant 0 : i32
    %dma_start3A_855 = tpu.memref_slice %arg8[%dma_start3A_850, %dma_start3A_854] : memref<6x48xi32, #tpu.memory_space<vmem>> -> memref<1x48xi32, #tpu.memory_space<vmem>>
    %dma_start3A_856 = tpu.memref_squeeze %dma_start3A_855 : memref<1x48xi32, #tpu.memory_space<vmem>> -> memref<48xi32, #tpu.memory_space<vmem>>
    %dma_start3A_857 = arith.constant 0 : i32
    %dma_start3A_858 = arith.constant 0 : i32
    %dma_start3A_859 = tpu.memref_slice %arg2[%dma_start3A_857, %dma_start3A_858] : memref<451584x128xf32, #tpu.memory_space<hbm>> -> memref<451584x128xf32, #tpu.memory_space<hbm>>
    tpu.enqueue_indirect_dma source(%dma_start3A_859 : memref<451584x128xf32, #tpu.memory_space<hbm>>) target(%dma_start3A_853 : memref<48x128xf32, #tpu.memory_space<vmem>>) offsets(%dma_start3A_856 : memref<48xi32, #tpu.memory_space<vmem>>) semaphore(%arg15 : memref<!tpu.dma_semaphore, #tpu.memory_space<semaphore_mem>>)
    %dma_start3A_860 = arith.constant 3 : i32
    %dma_start3A_861 = arith.constant 144 : i32
    %dma_start3A_862 = arith.constant 0 : i32
    %dma_start3A_863 = tpu.memref_slice %arg10[%dma_start3A_861, %dma_start3A_862] : memref<288x128xf32, #tpu.memory_space<vmem>> -> memref<48x128xf32, #tpu.memory_space<vmem>>
    %dma_start3A_864 = arith.constant 0 : i32
    %dma_start3A_865 = tpu.memref_slice %arg8[%dma_start3A_860, %dma_start3A_864] : memref<6x48xi32, #tpu.memory_space<vmem>> -> memref<1x48xi32, #tpu.memory_space<vmem>>
    %dma_start3A_866 = tpu.memref_squeeze %dma_start3A_865 : memref<1x48xi32, #tpu.memory_space<vmem>> -> memref<48xi32, #tpu.memory_space<vmem>>
    %dma_start3A_867 = arith.constant 0 : i32
    %dma_start3A_868 = arith.constant 0 : i32
    %dma_start3A_869 = tpu.memref_slice %arg2[%dma_start3A_867, %dma_start3A_868] : memref<451584x128xf32, #tpu.memory_space<hbm>> -> memref<451584x128xf32, #tpu.memory_space<hbm>>
    tpu.enqueue_indirect_dma source(%dma_start3A_869 : memref<451584x128xf32, #tpu.memory_space<hbm>>) target(%dma_start3A_863 : memref<48x128xf32, #tpu.memory_space<vmem>>) offsets(%dma_start3A_866 : memref<48xi32, #tpu.memory_space<vmem>>) semaphore(%arg15 : memref<!tpu.dma_semaphore, #tpu.memory_space<semaphore_mem>>)
    %dma_start3A_870 = arith.constant 4 : i32
    %dma_start3A_871 = arith.constant 192 : i32
    %dma_start3A_872 = arith.constant 0 : i32
    %dma_start3A_873 = tpu.memref_slice %arg10[%dma_start3A_871, %dma_start3A_872] : memref<288x128xf32, #tpu.memory_space<vmem>> -> memref<48x128xf32, #tpu.memory_space<vmem>>
    %dma_start3A_874 = arith.constant 0 : i32
    %dma_start3A_875 = tpu.memref_slice %arg8[%dma_start3A_870, %dma_start3A_874] : memref<6x48xi32, #tpu.memory_space<vmem>> -> memref<1x48xi32, #tpu.memory_space<vmem>>
    %dma_start3A_876 = tpu.memref_squeeze %dma_start3A_875 : memref<1x48xi32, #tpu.memory_space<vmem>> -> memref<48xi32, #tpu.memory_space<vmem>>
    %dma_start3A_877 = arith.constant 0 : i32
    %dma_start3A_878 = arith.constant 0 : i32
    %dma_start3A_879 = tpu.memref_slice %arg2[%dma_start3A_877, %dma_start3A_878] : memref<451584x128xf32, #tpu.memory_space<hbm>> -> memref<451584x128xf32, #tpu.memory_space<hbm>>
    tpu.enqueue_indirect_dma source(%dma_start3A_879 : memref<451584x128xf32, #tpu.memory_space<hbm>>) target(%dma_start3A_873 : memref<48x128xf32, #tpu.memory_space<vmem>>) offsets(%dma_start3A_876 : memref<48xi32, #tpu.memory_space<vmem>>) semaphore(%arg15 : memref<!tpu.dma_semaphore, #tpu.memory_space<semaphore_mem>>)
    %dma_start3A_880 = arith.constant 5 : i32
    %dma_start3A_881 = arith.constant 240 : i32
    %dma_start3A_882 = arith.constant 0 : i32
    %dma_start3A_883 = tpu.memref_slice %arg10[%dma_start3A_881, %dma_start3A_882] : memref<288x128xf32, #tpu.memory_space<vmem>> -> memref<48x128xf32, #tpu.memory_space<vmem>>
    %dma_start3A_884 = arith.constant 0 : i32
    %dma_start3A_885 = tpu.memref_slice %arg8[%dma_start3A_880, %dma_start3A_884] : memref<6x48xi32, #tpu.memory_space<vmem>> -> memref<1x48xi32, #tpu.memory_space<vmem>>
    %dma_start3A_886 = tpu.memref_squeeze %dma_start3A_885 : memref<1x48xi32, #tpu.memory_space<vmem>> -> memref<48xi32, #tpu.memory_space<vmem>>
    %dma_start3A_887 = arith.constant 0 : i32
    %dma_start3A_888 = arith.constant 0 : i32
    %dma_start3A_889 = tpu.memref_slice %arg2[%dma_start3A_887, %dma_start3A_888] : memref<451584x128xf32, #tpu.memory_space<hbm>> -> memref<451584x128xf32, #tpu.memory_space<hbm>>
    tpu.enqueue_indirect_dma source(%dma_start3A_889 : memref<451584x128xf32, #tpu.memory_space<hbm>>) target(%dma_start3A_883 : memref<48x128xf32, #tpu.memory_space<vmem>>) offsets(%dma_start3A_886 : memref<48xi32, #tpu.memory_space<vmem>>) semaphore(%arg15 : memref<!tpu.dma_semaphore, #tpu.memory_space<semaphore_mem>>)
    %scan3A = arith.constant 0 : i32
    %scan3A_890 = arith.constant 0 : i32
    %scan3A_891 = arith.constant 25 : i32
    %scan3A_892 = arith.addi %scan3A_890, %scan3A_891 : i32
    %scan3A_893 = arith.constant 1 : i32
    scf.for %scan3A_895 = %scan3A_890 to %scan3A_892 step %scan3A_893  : i32 {
      %mul3A_896 = arith.constant 2 : i32
      %mul3A_897 = arith.muli %mul3A_896, %scan3A_895 : i32
      %add3A_898 = arith.constant 1 : i32
      %add3A_899 = arith.addi %mul3A_897, %add3A_898 : i32
      %mul3A_900 = arith.constant 32 : i32
      %mul3A_901 = arith.muli %add3A_899, %mul3A_900 : i32
      %add3A_902 = arith.addi %min3A_3, %mul3A_901 : i32
      %mul3A_903 = arith.constant 9 : i32
      %mul3A_904 = arith.muli %add3A_902, %mul3A_903 : i32
      "tpu.region"() ({
        %run_scoped3A = tpu.sem_alloc : memref<!tpu.dma_semaphore, #tpu.memory_space<semaphore_mem>>
        %dma_start3A_1915 = tpu.memref_slice %arg3[%mul3A_904] : memref<450000xi32, #tpu.memory_space<hbm>> -> memref<288xi32, #tpu.memory_space<hbm>>
        %dma_start3A_1916 = tpu.memref_slice %arg3[%mul3A_904] : memref<450000xi32, #tpu.memory_space<hbm>> -> memref<288xi32, #tpu.memory_space<hbm>>
        tpu.enqueue_dma source(%dma_start3A_1916 : memref<288xi32, #tpu.memory_space<hbm>>) target(%arg7 : memref<288xi32, #tpu.memory_space<vmem>>) target_semaphore(%run_scoped3A : memref<!tpu.dma_semaphore, #tpu.memory_space<semaphore_mem>>)
        %dma_wait3A_1917 = tpu.memref_slice %arg3[%mul3A_904] : memref<450000xi32, #tpu.memory_space<hbm>> -> memref<288xi32, #tpu.memory_space<hbm>>
        %dma_wait3A_1918 = tpu.memref_slice %arg3[%mul3A_904] : memref<450000xi32, #tpu.memory_space<hbm>> -> memref<288xi32, #tpu.memory_space<hbm>>
        tpu.wait_dma2 semaphore(%run_scoped3A : memref<!tpu.dma_semaphore, #tpu.memory_space<semaphore_mem>>) src(%dma_wait3A_1918 : memref<288xi32, #tpu.memory_space<hbm>>) dst(%arg7 : memref<288xi32, #tpu.memory_space<vmem>>)
        tpu.yield
      }) : () -> ()
      %get3A_905 = arith.constant 0 : index
      %get3A_906 = tpu.vector_load %arg7[%get3A_905] {strides = array<i32>} : memref<288xi32, #tpu.memory_space<vmem>>, vector<16xi32>,
      %get3A_907 = vector.shape_cast %get3A_906 : vector<16xi32> to vector<16xi32>
      %lt3A_908 = arith.constant 0 : i32
      %lt3A_909 = vector.broadcast %lt3A_908 : i32 to vector<16xi32>
      %lt3A_910 = arith.cmpi slt, %get3A_907, %lt3A_909 : vector<16xi32>
      %jit3A_911 = arith.constant 50000 : i32
      %broadcast_in_dim3A_912 = vector.broadcast %jit3A_911 : i32 to vector<16xi32>
      %select_n3A_913 = arith.select %lt3A_910, %broadcast_in_dim3A_912, %get3A_907 : vector<16xi1>, vector<16xi32>
      %iota3A_914 = tpu.iota {dimensions = array<i32: 0>} : vector<16xi32>
      %add3A_915 = arith.constant 0 : i32
      %add3A_916 = vector.broadcast %add3A_915 : i32 to vector<16xi32>
      %add3A_917 = arith.addi %iota3A_914, %add3A_916 : vector<16xi32>
      %jit3A_918 = arith.constant 9 : i32
      %eq3A_919 = arith.constant 0 : i32
      %eq3A_920 = arith.cmpi eq, %jit3A_918, %eq3A_919 : i32
      %jit3A_921 = arith.constant 1 : i32
      %select_n3A_922 = arith.select %eq3A_920, %jit3A_921, %jit3A_918 : i32
      %rem3A_923 = vector.broadcast %select_n3A_922 : i32 to vector<16xi32>
      %rem3A_924 = arith.remsi %add3A_917, %rem3A_923 : vector<16xi32>
      %ne3A_925 = arith.constant 0 : i32
      %ne3A_926 = vector.broadcast %ne3A_925 : i32 to vector<16xi32>
      %ne3A_927 = arith.cmpi ne, %rem3A_924, %ne3A_926 : vector<16xi32>
      %lt3A_928 = arith.constant 0 : i32
      %lt3A_929 = vector.broadcast %lt3A_928 : i32 to vector<16xi32>
      %lt3A_930 = arith.cmpi slt, %rem3A_924, %lt3A_929 : vector<16xi32>
      %lt3A_931 = arith.constant 0 : i32
      %lt3A_932 = arith.cmpi slt, %select_n3A_922, %lt3A_931 : i32
      %ne3A_933 = vector.broadcast %lt3A_932 : i1 to vector<16xi1>
      %ne3A_934 = vector.broadcast %ne3A_933 : vector<16xi1> to vector<16xi1>
      %ne3A_935 = arith.xori %lt3A_930, %ne3A_934 : vector<16xi1>
      %and3A_936 = arith.andi %ne3A_935, %ne3A_927 : vector<16xi1>
      %add3A_937 = vector.broadcast %select_n3A_922 : i32 to vector<16xi32>
      %add3A_938 = arith.addi %rem3A_924, %add3A_937 : vector<16xi32>
      %select_n3A_939 = arith.select %and3A_936, %add3A_938, %rem3A_924 : vector<16xi1>, vector<16xi32>
      %mul3A_940 = arith.constant 50176 : i32
      %mul3A_941 = vector.broadcast %mul3A_940 : i32 to vector<16xi32>
      %mul3A_942 = arith.muli %select_n3A_939, %mul3A_941 : vector<16xi32>
      %add3A_943 = arith.addi %select_n3A_913, %mul3A_942 : vector<16xi32>
      %swap3A_944 = arith.constant 0 : i32
      %swap3A_945 = arith.index_cast %swap3A_944 : i32 to index
      %swap3A_946 = arith.constant 0 : index
      %swap3A_947 = tpu.vector_load %arg9[%swap3A_945, %swap3A_946] {strides = array<i32>} : memref<6x48xi32, #tpu.memory_space<vmem>>, vector<1x16xi32>,
      %swap3A_948 = vector.shape_cast %swap3A_947 : vector<1x16xi32> to vector<16xi32>
      %swap3A_949 = vector.shape_cast %add3A_943 : vector<16xi32> to vector<1x16xi32>
      tpu.vector_store %arg9[%swap3A_945, %swap3A_946], %swap3A_949 {strides = array<i32>} : memref<6x48xi32, #tpu.memory_space<vmem>>, vector<1x16xi32>,
      %get3A_950 = arith.constant 16 : index
      %get3A_951 = tpu.vector_load %arg7[%get3A_950] {strides = array<i32>} : memref<288xi32, #tpu.memory_space<vmem>>, vector<16xi32>,
      %get3A_952 = vector.shape_cast %get3A_951 : vector<16xi32> to vector<16xi32>
      %lt3A_953 = arith.constant 0 : i32
      %lt3A_954 = vector.broadcast %lt3A_953 : i32 to vector<16xi32>
      %lt3A_955 = arith.cmpi slt, %get3A_952, %lt3A_954 : vector<16xi32>
      %jit3A_956 = arith.constant 50000 : i32
      %broadcast_in_dim3A_957 = vector.broadcast %jit3A_956 : i32 to vector<16xi32>
      %select_n3A_958 = arith.select %lt3A_955, %broadcast_in_dim3A_957, %get3A_952 : vector<16xi1>, vector<16xi32>
      %iota3A_959 = tpu.iota {dimensions = array<i32: 0>} : vector<16xi32>
      %add3A_960 = arith.constant 7 : i32
      %add3A_961 = vector.broadcast %add3A_960 : i32 to vector<16xi32>
      %add3A_962 = arith.addi %iota3A_959, %add3A_961 : vector<16xi32>
      %jit3A_963 = arith.constant 9 : i32
      %eq3A_964 = arith.constant 0 : i32
      %eq3A_965 = arith.cmpi eq, %jit3A_963, %eq3A_964 : i32
      %jit3A_966 = arith.constant 1 : i32
      %select_n3A_967 = arith.select %eq3A_965, %jit3A_966, %jit3A_963 : i32
      %rem3A_968 = vector.broadcast %select_n3A_967 : i32 to vector<16xi32>
      %rem3A_969 = arith.remsi %add3A_962, %rem3A_968 : vector<16xi32>
      %ne3A_970 = arith.constant 0 : i32
      %ne3A_971 = vector.broadcast %ne3A_970 : i32 to vector<16xi32>
      %ne3A_972 = arith.cmpi ne, %rem3A_969, %ne3A_971 : vector<16xi32>
      %lt3A_973 = arith.constant 0 : i32
      %lt3A_974 = vector.broadcast %lt3A_973 : i32 to vector<16xi32>
      %lt3A_975 = arith.cmpi slt, %rem3A_969, %lt3A_974 : vector<16xi32>
      %lt3A_976 = arith.constant 0 : i32
      %lt3A_977 = arith.cmpi slt, %select_n3A_967, %lt3A_976 : i32
      %ne3A_978 = vector.broadcast %lt3A_977 : i1 to vector<16xi1>
      %ne3A_979 = vector.broadcast %ne3A_978 : vector<16xi1> to vector<16xi1>
      %ne3A_980 = arith.xori %lt3A_975, %ne3A_979 : vector<16xi1>
      %and3A_981 = arith.andi %ne3A_980, %ne3A_972 : vector<16xi1>
      %add3A_982 = vector.broadcast %select_n3A_967 : i32 to vector<16xi32>
      %add3A_983 = arith.addi %rem3A_969, %add3A_982 : vector<16xi32>
      %select_n3A_984 = arith.select %and3A_981, %add3A_983, %rem3A_969 : vector<16xi1>, vector<16xi32>
      %mul3A_985 = arith.constant 50176 : i32
      %mul3A_986 = vector.broadcast %mul3A_985 : i32 to vector<16xi32>
      %mul3A_987 = arith.muli %select_n3A_984, %mul3A_986 : vector<16xi32>
      %add3A_988 = arith.addi %select_n3A_958, %mul3A_987 : vector<16xi32>
      %swap3A_989 = arith.constant 0 : i32
      %swap3A_990 = arith.index_cast %swap3A_989 : i32 to index
      %swap3A_991 = arith.constant 16 : index
      %swap3A_992 = tpu.vector_load %arg9[%swap3A_990, %swap3A_991] {strides = array<i32>} : memref<6x48xi32, #tpu.memory_space<vmem>>, vector<1x16xi32>,
      %swap3A_993 = vector.shape_cast %swap3A_992 : vector<1x16xi32> to vector<16xi32>
      %swap3A_994 = vector.shape_cast %add3A_988 : vector<16xi32> to vector<1x16xi32>
      tpu.vector_store %arg9[%swap3A_990, %swap3A_991], %swap3A_994 {strides = array<i32>} : memref<6x48xi32, #tpu.memory_space<vmem>>, vector<1x16xi32>,
      %get3A_995 = arith.constant 32 : index
      %get3A_996 = tpu.vector_load %arg7[%get3A_995] {strides = array<i32>} : memref<288xi32, #tpu.memory_space<vmem>>, vector<16xi32>,
      %get3A_997 = vector.shape_cast %get3A_996 : vector<16xi32> to vector<16xi32>
      %lt3A_998 = arith.constant 0 : i32
      %lt3A_999 = vector.broadcast %lt3A_998 : i32 to vector<16xi32>
      %lt3A_1000 = arith.cmpi slt, %get3A_997, %lt3A_999 : vector<16xi32>
      %jit3A_1001 = arith.constant 50000 : i32
      %broadcast_in_dim3A_1002 = vector.broadcast %jit3A_1001 : i32 to vector<16xi32>
      %select_n3A_1003 = arith.select %lt3A_1000, %broadcast_in_dim3A_1002, %get3A_997 : vector<16xi1>, vector<16xi32>
      %iota3A_1004 = tpu.iota {dimensions = array<i32: 0>} : vector<16xi32>
      %add3A_1005 = arith.constant 5 : i32
      %add3A_1006 = vector.broadcast %add3A_1005 : i32 to vector<16xi32>
      %add3A_1007 = arith.addi %iota3A_1004, %add3A_1006 : vector<16xi32>
      %jit3A_1008 = arith.constant 9 : i32
      %eq3A_1009 = arith.constant 0 : i32
      %eq3A_1010 = arith.cmpi eq, %jit3A_1008, %eq3A_1009 : i32
      %jit3A_1011 = arith.constant 1 : i32
      %select_n3A_1012 = arith.select %eq3A_1010, %jit3A_1011, %jit3A_1008 : i32
      %rem3A_1013 = vector.broadcast %select_n3A_1012 : i32 to vector<16xi32>
      %rem3A_1014 = arith.remsi %add3A_1007, %rem3A_1013 : vector<16xi32>
      %ne3A_1015 = arith.constant 0 : i32
      %ne3A_1016 = vector.broadcast %ne3A_1015 : i32 to vector<16xi32>
      %ne3A_1017 = arith.cmpi ne, %rem3A_1014, %ne3A_1016 : vector<16xi32>
      %lt3A_1018 = arith.constant 0 : i32
      %lt3A_1019 = vector.broadcast %lt3A_1018 : i32 to vector<16xi32>
      %lt3A_1020 = arith.cmpi slt, %rem3A_1014, %lt3A_1019 : vector<16xi32>
      %lt3A_1021 = arith.constant 0 : i32
      %lt3A_1022 = arith.cmpi slt, %select_n3A_1012, %lt3A_1021 : i32
      %ne3A_1023 = vector.broadcast %lt3A_1022 : i1 to vector<16xi1>
      %ne3A_1024 = vector.broadcast %ne3A_1023 : vector<16xi1> to vector<16xi1>
      %ne3A_1025 = arith.xori %lt3A_1020, %ne3A_1024 : vector<16xi1>
      %and3A_1026 = arith.andi %ne3A_1025, %ne3A_1017 : vector<16xi1>
      %add3A_1027 = vector.broadcast %select_n3A_1012 : i32 to vector<16xi32>
      %add3A_1028 = arith.addi %rem3A_1014, %add3A_1027 : vector<16xi32>
      %select_n3A_1029 = arith.select %and3A_1026, %add3A_1028, %rem3A_1014 : vector<16xi1>, vector<16xi32>
      %mul3A_1030 = arith.constant 50176 : i32
      %mul3A_1031 = vector.broadcast %mul3A_1030 : i32 to vector<16xi32>
      %mul3A_1032 = arith.muli %select_n3A_1029, %mul3A_1031 : vector<16xi32>
      %add3A_1033 = arith.addi %select_n3A_1003, %mul3A_1032 : vector<16xi32>
      %swap3A_1034 = arith.constant 0 : i32
      %swap3A_1035 = arith.index_cast %swap3A_1034 : i32 to index
      %swap3A_1036 = arith.constant 32 : index
      %swap3A_1037 = tpu.vector_load %arg9[%swap3A_1035, %swap3A_1036] {strides = array<i32>} : memref<6x48xi32, #tpu.memory_space<vmem>>, vector<1x16xi32>,
      %swap3A_1038 = vector.shape_cast %swap3A_1037 : vector<1x16xi32> to vector<16xi32>
      %swap3A_1039 = vector.shape_cast %add3A_1033 : vector<16xi32> to vector<1x16xi32>
      tpu.vector_store %arg9[%swap3A_1035, %swap3A_1036], %swap3A_1039 {strides = array<i32>} : memref<6x48xi32, #tpu.memory_space<vmem>>, vector<1x16xi32>,
      %get3A_1040 = arith.constant 48 : index
      %get3A_1041 = tpu.vector_load %arg7[%get3A_1040] {strides = array<i32>} : memref<288xi32, #tpu.memory_space<vmem>>, vector<16xi32>,
      %get3A_1042 = vector.shape_cast %get3A_1041 : vector<16xi32> to vector<16xi32>
      %lt3A_1043 = arith.constant 0 : i32
      %lt3A_1044 = vector.broadcast %lt3A_1043 : i32 to vector<16xi32>
      %lt3A_1045 = arith.cmpi slt, %get3A_1042, %lt3A_1044 : vector<16xi32>
      %jit3A_1046 = arith.constant 50000 : i32
      %broadcast_in_dim3A_1047 = vector.broadcast %jit3A_1046 : i32 to vector<16xi32>
      %select_n3A_1048 = arith.select %lt3A_1045, %broadcast_in_dim3A_1047, %get3A_1042 : vector<16xi1>, vector<16xi32>
      %iota3A_1049 = tpu.iota {dimensions = array<i32: 0>} : vector<16xi32>
      %add3A_1050 = arith.constant 3 : i32
      %add3A_1051 = vector.broadcast %add3A_1050 : i32 to vector<16xi32>
      %add3A_1052 = arith.addi %iota3A_1049, %add3A_1051 : vector<16xi32>
      %jit3A_1053 = arith.constant 9 : i32
      %eq3A_1054 = arith.constant 0 : i32
      %eq3A_1055 = arith.cmpi eq, %jit3A_1053, %eq3A_1054 : i32
      %jit3A_1056 = arith.constant 1 : i32
      %select_n3A_1057 = arith.select %eq3A_1055, %jit3A_1056, %jit3A_1053 : i32
      %rem3A_1058 = vector.broadcast %select_n3A_1057 : i32 to vector<16xi32>
      %rem3A_1059 = arith.remsi %add3A_1052, %rem3A_1058 : vector<16xi32>
      %ne3A_1060 = arith.constant 0 : i32
      %ne3A_1061 = vector.broadcast %ne3A_1060 : i32 to vector<16xi32>
      %ne3A_1062 = arith.cmpi ne, %rem3A_1059, %ne3A_1061 : vector<16xi32>
      %lt3A_1063 = arith.constant 0 : i32
      %lt3A_1064 = vector.broadcast %lt3A_1063 : i32 to vector<16xi32>
      %lt3A_1065 = arith.cmpi slt, %rem3A_1059, %lt3A_1064 : vector<16xi32>
      %lt3A_1066 = arith.constant 0 : i32
      %lt3A_1067 = arith.cmpi slt, %select_n3A_1057, %lt3A_1066 : i32
      %ne3A_1068 = vector.broadcast %lt3A_1067 : i1 to vector<16xi1>
      %ne3A_1069 = vector.broadcast %ne3A_1068 : vector<16xi1> to vector<16xi1>
      %ne3A_1070 = arith.xori %lt3A_1065, %ne3A_1069 : vector<16xi1>
      %and3A_1071 = arith.andi %ne3A_1070, %ne3A_1062 : vector<16xi1>
      %add3A_1072 = vector.broadcast %select_n3A_1057 : i32 to vector<16xi32>
      %add3A_1073 = arith.addi %rem3A_1059, %add3A_1072 : vector<16xi32>
      %select_n3A_1074 = arith.select %and3A_1071, %add3A_1073, %rem3A_1059 : vector<16xi1>, vector<16xi32>
      %mul3A_1075 = arith.constant 50176 : i32
      %mul3A_1076 = vector.broadcast %mul3A_1075 : i32 to vector<16xi32>
      %mul3A_1077 = arith.muli %select_n3A_1074, %mul3A_1076 : vector<16xi32>
      %add3A_1078 = arith.addi %select_n3A_1048, %mul3A_1077 : vector<16xi32>
      %swap3A_1079 = arith.constant 1 : i32
      %swap3A_1080 = arith.index_cast %swap3A_1079 : i32 to index
      %swap3A_1081 = arith.constant 0 : index
      %swap3A_1082 = tpu.vector_load %arg9[%swap3A_1080, %swap3A_1081] {strides = array<i32>} : memref<6x48xi32, #tpu.memory_space<vmem>>, vector<1x16xi32>,
      %swap3A_1083 = vector.shape_cast %swap3A_1082 : vector<1x16xi32> to vector<16xi32>
      %swap3A_1084 = vector.shape_cast %add3A_1078 : vector<16xi32> to vector<1x16xi32>
      tpu.vector_store %arg9[%swap3A_1080, %swap3A_1081], %swap3A_1084 {strides = array<i32>} : memref<6x48xi32, #tpu.memory_space<vmem>>, vector<1x16xi32>,
      %get3A_1085 = arith.constant 64 : index
      %get3A_1086 = tpu.vector_load %arg7[%get3A_1085] {strides = array<i32>} : memref<288xi32, #tpu.memory_space<vmem>>, vector<16xi32>,
      %get3A_1087 = vector.shape_cast %get3A_1086 : vector<16xi32> to vector<16xi32>
      %lt3A_1088 = arith.constant 0 : i32
      %lt3A_1089 = vector.broadcast %lt3A_1088 : i32 to vector<16xi32>
      %lt3A_1090 = arith.cmpi slt, %get3A_1087, %lt3A_1089 : vector<16xi32>
      %jit3A_1091 = arith.constant 50000 : i32
      %broadcast_in_dim3A_1092 = vector.broadcast %jit3A_1091 : i32 to vector<16xi32>
      %select_n3A_1093 = arith.select %lt3A_1090, %broadcast_in_dim3A_1092, %get3A_1087 : vector<16xi1>, vector<16xi32>
      %iota3A_1094 = tpu.iota {dimensions = array<i32: 0>} : vector<16xi32>
      %add3A_1095 = arith.constant 1 : i32
      %add3A_1096 = vector.broadcast %add3A_1095 : i32 to vector<16xi32>
      %add3A_1097 = arith.addi %iota3A_1094, %add3A_1096 : vector<16xi32>
      %jit3A_1098 = arith.constant 9 : i32
      %eq3A_1099 = arith.constant 0 : i32
      %eq3A_1100 = arith.cmpi eq, %jit3A_1098, %eq3A_1099 : i32
      %jit3A_1101 = arith.constant 1 : i32
      %select_n3A_1102 = arith.select %eq3A_1100, %jit3A_1101, %jit3A_1098 : i32
      %rem3A_1103 = vector.broadcast %select_n3A_1102 : i32 to vector<16xi32>
      %rem3A_1104 = arith.remsi %add3A_1097, %rem3A_1103 : vector<16xi32>
      %ne3A_1105 = arith.constant 0 : i32
      %ne3A_1106 = vector.broadcast %ne3A_1105 : i32 to vector<16xi32>
      %ne3A_1107 = arith.cmpi ne, %rem3A_1104, %ne3A_1106 : vector<16xi32>
      %lt3A_1108 = arith.constant 0 : i32
      %lt3A_1109 = vector.broadcast %lt3A_1108 : i32 to vector<16xi32>
      %lt3A_1110 = arith.cmpi slt, %rem3A_1104, %lt3A_1109 : vector<16xi32>
      %lt3A_1111 = arith.constant 0 : i32
      %lt3A_1112 = arith.cmpi slt, %select_n3A_1102, %lt3A_1111 : i32
      %ne3A_1113 = vector.broadcast %lt3A_1112 : i1 to vector<16xi1>
      %ne3A_1114 = vector.broadcast %ne3A_1113 : vector<16xi1> to vector<16xi1>
      %ne3A_1115 = arith.xori %lt3A_1110, %ne3A_1114 : vector<16xi1>
      %and3A_1116 = arith.andi %ne3A_1115, %ne3A_1107 : vector<16xi1>
      %add3A_1117 = vector.broadcast %select_n3A_1102 : i32 to vector<16xi32>
      %add3A_1118 = arith.addi %rem3A_1104, %add3A_1117 : vector<16xi32>
      %select_n3A_1119 = arith.select %and3A_1116, %add3A_1118, %rem3A_1104 : vector<16xi1>, vector<16xi32>
      %mul3A_1120 = arith.constant 50176 : i32
      %mul3A_1121 = vector.broadcast %mul3A_1120 : i32 to vector<16xi32>
      %mul3A_1122 = arith.muli %select_n3A_1119, %mul3A_1121 : vector<16xi32>
      %add3A_1123 = arith.addi %select_n3A_1093, %mul3A_1122 : vector<16xi32>
      %swap3A_1124 = arith.constant 1 : i32
      %swap3A_1125 = arith.index_cast %swap3A_1124 : i32 to index
      %swap3A_1126 = arith.constant 16 : index
      %swap3A_1127 = tpu.vector_load %arg9[%swap3A_1125, %swap3A_1126] {strides = array<i32>} : memref<6x48xi32, #tpu.memory_space<vmem>>, vector<1x16xi32>,
      %swap3A_1128 = vector.shape_cast %swap3A_1127 : vector<1x16xi32> to vector<16xi32>
      %swap3A_1129 = vector.shape_cast %add3A_1123 : vector<16xi32> to vector<1x16xi32>
      tpu.vector_store %arg9[%swap3A_1125, %swap3A_1126], %swap3A_1129 {strides = array<i32>} : memref<6x48xi32, #tpu.memory_space<vmem>>, vector<1x16xi32>,
      %get3A_1130 = arith.constant 80 : index
      %get3A_1131 = tpu.vector_load %arg7[%get3A_1130] {strides = array<i32>} : memref<288xi32, #tpu.memory_space<vmem>>, vector<16xi32>,
      %get3A_1132 = vector.shape_cast %get3A_1131 : vector<16xi32> to vector<16xi32>
      %lt3A_1133 = arith.constant 0 : i32
      %lt3A_1134 = vector.broadcast %lt3A_1133 : i32 to vector<16xi32>
      %lt3A_1135 = arith.cmpi slt, %get3A_1132, %lt3A_1134 : vector<16xi32>
      %jit3A_1136 = arith.constant 50000 : i32
      %broadcast_in_dim3A_1137 = vector.broadcast %jit3A_1136 : i32 to vector<16xi32>
      %select_n3A_1138 = arith.select %lt3A_1135, %broadcast_in_dim3A_1137, %get3A_1132 : vector<16xi1>, vector<16xi32>
      %iota3A_1139 = tpu.iota {dimensions = array<i32: 0>} : vector<16xi32>
      %add3A_1140 = arith.constant 8 : i32
      %add3A_1141 = vector.broadcast %add3A_1140 : i32 to vector<16xi32>
      %add3A_1142 = arith.addi %iota3A_1139, %add3A_1141 : vector<16xi32>
      %jit3A_1143 = arith.constant 9 : i32
      %eq3A_1144 = arith.constant 0 : i32
      %eq3A_1145 = arith.cmpi eq, %jit3A_1143, %eq3A_1144 : i32
      %jit3A_1146 = arith.constant 1 : i32
      %select_n3A_1147 = arith.select %eq3A_1145, %jit3A_1146, %jit3A_1143 : i32
      %rem3A_1148 = vector.broadcast %select_n3A_1147 : i32 to vector<16xi32>
      %rem3A_1149 = arith.remsi %add3A_1142, %rem3A_1148 : vector<16xi32>
      %ne3A_1150 = arith.constant 0 : i32
      %ne3A_1151 = vector.broadcast %ne3A_1150 : i32 to vector<16xi32>
      %ne3A_1152 = arith.cmpi ne, %rem3A_1149, %ne3A_1151 : vector<16xi32>
      %lt3A_1153 = arith.constant 0 : i32
      %lt3A_1154 = vector.broadcast %lt3A_1153 : i32 to vector<16xi32>
      %lt3A_1155 = arith.cmpi slt, %rem3A_1149, %lt3A_1154 : vector<16xi32>
      %lt3A_1156 = arith.constant 0 : i32
      %lt3A_1157 = arith.cmpi slt, %select_n3A_1147, %lt3A_1156 : i32
      %ne3A_1158 = vector.broadcast %lt3A_1157 : i1 to vector<16xi1>
      %ne3A_1159 = vector.broadcast %ne3A_1158 : vector<16xi1> to vector<16xi1>
      %ne3A_1160 = arith.xori %lt3A_1155, %ne3A_1159 : vector<16xi1>
      %and3A_1161 = arith.andi %ne3A_1160, %ne3A_1152 : vector<16xi1>
      %add3A_1162 = vector.broadcast %select_n3A_1147 : i32 to vector<16xi32>
      %add3A_1163 = arith.addi %rem3A_1149, %add3A_1162 : vector<16xi32>
      %select_n3A_1164 = arith.select %and3A_1161, %add3A_1163, %rem3A_1149 : vector<16xi1>, vector<16xi32>
      %mul3A_1165 = arith.constant 50176 : i32
      %mul3A_1166 = vector.broadcast %mul3A_1165 : i32 to vector<16xi32>
      %mul3A_1167 = arith.muli %select_n3A_1164, %mul3A_1166 : vector<16xi32>
      %add3A_1168 = arith.addi %select_n3A_1138, %mul3A_1167 : vector<16xi32>
      %swap3A_1169 = arith.constant 1 : i32
      %swap3A_1170 = arith.index_cast %swap3A_1169 : i32 to index
      %swap3A_1171 = arith.constant 32 : index
      %swap3A_1172 = tpu.vector_load %arg9[%swap3A_1170, %swap3A_1171] {strides = array<i32>} : memref<6x48xi32, #tpu.memory_space<vmem>>, vector<1x16xi32>,
      %swap3A_1173 = vector.shape_cast %swap3A_1172 : vector<1x16xi32> to vector<16xi32>
      %swap3A_1174 = vector.shape_cast %add3A_1168 : vector<16xi32> to vector<1x16xi32>
      tpu.vector_store %arg9[%swap3A_1170, %swap3A_1171], %swap3A_1174 {strides = array<i32>} : memref<6x48xi32, #tpu.memory_space<vmem>>, vector<1x16xi32>,
      %get3A_1175 = arith.constant 96 : index
      %get3A_1176 = tpu.vector_load %arg7[%get3A_1175] {strides = array<i32>} : memref<288xi32, #tpu.memory_space<vmem>>, vector<16xi32>,
      %get3A_1177 = vector.shape_cast %get3A_1176 : vector<16xi32> to vector<16xi32>
      %lt3A_1178 = arith.constant 0 : i32
      %lt3A_1179 = vector.broadcast %lt3A_1178 : i32 to vector<16xi32>
      %lt3A_1180 = arith.cmpi slt, %get3A_1177, %lt3A_1179 : vector<16xi32>
      %jit3A_1181 = arith.constant 50000 : i32
      %broadcast_in_dim3A_1182 = vector.broadcast %jit3A_1181 : i32 to vector<16xi32>
      %select_n3A_1183 = arith.select %lt3A_1180, %broadcast_in_dim3A_1182, %get3A_1177 : vector<16xi1>, vector<16xi32>
      %iota3A_1184 = tpu.iota {dimensions = array<i32: 0>} : vector<16xi32>
      %add3A_1185 = arith.constant 6 : i32
      %add3A_1186 = vector.broadcast %add3A_1185 : i32 to vector<16xi32>
      %add3A_1187 = arith.addi %iota3A_1184, %add3A_1186 : vector<16xi32>
      %jit3A_1188 = arith.constant 9 : i32
      %eq3A_1189 = arith.constant 0 : i32
      %eq3A_1190 = arith.cmpi eq, %jit3A_1188, %eq3A_1189 : i32
      %jit3A_1191 = arith.constant 1 : i32
      %select_n3A_1192 = arith.select %eq3A_1190, %jit3A_1191, %jit3A_1188 : i32
      %rem3A_1193 = vector.broadcast %select_n3A_1192 : i32 to vector<16xi32>
      %rem3A_1194 = arith.remsi %add3A_1187, %rem3A_1193 : vector<16xi32>
      %ne3A_1195 = arith.constant 0 : i32
      %ne3A_1196 = vector.broadcast %ne3A_1195 : i32 to vector<16xi32>
      %ne3A_1197 = arith.cmpi ne, %rem3A_1194, %ne3A_1196 : vector<16xi32>
      %lt3A_1198 = arith.constant 0 : i32
      %lt3A_1199 = vector.broadcast %lt3A_1198 : i32 to vector<16xi32>
      %lt3A_1200 = arith.cmpi slt, %rem3A_1194, %lt3A_1199 : vector<16xi32>
      %lt3A_1201 = arith.constant 0 : i32
      %lt3A_1202 = arith.cmpi slt, %select_n3A_1192, %lt3A_1201 : i32
      %ne3A_1203 = vector.broadcast %lt3A_1202 : i1 to vector<16xi1>
      %ne3A_1204 = vector.broadcast %ne3A_1203 : vector<16xi1> to vector<16xi1>
      %ne3A_1205 = arith.xori %lt3A_1200, %ne3A_1204 : vector<16xi1>
      %and3A_1206 = arith.andi %ne3A_1205, %ne3A_1197 : vector<16xi1>
      %add3A_1207 = vector.broadcast %select_n3A_1192 : i32 to vector<16xi32>
      %add3A_1208 = arith.addi %rem3A_1194, %add3A_1207 : vector<16xi32>
      %select_n3A_1209 = arith.select %and3A_1206, %add3A_1208, %rem3A_1194 : vector<16xi1>, vector<16xi32>
      %mul3A_1210 = arith.constant 50176 : i32
      %mul3A_1211 = vector.broadcast %mul3A_1210 : i32 to vector<16xi32>
      %mul3A_1212 = arith.muli %select_n3A_1209, %mul3A_1211 : vector<16xi32>
      %add3A_1213 = arith.addi %select_n3A_1183, %mul3A_1212 : vector<16xi32>
      %swap3A_1214 = arith.constant 2 : i32
      %swap3A_1215 = arith.index_cast %swap3A_1214 : i32 to index
      %swap3A_1216 = arith.constant 0 : index
      %swap3A_1217 = tpu.vector_load %arg9[%swap3A_1215, %swap3A_1216] {strides = array<i32>} : memref<6x48xi32, #tpu.memory_space<vmem>>, vector<1x16xi32>,
      %swap3A_1218 = vector.shape_cast %swap3A_1217 : vector<1x16xi32> to vector<16xi32>
      %swap3A_1219 = vector.shape_cast %add3A_1213 : vector<16xi32> to vector<1x16xi32>
      tpu.vector_store %arg9[%swap3A_1215, %swap3A_1216], %swap3A_1219 {strides = array<i32>} : memref<6x48xi32, #tpu.memory_space<vmem>>, vector<1x16xi32>,
      %get3A_1220 = arith.constant 112 : index
      %get3A_1221 = tpu.vector_load %arg7[%get3A_1220] {strides = array<i32>} : memref<288xi32, #tpu.memory_space<vmem>>, vector<16xi32>,
      %get3A_1222 = vector.shape_cast %get3A_1221 : vector<16xi32> to vector<16xi32>
      %lt3A_1223 = arith.constant 0 : i32
      %lt3A_1224 = vector.broadcast %lt3A_1223 : i32 to vector<16xi32>
      %lt3A_1225 = arith.cmpi slt, %get3A_1222, %lt3A_1224 : vector<16xi32>
      %jit3A_1226 = arith.constant 50000 : i32
      %broadcast_in_dim3A_1227 = vector.broadcast %jit3A_1226 : i32 to vector<16xi32>
      %select_n3A_1228 = arith.select %lt3A_1225, %broadcast_in_dim3A_1227, %get3A_1222 : vector<16xi1>, vector<16xi32>
      %iota3A_1229 = tpu.iota {dimensions = array<i32: 0>} : vector<16xi32>
      %add3A_1230 = arith.constant 4 : i32
      %add3A_1231 = vector.broadcast %add3A_1230 : i32 to vector<16xi32>
      %add3A_1232 = arith.addi %iota3A_1229, %add3A_1231 : vector<16xi32>
      %jit3A_1233 = arith.constant 9 : i32
      %eq3A_1234 = arith.constant 0 : i32
      %eq3A_1235 = arith.cmpi eq, %jit3A_1233, %eq3A_1234 : i32
      %jit3A_1236 = arith.constant 1 : i32
      %select_n3A_1237 = arith.select %eq3A_1235, %jit3A_1236, %jit3A_1233 : i32
      %rem3A_1238 = vector.broadcast %select_n3A_1237 : i32 to vector<16xi32>
      %rem3A_1239 = arith.remsi %add3A_1232, %rem3A_1238 : vector<16xi32>
      %ne3A_1240 = arith.constant 0 : i32
      %ne3A_1241 = vector.broadcast %ne3A_1240 : i32 to vector<16xi32>
      %ne3A_1242 = arith.cmpi ne, %rem3A_1239, %ne3A_1241 : vector<16xi32>
      %lt3A_1243 = arith.constant 0 : i32
      %lt3A_1244 = vector.broadcast %lt3A_1243 : i32 to vector<16xi32>
      %lt3A_1245 = arith.cmpi slt, %rem3A_1239, %lt3A_1244 : vector<16xi32>
      %lt3A_1246 = arith.constant 0 : i32
      %lt3A_1247 = arith.cmpi slt, %select_n3A_1237, %lt3A_1246 : i32
      %ne3A_1248 = vector.broadcast %lt3A_1247 : i1 to vector<16xi1>
      %ne3A_1249 = vector.broadcast %ne3A_1248 : vector<16xi1> to vector<16xi1>
      %ne3A_1250 = arith.xori %lt3A_1245, %ne3A_1249 : vector<16xi1>
      %and3A_1251 = arith.andi %ne3A_1250, %ne3A_1242 : vector<16xi1>
      %add3A_1252 = vector.broadcast %select_n3A_1237 : i32 to vector<16xi32>
      %add3A_1253 = arith.addi %rem3A_1239, %add3A_1252 : vector<16xi32>
      %select_n3A_1254 = arith.select %and3A_1251, %add3A_1253, %rem3A_1239 : vector<16xi1>, vector<16xi32>
      %mul3A_1255 = arith.constant 50176 : i32
      %mul3A_1256 = vector.broadcast %mul3A_1255 : i32 to vector<16xi32>
      %mul3A_1257 = arith.muli %select_n3A_1254, %mul3A_1256 : vector<16xi32>
      %add3A_1258 = arith.addi %select_n3A_1228, %mul3A_1257 : vector<16xi32>
      %swap3A_1259 = arith.constant 2 : i32
      %swap3A_1260 = arith.index_cast %swap3A_1259 : i32 to index
      %swap3A_1261 = arith.constant 16 : index
      %swap3A_1262 = tpu.vector_load %arg9[%swap3A_1260, %swap3A_1261] {strides = array<i32>} : memref<6x48xi32, #tpu.memory_space<vmem>>, vector<1x16xi32>,
      %swap3A_1263 = vector.shape_cast %swap3A_1262 : vector<1x16xi32> to vector<16xi32>
      %swap3A_1264 = vector.shape_cast %add3A_1258 : vector<16xi32> to vector<1x16xi32>
      tpu.vector_store %arg9[%swap3A_1260, %swap3A_1261], %swap3A_1264 {strides = array<i32>} : memref<6x48xi32, #tpu.memory_space<vmem>>, vector<1x16xi32>,
      %get3A_1265 = arith.constant 128 : index
      %get3A_1266 = tpu.vector_load %arg7[%get3A_1265] {strides = array<i32>} : memref<288xi32, #tpu.memory_space<vmem>>, vector<16xi32>,
      %get3A_1267 = vector.shape_cast %get3A_1266 : vector<16xi32> to vector<16xi32>
      %lt3A_1268 = arith.constant 0 : i32
      %lt3A_1269 = vector.broadcast %lt3A_1268 : i32 to vector<16xi32>
      %lt3A_1270 = arith.cmpi slt, %get3A_1267, %lt3A_1269 : vector<16xi32>
      %jit3A_1271 = arith.constant 50000 : i32
      %broadcast_in_dim3A_1272 = vector.broadcast %jit3A_1271 : i32 to vector<16xi32>
      %select_n3A_1273 = arith.select %lt3A_1270, %broadcast_in_dim3A_1272, %get3A_1267 : vector<16xi1>, vector<16xi32>
      %iota3A_1274 = tpu.iota {dimensions = array<i32: 0>} : vector<16xi32>
      %add3A_1275 = arith.constant 2 : i32
      %add3A_1276 = vector.broadcast %add3A_1275 : i32 to vector<16xi32>
      %add3A_1277 = arith.addi %iota3A_1274, %add3A_1276 : vector<16xi32>
      %jit3A_1278 = arith.constant 9 : i32
      %eq3A_1279 = arith.constant 0 : i32
      %eq3A_1280 = arith.cmpi eq, %jit3A_1278, %eq3A_1279 : i32
      %jit3A_1281 = arith.constant 1 : i32
      %select_n3A_1282 = arith.select %eq3A_1280, %jit3A_1281, %jit3A_1278 : i32
      %rem3A_1283 = vector.broadcast %select_n3A_1282 : i32 to vector<16xi32>
      %rem3A_1284 = arith.remsi %add3A_1277, %rem3A_1283 : vector<16xi32>
      %ne3A_1285 = arith.constant 0 : i32
      %ne3A_1286 = vector.broadcast %ne3A_1285 : i32 to vector<16xi32>
      %ne3A_1287 = arith.cmpi ne, %rem3A_1284, %ne3A_1286 : vector<16xi32>
      %lt3A_1288 = arith.constant 0 : i32
      %lt3A_1289 = vector.broadcast %lt3A_1288 : i32 to vector<16xi32>
      %lt3A_1290 = arith.cmpi slt, %rem3A_1284, %lt3A_1289 : vector<16xi32>
      %lt3A_1291 = arith.constant 0 : i32
      %lt3A_1292 = arith.cmpi slt, %select_n3A_1282, %lt3A_1291 : i32
      %ne3A_1293 = vector.broadcast %lt3A_1292 : i1 to vector<16xi1>
      %ne3A_1294 = vector.broadcast %ne3A_1293 : vector<16xi1> to vector<16xi1>
      %ne3A_1295 = arith.xori %lt3A_1290, %ne3A_1294 : vector<16xi1>
      %and3A_1296 = arith.andi %ne3A_1295, %ne3A_1287 : vector<16xi1>
      %add3A_1297 = vector.broadcast %select_n3A_1282 : i32 to vector<16xi32>
      %add3A_1298 = arith.addi %rem3A_1284, %add3A_1297 : vector<16xi32>
      %select_n3A_1299 = arith.select %and3A_1296, %add3A_1298, %rem3A_1284 : vector<16xi1>, vector<16xi32>
      %mul3A_1300 = arith.constant 50176 : i32
      %mul3A_1301 = vector.broadcast %mul3A_1300 : i32 to vector<16xi32>
      %mul3A_1302 = arith.muli %select_n3A_1299, %mul3A_1301 : vector<16xi32>
      %add3A_1303 = arith.addi %select_n3A_1273, %mul3A_1302 : vector<16xi32>
      %swap3A_1304 = arith.constant 2 : i32
      %swap3A_1305 = arith.index_cast %swap3A_1304 : i32 to index
      %swap3A_1306 = arith.constant 32 : index
      %swap3A_1307 = tpu.vector_load %arg9[%swap3A_1305, %swap3A_1306] {strides = array<i32>} : memref<6x48xi32, #tpu.memory_space<vmem>>, vector<1x16xi32>,
      %swap3A_1308 = vector.shape_cast %swap3A_1307 : vector<1x16xi32> to vector<16xi32>
      %swap3A_1309 = vector.shape_cast %add3A_1303 : vector<16xi32> to vector<1x16xi32>
      tpu.vector_store %arg9[%swap3A_1305, %swap3A_1306], %swap3A_1309 {strides = array<i32>} : memref<6x48xi32, #tpu.memory_space<vmem>>, vector<1x16xi32>,
      %get3A_1310 = arith.constant 144 : index
      %get3A_1311 = tpu.vector_load %arg7[%get3A_1310] {strides = array<i32>} : memref<288xi32, #tpu.memory_space<vmem>>, vector<16xi32>,
      %get3A_1312 = vector.shape_cast %get3A_1311 : vector<16xi32> to vector<16xi32>
      %lt3A_1313 = arith.constant 0 : i32
      %lt3A_1314 = vector.broadcast %lt3A_1313 : i32 to vector<16xi32>
      %lt3A_1315 = arith.cmpi slt, %get3A_1312, %lt3A_1314 : vector<16xi32>
      %jit3A_1316 = arith.constant 50000 : i32
      %broadcast_in_dim3A_1317 = vector.broadcast %jit3A_1316 : i32 to vector<16xi32>
      %select_n3A_1318 = arith.select %lt3A_1315, %broadcast_in_dim3A_1317, %get3A_1312 : vector<16xi1>, vector<16xi32>
      %iota3A_1319 = tpu.iota {dimensions = array<i32: 0>} : vector<16xi32>
      %add3A_1320 = arith.constant 0 : i32
      %add3A_1321 = vector.broadcast %add3A_1320 : i32 to vector<16xi32>
      %add3A_1322 = arith.addi %iota3A_1319, %add3A_1321 : vector<16xi32>
      %jit3A_1323 = arith.constant 9 : i32
      %eq3A_1324 = arith.constant 0 : i32
      %eq3A_1325 = arith.cmpi eq, %jit3A_1323, %eq3A_1324 : i32
      %jit3A_1326 = arith.constant 1 : i32
      %select_n3A_1327 = arith.select %eq3A_1325, %jit3A_1326, %jit3A_1323 : i32
      %rem3A_1328 = vector.broadcast %select_n3A_1327 : i32 to vector<16xi32>
      %rem3A_1329 = arith.remsi %add3A_1322, %rem3A_1328 : vector<16xi32>
      %ne3A_1330 = arith.constant 0 : i32
      %ne3A_1331 = vector.broadcast %ne3A_1330 : i32 to vector<16xi32>
      %ne3A_1332 = arith.cmpi ne, %rem3A_1329, %ne3A_1331 : vector<16xi32>
      %lt3A_1333 = arith.constant 0 : i32
      %lt3A_1334 = vector.broadcast %lt3A_1333 : i32 to vector<16xi32>
      %lt3A_1335 = arith.cmpi slt, %rem3A_1329, %lt3A_1334 : vector<16xi32>
      %lt3A_1336 = arith.constant 0 : i32
      %lt3A_1337 = arith.cmpi slt, %select_n3A_1327, %lt3A_1336 : i32
      %ne3A_1338 = vector.broadcast %lt3A_1337 : i1 to vector<16xi1>
      %ne3A_1339 = vector.broadcast %ne3A_1338 : vector<16xi1> to vector<16xi1>
      %ne3A_1340 = arith.xori %lt3A_1335, %ne3A_1339 : vector<16xi1>
      %and3A_1341 = arith.andi %ne3A_1340, %ne3A_1332 : vector<16xi1>
      %add3A_1342 = vector.broadcast %select_n3A_1327 : i32 to vector<16xi32>
      %add3A_1343 = arith.addi %rem3A_1329, %add3A_1342 : vector<16xi32>
      %select_n3A_1344 = arith.select %and3A_1341, %add3A_1343, %rem3A_1329 : vector<16xi1>, vector<16xi32>
      %mul3A_1345 = arith.constant 50176 : i32
      %mul3A_1346 = vector.broadcast %mul3A_1345 : i32 to vector<16xi32>
      %mul3A_1347 = arith.muli %select_n3A_1344, %mul3A_1346 : vector<16xi32>
      %add3A_1348 = arith.addi %select_n3A_1318, %mul3A_1347 : vector<16xi32>
      %swap3A_1349 = arith.constant 3 : i32
      %swap3A_1350 = arith.index_cast %swap3A_1349 : i32 to index
      %swap3A_1351 = arith.constant 0 : index
      %swap3A_1352 = tpu.vector_load %arg9[%swap3A_1350, %swap3A_1351] {strides = array<i32>} : memref<6x48xi32, #tpu.memory_space<vmem>>, vector<1x16xi32>,
      %swap3A_1353 = vector.shape_cast %swap3A_1352 : vector<1x16xi32> to vector<16xi32>
      %swap3A_1354 = vector.shape_cast %add3A_1348 : vector<16xi32> to vector<1x16xi32>
      tpu.vector_store %arg9[%swap3A_1350, %swap3A_1351], %swap3A_1354 {strides = array<i32>} : memref<6x48xi32, #tpu.memory_space<vmem>>, vector<1x16xi32>,
      %get3A_1355 = arith.constant 160 : index
      %get3A_1356 = tpu.vector_load %arg7[%get3A_1355] {strides = array<i32>} : memref<288xi32, #tpu.memory_space<vmem>>, vector<16xi32>,
      %get3A_1357 = vector.shape_cast %get3A_1356 : vector<16xi32> to vector<16xi32>
      %lt3A_1358 = arith.constant 0 : i32
      %lt3A_1359 = vector.broadcast %lt3A_1358 : i32 to vector<16xi32>
      %lt3A_1360 = arith.cmpi slt, %get3A_1357, %lt3A_1359 : vector<16xi32>
      %jit3A_1361 = arith.constant 50000 : i32
      %broadcast_in_dim3A_1362 = vector.broadcast %jit3A_1361 : i32 to vector<16xi32>
      %select_n3A_1363 = arith.select %lt3A_1360, %broadcast_in_dim3A_1362, %get3A_1357 : vector<16xi1>, vector<16xi32>
      %iota3A_1364 = tpu.iota {dimensions = array<i32: 0>} : vector<16xi32>
      %add3A_1365 = arith.constant 7 : i32
      %add3A_1366 = vector.broadcast %add3A_1365 : i32 to vector<16xi32>
      %add3A_1367 = arith.addi %iota3A_1364, %add3A_1366 : vector<16xi32>
      %jit3A_1368 = arith.constant 9 : i32
      %eq3A_1369 = arith.constant 0 : i32
      %eq3A_1370 = arith.cmpi eq, %jit3A_1368, %eq3A_1369 : i32
      %jit3A_1371 = arith.constant 1 : i32
      %select_n3A_1372 = arith.select %eq3A_1370, %jit3A_1371, %jit3A_1368 : i32
      %rem3A_1373 = vector.broadcast %select_n3A_1372 : i32 to vector<16xi32>
      %rem3A_1374 = arith.remsi %add3A_1367, %rem3A_1373 : vector<16xi32>
      %ne3A_1375 = arith.constant 0 : i32
      %ne3A_1376 = vector.broadcast %ne3A_1375 : i32 to vector<16xi32>
      %ne3A_1377 = arith.cmpi ne, %rem3A_1374, %ne3A_1376 : vector<16xi32>
      %lt3A_1378 = arith.constant 0 : i32
      %lt3A_1379 = vector.broadcast %lt3A_1378 : i32 to vector<16xi32>
      %lt3A_1380 = arith.cmpi slt, %rem3A_1374, %lt3A_1379 : vector<16xi32>
      %lt3A_1381 = arith.constant 0 : i32
      %lt3A_1382 = arith.cmpi slt, %select_n3A_1372, %lt3A_1381 : i32
      %ne3A_1383 = vector.broadcast %lt3A_1382 : i1 to vector<16xi1>
      %ne3A_1384 = vector.broadcast %ne3A_1383 : vector<16xi1> to vector<16xi1>
      %ne3A_1385 = arith.xori %lt3A_1380, %ne3A_1384 : vector<16xi1>
      %and3A_1386 = arith.andi %ne3A_1385, %ne3A_1377 : vector<16xi1>
      %add3A_1387 = vector.broadcast %select_n3A_1372 : i32 to vector<16xi32>
      %add3A_1388 = arith.addi %rem3A_1374, %add3A_1387 : vector<16xi32>
      %select_n3A_1389 = arith.select %and3A_1386, %add3A_1388, %rem3A_1374 : vector<16xi1>, vector<16xi32>
      %mul3A_1390 = arith.constant 50176 : i32
      %mul3A_1391 = vector.broadcast %mul3A_1390 : i32 to vector<16xi32>
      %mul3A_1392 = arith.muli %select_n3A_1389, %mul3A_1391 : vector<16xi32>
      %add3A_1393 = arith.addi %select_n3A_1363, %mul3A_1392 : vector<16xi32>
      %swap3A_1394 = arith.constant 3 : i32
      %swap3A_1395 = arith.index_cast %swap3A_1394 : i32 to index
      %swap3A_1396 = arith.constant 16 : index
      %swap3A_1397 = tpu.vector_load %arg9[%swap3A_1395, %swap3A_1396] {strides = array<i32>} : memref<6x48xi32, #tpu.memory_space<vmem>>, vector<1x16xi32>,
      %swap3A_1398 = vector.shape_cast %swap3A_1397 : vector<1x16xi32> to vector<16xi32>
      %swap3A_1399 = vector.shape_cast %add3A_1393 : vector<16xi32> to vector<1x16xi32>
      tpu.vector_store %arg9[%swap3A_1395, %swap3A_1396], %swap3A_1399 {strides = array<i32>} : memref<6x48xi32, #tpu.memory_space<vmem>>, vector<1x16xi32>,
      %get3A_1400 = arith.constant 176 : index
      %get3A_1401 = tpu.vector_load %arg7[%get3A_1400] {strides = array<i32>} : memref<288xi32, #tpu.memory_space<vmem>>, vector<16xi32>,
      %get3A_1402 = vector.shape_cast %get3A_1401 : vector<16xi32> to vector<16xi32>
      %lt3A_1403 = arith.constant 0 : i32
      %lt3A_1404 = vector.broadcast %lt3A_1403 : i32 to vector<16xi32>
      %lt3A_1405 = arith.cmpi slt, %get3A_1402, %lt3A_1404 : vector<16xi32>
      %jit3A_1406 = arith.constant 50000 : i32
      %broadcast_in_dim3A_1407 = vector.broadcast %jit3A_1406 : i32 to vector<16xi32>
      %select_n3A_1408 = arith.select %lt3A_1405, %broadcast_in_dim3A_1407, %get3A_1402 : vector<16xi1>, vector<16xi32>
      %iota3A_1409 = tpu.iota {dimensions = array<i32: 0>} : vector<16xi32>
      %add3A_1410 = arith.constant 5 : i32
      %add3A_1411 = vector.broadcast %add3A_1410 : i32 to vector<16xi32>
      %add3A_1412 = arith.addi %iota3A_1409, %add3A_1411 : vector<16xi32>
      %jit3A_1413 = arith.constant 9 : i32
      %eq3A_1414 = arith.constant 0 : i32
      %eq3A_1415 = arith.cmpi eq, %jit3A_1413, %eq3A_1414 : i32
      %jit3A_1416 = arith.constant 1 : i32
      %select_n3A_1417 = arith.select %eq3A_1415, %jit3A_1416, %jit3A_1413 : i32
      %rem3A_1418 = vector.broadcast %select_n3A_1417 : i32 to vector<16xi32>
      %rem3A_1419 = arith.remsi %add3A_1412, %rem3A_1418 : vector<16xi32>
      %ne3A_1420 = arith.constant 0 : i32
      %ne3A_1421 = vector.broadcast %ne3A_1420 : i32 to vector<16xi32>
      %ne3A_1422 = arith.cmpi ne, %rem3A_1419, %ne3A_1421 : vector<16xi32>
      %lt3A_1423 = arith.constant 0 : i32
      %lt3A_1424 = vector.broadcast %lt3A_1423 : i32 to vector<16xi32>
      %lt3A_1425 = arith.cmpi slt, %rem3A_1419, %lt3A_1424 : vector<16xi32>
      %lt3A_1426 = arith.constant 0 : i32
      %lt3A_1427 = arith.cmpi slt, %select_n3A_1417, %lt3A_1426 : i32
      %ne3A_1428 = vector.broadcast %lt3A_1427 : i1 to vector<16xi1>
      %ne3A_1429 = vector.broadcast %ne3A_1428 : vector<16xi1> to vector<16xi1>
      %ne3A_1430 = arith.xori %lt3A_1425, %ne3A_1429 : vector<16xi1>
      %and3A_1431 = arith.andi %ne3A_1430, %ne3A_1422 : vector<16xi1>
      %add3A_1432 = vector.broadcast %select_n3A_1417 : i32 to vector<16xi32>
      %add3A_1433 = arith.addi %rem3A_1419, %add3A_1432 : vector<16xi32>
      %select_n3A_1434 = arith.select %and3A_1431, %add3A_1433, %rem3A_1419 : vector<16xi1>, vector<16xi32>
      %mul3A_1435 = arith.constant 50176 : i32
      %mul3A_1436 = vector.broadcast %mul3A_1435 : i32 to vector<16xi32>
      %mul3A_1437 = arith.muli %select_n3A_1434, %mul3A_1436 : vector<16xi32>
      %add3A_1438 = arith.addi %select_n3A_1408, %mul3A_1437 : vector<16xi32>
      %swap3A_1439 = arith.constant 3 : i32
      %swap3A_1440 = arith.index_cast %swap3A_1439 : i32 to index
      %swap3A_1441 = arith.constant 32 : index
      %swap3A_1442 = tpu.vector_load %arg9[%swap3A_1440, %swap3A_1441] {strides = array<i32>} : memref<6x48xi32, #tpu.memory_space<vmem>>, vector<1x16xi32>,
      %swap3A_1443 = vector.shape_cast %swap3A_1442 : vector<1x16xi32> to vector<16xi32>
      %swap3A_1444 = vector.shape_cast %add3A_1438 : vector<16xi32> to vector<1x16xi32>
      tpu.vector_store %arg9[%swap3A_1440, %swap3A_1441], %swap3A_1444 {strides = array<i32>} : memref<6x48xi32, #tpu.memory_space<vmem>>, vector<1x16xi32>,
      %get3A_1445 = arith.constant 192 : index
      %get3A_1446 = tpu.vector_load %arg7[%get3A_1445] {strides = array<i32>} : memref<288xi32, #tpu.memory_space<vmem>>, vector<16xi32>,
      %get3A_1447 = vector.shape_cast %get3A_1446 : vector<16xi32> to vector<16xi32>
      %lt3A_1448 = arith.constant 0 : i32
      %lt3A_1449 = vector.broadcast %lt3A_1448 : i32 to vector<16xi32>
      %lt3A_1450 = arith.cmpi slt, %get3A_1447, %lt3A_1449 : vector<16xi32>
      %jit3A_1451 = arith.constant 50000 : i32
      %broadcast_in_dim3A_1452 = vector.broadcast %jit3A_1451 : i32 to vector<16xi32>
      %select_n3A_1453 = arith.select %lt3A_1450, %broadcast_in_dim3A_1452, %get3A_1447 : vector<16xi1>, vector<16xi32>
      %iota3A_1454 = tpu.iota {dimensions = array<i32: 0>} : vector<16xi32>
      %add3A_1455 = arith.constant 3 : i32
      %add3A_1456 = vector.broadcast %add3A_1455 : i32 to vector<16xi32>
      %add3A_1457 = arith.addi %iota3A_1454, %add3A_1456 : vector<16xi32>
      %jit3A_1458 = arith.constant 9 : i32
      %eq3A_1459 = arith.constant 0 : i32
      %eq3A_1460 = arith.cmpi eq, %jit3A_1458, %eq3A_1459 : i32
      %jit3A_1461 = arith.constant 1 : i32
      %select_n3A_1462 = arith.select %eq3A_1460, %jit3A_1461, %jit3A_1458 : i32
      %rem3A_1463 = vector.broadcast %select_n3A_1462 : i32 to vector<16xi32>
      %rem3A_1464 = arith.remsi %add3A_1457, %rem3A_1463 : vector<16xi32>
      %ne3A_1465 = arith.constant 0 : i32
      %ne3A_1466 = vector.broadcast %ne3A_1465 : i32 to vector<16xi32>
      %ne3A_1467 = arith.cmpi ne, %rem3A_1464, %ne3A_1466 : vector<16xi32>
      %lt3A_1468 = arith.constant 0 : i32
      %lt3A_1469 = vector.broadcast %lt3A_1468 : i32 to vector<16xi32>
      %lt3A_1470 = arith.cmpi slt, %rem3A_1464, %lt3A_1469 : vector<16xi32>
      %lt3A_1471 = arith.constant 0 : i32
      %lt3A_1472 = arith.cmpi slt, %select_n3A_1462, %lt3A_1471 : i32
      %ne3A_1473 = vector.broadcast %lt3A_1472 : i1 to vector<16xi1>
      %ne3A_1474 = vector.broadcast %ne3A_1473 : vector<16xi1> to vector<16xi1>
      %ne3A_1475 = arith.xori %lt3A_1470, %ne3A_1474 : vector<16xi1>
      %and3A_1476 = arith.andi %ne3A_1475, %ne3A_1467 : vector<16xi1>
      %add3A_1477 = vector.broadcast %select_n3A_1462 : i32 to vector<16xi32>
      %add3A_1478 = arith.addi %rem3A_1464, %add3A_1477 : vector<16xi32>
      %select_n3A_1479 = arith.select %and3A_1476, %add3A_1478, %rem3A_1464 : vector<16xi1>, vector<16xi32>
      %mul3A_1480 = arith.constant 50176 : i32
      %mul3A_1481 = vector.broadcast %mul3A_1480 : i32 to vector<16xi32>
      %mul3A_1482 = arith.muli %select_n3A_1479, %mul3A_1481 : vector<16xi32>
      %add3A_1483 = arith.addi %select_n3A_1453, %mul3A_1482 : vector<16xi32>
      %swap3A_1484 = arith.constant 4 : i32
      %swap3A_1485 = arith.index_cast %swap3A_1484 : i32 to index
      %swap3A_1486 = arith.constant 0 : index
      %swap3A_1487 = tpu.vector_load %arg9[%swap3A_1485, %swap3A_1486] {strides = array<i32>} : memref<6x48xi32, #tpu.memory_space<vmem>>, vector<1x16xi32>,
      %swap3A_1488 = vector.shape_cast %swap3A_1487 : vector<1x16xi32> to vector<16xi32>
      %swap3A_1489 = vector.shape_cast %add3A_1483 : vector<16xi32> to vector<1x16xi32>
      tpu.vector_store %arg9[%swap3A_1485, %swap3A_1486], %swap3A_1489 {strides = array<i32>} : memref<6x48xi32, #tpu.memory_space<vmem>>, vector<1x16xi32>,
      %get3A_1490 = arith.constant 208 : index
      %get3A_1491 = tpu.vector_load %arg7[%get3A_1490] {strides = array<i32>} : memref<288xi32, #tpu.memory_space<vmem>>, vector<16xi32>,
      %get3A_1492 = vector.shape_cast %get3A_1491 : vector<16xi32> to vector<16xi32>
      %lt3A_1493 = arith.constant 0 : i32
      %lt3A_1494 = vector.broadcast %lt3A_1493 : i32 to vector<16xi32>
      %lt3A_1495 = arith.cmpi slt, %get3A_1492, %lt3A_1494 : vector<16xi32>
      %jit3A_1496 = arith.constant 50000 : i32
      %broadcast_in_dim3A_1497 = vector.broadcast %jit3A_1496 : i32 to vector<16xi32>
      %select_n3A_1498 = arith.select %lt3A_1495, %broadcast_in_dim3A_1497, %get3A_1492 : vector<16xi1>, vector<16xi32>
      %iota3A_1499 = tpu.iota {dimensions = array<i32: 0>} : vector<16xi32>
      %add3A_1500 = arith.constant 1 : i32
      %add3A_1501 = vector.broadcast %add3A_1500 : i32 to vector<16xi32>
      %add3A_1502 = arith.addi %iota3A_1499, %add3A_1501 : vector<16xi32>
      %jit3A_1503 = arith.constant 9 : i32
      %eq3A_1504 = arith.constant 0 : i32
      %eq3A_1505 = arith.cmpi eq, %jit3A_1503, %eq3A_1504 : i32
      %jit3A_1506 = arith.constant 1 : i32
      %select_n3A_1507 = arith.select %eq3A_1505, %jit3A_1506, %jit3A_1503 : i32
      %rem3A_1508 = vector.broadcast %select_n3A_1507 : i32 to vector<16xi32>
      %rem3A_1509 = arith.remsi %add3A_1502, %rem3A_1508 : vector<16xi32>
      %ne3A_1510 = arith.constant 0 : i32
      %ne3A_1511 = vector.broadcast %ne3A_1510 : i32 to vector<16xi32>
      %ne3A_1512 = arith.cmpi ne, %rem3A_1509, %ne3A_1511 : vector<16xi32>
      %lt3A_1513 = arith.constant 0 : i32
      %lt3A_1514 = vector.broadcast %lt3A_1513 : i32 to vector<16xi32>
      %lt3A_1515 = arith.cmpi slt, %rem3A_1509, %lt3A_1514 : vector<16xi32>
      %lt3A_1516 = arith.constant 0 : i32
      %lt3A_1517 = arith.cmpi slt, %select_n3A_1507, %lt3A_1516 : i32
      %ne3A_1518 = vector.broadcast %lt3A_1517 : i1 to vector<16xi1>
      %ne3A_1519 = vector.broadcast %ne3A_1518 : vector<16xi1> to vector<16xi1>
      %ne3A_1520 = arith.xori %lt3A_1515, %ne3A_1519 : vector<16xi1>
      %and3A_1521 = arith.andi %ne3A_1520, %ne3A_1512 : vector<16xi1>
      %add3A_1522 = vector.broadcast %select_n3A_1507 : i32 to vector<16xi32>
      %add3A_1523 = arith.addi %rem3A_1509, %add3A_1522 : vector<16xi32>
      %select_n3A_1524 = arith.select %and3A_1521, %add3A_1523, %rem3A_1509 : vector<16xi1>, vector<16xi32>
      %mul3A_1525 = arith.constant 50176 : i32
      %mul3A_1526 = vector.broadcast %mul3A_1525 : i32 to vector<16xi32>
      %mul3A_1527 = arith.muli %select_n3A_1524, %mul3A_1526 : vector<16xi32>
      %add3A_1528 = arith.addi %select_n3A_1498, %mul3A_1527 : vector<16xi32>
      %swap3A_1529 = arith.constant 4 : i32
      %swap3A_1530 = arith.index_cast %swap3A_1529 : i32 to index
      %swap3A_1531 = arith.constant 16 : index
      %swap3A_1532 = tpu.vector_load %arg9[%swap3A_1530, %swap3A_1531] {strides = array<i32>} : memref<6x48xi32, #tpu.memory_space<vmem>>, vector<1x16xi32>,
      %swap3A_1533 = vector.shape_cast %swap3A_1532 : vector<1x16xi32> to vector<16xi32>
      %swap3A_1534 = vector.shape_cast %add3A_1528 : vector<16xi32> to vector<1x16xi32>
      tpu.vector_store %arg9[%swap3A_1530, %swap3A_1531], %swap3A_1534 {strides = array<i32>} : memref<6x48xi32, #tpu.memory_space<vmem>>, vector<1x16xi32>,
      %get3A_1535 = arith.constant 224 : index
      %get3A_1536 = tpu.vector_load %arg7[%get3A_1535] {strides = array<i32>} : memref<288xi32, #tpu.memory_space<vmem>>, vector<16xi32>,
      %get3A_1537 = vector.shape_cast %get3A_1536 : vector<16xi32> to vector<16xi32>
      %lt3A_1538 = arith.constant 0 : i32
      %lt3A_1539 = vector.broadcast %lt3A_1538 : i32 to vector<16xi32>
      %lt3A_1540 = arith.cmpi slt, %get3A_1537, %lt3A_1539 : vector<16xi32>
      %jit3A_1541 = arith.constant 50000 : i32
      %broadcast_in_dim3A_1542 = vector.broadcast %jit3A_1541 : i32 to vector<16xi32>
      %select_n3A_1543 = arith.select %lt3A_1540, %broadcast_in_dim3A_1542, %get3A_1537 : vector<16xi1>, vector<16xi32>
      %iota3A_1544 = tpu.iota {dimensions = array<i32: 0>} : vector<16xi32>
      %add3A_1545 = arith.constant 8 : i32
      %add3A_1546 = vector.broadcast %add3A_1545 : i32 to vector<16xi32>
      %add3A_1547 = arith.addi %iota3A_1544, %add3A_1546 : vector<16xi32>
      %jit3A_1548 = arith.constant 9 : i32
      %eq3A_1549 = arith.constant 0 : i32
      %eq3A_1550 = arith.cmpi eq, %jit3A_1548, %eq3A_1549 : i32
      %jit3A_1551 = arith.constant 1 : i32
      %select_n3A_1552 = arith.select %eq3A_1550, %jit3A_1551, %jit3A_1548 : i32
      %rem3A_1553 = vector.broadcast %select_n3A_1552 : i32 to vector<16xi32>
      %rem3A_1554 = arith.remsi %add3A_1547, %rem3A_1553 : vector<16xi32>
      %ne3A_1555 = arith.constant 0 : i32
      %ne3A_1556 = vector.broadcast %ne3A_1555 : i32 to vector<16xi32>
      %ne3A_1557 = arith.cmpi ne, %rem3A_1554, %ne3A_1556 : vector<16xi32>
      %lt3A_1558 = arith.constant 0 : i32
      %lt3A_1559 = vector.broadcast %lt3A_1558 : i32 to vector<16xi32>
      %lt3A_1560 = arith.cmpi slt, %rem3A_1554, %lt3A_1559 : vector<16xi32>
      %lt3A_1561 = arith.constant 0 : i32
      %lt3A_1562 = arith.cmpi slt, %select_n3A_1552, %lt3A_1561 : i32
      %ne3A_1563 = vector.broadcast %lt3A_1562 : i1 to vector<16xi1>
      %ne3A_1564 = vector.broadcast %ne3A_1563 : vector<16xi1> to vector<16xi1>
      %ne3A_1565 = arith.xori %lt3A_1560, %ne3A_1564 : vector<16xi1>
      %and3A_1566 = arith.andi %ne3A_1565, %ne3A_1557 : vector<16xi1>
      %add3A_1567 = vector.broadcast %select_n3A_1552 : i32 to vector<16xi32>
      %add3A_1568 = arith.addi %rem3A_1554, %add3A_1567 : vector<16xi32>
      %select_n3A_1569 = arith.select %and3A_1566, %add3A_1568, %rem3A_1554 : vector<16xi1>, vector<16xi32>
      %mul3A_1570 = arith.constant 50176 : i32
      %mul3A_1571 = vector.broadcast %mul3A_1570 : i32 to vector<16xi32>
      %mul3A_1572 = arith.muli %select_n3A_1569, %mul3A_1571 : vector<16xi32>
      %add3A_1573 = arith.addi %select_n3A_1543, %mul3A_1572 : vector<16xi32>
      %swap3A_1574 = arith.constant 4 : i32
      %swap3A_1575 = arith.index_cast %swap3A_1574 : i32 to index
      %swap3A_1576 = arith.constant 32 : index
      %swap3A_1577 = tpu.vector_load %arg9[%swap3A_1575, %swap3A_1576] {strides = array<i32>} : memref<6x48xi32, #tpu.memory_space<vmem>>, vector<1x16xi32>,
      %swap3A_1578 = vector.shape_cast %swap3A_1577 : vector<1x16xi32> to vector<16xi32>
      %swap3A_1579 = vector.shape_cast %add3A_1573 : vector<16xi32> to vector<1x16xi32>
      tpu.vector_store %arg9[%swap3A_1575, %swap3A_1576], %swap3A_1579 {strides = array<i32>} : memref<6x48xi32, #tpu.memory_space<vmem>>, vector<1x16xi32>,
      %get3A_1580 = arith.constant 240 : index
      %get3A_1581 = tpu.vector_load %arg7[%get3A_1580] {strides = array<i32>} : memref<288xi32, #tpu.memory_space<vmem>>, vector<16xi32>,
      %get3A_1582 = vector.shape_cast %get3A_1581 : vector<16xi32> to vector<16xi32>
      %lt3A_1583 = arith.constant 0 : i32
      %lt3A_1584 = vector.broadcast %lt3A_1583 : i32 to vector<16xi32>
      %lt3A_1585 = arith.cmpi slt, %get3A_1582, %lt3A_1584 : vector<16xi32>
      %jit3A_1586 = arith.constant 50000 : i32
      %broadcast_in_dim3A_1587 = vector.broadcast %jit3A_1586 : i32 to vector<16xi32>
      %select_n3A_1588 = arith.select %lt3A_1585, %broadcast_in_dim3A_1587, %get3A_1582 : vector<16xi1>, vector<16xi32>
      %iota3A_1589 = tpu.iota {dimensions = array<i32: 0>} : vector<16xi32>
      %add3A_1590 = arith.constant 6 : i32
      %add3A_1591 = vector.broadcast %add3A_1590 : i32 to vector<16xi32>
      %add3A_1592 = arith.addi %iota3A_1589, %add3A_1591 : vector<16xi32>
      %jit3A_1593 = arith.constant 9 : i32
      %eq3A_1594 = arith.constant 0 : i32
      %eq3A_1595 = arith.cmpi eq, %jit3A_1593, %eq3A_1594 : i32
      %jit3A_1596 = arith.constant 1 : i32
      %select_n3A_1597 = arith.select %eq3A_1595, %jit3A_1596, %jit3A_1593 : i32
      %rem3A_1598 = vector.broadcast %select_n3A_1597 : i32 to vector<16xi32>
      %rem3A_1599 = arith.remsi %add3A_1592, %rem3A_1598 : vector<16xi32>
      %ne3A_1600 = arith.constant 0 : i32
      %ne3A_1601 = vector.broadcast %ne3A_1600 : i32 to vector<16xi32>
      %ne3A_1602 = arith.cmpi ne, %rem3A_1599, %ne3A_1601 : vector<16xi32>
      %lt3A_1603 = arith.constant 0 : i32
      %lt3A_1604 = vector.broadcast %lt3A_1603 : i32 to vector<16xi32>
      %lt3A_1605 = arith.cmpi slt, %rem3A_1599, %lt3A_1604 : vector<16xi32>
      %lt3A_1606 = arith.constant 0 : i32
      %lt3A_1607 = arith.cmpi slt, %select_n3A_1597, %lt3A_1606 : i32
      %ne3A_1608 = vector.broadcast %lt3A_1607 : i1 to vector<16xi1>
      %ne3A_1609 = vector.broadcast %ne3A_1608 : vector<16xi1> to vector<16xi1>
      %ne3A_1610 = arith.xori %lt3A_1605, %ne3A_1609 : vector<16xi1>
      %and3A_1611 = arith.andi %ne3A_1610, %ne3A_1602 : vector<16xi1>
      %add3A_1612 = vector.broadcast %select_n3A_1597 : i32 to vector<16xi32>
      %add3A_1613 = arith.addi %rem3A_1599, %add3A_1612 : vector<16xi32>
      %select_n3A_1614 = arith.select %and3A_1611, %add3A_1613, %rem3A_1599 : vector<16xi1>, vector<16xi32>
      %mul3A_1615 = arith.constant 50176 : i32
      %mul3A_1616 = vector.broadcast %mul3A_1615 : i32 to vector<16xi32>
      %mul3A_1617 = arith.muli %select_n3A_1614, %mul3A_1616 : vector<16xi32>
      %add3A_1618 = arith.addi %select_n3A_1588, %mul3A_1617 : vector<16xi32>
      %swap3A_1619 = arith.constant 5 : i32
      %swap3A_1620 = arith.index_cast %swap3A_1619 : i32 to index
      %swap3A_1621 = arith.constant 0 : index
      %swap3A_1622 = tpu.vector_load %arg9[%swap3A_1620, %swap3A_1621] {strides = array<i32>} : memref<6x48xi32, #tpu.memory_space<vmem>>, vector<1x16xi32>,
      %swap3A_1623 = vector.shape_cast %swap3A_1622 : vector<1x16xi32> to vector<16xi32>
      %swap3A_1624 = vector.shape_cast %add3A_1618 : vector<16xi32> to vector<1x16xi32>
      tpu.vector_store %arg9[%swap3A_1620, %swap3A_1621], %swap3A_1624 {strides = array<i32>} : memref<6x48xi32, #tpu.memory_space<vmem>>, vector<1x16xi32>,
      %get3A_1625 = arith.constant 256 : index
      %get3A_1626 = tpu.vector_load %arg7[%get3A_1625] {strides = array<i32>} : memref<288xi32, #tpu.memory_space<vmem>>, vector<16xi32>,
      %get3A_1627 = vector.shape_cast %get3A_1626 : vector<16xi32> to vector<16xi32>
      %lt3A_1628 = arith.constant 0 : i32
      %lt3A_1629 = vector.broadcast %lt3A_1628 : i32 to vector<16xi32>
      %lt3A_1630 = arith.cmpi slt, %get3A_1627, %lt3A_1629 : vector<16xi32>
      %jit3A_1631 = arith.constant 50000 : i32
      %broadcast_in_dim3A_1632 = vector.broadcast %jit3A_1631 : i32 to vector<16xi32>
      %select_n3A_1633 = arith.select %lt3A_1630, %broadcast_in_dim3A_1632, %get3A_1627 : vector<16xi1>, vector<16xi32>
      %iota3A_1634 = tpu.iota {dimensions = array<i32: 0>} : vector<16xi32>
      %add3A_1635 = arith.constant 4 : i32
      %add3A_1636 = vector.broadcast %add3A_1635 : i32 to vector<16xi32>
      %add3A_1637 = arith.addi %iota3A_1634, %add3A_1636 : vector<16xi32>
      %jit3A_1638 = arith.constant 9 : i32
      %eq3A_1639 = arith.constant 0 : i32
      %eq3A_1640 = arith.cmpi eq, %jit3A_1638, %eq3A_1639 : i32
      %jit3A_1641 = arith.constant 1 : i32
      %select_n3A_1642 = arith.select %eq3A_1640, %jit3A_1641, %jit3A_1638 : i32
      %rem3A_1643 = vector.broadcast %select_n3A_1642 : i32 to vector<16xi32>
      %rem3A_1644 = arith.remsi %add3A_1637, %rem3A_1643 : vector<16xi32>
      %ne3A_1645 = arith.constant 0 : i32
      %ne3A_1646 = vector.broadcast %ne3A_1645 : i32 to vector<16xi32>
      %ne3A_1647 = arith.cmpi ne, %rem3A_1644, %ne3A_1646 : vector<16xi32>
      %lt3A_1648 = arith.constant 0 : i32
      %lt3A_1649 = vector.broadcast %lt3A_1648 : i32 to vector<16xi32>
      %lt3A_1650 = arith.cmpi slt, %rem3A_1644, %lt3A_1649 : vector<16xi32>
      %lt3A_1651 = arith.constant 0 : i32
      %lt3A_1652 = arith.cmpi slt, %select_n3A_1642, %lt3A_1651 : i32
      %ne3A_1653 = vector.broadcast %lt3A_1652 : i1 to vector<16xi1>
      %ne3A_1654 = vector.broadcast %ne3A_1653 : vector<16xi1> to vector<16xi1>
      %ne3A_1655 = arith.xori %lt3A_1650, %ne3A_1654 : vector<16xi1>
      %and3A_1656 = arith.andi %ne3A_1655, %ne3A_1647 : vector<16xi1>
      %add3A_1657 = vector.broadcast %select_n3A_1642 : i32 to vector<16xi32>
      %add3A_1658 = arith.addi %rem3A_1644, %add3A_1657 : vector<16xi32>
      %select_n3A_1659 = arith.select %and3A_1656, %add3A_1658, %rem3A_1644 : vector<16xi1>, vector<16xi32>
      %mul3A_1660 = arith.constant 50176 : i32
      %mul3A_1661 = vector.broadcast %mul3A_1660 : i32 to vector<16xi32>
      %mul3A_1662 = arith.muli %select_n3A_1659, %mul3A_1661 : vector<16xi32>
      %add3A_1663 = arith.addi %select_n3A_1633, %mul3A_1662 : vector<16xi32>
      %swap3A_1664 = arith.constant 5 : i32
      %swap3A_1665 = arith.index_cast %swap3A_1664 : i32 to index
      %swap3A_1666 = arith.constant 16 : index
      %swap3A_1667 = tpu.vector_load %arg9[%swap3A_1665, %swap3A_1666] {strides = array<i32>} : memref<6x48xi32, #tpu.memory_space<vmem>>, vector<1x16xi32>,
      %swap3A_1668 = vector.shape_cast %swap3A_1667 : vector<1x16xi32> to vector<16xi32>
      %swap3A_1669 = vector.shape_cast %add3A_1663 : vector<16xi32> to vector<1x16xi32>
      tpu.vector_store %arg9[%swap3A_1665, %swap3A_1666], %swap3A_1669 {strides = array<i32>} : memref<6x48xi32, #tpu.memory_space<vmem>>, vector<1x16xi32>,
      %get3A_1670 = arith.constant 272 : index
      %get3A_1671 = tpu.vector_load %arg7[%get3A_1670] {strides = array<i32>} : memref<288xi32, #tpu.memory_space<vmem>>, vector<16xi32>,
      %get3A_1672 = vector.shape_cast %get3A_1671 : vector<16xi32> to vector<16xi32>
      %lt3A_1673 = arith.constant 0 : i32
      %lt3A_1674 = vector.broadcast %lt3A_1673 : i32 to vector<16xi32>
      %lt3A_1675 = arith.cmpi slt, %get3A_1672, %lt3A_1674 : vector<16xi32>
      %jit3A_1676 = arith.constant 50000 : i32
      %broadcast_in_dim3A_1677 = vector.broadcast %jit3A_1676 : i32 to vector<16xi32>
      %select_n3A_1678 = arith.select %lt3A_1675, %broadcast_in_dim3A_1677, %get3A_1672 : vector<16xi1>, vector<16xi32>
      %iota3A_1679 = tpu.iota {dimensions = array<i32: 0>} : vector<16xi32>
      %add3A_1680 = arith.constant 2 : i32
      %add3A_1681 = vector.broadcast %add3A_1680 : i32 to vector<16xi32>
      %add3A_1682 = arith.addi %iota3A_1679, %add3A_1681 : vector<16xi32>
      %jit3A_1683 = arith.constant 9 : i32
      %eq3A_1684 = arith.constant 0 : i32
      %eq3A_1685 = arith.cmpi eq, %jit3A_1683, %eq3A_1684 : i32
      %jit3A_1686 = arith.constant 1 : i32
      %select_n3A_1687 = arith.select %eq3A_1685, %jit3A_1686, %jit3A_1683 : i32
      %rem3A_1688 = vector.broadcast %select_n3A_1687 : i32 to vector<16xi32>
      %rem3A_1689 = arith.remsi %add3A_1682, %rem3A_1688 : vector<16xi32>
      %ne3A_1690 = arith.constant 0 : i32
      %ne3A_1691 = vector.broadcast %ne3A_1690 : i32 to vector<16xi32>
      %ne3A_1692 = arith.cmpi ne, %rem3A_1689, %ne3A_1691 : vector<16xi32>
      %lt3A_1693 = arith.constant 0 : i32
      %lt3A_1694 = vector.broadcast %lt3A_1693 : i32 to vector<16xi32>
      %lt3A_1695 = arith.cmpi slt, %rem3A_1689, %lt3A_1694 : vector<16xi32>
      %lt3A_1696 = arith.constant 0 : i32
      %lt3A_1697 = arith.cmpi slt, %select_n3A_1687, %lt3A_1696 : i32
      %ne3A_1698 = vector.broadcast %lt3A_1697 : i1 to vector<16xi1>
      %ne3A_1699 = vector.broadcast %ne3A_1698 : vector<16xi1> to vector<16xi1>
      %ne3A_1700 = arith.xori %lt3A_1695, %ne3A_1699 : vector<16xi1>
      %and3A_1701 = arith.andi %ne3A_1700, %ne3A_1692 : vector<16xi1>
      %add3A_1702 = vector.broadcast %select_n3A_1687 : i32 to vector<16xi32>
      %add3A_1703 = arith.addi %rem3A_1689, %add3A_1702 : vector<16xi32>
      %select_n3A_1704 = arith.select %and3A_1701, %add3A_1703, %rem3A_1689 : vector<16xi1>, vector<16xi32>
      %mul3A_1705 = arith.constant 50176 : i32
      %mul3A_1706 = vector.broadcast %mul3A_1705 : i32 to vector<16xi32>
      %mul3A_1707 = arith.muli %select_n3A_1704, %mul3A_1706 : vector<16xi32>
      %add3A_1708 = arith.addi %select_n3A_1678, %mul3A_1707 : vector<16xi32>
      %swap3A_1709 = arith.constant 5 : i32
      %swap3A_1710 = arith.index_cast %swap3A_1709 : i32 to index
      %swap3A_1711 = arith.constant 32 : index
      %swap3A_1712 = tpu.vector_load %arg9[%swap3A_1710, %swap3A_1711] {strides = array<i32>} : memref<6x48xi32, #tpu.memory_space<vmem>>, vector<1x16xi32>,
      %swap3A_1713 = vector.shape_cast %swap3A_1712 : vector<1x16xi32> to vector<16xi32>
      %swap3A_1714 = vector.shape_cast %add3A_1708 : vector<16xi32> to vector<1x16xi32>
      tpu.vector_store %arg9[%swap3A_1710, %swap3A_1711], %swap3A_1714 {strides = array<i32>} : memref<6x48xi32, #tpu.memory_space<vmem>>, vector<1x16xi32>,
      %dma_start3A_1715 = arith.constant 0 : i32
      %dma_start3A_1716 = arith.constant 0 : i32
      %dma_start3A_1717 = arith.constant 0 : i32
      %dma_start3A_1718 = tpu.memref_slice %arg11[%dma_start3A_1716, %dma_start3A_1717] : memref<288x128xf32, #tpu.memory_space<vmem>> -> memref<48x128xf32, #tpu.memory_space<vmem>>
      %dma_start3A_1719 = arith.constant 0 : i32
      %dma_start3A_1720 = tpu.memref_slice %arg9[%dma_start3A_1715, %dma_start3A_1719] : memref<6x48xi32, #tpu.memory_space<vmem>> -> memref<1x48xi32, #tpu.memory_space<vmem>>
      %dma_start3A_1721 = tpu.memref_squeeze %dma_start3A_1720 : memref<1x48xi32, #tpu.memory_space<vmem>> -> memref<48xi32, #tpu.memory_space<vmem>>
      %dma_start3A_1722 = arith.constant 0 : i32
      %dma_start3A_1723 = arith.constant 0 : i32
      %dma_start3A_1724 = tpu.memref_slice %arg2[%dma_start3A_1722, %dma_start3A_1723] : memref<451584x128xf32, #tpu.memory_space<hbm>> -> memref<451584x128xf32, #tpu.memory_space<hbm>>
      tpu.enqueue_indirect_dma source(%dma_start3A_1724 : memref<451584x128xf32, #tpu.memory_space<hbm>>) target(%dma_start3A_1718 : memref<48x128xf32, #tpu.memory_space<vmem>>) offsets(%dma_start3A_1721 : memref<48xi32, #tpu.memory_space<vmem>>) semaphore(%arg16 : memref<!tpu.dma_semaphore, #tpu.memory_space<semaphore_mem>>)
      %dma_start3A_1725 = arith.constant 1 : i32
      %dma_start3A_1726 = arith.constant 48 : i32
      %dma_start3A_1727 = arith.constant 0 : i32
      %dma_start3A_1728 = tpu.memref_slice %arg11[%dma_start3A_1726, %dma_start3A_1727] : memref<288x128xf32, #tpu.memory_space<vmem>> -> memref<48x128xf32, #tpu.memory_space<vmem>>
      %dma_start3A_1729 = arith.constant 0 : i32
      %dma_start3A_1730 = tpu.memref_slice %arg9[%dma_start3A_1725, %dma_start3A_1729] : memref<6x48xi32, #tpu.memory_space<vmem>> -> memref<1x48xi32, #tpu.memory_space<vmem>>
      %dma_start3A_1731 = tpu.memref_squeeze %dma_start3A_1730 : memref<1x48xi32, #tpu.memory_space<vmem>> -> memref<48xi32, #tpu.memory_space<vmem>>
      %dma_start3A_1732 = arith.constant 0 : i32
      %dma_start3A_1733 = arith.constant 0 : i32
      %dma_start3A_1734 = tpu.memref_slice %arg2[%dma_start3A_1732, %dma_start3A_1733] : memref<451584x128xf32, #tpu.memory_space<hbm>> -> memref<451584x128xf32, #tpu.memory_space<hbm>>
      tpu.enqueue_indirect_dma source(%dma_start3A_1734 : memref<451584x128xf32, #tpu.memory_space<hbm>>) target(%dma_start3A_1728 : memref<48x128xf32, #tpu.memory_space<vmem>>) offsets(%dma_start3A_1731 : memref<48xi32, #tpu.memory_space<vmem>>) semaphore(%arg16 : memref<!tpu.dma_semaphore, #tpu.memory_space<semaphore_mem>>)
      %dma_start3A_1735 = arith.constant 2 : i32
      %dma_start3A_1736 = arith.constant 96 : i32
      %dma_start3A_1737 = arith.constant 0 : i32
      %dma_start3A_1738 = tpu.memref_slice %arg11[%dma_start3A_1736, %dma_start3A_1737] : memref<288x128xf32, #tpu.memory_space<vmem>> -> memref<48x128xf32, #tpu.memory_space<vmem>>
      %dma_start3A_1739 = arith.constant 0 : i32
      %dma_start3A_1740 = tpu.memref_slice %arg9[%dma_start3A_1735, %dma_start3A_1739] : memref<6x48xi32, #tpu.memory_space<vmem>> -> memref<1x48xi32, #tpu.memory_space<vmem>>
      %dma_start3A_1741 = tpu.memref_squeeze %dma_start3A_1740 : memref<1x48xi32, #tpu.memory_space<vmem>> -> memref<48xi32, #tpu.memory_space<vmem>>
      %dma_start3A_1742 = arith.constant 0 : i32
      %dma_start3A_1743 = arith.constant 0 : i32
      %dma_start3A_1744 = tpu.memref_slice %arg2[%dma_start3A_1742, %dma_start3A_1743] : memref<451584x128xf32, #tpu.memory_space<hbm>> -> memref<451584x128xf32, #tpu.memory_space<hbm>>
      tpu.enqueue_indirect_dma source(%dma_start3A_1744 : memref<451584x128xf32, #tpu.memory_space<hbm>>) target(%dma_start3A_1738 : memref<48x128xf32, #tpu.memory_space<vmem>>) offsets(%dma_start3A_1741 : memref<48xi32, #tpu.memory_space<vmem>>) semaphore(%arg16 : memref<!tpu.dma_semaphore, #tpu.memory_space<semaphore_mem>>)
      %dma_start3A_1745 = arith.constant 3 : i32
      %dma_start3A_1746 = arith.constant 144 : i32
      %dma_start3A_1747 = arith.constant 0 : i32
      %dma_start3A_1748 = tpu.memref_slice %arg11[%dma_start3A_1746, %dma_start3A_1747] : memref<288x128xf32, #tpu.memory_space<vmem>> -> memref<48x128xf32, #tpu.memory_space<vmem>>
      %dma_start3A_1749 = arith.constant 0 : i32
      %dma_start3A_1750 = tpu.memref_slice %arg9[%dma_start3A_1745, %dma_start3A_1749] : memref<6x48xi32, #tpu.memory_space<vmem>> -> memref<1x48xi32, #tpu.memory_space<vmem>>
      %dma_start3A_1751 = tpu.memref_squeeze %dma_start3A_1750 : memref<1x48xi32, #tpu.memory_space<vmem>> -> memref<48xi32, #tpu.memory_space<vmem>>
      %dma_start3A_1752 = arith.constant 0 : i32
      %dma_start3A_1753 = arith.constant 0 : i32
      %dma_start3A_1754 = tpu.memref_slice %arg2[%dma_start3A_1752, %dma_start3A_1753] : memref<451584x128xf32, #tpu.memory_space<hbm>> -> memref<451584x128xf32, #tpu.memory_space<hbm>>
      tpu.enqueue_indirect_dma source(%dma_start3A_1754 : memref<451584x128xf32, #tpu.memory_space<hbm>>) target(%dma_start3A_1748 : memref<48x128xf32, #tpu.memory_space<vmem>>) offsets(%dma_start3A_1751 : memref<48xi32, #tpu.memory_space<vmem>>) semaphore(%arg16 : memref<!tpu.dma_semaphore, #tpu.memory_space<semaphore_mem>>)
      %dma_start3A_1755 = arith.constant 4 : i32
      %dma_start3A_1756 = arith.constant 192 : i32
      %dma_start3A_1757 = arith.constant 0 : i32
      %dma_start3A_1758 = tpu.memref_slice %arg11[%dma_start3A_1756, %dma_start3A_1757] : memref<288x128xf32, #tpu.memory_space<vmem>> -> memref<48x128xf32, #tpu.memory_space<vmem>>
      %dma_start3A_1759 = arith.constant 0 : i32
      %dma_start3A_1760 = tpu.memref_slice %arg9[%dma_start3A_1755, %dma_start3A_1759] : memref<6x48xi32, #tpu.memory_space<vmem>> -> memref<1x48xi32, #tpu.memory_space<vmem>>
      %dma_start3A_1761 = tpu.memref_squeeze %dma_start3A_1760 : memref<1x48xi32, #tpu.memory_space<vmem>> -> memref<48xi32, #tpu.memory_space<vmem>>
      %dma_start3A_1762 = arith.constant 0 : i32
      %dma_start3A_1763 = arith.constant 0 : i32
      %dma_start3A_1764 = tpu.memref_slice %arg2[%dma_start3A_1762, %dma_start3A_1763] : memref<451584x128xf32, #tpu.memory_space<hbm>> -> memref<451584x128xf32, #tpu.memory_space<hbm>>
      tpu.enqueue_indirect_dma source(%dma_start3A_1764 : memref<451584x128xf32, #tpu.memory_space<hbm>>) target(%dma_start3A_1758 : memref<48x128xf32, #tpu.memory_space<vmem>>) offsets(%dma_start3A_1761 : memref<48xi32, #tpu.memory_space<vmem>>) semaphore(%arg16 : memref<!tpu.dma_semaphore, #tpu.memory_space<semaphore_mem>>)
      %dma_start3A_1765 = arith.constant 5 : i32
      %dma_start3A_1766 = arith.constant 240 : i32
      %dma_start3A_1767 = arith.constant 0 : i32
      %dma_start3A_1768 = tpu.memref_slice %arg11[%dma_start3A_1766, %dma_start3A_1767] : memref<288x128xf32, #tpu.memory_space<vmem>> -> memref<48x128xf32, #tpu.memory_space<vmem>>
      %dma_start3A_1769 = arith.constant 0 : i32
      %dma_start3A_1770 = tpu.memref_slice %arg9[%dma_start3A_1765, %dma_start3A_1769] : memref<6x48xi32, #tpu.memory_space<vmem>> -> memref<1x48xi32, #tpu.memory_space<vmem>>
      %dma_start3A_1771 = tpu.memref_squeeze %dma_start3A_1770 : memref<1x48xi32, #tpu.memory_space<vmem>> -> memref<48xi32, #tpu.memory_space<vmem>>
      %dma_start3A_1772 = arith.constant 0 : i32
      %dma_start3A_1773 = arith.constant 0 : i32
      %dma_start3A_1774 = tpu.memref_slice %arg2[%dma_start3A_1772, %dma_start3A_1773] : memref<451584x128xf32, #tpu.memory_space<hbm>> -> memref<451584x128xf32, #tpu.memory_space<hbm>>
      tpu.enqueue_indirect_dma source(%dma_start3A_1774 : memref<451584x128xf32, #tpu.memory_space<hbm>>) target(%dma_start3A_1768 : memref<48x128xf32, #tpu.memory_space<vmem>>) offsets(%dma_start3A_1771 : memref<48xi32, #tpu.memory_space<vmem>>) semaphore(%arg16 : memref<!tpu.dma_semaphore, #tpu.memory_space<semaphore_mem>>)
      %dma_wait3A = arith.constant 0 : i32
      %dma_wait3A_1775 = arith.constant 0 : i32
      %dma_wait3A_1776 = arith.constant 0 : i32
      %dma_wait3A_1777 = tpu.memref_slice %arg10[%dma_wait3A_1775, %dma_wait3A_1776] : memref<288x128xf32, #tpu.memory_space<vmem>> -> memref<48x128xf32, #tpu.memory_space<vmem>>
      %dma_wait3A_1778 = arith.constant 0 : i32
      %dma_wait3A_1779 = tpu.memref_slice %arg8[%dma_wait3A, %dma_wait3A_1778] : memref<6x48xi32, #tpu.memory_space<vmem>> -> memref<1x48xi32, #tpu.memory_space<vmem>>
      %dma_wait3A_1780 = tpu.memref_squeeze %dma_wait3A_1779 : memref<1x48xi32, #tpu.memory_space<vmem>> -> memref<48xi32, #tpu.memory_space<vmem>>
      %dma_wait3A_1781 = arith.constant 0 : i32
      %dma_wait3A_1782 = arith.constant 0 : i32
      %dma_wait3A_1783 = tpu.memref_slice %arg2[%dma_wait3A_1781, %dma_wait3A_1782] : memref<451584x128xf32, #tpu.memory_space<hbm>> -> memref<451584x128xf32, #tpu.memory_space<hbm>>
      tpu.wait_indirect_dma semaphore(%arg15 : memref<!tpu.dma_semaphore, #tpu.memory_space<semaphore_mem>>) src(%dma_wait3A_1783 : memref<451584x128xf32, #tpu.memory_space<hbm>>) dst(%dma_wait3A_1777 : memref<48x128xf32, #tpu.memory_space<vmem>>)
      %dma_wait3A_1784 = arith.constant 1 : i32
      %dma_wait3A_1785 = arith.constant 48 : i32
      %dma_wait3A_1786 = arith.constant 0 : i32
      %dma_wait3A_1787 = tpu.memref_slice %arg10[%dma_wait3A_1785, %dma_wait3A_1786] : memref<288x128xf32, #tpu.memory_space<vmem>> -> memref<48x128xf32, #tpu.memory_space<vmem>>
      %dma_wait3A_1788 = arith.constant 0 : i32
      %dma_wait3A_1789 = tpu.memref_slice %arg8[%dma_wait3A_1784, %dma_wait3A_1788] : memref<6x48xi32, #tpu.memory_space<vmem>> -> memref<1x48xi32, #tpu.memory_space<vmem>>
      %dma_wait3A_1790 = tpu.memref_squeeze %dma_wait3A_1789 : memref<1x48xi32, #tpu.memory_space<vmem>> -> memref<48xi32, #tpu.memory_space<vmem>>
      %dma_wait3A_1791 = arith.constant 0 : i32
      %dma_wait3A_1792 = arith.constant 0 : i32
      %dma_wait3A_1793 = tpu.memref_slice %arg2[%dma_wait3A_1791, %dma_wait3A_1792] : memref<451584x128xf32, #tpu.memory_space<hbm>> -> memref<451584x128xf32, #tpu.memory_space<hbm>>
      tpu.wait_indirect_dma semaphore(%arg15 : memref<!tpu.dma_semaphore, #tpu.memory_space<semaphore_mem>>) src(%dma_wait3A_1793 : memref<451584x128xf32, #tpu.memory_space<hbm>>) dst(%dma_wait3A_1787 : memref<48x128xf32, #tpu.memory_space<vmem>>)
      %dma_wait3A_1794 = arith.constant 2 : i32
      %dma_wait3A_1795 = arith.constant 96 : i32
      %dma_wait3A_1796 = arith.constant 0 : i32
      %dma_wait3A_1797 = tpu.memref_slice %arg10[%dma_wait3A_1795, %dma_wait3A_1796] : memref<288x128xf32, #tpu.memory_space<vmem>> -> memref<48x128xf32, #tpu.memory_space<vmem>>
      %dma_wait3A_1798 = arith.constant 0 : i32
      %dma_wait3A_1799 = tpu.memref_slice %arg8[%dma_wait3A_1794, %dma_wait3A_1798] : memref<6x48xi32, #tpu.memory_space<vmem>> -> memref<1x48xi32, #tpu.memory_space<vmem>>
      %dma_wait3A_1800 = tpu.memref_squeeze %dma_wait3A_1799 : memref<1x48xi32, #tpu.memory_space<vmem>> -> memref<48xi32, #tpu.memory_space<vmem>>
      %dma_wait3A_1801 = arith.constant 0 : i32
      %dma_wait3A_1802 = arith.constant 0 : i32
      %dma_wait3A_1803 = tpu.memref_slice %arg2[%dma_wait3A_1801, %dma_wait3A_1802] : memref<451584x128xf32, #tpu.memory_space<hbm>> -> memref<451584x128xf32, #tpu.memory_space<hbm>>
      tpu.wait_indirect_dma semaphore(%arg15 : memref<!tpu.dma_semaphore, #tpu.memory_space<semaphore_mem>>) src(%dma_wait3A_1803 : memref<451584x128xf32, #tpu.memory_space<hbm>>) dst(%dma_wait3A_1797 : memref<48x128xf32, #tpu.memory_space<vmem>>)
      %dma_wait3A_1804 = arith.constant 3 : i32
      %dma_wait3A_1805 = arith.constant 144 : i32
      %dma_wait3A_1806 = arith.constant 0 : i32
      %dma_wait3A_1807 = tpu.memref_slice %arg10[%dma_wait3A_1805, %dma_wait3A_1806] : memref<288x128xf32, #tpu.memory_space<vmem>> -> memref<48x128xf32, #tpu.memory_space<vmem>>
      %dma_wait3A_1808 = arith.constant 0 : i32
      %dma_wait3A_1809 = tpu.memref_slice %arg8[%dma_wait3A_1804, %dma_wait3A_1808] : memref<6x48xi32, #tpu.memory_space<vmem>> -> memref<1x48xi32, #tpu.memory_space<vmem>>
      %dma_wait3A_1810 = tpu.memref_squeeze %dma_wait3A_1809 : memref<1x48xi32, #tpu.memory_space<vmem>> -> memref<48xi32, #tpu.memory_space<vmem>>
      %dma_wait3A_1811 = arith.constant 0 : i32
      %dma_wait3A_1812 = arith.constant 0 : i32
      %dma_wait3A_1813 = tpu.memref_slice %arg2[%dma_wait3A_1811, %dma_wait3A_1812] : memref<451584x128xf32, #tpu.memory_space<hbm>> -> memref<451584x128xf32, #tpu.memory_space<hbm>>
      tpu.wait_indirect_dma semaphore(%arg15 : memref<!tpu.dma_semaphore, #tpu.memory_space<semaphore_mem>>) src(%dma_wait3A_1813 : memref<451584x128xf32, #tpu.memory_space<hbm>>) dst(%dma_wait3A_1807 : memref<48x128xf32, #tpu.memory_space<vmem>>)
      %dma_wait3A_1814 = arith.constant 4 : i32
      %dma_wait3A_1815 = arith.constant 192 : i32
      %dma_wait3A_1816 = arith.constant 0 : i32
      %dma_wait3A_1817 = tpu.memref_slice %arg10[%dma_wait3A_1815, %dma_wait3A_1816] : memref<288x128xf32, #tpu.memory_space<vmem>> -> memref<48x128xf32, #tpu.memory_space<vmem>>
      %dma_wait3A_1818 = arith.constant 0 : i32
      %dma_wait3A_1819 = tpu.memref_slice %arg8[%dma_wait3A_1814, %dma_wait3A_1818] : memref<6x48xi32, #tpu.memory_space<vmem>> -> memref<1x48xi32, #tpu.memory_space<vmem>>
      %dma_wait3A_1820 = tpu.memref_squeeze %dma_wait3A_1819 : memref<1x48xi32, #tpu.memory_space<vmem>> -> memref<48xi32, #tpu.memory_space<vmem>>
      %dma_wait3A_1821 = arith.constant 0 : i32
      %dma_wait3A_1822 = arith.constant 0 : i32
      %dma_wait3A_1823 = tpu.memref_slice %arg2[%dma_wait3A_1821, %dma_wait3A_1822] : memref<451584x128xf32, #tpu.memory_space<hbm>> -> memref<451584x128xf32, #tpu.memory_space<hbm>>
      tpu.wait_indirect_dma semaphore(%arg15 : memref<!tpu.dma_semaphore, #tpu.memory_space<semaphore_mem>>) src(%dma_wait3A_1823 : memref<451584x128xf32, #tpu.memory_space<hbm>>) dst(%dma_wait3A_1817 : memref<48x128xf32, #tpu.memory_space<vmem>>)
      %dma_wait3A_1824 = arith.constant 5 : i32
      %dma_wait3A_1825 = arith.constant 240 : i32
      %dma_wait3A_1826 = arith.constant 0 : i32
      %dma_wait3A_1827 = tpu.memref_slice %arg10[%dma_wait3A_1825, %dma_wait3A_1826] : memref<288x128xf32, #tpu.memory_space<vmem>> -> memref<48x128xf32, #tpu.memory_space<vmem>>
      %dma_wait3A_1828 = arith.constant 0 : i32
      %dma_wait3A_1829 = tpu.memref_slice %arg8[%dma_wait3A_1824, %dma_wait3A_1828] : memref<6x48xi32, #tpu.memory_space<vmem>> -> memref<1x48xi32, #tpu.memory_space<vmem>>
      %dma_wait3A_1830 = tpu.memref_squeeze %dma_wait3A_1829 : memref<1x48xi32, #tpu.memory_space<vmem>> -> memref<48xi32, #tpu.memory_space<vmem>>
      %dma_wait3A_1831 = arith.constant 0 : i32
      %dma_wait3A_1832 = arith.constant 0 : i32
      %dma_wait3A_1833 = tpu.memref_slice %arg2[%dma_wait3A_1831, %dma_wait3A_1832] : memref<451584x128xf32, #tpu.memory_space<hbm>> -> memref<451584x128xf32, #tpu.memory_space<hbm>>
      tpu.wait_indirect_dma semaphore(%arg15 : memref<!tpu.dma_semaphore, #tpu.memory_space<semaphore_mem>>) src(%dma_wait3A_1833 : memref<451584x128xf32, #tpu.memory_space<hbm>>) dst(%dma_wait3A_1827 : memref<48x128xf32, #tpu.memory_space<vmem>>)
      %scan3A_1834 = arith.constant 0 : i32
      %scan3A_1835 = arith.constant 32 : i32
      %scan3A_1836 = arith.addi %scan3A_1834, %scan3A_1835 : i32
      %scan3A_1837 = arith.constant 1 : i32
      scf.for %scan3A_1915 = %scan3A_1834 to %scan3A_1836 step %scan3A_1837  : i32 {
        %mul3A_1916 = arith.constant 9 : i32
        %mul3A_1917 = arith.muli %scan3A_1915, %mul3A_1916 : i32
        %add3A_1918 = arith.constant 0 : i32
        %add3A_1919 = arith.addi %mul3A_1917, %add3A_1918 : i32
        %get3A_1920 = arith.index_cast %add3A_1919 : i32 to index
        %get3A_1921 = arith.constant 0 : index
        %get3A_1922 = tpu.vector_load %arg10[%get3A_1920, %get3A_1921] {strides = array<i32>} : memref<288x128xf32, #tpu.memory_space<vmem>>, vector<1x16xf32>,
        %get3A_1923 = vector.shape_cast %get3A_1922 : vector<1x16xf32> to vector<16xf32>
        %add3A_1924 = arith.addf %get3A_5, %get3A_1923 : vector<16xf32>
        %add3A_1925 = arith.constant 1 : i32
        %add3A_1926 = arith.addi %mul3A_1917, %add3A_1925 : i32
        %get3A_1927 = arith.index_cast %add3A_1926 : i32 to index
        %get3A_1928 = arith.constant 0 : index
        %get3A_1929 = tpu.vector_load %arg10[%get3A_1927, %get3A_1928] {strides = array<i32>} : memref<288x128xf32, #tpu.memory_space<vmem>>, vector<1x16xf32>,
        %get3A_1930 = vector.shape_cast %get3A_1929 : vector<1x16xf32> to vector<16xf32>
        %add3A_1931 = arith.addf %add3A_1924, %get3A_1930 : vector<16xf32>
        %add3A_1932 = arith.constant 2 : i32
        %add3A_1933 = arith.addi %mul3A_1917, %add3A_1932 : i32
        %get3A_1934 = arith.index_cast %add3A_1933 : i32 to index
        %get3A_1935 = arith.constant 0 : index
        %get3A_1936 = tpu.vector_load %arg10[%get3A_1934, %get3A_1935] {strides = array<i32>} : memref<288x128xf32, #tpu.memory_space<vmem>>, vector<1x16xf32>,
        %get3A_1937 = vector.shape_cast %get3A_1936 : vector<1x16xf32> to vector<16xf32>
        %add3A_1938 = arith.addf %add3A_1931, %get3A_1937 : vector<16xf32>
        %add3A_1939 = arith.constant 3 : i32
        %add3A_1940 = arith.addi %mul3A_1917, %add3A_1939 : i32
        %get3A_1941 = arith.index_cast %add3A_1940 : i32 to index
        %get3A_1942 = arith.constant 0 : index
        %get3A_1943 = tpu.vector_load %arg10[%get3A_1941, %get3A_1942] {strides = array<i32>} : memref<288x128xf32, #tpu.memory_space<vmem>>, vector<1x16xf32>,
        %get3A_1944 = vector.shape_cast %get3A_1943 : vector<1x16xf32> to vector<16xf32>
        %add3A_1945 = arith.addf %add3A_1938, %get3A_1944 : vector<16xf32>
        %add3A_1946 = arith.constant 4 : i32
        %add3A_1947 = arith.addi %mul3A_1917, %add3A_1946 : i32
        %get3A_1948 = arith.index_cast %add3A_1947 : i32 to index
        %get3A_1949 = arith.constant 0 : index
        %get3A_1950 = tpu.vector_load %arg10[%get3A_1948, %get3A_1949] {strides = array<i32>} : memref<288x128xf32, #tpu.memory_space<vmem>>, vector<1x16xf32>,
        %get3A_1951 = vector.shape_cast %get3A_1950 : vector<1x16xf32> to vector<16xf32>
        %add3A_1952 = arith.addf %add3A_1945, %get3A_1951 : vector<16xf32>
        %add3A_1953 = arith.constant 5 : i32
        %add3A_1954 = arith.addi %mul3A_1917, %add3A_1953 : i32
        %get3A_1955 = arith.index_cast %add3A_1954 : i32 to index
        %get3A_1956 = arith.constant 0 : index
        %get3A_1957 = tpu.vector_load %arg10[%get3A_1955, %get3A_1956] {strides = array<i32>} : memref<288x128xf32, #tpu.memory_space<vmem>>, vector<1x16xf32>,
        %get3A_1958 = vector.shape_cast %get3A_1957 : vector<1x16xf32> to vector<16xf32>
        %add3A_1959 = arith.addf %add3A_1952, %get3A_1958 : vector<16xf32>
        %add3A_1960 = arith.constant 6 : i32
        %add3A_1961 = arith.addi %mul3A_1917, %add3A_1960 : i32
        %get3A_1962 = arith.index_cast %add3A_1961 : i32 to index
        %get3A_1963 = arith.constant 0 : index
        %get3A_1964 = tpu.vector_load %arg10[%get3A_1962, %get3A_1963] {strides = array<i32>} : memref<288x128xf32, #tpu.memory_space<vmem>>, vector<1x16xf32>,
        %get3A_1965 = vector.shape_cast %get3A_1964 : vector<1x16xf32> to vector<16xf32>
        %add3A_1966 = arith.addf %add3A_1959, %get3A_1965 : vector<16xf32>
        %add3A_1967 = arith.constant 7 : i32
        %add3A_1968 = arith.addi %mul3A_1917, %add3A_1967 : i32
        %get3A_1969 = arith.index_cast %add3A_1968 : i32 to index
        %get3A_1970 = arith.constant 0 : index
        %get3A_1971 = tpu.vector_load %arg10[%get3A_1969, %get3A_1970] {strides = array<i32>} : memref<288x128xf32, #tpu.memory_space<vmem>>, vector<1x16xf32>,
        %get3A_1972 = vector.shape_cast %get3A_1971 : vector<1x16xf32> to vector<16xf32>
        %add3A_1973 = arith.addf %add3A_1966, %get3A_1972 : vector<16xf32>
        %add3A_1974 = arith.constant 8 : i32
        %add3A_1975 = arith.addi %mul3A_1917, %add3A_1974 : i32
        %get3A_1976 = arith.index_cast %add3A_1975 : i32 to index
        %get3A_1977 = arith.constant 0 : index
        %get3A_1978 = tpu.vector_load %arg10[%get3A_1976, %get3A_1977] {strides = array<i32>} : memref<288x128xf32, #tpu.memory_space<vmem>>, vector<1x16xf32>,
        %get3A_1979 = vector.shape_cast %get3A_1978 : vector<1x16xf32> to vector<16xf32>
        %add3A_1980 = arith.addf %add3A_1973, %get3A_1979 : vector<16xf32>
        %swap3A_1981 = arith.index_cast %scan3A_1915 : i32 to index
        %swap3A_1982 = arith.constant 0 : index
        %swap3A_1983 = tpu.vector_load %arg12[%swap3A_1981, %swap3A_1982] {strides = array<i32>} : memref<32x128xf32, #tpu.memory_space<vmem>>, vector<1x16xf32>,
        %swap3A_1984 = vector.shape_cast %swap3A_1983 : vector<1x16xf32> to vector<16xf32>
        %swap3A_1985 = vector.shape_cast %add3A_1980 : vector<16xf32> to vector<1x16xf32>
        tpu.vector_store %arg12[%swap3A_1981, %swap3A_1982], %swap3A_1985 {strides = array<i32>} : memref<32x128xf32, #tpu.memory_space<vmem>>, vector<1x16xf32>,
        %add3A_1986 = arith.constant 0 : i32
        %add3A_1987 = arith.addi %mul3A_1917, %add3A_1986 : i32
        %get3A_1988 = arith.index_cast %add3A_1987 : i32 to index
        %get3A_1989 = arith.constant 16 : index
        %get3A_1990 = tpu.vector_load %arg10[%get3A_1988, %get3A_1989] {strides = array<i32>} : memref<288x128xf32, #tpu.memory_space<vmem>>, vector<1x16xf32>,
        %get3A_1991 = vector.shape_cast %get3A_1990 : vector<1x16xf32> to vector<16xf32>
        %add3A_1992 = arith.addf %get3A_8, %get3A_1991 : vector<16xf32>
        %add3A_1993 = arith.constant 1 : i32
        %add3A_1994 = arith.addi %mul3A_1917, %add3A_1993 : i32
        %get3A_1995 = arith.index_cast %add3A_1994 : i32 to index
        %get3A_1996 = arith.constant 16 : index
        %get3A_1997 = tpu.vector_load %arg10[%get3A_1995, %get3A_1996] {strides = array<i32>} : memref<288x128xf32, #tpu.memory_space<vmem>>, vector<1x16xf32>,
        %get3A_1998 = vector.shape_cast %get3A_1997 : vector<1x16xf32> to vector<16xf32>
        %add3A_1999 = arith.addf %add3A_1992, %get3A_1998 : vector<16xf32>
        %add3A_2000 = arith.constant 2 : i32
        %add3A_2001 = arith.addi %mul3A_1917, %add3A_2000 : i32
        %get3A_2002 = arith.index_cast %add3A_2001 : i32 to index
        %get3A_2003 = arith.constant 16 : index
        %get3A_2004 = tpu.vector_load %arg10[%get3A_2002, %get3A_2003] {strides = array<i32>} : memref<288x128xf32, #tpu.memory_space<vmem>>, vector<1x16xf32>,
        %get3A_2005 = vector.shape_cast %get3A_2004 : vector<1x16xf32> to vector<16xf32>
        %add3A_2006 = arith.addf %add3A_1999, %get3A_2005 : vector<16xf32>
        %add3A_2007 = arith.constant 3 : i32
        %add3A_2008 = arith.addi %mul3A_1917, %add3A_2007 : i32
        %get3A_2009 = arith.index_cast %add3A_2008 : i32 to index
        %get3A_2010 = arith.constant 16 : index
        %get3A_2011 = tpu.vector_load %arg10[%get3A_2009, %get3A_2010] {strides = array<i32>} : memref<288x128xf32, #tpu.memory_space<vmem>>, vector<1x16xf32>,
        %get3A_2012 = vector.shape_cast %get3A_2011 : vector<1x16xf32> to vector<16xf32>
        %add3A_2013 = arith.addf %add3A_2006, %get3A_2012 : vector<16xf32>
        %add3A_2014 = arith.constant 4 : i32
        %add3A_2015 = arith.addi %mul3A_1917, %add3A_2014 : i32
        %get3A_2016 = arith.index_cast %add3A_2015 : i32 to index
        %get3A_2017 = arith.constant 16 : index
        %get3A_2018 = tpu.vector_load %arg10[%get3A_2016, %get3A_2017] {strides = array<i32>} : memref<288x128xf32, #tpu.memory_space<vmem>>, vector<1x16xf32>,
        %get3A_2019 = vector.shape_cast %get3A_2018 : vector<1x16xf32> to vector<16xf32>
        %add3A_2020 = arith.addf %add3A_2013, %get3A_2019 : vector<16xf32>
        %add3A_2021 = arith.constant 5 : i32
        %add3A_2022 = arith.addi %mul3A_1917, %add3A_2021 : i32
        %get3A_2023 = arith.index_cast %add3A_2022 : i32 to index
        %get3A_2024 = arith.constant 16 : index
        %get3A_2025 = tpu.vector_load %arg10[%get3A_2023, %get3A_2024] {strides = array<i32>} : memref<288x128xf32, #tpu.memory_space<vmem>>, vector<1x16xf32>,
        %get3A_2026 = vector.shape_cast %get3A_2025 : vector<1x16xf32> to vector<16xf32>
        %add3A_2027 = arith.addf %add3A_2020, %get3A_2026 : vector<16xf32>
        %add3A_2028 = arith.constant 6 : i32
        %add3A_2029 = arith.addi %mul3A_1917, %add3A_2028 : i32
        %get3A_2030 = arith.index_cast %add3A_2029 : i32 to index
        %get3A_2031 = arith.constant 16 : index
        %get3A_2032 = tpu.vector_load %arg10[%get3A_2030, %get3A_2031] {strides = array<i32>} : memref<288x128xf32, #tpu.memory_space<vmem>>, vector<1x16xf32>,
        %get3A_2033 = vector.shape_cast %get3A_2032 : vector<1x16xf32> to vector<16xf32>
        %add3A_2034 = arith.addf %add3A_2027, %get3A_2033 : vector<16xf32>
        %add3A_2035 = arith.constant 7 : i32
        %add3A_2036 = arith.addi %mul3A_1917, %add3A_2035 : i32
        %get3A_2037 = arith.index_cast %add3A_2036 : i32 to index
        %get3A_2038 = arith.constant 16 : index
        %get3A_2039 = tpu.vector_load %arg10[%get3A_2037, %get3A_2038] {strides = array<i32>} : memref<288x128xf32, #tpu.memory_space<vmem>>, vector<1x16xf32>,
        %get3A_2040 = vector.shape_cast %get3A_2039 : vector<1x16xf32> to vector<16xf32>
        %add3A_2041 = arith.addf %add3A_2034, %get3A_2040 : vector<16xf32>
        %add3A_2042 = arith.constant 8 : i32
        %add3A_2043 = arith.addi %mul3A_1917, %add3A_2042 : i32
        %get3A_2044 = arith.index_cast %add3A_2043 : i32 to index
        %get3A_2045 = arith.constant 16 : index
        %get3A_2046 = tpu.vector_load %arg10[%get3A_2044, %get3A_2045] {strides = array<i32>} : memref<288x128xf32, #tpu.memory_space<vmem>>, vector<1x16xf32>,
        %get3A_2047 = vector.shape_cast %get3A_2046 : vector<1x16xf32> to vector<16xf32>
        %add3A_2048 = arith.addf %add3A_2041, %get3A_2047 : vector<16xf32>
        %swap3A_2049 = arith.index_cast %scan3A_1915 : i32 to index
        %swap3A_2050 = arith.constant 16 : index
        %swap3A_2051 = tpu.vector_load %arg12[%swap3A_2049, %swap3A_2050] {strides = array<i32>} : memref<32x128xf32, #tpu.memory_space<vmem>>, vector<1x16xf32>,
        %swap3A_2052 = vector.shape_cast %swap3A_2051 : vector<1x16xf32> to vector<16xf32>
        %swap3A_2053 = vector.shape_cast %add3A_2048 : vector<16xf32> to vector<1x16xf32>
        tpu.vector_store %arg12[%swap3A_2049, %swap3A_2050], %swap3A_2053 {strides = array<i32>} : memref<32x128xf32, #tpu.memory_space<vmem>>, vector<1x16xf32>,
        %add3A_2054 = arith.constant 0 : i32
        %add3A_2055 = arith.addi %mul3A_1917, %add3A_2054 : i32
        %get3A_2056 = arith.index_cast %add3A_2055 : i32 to index
        %get3A_2057 = arith.constant 32 : index
        %get3A_2058 = tpu.vector_load %arg10[%get3A_2056, %get3A_2057] {strides = array<i32>} : memref<288x128xf32, #tpu.memory_space<vmem>>, vector<1x16xf32>,
        %get3A_2059 = vector.shape_cast %get3A_2058 : vector<1x16xf32> to vector<16xf32>
        %add3A_2060 = arith.addf %get3A_11, %get3A_2059 : vector<16xf32>
        %add3A_2061 = arith.constant 1 : i32
        %add3A_2062 = arith.addi %mul3A_1917, %add3A_2061 : i32
        %get3A_2063 = arith.index_cast %add3A_2062 : i32 to index
        %get3A_2064 = arith.constant 32 : index
        %get3A_2065 = tpu.vector_load %arg10[%get3A_2063, %get3A_2064] {strides = array<i32>} : memref<288x128xf32, #tpu.memory_space<vmem>>, vector<1x16xf32>,
        %get3A_2066 = vector.shape_cast %get3A_2065 : vector<1x16xf32> to vector<16xf32>
        %add3A_2067 = arith.addf %add3A_2060, %get3A_2066 : vector<16xf32>
        %add3A_2068 = arith.constant 2 : i32
        %add3A_2069 = arith.addi %mul3A_1917, %add3A_2068 : i32
        %get3A_2070 = arith.index_cast %add3A_2069 : i32 to index
        %get3A_2071 = arith.constant 32 : index
        %get3A_2072 = tpu.vector_load %arg10[%get3A_2070, %get3A_2071] {strides = array<i32>} : memref<288x128xf32, #tpu.memory_space<vmem>>, vector<1x16xf32>,
        %get3A_2073 = vector.shape_cast %get3A_2072 : vector<1x16xf32> to vector<16xf32>
        %add3A_2074 = arith.addf %add3A_2067, %get3A_2073 : vector<16xf32>
        %add3A_2075 = arith.constant 3 : i32
        %add3A_2076 = arith.addi %mul3A_1917, %add3A_2075 : i32
        %get3A_2077 = arith.index_cast %add3A_2076 : i32 to index
        %get3A_2078 = arith.constant 32 : index
        %get3A_2079 = tpu.vector_load %arg10[%get3A_2077, %get3A_2078] {strides = array<i32>} : memref<288x128xf32, #tpu.memory_space<vmem>>, vector<1x16xf32>,
        %get3A_2080 = vector.shape_cast %get3A_2079 : vector<1x16xf32> to vector<16xf32>
        %add3A_2081 = arith.addf %add3A_2074, %get3A_2080 : vector<16xf32>
        %add3A_2082 = arith.constant 4 : i32
        %add3A_2083 = arith.addi %mul3A_1917, %add3A_2082 : i32
        %get3A_2084 = arith.index_cast %add3A_2083 : i32 to index
        %get3A_2085 = arith.constant 32 : index
        %get3A_2086 = tpu.vector_load %arg10[%get3A_2084, %get3A_2085] {strides = array<i32>} : memref<288x128xf32, #tpu.memory_space<vmem>>, vector<1x16xf32>,
        %get3A_2087 = vector.shape_cast %get3A_2086 : vector<1x16xf32> to vector<16xf32>
        %add3A_2088 = arith.addf %add3A_2081, %get3A_2087 : vector<16xf32>
        %add3A_2089 = arith.constant 5 : i32
        %add3A_2090 = arith.addi %mul3A_1917, %add3A_2089 : i32
        %get3A_2091 = arith.index_cast %add3A_2090 : i32 to index
        %get3A_2092 = arith.constant 32 : index
        %get3A_2093 = tpu.vector_load %arg10[%get3A_2091, %get3A_2092] {strides = array<i32>} : memref<288x128xf32, #tpu.memory_space<vmem>>, vector<1x16xf32>,
        %get3A_2094 = vector.shape_cast %get3A_2093 : vector<1x16xf32> to vector<16xf32>
        %add3A_2095 = arith.addf %add3A_2088, %get3A_2094 : vector<16xf32>
        %add3A_2096 = arith.constant 6 : i32
        %add3A_2097 = arith.addi %mul3A_1917, %add3A_2096 : i32
        %get3A_2098 = arith.index_cast %add3A_2097 : i32 to index
        %get3A_2099 = arith.constant 32 : index
        %get3A_2100 = tpu.vector_load %arg10[%get3A_2098, %get3A_2099] {strides = array<i32>} : memref<288x128xf32, #tpu.memory_space<vmem>>, vector<1x16xf32>,
        %get3A_2101 = vector.shape_cast %get3A_2100 : vector<1x16xf32> to vector<16xf32>
        %add3A_2102 = arith.addf %add3A_2095, %get3A_2101 : vector<16xf32>
        %add3A_2103 = arith.constant 7 : i32
        %add3A_2104 = arith.addi %mul3A_1917, %add3A_2103 : i32
        %get3A_2105 = arith.index_cast %add3A_2104 : i32 to index
        %get3A_2106 = arith.constant 32 : index
        %get3A_2107 = tpu.vector_load %arg10[%get3A_2105, %get3A_2106] {strides = array<i32>} : memref<288x128xf32, #tpu.memory_space<vmem>>, vector<1x16xf32>,
        %get3A_2108 = vector.shape_cast %get3A_2107 : vector<1x16xf32> to vector<16xf32>
        %add3A_2109 = arith.addf %add3A_2102, %get3A_2108 : vector<16xf32>
        %add3A_2110 = arith.constant 8 : i32
        %add3A_2111 = arith.addi %mul3A_1917, %add3A_2110 : i32
        %get3A_2112 = arith.index_cast %add3A_2111 : i32 to index
        %get3A_2113 = arith.constant 32 : index
        %get3A_2114 = tpu.vector_load %arg10[%get3A_2112, %get3A_2113] {strides = array<i32>} : memref<288x128xf32, #tpu.memory_space<vmem>>, vector<1x16xf32>,
        %get3A_2115 = vector.shape_cast %get3A_2114 : vector<1x16xf32> to vector<16xf32>
        %add3A_2116 = arith.addf %add3A_2109, %get3A_2115 : vector<16xf32>
        %swap3A_2117 = arith.index_cast %scan3A_1915 : i32 to index
        %swap3A_2118 = arith.constant 32 : index
        %swap3A_2119 = tpu.vector_load %arg12[%swap3A_2117, %swap3A_2118] {strides = array<i32>} : memref<32x128xf32, #tpu.memory_space<vmem>>, vector<1x16xf32>,
        %swap3A_2120 = vector.shape_cast %swap3A_2119 : vector<1x16xf32> to vector<16xf32>
        %swap3A_2121 = vector.shape_cast %add3A_2116 : vector<16xf32> to vector<1x16xf32>
        tpu.vector_store %arg12[%swap3A_2117, %swap3A_2118], %swap3A_2121 {strides = array<i32>} : memref<32x128xf32, #tpu.memory_space<vmem>>, vector<1x16xf32>,
        %add3A_2122 = arith.constant 0 : i32
        %add3A_2123 = arith.addi %mul3A_1917, %add3A_2122 : i32
        %get3A_2124 = arith.index_cast %add3A_2123 : i32 to index
        %get3A_2125 = arith.constant 48 : index
        %get3A_2126 = tpu.vector_load %arg10[%get3A_2124, %get3A_2125] {strides = array<i32>} : memref<288x128xf32, #tpu.memory_space<vmem>>, vector<1x16xf32>,
        %get3A_2127 = vector.shape_cast %get3A_2126 : vector<1x16xf32> to vector<16xf32>
        %add3A_2128 = arith.addf %get3A_14, %get3A_2127 : vector<16xf32>
        %add3A_2129 = arith.constant 1 : i32
        %add3A_2130 = arith.addi %mul3A_1917, %add3A_2129 : i32
        %get3A_2131 = arith.index_cast %add3A_2130 : i32 to index
        %get3A_2132 = arith.constant 48 : index
        %get3A_2133 = tpu.vector_load %arg10[%get3A_2131, %get3A_2132] {strides = array<i32>} : memref<288x128xf32, #tpu.memory_space<vmem>>, vector<1x16xf32>,
        %get3A_2134 = vector.shape_cast %get3A_2133 : vector<1x16xf32> to vector<16xf32>
        %add3A_2135 = arith.addf %add3A_2128, %get3A_2134 : vector<16xf32>
        %add3A_2136 = arith.constant 2 : i32
        %add3A_2137 = arith.addi %mul3A_1917, %add3A_2136 : i32
        %get3A_2138 = arith.index_cast %add3A_2137 : i32 to index
        %get3A_2139 = arith.constant 48 : index
        %get3A_2140 = tpu.vector_load %arg10[%get3A_2138, %get3A_2139] {strides = array<i32>} : memref<288x128xf32, #tpu.memory_space<vmem>>, vector<1x16xf32>,
        %get3A_2141 = vector.shape_cast %get3A_2140 : vector<1x16xf32> to vector<16xf32>
        %add3A_2142 = arith.addf %add3A_2135, %get3A_2141 : vector<16xf32>
        %add3A_2143 = arith.constant 3 : i32
        %add3A_2144 = arith.addi %mul3A_1917, %add3A_2143 : i32
        %get3A_2145 = arith.index_cast %add3A_2144 : i32 to index
        %get3A_2146 = arith.constant 48 : index
        %get3A_2147 = tpu.vector_load %arg10[%get3A_2145, %get3A_2146] {strides = array<i32>} : memref<288x128xf32, #tpu.memory_space<vmem>>, vector<1x16xf32>,
        %get3A_2148 = vector.shape_cast %get3A_2147 : vector<1x16xf32> to vector<16xf32>
        %add3A_2149 = arith.addf %add3A_2142, %get3A_2148 : vector<16xf32>
        %add3A_2150 = arith.constant 4 : i32
        %add3A_2151 = arith.addi %mul3A_1917, %add3A_2150 : i32
        %get3A_2152 = arith.index_cast %add3A_2151 : i32 to index
        %get3A_2153 = arith.constant 48 : index
        %get3A_2154 = tpu.vector_load %arg10[%get3A_2152, %get3A_2153] {strides = array<i32>} : memref<288x128xf32, #tpu.memory_space<vmem>>, vector<1x16xf32>,
        %get3A_2155 = vector.shape_cast %get3A_2154 : vector<1x16xf32> to vector<16xf32>
        %add3A_2156 = arith.addf %add3A_2149, %get3A_2155 : vector<16xf32>
        %add3A_2157 = arith.constant 5 : i32
        %add3A_2158 = arith.addi %mul3A_1917, %add3A_2157 : i32
        %get3A_2159 = arith.index_cast %add3A_2158 : i32 to index
        %get3A_2160 = arith.constant 48 : index
        %get3A_2161 = tpu.vector_load %arg10[%get3A_2159, %get3A_2160] {strides = array<i32>} : memref<288x128xf32, #tpu.memory_space<vmem>>, vector<1x16xf32>,
        %get3A_2162 = vector.shape_cast %get3A_2161 : vector<1x16xf32> to vector<16xf32>
        %add3A_2163 = arith.addf %add3A_2156, %get3A_2162 : vector<16xf32>
        %add3A_2164 = arith.constant 6 : i32
        %add3A_2165 = arith.addi %mul3A_1917, %add3A_2164 : i32
        %get3A_2166 = arith.index_cast %add3A_2165 : i32 to index
        %get3A_2167 = arith.constant 48 : index
        %get3A_2168 = tpu.vector_load %arg10[%get3A_2166, %get3A_2167] {strides = array<i32>} : memref<288x128xf32, #tpu.memory_space<vmem>>, vector<1x16xf32>,
        %get3A_2169 = vector.shape_cast %get3A_2168 : vector<1x16xf32> to vector<16xf32>
        %add3A_2170 = arith.addf %add3A_2163, %get3A_2169 : vector<16xf32>
        %add3A_2171 = arith.constant 7 : i32
        %add3A_2172 = arith.addi %mul3A_1917, %add3A_2171 : i32
        %get3A_2173 = arith.index_cast %add3A_2172 : i32 to index
        %get3A_2174 = arith.constant 48 : index
        %get3A_2175 = tpu.vector_load %arg10[%get3A_2173, %get3A_2174] {strides = array<i32>} : memref<288x128xf32, #tpu.memory_space<vmem>>, vector<1x16xf32>,
        %get3A_2176 = vector.shape_cast %get3A_2175 : vector<1x16xf32> to vector<16xf32>
        %add3A_2177 = arith.addf %add3A_2170, %get3A_2176 : vector<16xf32>
        %add3A_2178 = arith.constant 8 : i32
        %add3A_2179 = arith.addi %mul3A_1917, %add3A_2178 : i32
        %get3A_2180 = arith.index_cast %add3A_2179 : i32 to index
        %get3A_2181 = arith.constant 48 : index
        %get3A_2182 = tpu.vector_load %arg10[%get3A_2180, %get3A_2181] {strides = array<i32>} : memref<288x128xf32, #tpu.memory_space<vmem>>, vector<1x16xf32>,
        %get3A_2183 = vector.shape_cast %get3A_2182 : vector<1x16xf32> to vector<16xf32>
        %add3A_2184 = arith.addf %add3A_2177, %get3A_2183 : vector<16xf32>
        %swap3A_2185 = arith.index_cast %scan3A_1915 : i32 to index
        %swap3A_2186 = arith.constant 48 : index
        %swap3A_2187 = tpu.vector_load %arg12[%swap3A_2185, %swap3A_2186] {strides = array<i32>} : memref<32x128xf32, #tpu.memory_space<vmem>>, vector<1x16xf32>,
        %swap3A_2188 = vector.shape_cast %swap3A_2187 : vector<1x16xf32> to vector<16xf32>
        %swap3A_2189 = vector.shape_cast %add3A_2184 : vector<16xf32> to vector<1x16xf32>
        tpu.vector_store %arg12[%swap3A_2185, %swap3A_2186], %swap3A_2189 {strides = array<i32>} : memref<32x128xf32, #tpu.memory_space<vmem>>, vector<1x16xf32>,
        %add3A_2190 = arith.constant 0 : i32
        %add3A_2191 = arith.addi %mul3A_1917, %add3A_2190 : i32
        %get3A_2192 = arith.index_cast %add3A_2191 : i32 to index
        %get3A_2193 = arith.constant 64 : index
        %get3A_2194 = tpu.vector_load %arg10[%get3A_2192, %get3A_2193] {strides = array<i32>} : memref<288x128xf32, #tpu.memory_space<vmem>>, vector<1x16xf32>,
        %get3A_2195 = vector.shape_cast %get3A_2194 : vector<1x16xf32> to vector<16xf32>
        %add3A_2196 = arith.addf %get3A_17, %get3A_2195 : vector<16xf32>
        %add3A_2197 = arith.constant 1 : i32
        %add3A_2198 = arith.addi %mul3A_1917, %add3A_2197 : i32
        %get3A_2199 = arith.index_cast %add3A_2198 : i32 to index
        %get3A_2200 = arith.constant 64 : index
        %get3A_2201 = tpu.vector_load %arg10[%get3A_2199, %get3A_2200] {strides = array<i32>} : memref<288x128xf32, #tpu.memory_space<vmem>>, vector<1x16xf32>,
        %get3A_2202 = vector.shape_cast %get3A_2201 : vector<1x16xf32> to vector<16xf32>
        %add3A_2203 = arith.addf %add3A_2196, %get3A_2202 : vector<16xf32>
        %add3A_2204 = arith.constant 2 : i32
        %add3A_2205 = arith.addi %mul3A_1917, %add3A_2204 : i32
        %get3A_2206 = arith.index_cast %add3A_2205 : i32 to index
        %get3A_2207 = arith.constant 64 : index
        %get3A_2208 = tpu.vector_load %arg10[%get3A_2206, %get3A_2207] {strides = array<i32>} : memref<288x128xf32, #tpu.memory_space<vmem>>, vector<1x16xf32>,
        %get3A_2209 = vector.shape_cast %get3A_2208 : vector<1x16xf32> to vector<16xf32>
        %add3A_2210 = arith.addf %add3A_2203, %get3A_2209 : vector<16xf32>
        %add3A_2211 = arith.constant 3 : i32
        %add3A_2212 = arith.addi %mul3A_1917, %add3A_2211 : i32
        %get3A_2213 = arith.index_cast %add3A_2212 : i32 to index
        %get3A_2214 = arith.constant 64 : index
        %get3A_2215 = tpu.vector_load %arg10[%get3A_2213, %get3A_2214] {strides = array<i32>} : memref<288x128xf32, #tpu.memory_space<vmem>>, vector<1x16xf32>,
        %get3A_2216 = vector.shape_cast %get3A_2215 : vector<1x16xf32> to vector<16xf32>
        %add3A_2217 = arith.addf %add3A_2210, %get3A_2216 : vector<16xf32>
        %add3A_2218 = arith.constant 4 : i32
        %add3A_2219 = arith.addi %mul3A_1917, %add3A_2218 : i32
        %get3A_2220 = arith.index_cast %add3A_2219 : i32 to index
        %get3A_2221 = arith.constant 64 : index
        %get3A_2222 = tpu.vector_load %arg10[%get3A_2220, %get3A_2221] {strides = array<i32>} : memref<288x128xf32, #tpu.memory_space<vmem>>, vector<1x16xf32>,
        %get3A_2223 = vector.shape_cast %get3A_2222 : vector<1x16xf32> to vector<16xf32>
        %add3A_2224 = arith.addf %add3A_2217, %get3A_2223 : vector<16xf32>
        %add3A_2225 = arith.constant 5 : i32
        %add3A_2226 = arith.addi %mul3A_1917, %add3A_2225 : i32
        %get3A_2227 = arith.index_cast %add3A_2226 : i32 to index
        %get3A_2228 = arith.constant 64 : index
        %get3A_2229 = tpu.vector_load %arg10[%get3A_2227, %get3A_2228] {strides = array<i32>} : memref<288x128xf32, #tpu.memory_space<vmem>>, vector<1x16xf32>,
        %get3A_2230 = vector.shape_cast %get3A_2229 : vector<1x16xf32> to vector<16xf32>
        %add3A_2231 = arith.addf %add3A_2224, %get3A_2230 : vector<16xf32>
        %add3A_2232 = arith.constant 6 : i32
        %add3A_2233 = arith.addi %mul3A_1917, %add3A_2232 : i32
        %get3A_2234 = arith.index_cast %add3A_2233 : i32 to index
        %get3A_2235 = arith.constant 64 : index
        %get3A_2236 = tpu.vector_load %arg10[%get3A_2234, %get3A_2235] {strides = array<i32>} : memref<288x128xf32, #tpu.memory_space<vmem>>, vector<1x16xf32>,
        %get3A_2237 = vector.shape_cast %get3A_2236 : vector<1x16xf32> to vector<16xf32>
        %add3A_2238 = arith.addf %add3A_2231, %get3A_2237 : vector<16xf32>
        %add3A_2239 = arith.constant 7 : i32
        %add3A_2240 = arith.addi %mul3A_1917, %add3A_2239 : i32
        %get3A_2241 = arith.index_cast %add3A_2240 : i32 to index
        %get3A_2242 = arith.constant 64 : index
        %get3A_2243 = tpu.vector_load %arg10[%get3A_2241, %get3A_2242] {strides = array<i32>} : memref<288x128xf32, #tpu.memory_space<vmem>>, vector<1x16xf32>,
        %get3A_2244 = vector.shape_cast %get3A_2243 : vector<1x16xf32> to vector<16xf32>
        %add3A_2245 = arith.addf %add3A_2238, %get3A_2244 : vector<16xf32>
        %add3A_2246 = arith.constant 8 : i32
        %add3A_2247 = arith.addi %mul3A_1917, %add3A_2246 : i32
        %get3A_2248 = arith.index_cast %add3A_2247 : i32 to index
        %get3A_2249 = arith.constant 64 : index
        %get3A_2250 = tpu.vector_load %arg10[%get3A_2248, %get3A_2249] {strides = array<i32>} : memref<288x128xf32, #tpu.memory_space<vmem>>, vector<1x16xf32>,
        %get3A_2251 = vector.shape_cast %get3A_2250 : vector<1x16xf32> to vector<16xf32>
        %add3A_2252 = arith.addf %add3A_2245, %get3A_2251 : vector<16xf32>
        %swap3A_2253 = arith.index_cast %scan3A_1915 : i32 to index
        %swap3A_2254 = arith.constant 64 : index
        %swap3A_2255 = tpu.vector_load %arg12[%swap3A_2253, %swap3A_2254] {strides = array<i32>} : memref<32x128xf32, #tpu.memory_space<vmem>>, vector<1x16xf32>,
        %swap3A_2256 = vector.shape_cast %swap3A_2255 : vector<1x16xf32> to vector<16xf32>
        %swap3A_2257 = vector.shape_cast %add3A_2252 : vector<16xf32> to vector<1x16xf32>
        tpu.vector_store %arg12[%swap3A_2253, %swap3A_2254], %swap3A_2257 {strides = array<i32>} : memref<32x128xf32, #tpu.memory_space<vmem>>, vector<1x16xf32>,
        %add3A_2258 = arith.constant 0 : i32
        %add3A_2259 = arith.addi %mul3A_1917, %add3A_2258 : i32
        %get3A_2260 = arith.index_cast %add3A_2259 : i32 to index
        %get3A_2261 = arith.constant 80 : index
        %get3A_2262 = tpu.vector_load %arg10[%get3A_2260, %get3A_2261] {strides = array<i32>} : memref<288x128xf32, #tpu.memory_space<vmem>>, vector<1x16xf32>,
        %get3A_2263 = vector.shape_cast %get3A_2262 : vector<1x16xf32> to vector<16xf32>
        %add3A_2264 = arith.addf %get3A_20, %get3A_2263 : vector<16xf32>
        %add3A_2265 = arith.constant 1 : i32
        %add3A_2266 = arith.addi %mul3A_1917, %add3A_2265 : i32
        %get3A_2267 = arith.index_cast %add3A_2266 : i32 to index
        %get3A_2268 = arith.constant 80 : index
        %get3A_2269 = tpu.vector_load %arg10[%get3A_2267, %get3A_2268] {strides = array<i32>} : memref<288x128xf32, #tpu.memory_space<vmem>>, vector<1x16xf32>,
        %get3A_2270 = vector.shape_cast %get3A_2269 : vector<1x16xf32> to vector<16xf32>
        %add3A_2271 = arith.addf %add3A_2264, %get3A_2270 : vector<16xf32>
        %add3A_2272 = arith.constant 2 : i32
        %add3A_2273 = arith.addi %mul3A_1917, %add3A_2272 : i32
        %get3A_2274 = arith.index_cast %add3A_2273 : i32 to index
        %get3A_2275 = arith.constant 80 : index
        %get3A_2276 = tpu.vector_load %arg10[%get3A_2274, %get3A_2275] {strides = array<i32>} : memref<288x128xf32, #tpu.memory_space<vmem>>, vector<1x16xf32>,
        %get3A_2277 = vector.shape_cast %get3A_2276 : vector<1x16xf32> to vector<16xf32>
        %add3A_2278 = arith.addf %add3A_2271, %get3A_2277 : vector<16xf32>
        %add3A_2279 = arith.constant 3 : i32
        %add3A_2280 = arith.addi %mul3A_1917, %add3A_2279 : i32
        %get3A_2281 = arith.index_cast %add3A_2280 : i32 to index
        %get3A_2282 = arith.constant 80 : index
        %get3A_2283 = tpu.vector_load %arg10[%get3A_2281, %get3A_2282] {strides = array<i32>} : memref<288x128xf32, #tpu.memory_space<vmem>>, vector<1x16xf32>,
        %get3A_2284 = vector.shape_cast %get3A_2283 : vector<1x16xf32> to vector<16xf32>
        %add3A_2285 = arith.addf %add3A_2278, %get3A_2284 : vector<16xf32>
        %add3A_2286 = arith.constant 4 : i32
        %add3A_2287 = arith.addi %mul3A_1917, %add3A_2286 : i32
        %get3A_2288 = arith.index_cast %add3A_2287 : i32 to index
        %get3A_2289 = arith.constant 80 : index
        %get3A_2290 = tpu.vector_load %arg10[%get3A_2288, %get3A_2289] {strides = array<i32>} : memref<288x128xf32, #tpu.memory_space<vmem>>, vector<1x16xf32>,
        %get3A_2291 = vector.shape_cast %get3A_2290 : vector<1x16xf32> to vector<16xf32>
        %add3A_2292 = arith.addf %add3A_2285, %get3A_2291 : vector<16xf32>
        %add3A_2293 = arith.constant 5 : i32
        %add3A_2294 = arith.addi %mul3A_1917, %add3A_2293 : i32
        %get3A_2295 = arith.index_cast %add3A_2294 : i32 to index
        %get3A_2296 = arith.constant 80 : index
        %get3A_2297 = tpu.vector_load %arg10[%get3A_2295, %get3A_2296] {strides = array<i32>} : memref<288x128xf32, #tpu.memory_space<vmem>>, vector<1x16xf32>,
        %get3A_2298 = vector.shape_cast %get3A_2297 : vector<1x16xf32> to vector<16xf32>
        %add3A_2299 = arith.addf %add3A_2292, %get3A_2298 : vector<16xf32>
        %add3A_2300 = arith.constant 6 : i32
        %add3A_2301 = arith.addi %mul3A_1917, %add3A_2300 : i32
        %get3A_2302 = arith.index_cast %add3A_2301 : i32 to index
        %get3A_2303 = arith.constant 80 : index
        %get3A_2304 = tpu.vector_load %arg10[%get3A_2302, %get3A_2303] {strides = array<i32>} : memref<288x128xf32, #tpu.memory_space<vmem>>, vector<1x16xf32>,
        %get3A_2305 = vector.shape_cast %get3A_2304 : vector<1x16xf32> to vector<16xf32>
        %add3A_2306 = arith.addf %add3A_2299, %get3A_2305 : vector<16xf32>
        %add3A_2307 = arith.constant 7 : i32
        %add3A_2308 = arith.addi %mul3A_1917, %add3A_2307 : i32
        %get3A_2309 = arith.index_cast %add3A_2308 : i32 to index
        %get3A_2310 = arith.constant 80 : index
        %get3A_2311 = tpu.vector_load %arg10[%get3A_2309, %get3A_2310] {strides = array<i32>} : memref<288x128xf32, #tpu.memory_space<vmem>>, vector<1x16xf32>,
        %get3A_2312 = vector.shape_cast %get3A_2311 : vector<1x16xf32> to vector<16xf32>
        %add3A_2313 = arith.addf %add3A_2306, %get3A_2312 : vector<16xf32>
        %add3A_2314 = arith.constant 8 : i32
        %add3A_2315 = arith.addi %mul3A_1917, %add3A_2314 : i32
        %get3A_2316 = arith.index_cast %add3A_2315 : i32 to index
        %get3A_2317 = arith.constant 80 : index
        %get3A_2318 = tpu.vector_load %arg10[%get3A_2316, %get3A_2317] {strides = array<i32>} : memref<288x128xf32, #tpu.memory_space<vmem>>, vector<1x16xf32>,
        %get3A_2319 = vector.shape_cast %get3A_2318 : vector<1x16xf32> to vector<16xf32>
        %add3A_2320 = arith.addf %add3A_2313, %get3A_2319 : vector<16xf32>
        %swap3A_2321 = arith.index_cast %scan3A_1915 : i32 to index
        %swap3A_2322 = arith.constant 80 : index
        %swap3A_2323 = tpu.vector_load %arg12[%swap3A_2321, %swap3A_2322] {strides = array<i32>} : memref<32x128xf32, #tpu.memory_space<vmem>>, vector<1x16xf32>,
        %swap3A_2324 = vector.shape_cast %swap3A_2323 : vector<1x16xf32> to vector<16xf32>
        %swap3A_2325 = vector.shape_cast %add3A_2320 : vector<16xf32> to vector<1x16xf32>
        tpu.vector_store %arg12[%swap3A_2321, %swap3A_2322], %swap3A_2325 {strides = array<i32>} : memref<32x128xf32, #tpu.memory_space<vmem>>, vector<1x16xf32>,
        %add3A_2326 = arith.constant 0 : i32
        %add3A_2327 = arith.addi %mul3A_1917, %add3A_2326 : i32
        %get3A_2328 = arith.index_cast %add3A_2327 : i32 to index
        %get3A_2329 = arith.constant 96 : index
        %get3A_2330 = tpu.vector_load %arg10[%get3A_2328, %get3A_2329] {strides = array<i32>} : memref<288x128xf32, #tpu.memory_space<vmem>>, vector<1x16xf32>,
        %get3A_2331 = vector.shape_cast %get3A_2330 : vector<1x16xf32> to vector<16xf32>
        %add3A_2332 = arith.addf %get3A_23, %get3A_2331 : vector<16xf32>
        %add3A_2333 = arith.constant 1 : i32
        %add3A_2334 = arith.addi %mul3A_1917, %add3A_2333 : i32
        %get3A_2335 = arith.index_cast %add3A_2334 : i32 to index
        %get3A_2336 = arith.constant 96 : index
        %get3A_2337 = tpu.vector_load %arg10[%get3A_2335, %get3A_2336] {strides = array<i32>} : memref<288x128xf32, #tpu.memory_space<vmem>>, vector<1x16xf32>,
        %get3A_2338 = vector.shape_cast %get3A_2337 : vector<1x16xf32> to vector<16xf32>
        %add3A_2339 = arith.addf %add3A_2332, %get3A_2338 : vector<16xf32>
        %add3A_2340 = arith.constant 2 : i32
        %add3A_2341 = arith.addi %mul3A_1917, %add3A_2340 : i32
        %get3A_2342 = arith.index_cast %add3A_2341 : i32 to index
        %get3A_2343 = arith.constant 96 : index
        %get3A_2344 = tpu.vector_load %arg10[%get3A_2342, %get3A_2343] {strides = array<i32>} : memref<288x128xf32, #tpu.memory_space<vmem>>, vector<1x16xf32>,
        %get3A_2345 = vector.shape_cast %get3A_2344 : vector<1x16xf32> to vector<16xf32>
        %add3A_2346 = arith.addf %add3A_2339, %get3A_2345 : vector<16xf32>
        %add3A_2347 = arith.constant 3 : i32
        %add3A_2348 = arith.addi %mul3A_1917, %add3A_2347 : i32
        %get3A_2349 = arith.index_cast %add3A_2348 : i32 to index
        %get3A_2350 = arith.constant 96 : index
        %get3A_2351 = tpu.vector_load %arg10[%get3A_2349, %get3A_2350] {strides = array<i32>} : memref<288x128xf32, #tpu.memory_space<vmem>>, vector<1x16xf32>,
        %get3A_2352 = vector.shape_cast %get3A_2351 : vector<1x16xf32> to vector<16xf32>
        %add3A_2353 = arith.addf %add3A_2346, %get3A_2352 : vector<16xf32>
        %add3A_2354 = arith.constant 4 : i32
        %add3A_2355 = arith.addi %mul3A_1917, %add3A_2354 : i32
        %get3A_2356 = arith.index_cast %add3A_2355 : i32 to index
        %get3A_2357 = arith.constant 96 : index
        %get3A_2358 = tpu.vector_load %arg10[%get3A_2356, %get3A_2357] {strides = array<i32>} : memref<288x128xf32, #tpu.memory_space<vmem>>, vector<1x16xf32>,
        %get3A_2359 = vector.shape_cast %get3A_2358 : vector<1x16xf32> to vector<16xf32>
        %add3A_2360 = arith.addf %add3A_2353, %get3A_2359 : vector<16xf32>
        %add3A_2361 = arith.constant 5 : i32
        %add3A_2362 = arith.addi %mul3A_1917, %add3A_2361 : i32
        %get3A_2363 = arith.index_cast %add3A_2362 : i32 to index
        %get3A_2364 = arith.constant 96 : index
        %get3A_2365 = tpu.vector_load %arg10[%get3A_2363, %get3A_2364] {strides = array<i32>} : memref<288x128xf32, #tpu.memory_space<vmem>>, vector<1x16xf32>,
        %get3A_2366 = vector.shape_cast %get3A_2365 : vector<1x16xf32> to vector<16xf32>
        %add3A_2367 = arith.addf %add3A_2360, %get3A_2366 : vector<16xf32>
        %add3A_2368 = arith.constant 6 : i32
        %add3A_2369 = arith.addi %mul3A_1917, %add3A_2368 : i32
        %get3A_2370 = arith.index_cast %add3A_2369 : i32 to index
        %get3A_2371 = arith.constant 96 : index
        %get3A_2372 = tpu.vector_load %arg10[%get3A_2370, %get3A_2371] {strides = array<i32>} : memref<288x128xf32, #tpu.memory_space<vmem>>, vector<1x16xf32>,
        %get3A_2373 = vector.shape_cast %get3A_2372 : vector<1x16xf32> to vector<16xf32>
        %add3A_2374 = arith.addf %add3A_2367, %get3A_2373 : vector<16xf32>
        %add3A_2375 = arith.constant 7 : i32
        %add3A_2376 = arith.addi %mul3A_1917, %add3A_2375 : i32
        %get3A_2377 = arith.index_cast %add3A_2376 : i32 to index
        %get3A_2378 = arith.constant 96 : index
        %get3A_2379 = tpu.vector_load %arg10[%get3A_2377, %get3A_2378] {strides = array<i32>} : memref<288x128xf32, #tpu.memory_space<vmem>>, vector<1x16xf32>,
        %get3A_2380 = vector.shape_cast %get3A_2379 : vector<1x16xf32> to vector<16xf32>
        %add3A_2381 = arith.addf %add3A_2374, %get3A_2380 : vector<16xf32>
        %add3A_2382 = arith.constant 8 : i32
        %add3A_2383 = arith.addi %mul3A_1917, %add3A_2382 : i32
        %get3A_2384 = arith.index_cast %add3A_2383 : i32 to index
        %get3A_2385 = arith.constant 96 : index
        %get3A_2386 = tpu.vector_load %arg10[%get3A_2384, %get3A_2385] {strides = array<i32>} : memref<288x128xf32, #tpu.memory_space<vmem>>, vector<1x16xf32>,
        %get3A_2387 = vector.shape_cast %get3A_2386 : vector<1x16xf32> to vector<16xf32>
        %add3A_2388 = arith.addf %add3A_2381, %get3A_2387 : vector<16xf32>
        %swap3A_2389 = arith.index_cast %scan3A_1915 : i32 to index
        %swap3A_2390 = arith.constant 96 : index
        %swap3A_2391 = tpu.vector_load %arg12[%swap3A_2389, %swap3A_2390] {strides = array<i32>} : memref<32x128xf32, #tpu.memory_space<vmem>>, vector<1x16xf32>,
        %swap3A_2392 = vector.shape_cast %swap3A_2391 : vector<1x16xf32> to vector<16xf32>
        %swap3A_2393 = vector.shape_cast %add3A_2388 : vector<16xf32> to vector<1x16xf32>
        tpu.vector_store %arg12[%swap3A_2389, %swap3A_2390], %swap3A_2393 {strides = array<i32>} : memref<32x128xf32, #tpu.memory_space<vmem>>, vector<1x16xf32>,
        %add3A_2394 = arith.constant 0 : i32
        %add3A_2395 = arith.addi %mul3A_1917, %add3A_2394 : i32
        %get3A_2396 = arith.index_cast %add3A_2395 : i32 to index
        %get3A_2397 = arith.constant 112 : index
        %get3A_2398 = tpu.vector_load %arg10[%get3A_2396, %get3A_2397] {strides = array<i32>} : memref<288x128xf32, #tpu.memory_space<vmem>>, vector<1x16xf32>,
        %get3A_2399 = vector.shape_cast %get3A_2398 : vector<1x16xf32> to vector<16xf32>
        %add3A_2400 = arith.addf %get3A_26, %get3A_2399 : vector<16xf32>
        %add3A_2401 = arith.constant 1 : i32
        %add3A_2402 = arith.addi %mul3A_1917, %add3A_2401 : i32
        %get3A_2403 = arith.index_cast %add3A_2402 : i32 to index
        %get3A_2404 = arith.constant 112 : index
        %get3A_2405 = tpu.vector_load %arg10[%get3A_2403, %get3A_2404] {strides = array<i32>} : memref<288x128xf32, #tpu.memory_space<vmem>>, vector<1x16xf32>,
        %get3A_2406 = vector.shape_cast %get3A_2405 : vector<1x16xf32> to vector<16xf32>
        %add3A_2407 = arith.addf %add3A_2400, %get3A_2406 : vector<16xf32>
        %add3A_2408 = arith.constant 2 : i32
        %add3A_2409 = arith.addi %mul3A_1917, %add3A_2408 : i32
        %get3A_2410 = arith.index_cast %add3A_2409 : i32 to index
        %get3A_2411 = arith.constant 112 : index
        %get3A_2412 = tpu.vector_load %arg10[%get3A_2410, %get3A_2411] {strides = array<i32>} : memref<288x128xf32, #tpu.memory_space<vmem>>, vector<1x16xf32>,
        %get3A_2413 = vector.shape_cast %get3A_2412 : vector<1x16xf32> to vector<16xf32>
        %add3A_2414 = arith.addf %add3A_2407, %get3A_2413 : vector<16xf32>
        %add3A_2415 = arith.constant 3 : i32
        %add3A_2416 = arith.addi %mul3A_1917, %add3A_2415 : i32
        %get3A_2417 = arith.index_cast %add3A_2416 : i32 to index
        %get3A_2418 = arith.constant 112 : index
        %get3A_2419 = tpu.vector_load %arg10[%get3A_2417, %get3A_2418] {strides = array<i32>} : memref<288x128xf32, #tpu.memory_space<vmem>>, vector<1x16xf32>,
        %get3A_2420 = vector.shape_cast %get3A_2419 : vector<1x16xf32> to vector<16xf32>
        %add3A_2421 = arith.addf %add3A_2414, %get3A_2420 : vector<16xf32>
        %add3A_2422 = arith.constant 4 : i32
        %add3A_2423 = arith.addi %mul3A_1917, %add3A_2422 : i32
        %get3A_2424 = arith.index_cast %add3A_2423 : i32 to index
        %get3A_2425 = arith.constant 112 : index
        %get3A_2426 = tpu.vector_load %arg10[%get3A_2424, %get3A_2425] {strides = array<i32>} : memref<288x128xf32, #tpu.memory_space<vmem>>, vector<1x16xf32>,
        %get3A_2427 = vector.shape_cast %get3A_2426 : vector<1x16xf32> to vector<16xf32>
        %add3A_2428 = arith.addf %add3A_2421, %get3A_2427 : vector<16xf32>
        %add3A_2429 = arith.constant 5 : i32
        %add3A_2430 = arith.addi %mul3A_1917, %add3A_2429 : i32
        %get3A_2431 = arith.index_cast %add3A_2430 : i32 to index
        %get3A_2432 = arith.constant 112 : index
        %get3A_2433 = tpu.vector_load %arg10[%get3A_2431, %get3A_2432] {strides = array<i32>} : memref<288x128xf32, #tpu.memory_space<vmem>>, vector<1x16xf32>,
        %get3A_2434 = vector.shape_cast %get3A_2433 : vector<1x16xf32> to vector<16xf32>
        %add3A_2435 = arith.addf %add3A_2428, %get3A_2434 : vector<16xf32>
        %add3A_2436 = arith.constant 6 : i32
        %add3A_2437 = arith.addi %mul3A_1917, %add3A_2436 : i32
        %get3A_2438 = arith.index_cast %add3A_2437 : i32 to index
        %get3A_2439 = arith.constant 112 : index
        %get3A_2440 = tpu.vector_load %arg10[%get3A_2438, %get3A_2439] {strides = array<i32>} : memref<288x128xf32, #tpu.memory_space<vmem>>, vector<1x16xf32>,
        %get3A_2441 = vector.shape_cast %get3A_2440 : vector<1x16xf32> to vector<16xf32>
        %add3A_2442 = arith.addf %add3A_2435, %get3A_2441 : vector<16xf32>
        %add3A_2443 = arith.constant 7 : i32
        %add3A_2444 = arith.addi %mul3A_1917, %add3A_2443 : i32
        %get3A_2445 = arith.index_cast %add3A_2444 : i32 to index
        %get3A_2446 = arith.constant 112 : index
        %get3A_2447 = tpu.vector_load %arg10[%get3A_2445, %get3A_2446] {strides = array<i32>} : memref<288x128xf32, #tpu.memory_space<vmem>>, vector<1x16xf32>,
        %get3A_2448 = vector.shape_cast %get3A_2447 : vector<1x16xf32> to vector<16xf32>
        %add3A_2449 = arith.addf %add3A_2442, %get3A_2448 : vector<16xf32>
        %add3A_2450 = arith.constant 8 : i32
        %add3A_2451 = arith.addi %mul3A_1917, %add3A_2450 : i32
        %get3A_2452 = arith.index_cast %add3A_2451 : i32 to index
        %get3A_2453 = arith.constant 112 : index
        %get3A_2454 = tpu.vector_load %arg10[%get3A_2452, %get3A_2453] {strides = array<i32>} : memref<288x128xf32, #tpu.memory_space<vmem>>, vector<1x16xf32>,
        %get3A_2455 = vector.shape_cast %get3A_2454 : vector<1x16xf32> to vector<16xf32>
        %add3A_2456 = arith.addf %add3A_2449, %get3A_2455 : vector<16xf32>
        %swap3A_2457 = arith.index_cast %scan3A_1915 : i32 to index
        %swap3A_2458 = arith.constant 112 : index
        %swap3A_2459 = tpu.vector_load %arg12[%swap3A_2457, %swap3A_2458] {strides = array<i32>} : memref<32x128xf32, #tpu.memory_space<vmem>>, vector<1x16xf32>,
        %swap3A_2460 = vector.shape_cast %swap3A_2459 : vector<1x16xf32> to vector<16xf32>
        %swap3A_2461 = vector.shape_cast %add3A_2456 : vector<16xf32> to vector<1x16xf32>
        tpu.vector_store %arg12[%swap3A_2457, %swap3A_2458], %swap3A_2461 {strides = array<i32>} : memref<32x128xf32, #tpu.memory_space<vmem>>, vector<1x16xf32>,
      }
      %scan3A_1838 = arith.constant 32 : i32
      %mul3A_1839 = arith.constant 32 : i32
      %mul3A_1840 = arith.muli %mul3A_897, %mul3A_1839 : i32
      %add3A_1841 = arith.addi %min3A_3, %mul3A_1840 : i32
      "tpu.region"() ({
        %run_scoped3A = tpu.sem_alloc : memref<!tpu.dma_semaphore, #tpu.memory_space<semaphore_mem>>
        %dma_start3A_1915 = arith.constant 0 : i32
        %dma_start3A_1916 = tpu.memref_slice %arg5[%add3A_1841, %dma_start3A_1915] : memref<50000x128xf32, #tpu.memory_space<hbm>> -> memref<32x128xf32, #tpu.memory_space<hbm>>
        %dma_start3A_1917 = arith.constant 0 : i32
        %dma_start3A_1918 = tpu.memref_slice %arg5[%add3A_1841, %dma_start3A_1917] : memref<50000x128xf32, #tpu.memory_space<hbm>> -> memref<32x128xf32, #tpu.memory_space<hbm>>
        tpu.enqueue_dma source(%arg12 : memref<32x128xf32, #tpu.memory_space<vmem>>) target(%dma_start3A_1918 : memref<32x128xf32, #tpu.memory_space<hbm>>) target_semaphore(%run_scoped3A : memref<!tpu.dma_semaphore, #tpu.memory_space<semaphore_mem>>)
        %dma_wait3A_1919 = arith.constant 0 : i32
        %dma_wait3A_1920 = tpu.memref_slice %arg5[%add3A_1841, %dma_wait3A_1919] : memref<50000x128xf32, #tpu.memory_space<hbm>> -> memref<32x128xf32, #tpu.memory_space<hbm>>
        %dma_wait3A_1921 = arith.constant 0 : i32
        %dma_wait3A_1922 = tpu.memref_slice %arg5[%add3A_1841, %dma_wait3A_1921] : memref<50000x128xf32, #tpu.memory_space<hbm>> -> memref<32x128xf32, #tpu.memory_space<hbm>>
        tpu.wait_dma2 semaphore(%run_scoped3A : memref<!tpu.dma_semaphore, #tpu.memory_space<semaphore_mem>>) src(%arg12 : memref<32x128xf32, #tpu.memory_space<vmem>>) dst(%dma_wait3A_1922 : memref<32x128xf32, #tpu.memory_space<hbm>>)
        tpu.yield
      }) : () -> ()
      %lt3A_1842 = arith.constant 24 : i32
      %lt3A_1843 = arith.cmpi slt, %scan3A_895, %lt3A_1842 : i32
      %convert_element_type3A = arith.extui %lt3A_1843 : i1 to i32
      %cond3A = arith.constant 0 : i32
      %cond3A_1844 = arith.cmpi ne, %convert_element_type3A, %cond3A : i32
      scf.if %cond3A_1844 {
        %add3A_1915 = arith.constant 2 : i32
        %add3A_1916 = arith.addi %mul3A_897, %add3A_1915 : i32
        %mul3A_1917 = arith.constant 32 : i32
        %mul3A_1918 = arith.muli %add3A_1916, %mul3A_1917 : i32
        %add3A_1919 = arith.addi %min3A_3, %mul3A_1918 : i32
        %mul3A_1920 = arith.constant 9 : i32
        %mul3A_1921 = arith.muli %add3A_1919, %mul3A_1920 : i32
        "tpu.region"() ({
          %run_scoped3A = tpu.sem_alloc : memref<!tpu.dma_semaphore, #tpu.memory_space<semaphore_mem>>
          %dma_start3A_2792 = tpu.memref_slice %arg3[%mul3A_1921] : memref<450000xi32, #tpu.memory_space<hbm>> -> memref<288xi32, #tpu.memory_space<hbm>>
          %dma_start3A_2793 = tpu.memref_slice %arg3[%mul3A_1921] : memref<450000xi32, #tpu.memory_space<hbm>> -> memref<288xi32, #tpu.memory_space<hbm>>
          tpu.enqueue_dma source(%dma_start3A_2793 : memref<288xi32, #tpu.memory_space<hbm>>) target(%arg6 : memref<288xi32, #tpu.memory_space<vmem>>) target_semaphore(%run_scoped3A : memref<!tpu.dma_semaphore, #tpu.memory_space<semaphore_mem>>)
          %dma_wait3A_2794 = tpu.memref_slice %arg3[%mul3A_1921] : memref<450000xi32, #tpu.memory_space<hbm>> -> memref<288xi32, #tpu.memory_space<hbm>>
          %dma_wait3A_2795 = tpu.memref_slice %arg3[%mul3A_1921] : memref<450000xi32, #tpu.memory_space<hbm>> -> memref<288xi32, #tpu.memory_space<hbm>>
          tpu.wait_dma2 semaphore(%run_scoped3A : memref<!tpu.dma_semaphore, #tpu.memory_space<semaphore_mem>>) src(%dma_wait3A_2795 : memref<288xi32, #tpu.memory_space<hbm>>) dst(%arg6 : memref<288xi32, #tpu.memory_space<vmem>>)
          tpu.yield
        }) : () -> ()
        %get3A_1922 = arith.constant 0 : index
        %get3A_1923 = tpu.vector_load %arg6[%get3A_1922] {strides = array<i32>} : memref<288xi32, #tpu.memory_space<vmem>>, vector<16xi32>,
        %get3A_1924 = vector.shape_cast %get3A_1923 : vector<16xi32> to vector<16xi32>
        %lt3A_1925 = arith.constant 0 : i32
        %lt3A_1926 = vector.broadcast %lt3A_1925 : i32 to vector<16xi32>
        %lt3A_1927 = arith.cmpi slt, %get3A_1924, %lt3A_1926 : vector<16xi32>
        %jit3A_1928 = arith.constant 50000 : i32
        %broadcast_in_dim3A_1929 = vector.broadcast %jit3A_1928 : i32 to vector<16xi32>
        %select_n3A_1930 = arith.select %lt3A_1927, %broadcast_in_dim3A_1929, %get3A_1924 : vector<16xi1>, vector<16xi32>
        %iota3A_1931 = tpu.iota {dimensions = array<i32: 0>} : vector<16xi32>
        %add3A_1932 = arith.constant 0 : i32
        %add3A_1933 = vector.broadcast %add3A_1932 : i32 to vector<16xi32>
        %add3A_1934 = arith.addi %iota3A_1931, %add3A_1933 : vector<16xi32>
        %jit3A_1935 = arith.constant 9 : i32
        %eq3A_1936 = arith.constant 0 : i32
        %eq3A_1937 = arith.cmpi eq, %jit3A_1935, %eq3A_1936 : i32
        %jit3A_1938 = arith.constant 1 : i32
        %select_n3A_1939 = arith.select %eq3A_1937, %jit3A_1938, %jit3A_1935 : i32
        %rem3A_1940 = vector.broadcast %select_n3A_1939 : i32 to vector<16xi32>
        %rem3A_1941 = arith.remsi %add3A_1934, %rem3A_1940 : vector<16xi32>
        %ne3A_1942 = arith.constant 0 : i32
        %ne3A_1943 = vector.broadcast %ne3A_1942 : i32 to vector<16xi32>
        %ne3A_1944 = arith.cmpi ne, %rem3A_1941, %ne3A_1943 : vector<16xi32>
        %lt3A_1945 = arith.constant 0 : i32
        %lt3A_1946 = vector.broadcast %lt3A_1945 : i32 to vector<16xi32>
        %lt3A_1947 = arith.cmpi slt, %rem3A_1941, %lt3A_1946 : vector<16xi32>
        %lt3A_1948 = arith.constant 0 : i32
        %lt3A_1949 = arith.cmpi slt, %select_n3A_1939, %lt3A_1948 : i32
        %ne3A_1950 = vector.broadcast %lt3A_1949 : i1 to vector<16xi1>
        %ne3A_1951 = vector.broadcast %ne3A_1950 : vector<16xi1> to vector<16xi1>
        %ne3A_1952 = arith.xori %lt3A_1947, %ne3A_1951 : vector<16xi1>
        %and3A_1953 = arith.andi %ne3A_1952, %ne3A_1944 : vector<16xi1>
        %add3A_1954 = vector.broadcast %select_n3A_1939 : i32 to vector<16xi32>
        %add3A_1955 = arith.addi %rem3A_1941, %add3A_1954 : vector<16xi32>
        %select_n3A_1956 = arith.select %and3A_1953, %add3A_1955, %rem3A_1941 : vector<16xi1>, vector<16xi32>
        %mul3A_1957 = arith.constant 50176 : i32
        %mul3A_1958 = vector.broadcast %mul3A_1957 : i32 to vector<16xi32>
        %mul3A_1959 = arith.muli %select_n3A_1956, %mul3A_1958 : vector<16xi32>
        %add3A_1960 = arith.addi %select_n3A_1930, %mul3A_1959 : vector<16xi32>
        %swap3A_1961 = arith.constant 0 : i32
        %swap3A_1962 = arith.index_cast %swap3A_1961 : i32 to index
        %swap3A_1963 = arith.constant 0 : index
        %swap3A_1964 = tpu.vector_load %arg8[%swap3A_1962, %swap3A_1963] {strides = array<i32>} : memref<6x48xi32, #tpu.memory_space<vmem>>, vector<1x16xi32>,
        %swap3A_1965 = vector.shape_cast %swap3A_1964 : vector<1x16xi32> to vector<16xi32>
        %swap3A_1966 = vector.shape_cast %add3A_1960 : vector<16xi32> to vector<1x16xi32>
        tpu.vector_store %arg8[%swap3A_1962, %swap3A_1963], %swap3A_1966 {strides = array<i32>} : memref<6x48xi32, #tpu.memory_space<vmem>>, vector<1x16xi32>,
        %get3A_1967 = arith.constant 16 : index
        %get3A_1968 = tpu.vector_load %arg6[%get3A_1967] {strides = array<i32>} : memref<288xi32, #tpu.memory_space<vmem>>, vector<16xi32>,
        %get3A_1969 = vector.shape_cast %get3A_1968 : vector<16xi32> to vector<16xi32>
        %lt3A_1970 = arith.constant 0 : i32
        %lt3A_1971 = vector.broadcast %lt3A_1970 : i32 to vector<16xi32>
        %lt3A_1972 = arith.cmpi slt, %get3A_1969, %lt3A_1971 : vector<16xi32>
        %jit3A_1973 = arith.constant 50000 : i32
        %broadcast_in_dim3A_1974 = vector.broadcast %jit3A_1973 : i32 to vector<16xi32>
        %select_n3A_1975 = arith.select %lt3A_1972, %broadcast_in_dim3A_1974, %get3A_1969 : vector<16xi1>, vector<16xi32>
        %iota3A_1976 = tpu.iota {dimensions = array<i32: 0>} : vector<16xi32>
        %add3A_1977 = arith.constant 7 : i32
        %add3A_1978 = vector.broadcast %add3A_1977 : i32 to vector<16xi32>
        %add3A_1979 = arith.addi %iota3A_1976, %add3A_1978 : vector<16xi32>
        %jit3A_1980 = arith.constant 9 : i32
        %eq3A_1981 = arith.constant 0 : i32
        %eq3A_1982 = arith.cmpi eq, %jit3A_1980, %eq3A_1981 : i32
        %jit3A_1983 = arith.constant 1 : i32
        %select_n3A_1984 = arith.select %eq3A_1982, %jit3A_1983, %jit3A_1980 : i32
        %rem3A_1985 = vector.broadcast %select_n3A_1984 : i32 to vector<16xi32>
        %rem3A_1986 = arith.remsi %add3A_1979, %rem3A_1985 : vector<16xi32>
        %ne3A_1987 = arith.constant 0 : i32
        %ne3A_1988 = vector.broadcast %ne3A_1987 : i32 to vector<16xi32>
        %ne3A_1989 = arith.cmpi ne, %rem3A_1986, %ne3A_1988 : vector<16xi32>
        %lt3A_1990 = arith.constant 0 : i32
        %lt3A_1991 = vector.broadcast %lt3A_1990 : i32 to vector<16xi32>
        %lt3A_1992 = arith.cmpi slt, %rem3A_1986, %lt3A_1991 : vector<16xi32>
        %lt3A_1993 = arith.constant 0 : i32
        %lt3A_1994 = arith.cmpi slt, %select_n3A_1984, %lt3A_1993 : i32
        %ne3A_1995 = vector.broadcast %lt3A_1994 : i1 to vector<16xi1>
        %ne3A_1996 = vector.broadcast %ne3A_1995 : vector<16xi1> to vector<16xi1>
        %ne3A_1997 = arith.xori %lt3A_1992, %ne3A_1996 : vector<16xi1>
        %and3A_1998 = arith.andi %ne3A_1997, %ne3A_1989 : vector<16xi1>
        %add3A_1999 = vector.broadcast %select_n3A_1984 : i32 to vector<16xi32>
        %add3A_2000 = arith.addi %rem3A_1986, %add3A_1999 : vector<16xi32>
        %select_n3A_2001 = arith.select %and3A_1998, %add3A_2000, %rem3A_1986 : vector<16xi1>, vector<16xi32>
        %mul3A_2002 = arith.constant 50176 : i32
        %mul3A_2003 = vector.broadcast %mul3A_2002 : i32 to vector<16xi32>
        %mul3A_2004 = arith.muli %select_n3A_2001, %mul3A_2003 : vector<16xi32>
        %add3A_2005 = arith.addi %select_n3A_1975, %mul3A_2004 : vector<16xi32>
        %swap3A_2006 = arith.constant 0 : i32
        %swap3A_2007 = arith.index_cast %swap3A_2006 : i32 to index
        %swap3A_2008 = arith.constant 16 : index
        %swap3A_2009 = tpu.vector_load %arg8[%swap3A_2007, %swap3A_2008] {strides = array<i32>} : memref<6x48xi32, #tpu.memory_space<vmem>>, vector<1x16xi32>,
        %swap3A_2010 = vector.shape_cast %swap3A_2009 : vector<1x16xi32> to vector<16xi32>
        %swap3A_2011 = vector.shape_cast %add3A_2005 : vector<16xi32> to vector<1x16xi32>
        tpu.vector_store %arg8[%swap3A_2007, %swap3A_2008], %swap3A_2011 {strides = array<i32>} : memref<6x48xi32, #tpu.memory_space<vmem>>, vector<1x16xi32>,
        %get3A_2012 = arith.constant 32 : index
        %get3A_2013 = tpu.vector_load %arg6[%get3A_2012] {strides = array<i32>} : memref<288xi32, #tpu.memory_space<vmem>>, vector<16xi32>,
        %get3A_2014 = vector.shape_cast %get3A_2013 : vector<16xi32> to vector<16xi32>
        %lt3A_2015 = arith.constant 0 : i32
        %lt3A_2016 = vector.broadcast %lt3A_2015 : i32 to vector<16xi32>
        %lt3A_2017 = arith.cmpi slt, %get3A_2014, %lt3A_2016 : vector<16xi32>
        %jit3A_2018 = arith.constant 50000 : i32
        %broadcast_in_dim3A_2019 = vector.broadcast %jit3A_2018 : i32 to vector<16xi32>
        %select_n3A_2020 = arith.select %lt3A_2017, %broadcast_in_dim3A_2019, %get3A_2014 : vector<16xi1>, vector<16xi32>
        %iota3A_2021 = tpu.iota {dimensions = array<i32: 0>} : vector<16xi32>
        %add3A_2022 = arith.constant 5 : i32
        %add3A_2023 = vector.broadcast %add3A_2022 : i32 to vector<16xi32>
        %add3A_2024 = arith.addi %iota3A_2021, %add3A_2023 : vector<16xi32>
        %jit3A_2025 = arith.constant 9 : i32
        %eq3A_2026 = arith.constant 0 : i32
        %eq3A_2027 = arith.cmpi eq, %jit3A_2025, %eq3A_2026 : i32
        %jit3A_2028 = arith.constant 1 : i32
        %select_n3A_2029 = arith.select %eq3A_2027, %jit3A_2028, %jit3A_2025 : i32
        %rem3A_2030 = vector.broadcast %select_n3A_2029 : i32 to vector<16xi32>
        %rem3A_2031 = arith.remsi %add3A_2024, %rem3A_2030 : vector<16xi32>
        %ne3A_2032 = arith.constant 0 : i32
        %ne3A_2033 = vector.broadcast %ne3A_2032 : i32 to vector<16xi32>
        %ne3A_2034 = arith.cmpi ne, %rem3A_2031, %ne3A_2033 : vector<16xi32>
        %lt3A_2035 = arith.constant 0 : i32
        %lt3A_2036 = vector.broadcast %lt3A_2035 : i32 to vector<16xi32>
        %lt3A_2037 = arith.cmpi slt, %rem3A_2031, %lt3A_2036 : vector<16xi32>
        %lt3A_2038 = arith.constant 0 : i32
        %lt3A_2039 = arith.cmpi slt, %select_n3A_2029, %lt3A_2038 : i32
        %ne3A_2040 = vector.broadcast %lt3A_2039 : i1 to vector<16xi1>
        %ne3A_2041 = vector.broadcast %ne3A_2040 : vector<16xi1> to vector<16xi1>
        %ne3A_2042 = arith.xori %lt3A_2037, %ne3A_2041 : vector<16xi1>
        %and3A_2043 = arith.andi %ne3A_2042, %ne3A_2034 : vector<16xi1>
        %add3A_2044 = vector.broadcast %select_n3A_2029 : i32 to vector<16xi32>
        %add3A_2045 = arith.addi %rem3A_2031, %add3A_2044 : vector<16xi32>
        %select_n3A_2046 = arith.select %and3A_2043, %add3A_2045, %rem3A_2031 : vector<16xi1>, vector<16xi32>
        %mul3A_2047 = arith.constant 50176 : i32
        %mul3A_2048 = vector.broadcast %mul3A_2047 : i32 to vector<16xi32>
        %mul3A_2049 = arith.muli %select_n3A_2046, %mul3A_2048 : vector<16xi32>
        %add3A_2050 = arith.addi %select_n3A_2020, %mul3A_2049 : vector<16xi32>
        %swap3A_2051 = arith.constant 0 : i32
        %swap3A_2052 = arith.index_cast %swap3A_2051 : i32 to index
        %swap3A_2053 = arith.constant 32 : index
        %swap3A_2054 = tpu.vector_load %arg8[%swap3A_2052, %swap3A_2053] {strides = array<i32>} : memref<6x48xi32, #tpu.memory_space<vmem>>, vector<1x16xi32>,
        %swap3A_2055 = vector.shape_cast %swap3A_2054 : vector<1x16xi32> to vector<16xi32>
        %swap3A_2056 = vector.shape_cast %add3A_2050 : vector<16xi32> to vector<1x16xi32>
        tpu.vector_store %arg8[%swap3A_2052, %swap3A_2053], %swap3A_2056 {strides = array<i32>} : memref<6x48xi32, #tpu.memory_space<vmem>>, vector<1x16xi32>,
        %get3A_2057 = arith.constant 48 : index
        %get3A_2058 = tpu.vector_load %arg6[%get3A_2057] {strides = array<i32>} : memref<288xi32, #tpu.memory_space<vmem>>, vector<16xi32>,
        %get3A_2059 = vector.shape_cast %get3A_2058 : vector<16xi32> to vector<16xi32>
        %lt3A_2060 = arith.constant 0 : i32
        %lt3A_2061 = vector.broadcast %lt3A_2060 : i32 to vector<16xi32>
        %lt3A_2062 = arith.cmpi slt, %get3A_2059, %lt3A_2061 : vector<16xi32>
        %jit3A_2063 = arith.constant 50000 : i32
        %broadcast_in_dim3A_2064 = vector.broadcast %jit3A_2063 : i32 to vector<16xi32>
        %select_n3A_2065 = arith.select %lt3A_2062, %broadcast_in_dim3A_2064, %get3A_2059 : vector<16xi1>, vector<16xi32>
        %iota3A_2066 = tpu.iota {dimensions = array<i32: 0>} : vector<16xi32>
        %add3A_2067 = arith.constant 3 : i32
        %add3A_2068 = vector.broadcast %add3A_2067 : i32 to vector<16xi32>
        %add3A_2069 = arith.addi %iota3A_2066, %add3A_2068 : vector<16xi32>
        %jit3A_2070 = arith.constant 9 : i32
        %eq3A_2071 = arith.constant 0 : i32
        %eq3A_2072 = arith.cmpi eq, %jit3A_2070, %eq3A_2071 : i32
        %jit3A_2073 = arith.constant 1 : i32
        %select_n3A_2074 = arith.select %eq3A_2072, %jit3A_2073, %jit3A_2070 : i32
        %rem3A_2075 = vector.broadcast %select_n3A_2074 : i32 to vector<16xi32>
        %rem3A_2076 = arith.remsi %add3A_2069, %rem3A_2075 : vector<16xi32>
        %ne3A_2077 = arith.constant 0 : i32
        %ne3A_2078 = vector.broadcast %ne3A_2077 : i32 to vector<16xi32>
        %ne3A_2079 = arith.cmpi ne, %rem3A_2076, %ne3A_2078 : vector<16xi32>
        %lt3A_2080 = arith.constant 0 : i32
        %lt3A_2081 = vector.broadcast %lt3A_2080 : i32 to vector<16xi32>
        %lt3A_2082 = arith.cmpi slt, %rem3A_2076, %lt3A_2081 : vector<16xi32>
        %lt3A_2083 = arith.constant 0 : i32
        %lt3A_2084 = arith.cmpi slt, %select_n3A_2074, %lt3A_2083 : i32
        %ne3A_2085 = vector.broadcast %lt3A_2084 : i1 to vector<16xi1>
        %ne3A_2086 = vector.broadcast %ne3A_2085 : vector<16xi1> to vector<16xi1>
        %ne3A_2087 = arith.xori %lt3A_2082, %ne3A_2086 : vector<16xi1>
        %and3A_2088 = arith.andi %ne3A_2087, %ne3A_2079 : vector<16xi1>
        %add3A_2089 = vector.broadcast %select_n3A_2074 : i32 to vector<16xi32>
        %add3A_2090 = arith.addi %rem3A_2076, %add3A_2089 : vector<16xi32>
        %select_n3A_2091 = arith.select %and3A_2088, %add3A_2090, %rem3A_2076 : vector<16xi1>, vector<16xi32>
        %mul3A_2092 = arith.constant 50176 : i32
        %mul3A_2093 = vector.broadcast %mul3A_2092 : i32 to vector<16xi32>
        %mul3A_2094 = arith.muli %select_n3A_2091, %mul3A_2093 : vector<16xi32>
        %add3A_2095 = arith.addi %select_n3A_2065, %mul3A_2094 : vector<16xi32>
        %swap3A_2096 = arith.constant 1 : i32
        %swap3A_2097 = arith.index_cast %swap3A_2096 : i32 to index
        %swap3A_2098 = arith.constant 0 : index
        %swap3A_2099 = tpu.vector_load %arg8[%swap3A_2097, %swap3A_2098] {strides = array<i32>} : memref<6x48xi32, #tpu.memory_space<vmem>>, vector<1x16xi32>,
        %swap3A_2100 = vector.shape_cast %swap3A_2099 : vector<1x16xi32> to vector<16xi32>
        %swap3A_2101 = vector.shape_cast %add3A_2095 : vector<16xi32> to vector<1x16xi32>
        tpu.vector_store %arg8[%swap3A_2097, %swap3A_2098], %swap3A_2101 {strides = array<i32>} : memref<6x48xi32, #tpu.memory_space<vmem>>, vector<1x16xi32>,
        %get3A_2102 = arith.constant 64 : index
        %get3A_2103 = tpu.vector_load %arg6[%get3A_2102] {strides = array<i32>} : memref<288xi32, #tpu.memory_space<vmem>>, vector<16xi32>,
        %get3A_2104 = vector.shape_cast %get3A_2103 : vector<16xi32> to vector<16xi32>
        %lt3A_2105 = arith.constant 0 : i32
        %lt3A_2106 = vector.broadcast %lt3A_2105 : i32 to vector<16xi32>
        %lt3A_2107 = arith.cmpi slt, %get3A_2104, %lt3A_2106 : vector<16xi32>
        %jit3A_2108 = arith.constant 50000 : i32
        %broadcast_in_dim3A_2109 = vector.broadcast %jit3A_2108 : i32 to vector<16xi32>
        %select_n3A_2110 = arith.select %lt3A_2107, %broadcast_in_dim3A_2109, %get3A_2104 : vector<16xi1>, vector<16xi32>
        %iota3A_2111 = tpu.iota {dimensions = array<i32: 0>} : vector<16xi32>
        %add3A_2112 = arith.constant 1 : i32
        %add3A_2113 = vector.broadcast %add3A_2112 : i32 to vector<16xi32>
        %add3A_2114 = arith.addi %iota3A_2111, %add3A_2113 : vector<16xi32>
        %jit3A_2115 = arith.constant 9 : i32
        %eq3A_2116 = arith.constant 0 : i32
        %eq3A_2117 = arith.cmpi eq, %jit3A_2115, %eq3A_2116 : i32
        %jit3A_2118 = arith.constant 1 : i32
        %select_n3A_2119 = arith.select %eq3A_2117, %jit3A_2118, %jit3A_2115 : i32
        %rem3A_2120 = vector.broadcast %select_n3A_2119 : i32 to vector<16xi32>
        %rem3A_2121 = arith.remsi %add3A_2114, %rem3A_2120 : vector<16xi32>
        %ne3A_2122 = arith.constant 0 : i32
        %ne3A_2123 = vector.broadcast %ne3A_2122 : i32 to vector<16xi32>
        %ne3A_2124 = arith.cmpi ne, %rem3A_2121, %ne3A_2123 : vector<16xi32>
        %lt3A_2125 = arith.constant 0 : i32
        %lt3A_2126 = vector.broadcast %lt3A_2125 : i32 to vector<16xi32>
        %lt3A_2127 = arith.cmpi slt, %rem3A_2121, %lt3A_2126 : vector<16xi32>
        %lt3A_2128 = arith.constant 0 : i32
        %lt3A_2129 = arith.cmpi slt, %select_n3A_2119, %lt3A_2128 : i32
        %ne3A_2130 = vector.broadcast %lt3A_2129 : i1 to vector<16xi1>
        %ne3A_2131 = vector.broadcast %ne3A_2130 : vector<16xi1> to vector<16xi1>
        %ne3A_2132 = arith.xori %lt3A_2127, %ne3A_2131 : vector<16xi1>
        %and3A_2133 = arith.andi %ne3A_2132, %ne3A_2124 : vector<16xi1>
        %add3A_2134 = vector.broadcast %select_n3A_2119 : i32 to vector<16xi32>
        %add3A_2135 = arith.addi %rem3A_2121, %add3A_2134 : vector<16xi32>
        %select_n3A_2136 = arith.select %and3A_2133, %add3A_2135, %rem3A_2121 : vector<16xi1>, vector<16xi32>
        %mul3A_2137 = arith.constant 50176 : i32
        %mul3A_2138 = vector.broadcast %mul3A_2137 : i32 to vector<16xi32>
        %mul3A_2139 = arith.muli %select_n3A_2136, %mul3A_2138 : vector<16xi32>
        %add3A_2140 = arith.addi %select_n3A_2110, %mul3A_2139 : vector<16xi32>
        %swap3A_2141 = arith.constant 1 : i32
        %swap3A_2142 = arith.index_cast %swap3A_2141 : i32 to index
        %swap3A_2143 = arith.constant 16 : index
        %swap3A_2144 = tpu.vector_load %arg8[%swap3A_2142, %swap3A_2143] {strides = array<i32>} : memref<6x48xi32, #tpu.memory_space<vmem>>, vector<1x16xi32>,
        %swap3A_2145 = vector.shape_cast %swap3A_2144 : vector<1x16xi32> to vector<16xi32>
        %swap3A_2146 = vector.shape_cast %add3A_2140 : vector<16xi32> to vector<1x16xi32>
        tpu.vector_store %arg8[%swap3A_2142, %swap3A_2143], %swap3A_2146 {strides = array<i32>} : memref<6x48xi32, #tpu.memory_space<vmem>>, vector<1x16xi32>,
        %get3A_2147 = arith.constant 80 : index
        %get3A_2148 = tpu.vector_load %arg6[%get3A_2147] {strides = array<i32>} : memref<288xi32, #tpu.memory_space<vmem>>, vector<16xi32>,
        %get3A_2149 = vector.shape_cast %get3A_2148 : vector<16xi32> to vector<16xi32>
        %lt3A_2150 = arith.constant 0 : i32
        %lt3A_2151 = vector.broadcast %lt3A_2150 : i32 to vector<16xi32>
        %lt3A_2152 = arith.cmpi slt, %get3A_2149, %lt3A_2151 : vector<16xi32>
        %jit3A_2153 = arith.constant 50000 : i32
        %broadcast_in_dim3A_2154 = vector.broadcast %jit3A_2153 : i32 to vector<16xi32>
        %select_n3A_2155 = arith.select %lt3A_2152, %broadcast_in_dim3A_2154, %get3A_2149 : vector<16xi1>, vector<16xi32>
        %iota3A_2156 = tpu.iota {dimensions = array<i32: 0>} : vector<16xi32>
        %add3A_2157 = arith.constant 8 : i32
        %add3A_2158 = vector.broadcast %add3A_2157 : i32 to vector<16xi32>
        %add3A_2159 = arith.addi %iota3A_2156, %add3A_2158 : vector<16xi32>
        %jit3A_2160 = arith.constant 9 : i32
        %eq3A_2161 = arith.constant 0 : i32
        %eq3A_2162 = arith.cmpi eq, %jit3A_2160, %eq3A_2161 : i32
        %jit3A_2163 = arith.constant 1 : i32
        %select_n3A_2164 = arith.select %eq3A_2162, %jit3A_2163, %jit3A_2160 : i32
        %rem3A_2165 = vector.broadcast %select_n3A_2164 : i32 to vector<16xi32>
        %rem3A_2166 = arith.remsi %add3A_2159, %rem3A_2165 : vector<16xi32>
        %ne3A_2167 = arith.constant 0 : i32
        %ne3A_2168 = vector.broadcast %ne3A_2167 : i32 to vector<16xi32>
        %ne3A_2169 = arith.cmpi ne, %rem3A_2166, %ne3A_2168 : vector<16xi32>
        %lt3A_2170 = arith.constant 0 : i32
        %lt3A_2171 = vector.broadcast %lt3A_2170 : i32 to vector<16xi32>
        %lt3A_2172 = arith.cmpi slt, %rem3A_2166, %lt3A_2171 : vector<16xi32>
        %lt3A_2173 = arith.constant 0 : i32
        %lt3A_2174 = arith.cmpi slt, %select_n3A_2164, %lt3A_2173 : i32
        %ne3A_2175 = vector.broadcast %lt3A_2174 : i1 to vector<16xi1>
        %ne3A_2176 = vector.broadcast %ne3A_2175 : vector<16xi1> to vector<16xi1>
        %ne3A_2177 = arith.xori %lt3A_2172, %ne3A_2176 : vector<16xi1>
        %and3A_2178 = arith.andi %ne3A_2177, %ne3A_2169 : vector<16xi1>
        %add3A_2179 = vector.broadcast %select_n3A_2164 : i32 to vector<16xi32>
        %add3A_2180 = arith.addi %rem3A_2166, %add3A_2179 : vector<16xi32>
        %select_n3A_2181 = arith.select %and3A_2178, %add3A_2180, %rem3A_2166 : vector<16xi1>, vector<16xi32>
        %mul3A_2182 = arith.constant 50176 : i32
        %mul3A_2183 = vector.broadcast %mul3A_2182 : i32 to vector<16xi32>
        %mul3A_2184 = arith.muli %select_n3A_2181, %mul3A_2183 : vector<16xi32>
        %add3A_2185 = arith.addi %select_n3A_2155, %mul3A_2184 : vector<16xi32>
        %swap3A_2186 = arith.constant 1 : i32
        %swap3A_2187 = arith.index_cast %swap3A_2186 : i32 to index
        %swap3A_2188 = arith.constant 32 : index
        %swap3A_2189 = tpu.vector_load %arg8[%swap3A_2187, %swap3A_2188] {strides = array<i32>} : memref<6x48xi32, #tpu.memory_space<vmem>>, vector<1x16xi32>,
        %swap3A_2190 = vector.shape_cast %swap3A_2189 : vector<1x16xi32> to vector<16xi32>
        %swap3A_2191 = vector.shape_cast %add3A_2185 : vector<16xi32> to vector<1x16xi32>
        tpu.vector_store %arg8[%swap3A_2187, %swap3A_2188], %swap3A_2191 {strides = array<i32>} : memref<6x48xi32, #tpu.memory_space<vmem>>, vector<1x16xi32>,
        %get3A_2192 = arith.constant 96 : index
        %get3A_2193 = tpu.vector_load %arg6[%get3A_2192] {strides = array<i32>} : memref<288xi32, #tpu.memory_space<vmem>>, vector<16xi32>,
        %get3A_2194 = vector.shape_cast %get3A_2193 : vector<16xi32> to vector<16xi32>
        %lt3A_2195 = arith.constant 0 : i32
        %lt3A_2196 = vector.broadcast %lt3A_2195 : i32 to vector<16xi32>
        %lt3A_2197 = arith.cmpi slt, %get3A_2194, %lt3A_2196 : vector<16xi32>
        %jit3A_2198 = arith.constant 50000 : i32
        %broadcast_in_dim3A_2199 = vector.broadcast %jit3A_2198 : i32 to vector<16xi32>
        %select_n3A_2200 = arith.select %lt3A_2197, %broadcast_in_dim3A_2199, %get3A_2194 : vector<16xi1>, vector<16xi32>
        %iota3A_2201 = tpu.iota {dimensions = array<i32: 0>} : vector<16xi32>
        %add3A_2202 = arith.constant 6 : i32
        %add3A_2203 = vector.broadcast %add3A_2202 : i32 to vector<16xi32>
        %add3A_2204 = arith.addi %iota3A_2201, %add3A_2203 : vector<16xi32>
        %jit3A_2205 = arith.constant 9 : i32
        %eq3A_2206 = arith.constant 0 : i32
        %eq3A_2207 = arith.cmpi eq, %jit3A_2205, %eq3A_2206 : i32
        %jit3A_2208 = arith.constant 1 : i32
        %select_n3A_2209 = arith.select %eq3A_2207, %jit3A_2208, %jit3A_2205 : i32
        %rem3A_2210 = vector.broadcast %select_n3A_2209 : i32 to vector<16xi32>
        %rem3A_2211 = arith.remsi %add3A_2204, %rem3A_2210 : vector<16xi32>
        %ne3A_2212 = arith.constant 0 : i32
        %ne3A_2213 = vector.broadcast %ne3A_2212 : i32 to vector<16xi32>
        %ne3A_2214 = arith.cmpi ne, %rem3A_2211, %ne3A_2213 : vector<16xi32>
        %lt3A_2215 = arith.constant 0 : i32
        %lt3A_2216 = vector.broadcast %lt3A_2215 : i32 to vector<16xi32>
        %lt3A_2217 = arith.cmpi slt, %rem3A_2211, %lt3A_2216 : vector<16xi32>
        %lt3A_2218 = arith.constant 0 : i32
        %lt3A_2219 = arith.cmpi slt, %select_n3A_2209, %lt3A_2218 : i32
        %ne3A_2220 = vector.broadcast %lt3A_2219 : i1 to vector<16xi1>
        %ne3A_2221 = vector.broadcast %ne3A_2220 : vector<16xi1> to vector<16xi1>
        %ne3A_2222 = arith.xori %lt3A_2217, %ne3A_2221 : vector<16xi1>
        %and3A_2223 = arith.andi %ne3A_2222, %ne3A_2214 : vector<16xi1>
        %add3A_2224 = vector.broadcast %select_n3A_2209 : i32 to vector<16xi32>
        %add3A_2225 = arith.addi %rem3A_2211, %add3A_2224 : vector<16xi32>
        %select_n3A_2226 = arith.select %and3A_2223, %add3A_2225, %rem3A_2211 : vector<16xi1>, vector<16xi32>
        %mul3A_2227 = arith.constant 50176 : i32
        %mul3A_2228 = vector.broadcast %mul3A_2227 : i32 to vector<16xi32>
        %mul3A_2229 = arith.muli %select_n3A_2226, %mul3A_2228 : vector<16xi32>
        %add3A_2230 = arith.addi %select_n3A_2200, %mul3A_2229 : vector<16xi32>
        %swap3A_2231 = arith.constant 2 : i32
        %swap3A_2232 = arith.index_cast %swap3A_2231 : i32 to index
        %swap3A_2233 = arith.constant 0 : index
        %swap3A_2234 = tpu.vector_load %arg8[%swap3A_2232, %swap3A_2233] {strides = array<i32>} : memref<6x48xi32, #tpu.memory_space<vmem>>, vector<1x16xi32>,
        %swap3A_2235 = vector.shape_cast %swap3A_2234 : vector<1x16xi32> to vector<16xi32>
        %swap3A_2236 = vector.shape_cast %add3A_2230 : vector<16xi32> to vector<1x16xi32>
        tpu.vector_store %arg8[%swap3A_2232, %swap3A_2233], %swap3A_2236 {strides = array<i32>} : memref<6x48xi32, #tpu.memory_space<vmem>>, vector<1x16xi32>,
        %get3A_2237 = arith.constant 112 : index
        %get3A_2238 = tpu.vector_load %arg6[%get3A_2237] {strides = array<i32>} : memref<288xi32, #tpu.memory_space<vmem>>, vector<16xi32>,
        %get3A_2239 = vector.shape_cast %get3A_2238 : vector<16xi32> to vector<16xi32>
        %lt3A_2240 = arith.constant 0 : i32
        %lt3A_2241 = vector.broadcast %lt3A_2240 : i32 to vector<16xi32>
        %lt3A_2242 = arith.cmpi slt, %get3A_2239, %lt3A_2241 : vector<16xi32>
        %jit3A_2243 = arith.constant 50000 : i32
        %broadcast_in_dim3A_2244 = vector.broadcast %jit3A_2243 : i32 to vector<16xi32>
        %select_n3A_2245 = arith.select %lt3A_2242, %broadcast_in_dim3A_2244, %get3A_2239 : vector<16xi1>, vector<16xi32>
        %iota3A_2246 = tpu.iota {dimensions = array<i32: 0>} : vector<16xi32>
        %add3A_2247 = arith.constant 4 : i32
        %add3A_2248 = vector.broadcast %add3A_2247 : i32 to vector<16xi32>
        %add3A_2249 = arith.addi %iota3A_2246, %add3A_2248 : vector<16xi32>
        %jit3A_2250 = arith.constant 9 : i32
        %eq3A_2251 = arith.constant 0 : i32
        %eq3A_2252 = arith.cmpi eq, %jit3A_2250, %eq3A_2251 : i32
        %jit3A_2253 = arith.constant 1 : i32
        %select_n3A_2254 = arith.select %eq3A_2252, %jit3A_2253, %jit3A_2250 : i32
        %rem3A_2255 = vector.broadcast %select_n3A_2254 : i32 to vector<16xi32>
        %rem3A_2256 = arith.remsi %add3A_2249, %rem3A_2255 : vector<16xi32>
        %ne3A_2257 = arith.constant 0 : i32
        %ne3A_2258 = vector.broadcast %ne3A_2257 : i32 to vector<16xi32>
        %ne3A_2259 = arith.cmpi ne, %rem3A_2256, %ne3A_2258 : vector<16xi32>
        %lt3A_2260 = arith.constant 0 : i32
        %lt3A_2261 = vector.broadcast %lt3A_2260 : i32 to vector<16xi32>
        %lt3A_2262 = arith.cmpi slt, %rem3A_2256, %lt3A_2261 : vector<16xi32>
        %lt3A_2263 = arith.constant 0 : i32
        %lt3A_2264 = arith.cmpi slt, %select_n3A_2254, %lt3A_2263 : i32
        %ne3A_2265 = vector.broadcast %lt3A_2264 : i1 to vector<16xi1>
        %ne3A_2266 = vector.broadcast %ne3A_2265 : vector<16xi1> to vector<16xi1>
        %ne3A_2267 = arith.xori %lt3A_2262, %ne3A_2266 : vector<16xi1>
        %and3A_2268 = arith.andi %ne3A_2267, %ne3A_2259 : vector<16xi1>
        %add3A_2269 = vector.broadcast %select_n3A_2254 : i32 to vector<16xi32>
        %add3A_2270 = arith.addi %rem3A_2256, %add3A_2269 : vector<16xi32>
        %select_n3A_2271 = arith.select %and3A_2268, %add3A_2270, %rem3A_2256 : vector<16xi1>, vector<16xi32>
        %mul3A_2272 = arith.constant 50176 : i32
        %mul3A_2273 = vector.broadcast %mul3A_2272 : i32 to vector<16xi32>
        %mul3A_2274 = arith.muli %select_n3A_2271, %mul3A_2273 : vector<16xi32>
        %add3A_2275 = arith.addi %select_n3A_2245, %mul3A_2274 : vector<16xi32>
        %swap3A_2276 = arith.constant 2 : i32
        %swap3A_2277 = arith.index_cast %swap3A_2276 : i32 to index
        %swap3A_2278 = arith.constant 16 : index
        %swap3A_2279 = tpu.vector_load %arg8[%swap3A_2277, %swap3A_2278] {strides = array<i32>} : memref<6x48xi32, #tpu.memory_space<vmem>>, vector<1x16xi32>,
        %swap3A_2280 = vector.shape_cast %swap3A_2279 : vector<1x16xi32> to vector<16xi32>
        %swap3A_2281 = vector.shape_cast %add3A_2275 : vector<16xi32> to vector<1x16xi32>
        tpu.vector_store %arg8[%swap3A_2277, %swap3A_2278], %swap3A_2281 {strides = array<i32>} : memref<6x48xi32, #tpu.memory_space<vmem>>, vector<1x16xi32>,
        %get3A_2282 = arith.constant 128 : index
        %get3A_2283 = tpu.vector_load %arg6[%get3A_2282] {strides = array<i32>} : memref<288xi32, #tpu.memory_space<vmem>>, vector<16xi32>,
        %get3A_2284 = vector.shape_cast %get3A_2283 : vector<16xi32> to vector<16xi32>
        %lt3A_2285 = arith.constant 0 : i32
        %lt3A_2286 = vector.broadcast %lt3A_2285 : i32 to vector<16xi32>
        %lt3A_2287 = arith.cmpi slt, %get3A_2284, %lt3A_2286 : vector<16xi32>
        %jit3A_2288 = arith.constant 50000 : i32
        %broadcast_in_dim3A_2289 = vector.broadcast %jit3A_2288 : i32 to vector<16xi32>
        %select_n3A_2290 = arith.select %lt3A_2287, %broadcast_in_dim3A_2289, %get3A_2284 : vector<16xi1>, vector<16xi32>
        %iota3A_2291 = tpu.iota {dimensions = array<i32: 0>} : vector<16xi32>
        %add3A_2292 = arith.constant 2 : i32
        %add3A_2293 = vector.broadcast %add3A_2292 : i32 to vector<16xi32>
        %add3A_2294 = arith.addi %iota3A_2291, %add3A_2293 : vector<16xi32>
        %jit3A_2295 = arith.constant 9 : i32
        %eq3A_2296 = arith.constant 0 : i32
        %eq3A_2297 = arith.cmpi eq, %jit3A_2295, %eq3A_2296 : i32
        %jit3A_2298 = arith.constant 1 : i32
        %select_n3A_2299 = arith.select %eq3A_2297, %jit3A_2298, %jit3A_2295 : i32
        %rem3A_2300 = vector.broadcast %select_n3A_2299 : i32 to vector<16xi32>
        %rem3A_2301 = arith.remsi %add3A_2294, %rem3A_2300 : vector<16xi32>
        %ne3A_2302 = arith.constant 0 : i32
        %ne3A_2303 = vector.broadcast %ne3A_2302 : i32 to vector<16xi32>
        %ne3A_2304 = arith.cmpi ne, %rem3A_2301, %ne3A_2303 : vector<16xi32>
        %lt3A_2305 = arith.constant 0 : i32
        %lt3A_2306 = vector.broadcast %lt3A_2305 : i32 to vector<16xi32>
        %lt3A_2307 = arith.cmpi slt, %rem3A_2301, %lt3A_2306 : vector<16xi32>
        %lt3A_2308 = arith.constant 0 : i32
        %lt3A_2309 = arith.cmpi slt, %select_n3A_2299, %lt3A_2308 : i32
        %ne3A_2310 = vector.broadcast %lt3A_2309 : i1 to vector<16xi1>
        %ne3A_2311 = vector.broadcast %ne3A_2310 : vector<16xi1> to vector<16xi1>
        %ne3A_2312 = arith.xori %lt3A_2307, %ne3A_2311 : vector<16xi1>
        %and3A_2313 = arith.andi %ne3A_2312, %ne3A_2304 : vector<16xi1>
        %add3A_2314 = vector.broadcast %select_n3A_2299 : i32 to vector<16xi32>
        %add3A_2315 = arith.addi %rem3A_2301, %add3A_2314 : vector<16xi32>
        %select_n3A_2316 = arith.select %and3A_2313, %add3A_2315, %rem3A_2301 : vector<16xi1>, vector<16xi32>
        %mul3A_2317 = arith.constant 50176 : i32
        %mul3A_2318 = vector.broadcast %mul3A_2317 : i32 to vector<16xi32>
        %mul3A_2319 = arith.muli %select_n3A_2316, %mul3A_2318 : vector<16xi32>
        %add3A_2320 = arith.addi %select_n3A_2290, %mul3A_2319 : vector<16xi32>
        %swap3A_2321 = arith.constant 2 : i32
        %swap3A_2322 = arith.index_cast %swap3A_2321 : i32 to index
        %swap3A_2323 = arith.constant 32 : index
        %swap3A_2324 = tpu.vector_load %arg8[%swap3A_2322, %swap3A_2323] {strides = array<i32>} : memref<6x48xi32, #tpu.memory_space<vmem>>, vector<1x16xi32>,
        %swap3A_2325 = vector.shape_cast %swap3A_2324 : vector<1x16xi32> to vector<16xi32>
        %swap3A_2326 = vector.shape_cast %add3A_2320 : vector<16xi32> to vector<1x16xi32>
        tpu.vector_store %arg8[%swap3A_2322, %swap3A_2323], %swap3A_2326 {strides = array<i32>} : memref<6x48xi32, #tpu.memory_space<vmem>>, vector<1x16xi32>,
        %get3A_2327 = arith.constant 144 : index
        %get3A_2328 = tpu.vector_load %arg6[%get3A_2327] {strides = array<i32>} : memref<288xi32, #tpu.memory_space<vmem>>, vector<16xi32>,
        %get3A_2329 = vector.shape_cast %get3A_2328 : vector<16xi32> to vector<16xi32>
        %lt3A_2330 = arith.constant 0 : i32
        %lt3A_2331 = vector.broadcast %lt3A_2330 : i32 to vector<16xi32>
        %lt3A_2332 = arith.cmpi slt, %get3A_2329, %lt3A_2331 : vector<16xi32>
        %jit3A_2333 = arith.constant 50000 : i32
        %broadcast_in_dim3A_2334 = vector.broadcast %jit3A_2333 : i32 to vector<16xi32>
        %select_n3A_2335 = arith.select %lt3A_2332, %broadcast_in_dim3A_2334, %get3A_2329 : vector<16xi1>, vector<16xi32>
        %iota3A_2336 = tpu.iota {dimensions = array<i32: 0>} : vector<16xi32>
        %add3A_2337 = arith.constant 0 : i32
        %add3A_2338 = vector.broadcast %add3A_2337 : i32 to vector<16xi32>
        %add3A_2339 = arith.addi %iota3A_2336, %add3A_2338 : vector<16xi32>
        %jit3A_2340 = arith.constant 9 : i32
        %eq3A_2341 = arith.constant 0 : i32
        %eq3A_2342 = arith.cmpi eq, %jit3A_2340, %eq3A_2341 : i32
        %jit3A_2343 = arith.constant 1 : i32
        %select_n3A_2344 = arith.select %eq3A_2342, %jit3A_2343, %jit3A_2340 : i32
        %rem3A_2345 = vector.broadcast %select_n3A_2344 : i32 to vector<16xi32>
        %rem3A_2346 = arith.remsi %add3A_2339, %rem3A_2345 : vector<16xi32>
        %ne3A_2347 = arith.constant 0 : i32
        %ne3A_2348 = vector.broadcast %ne3A_2347 : i32 to vector<16xi32>
        %ne3A_2349 = arith.cmpi ne, %rem3A_2346, %ne3A_2348 : vector<16xi32>
        %lt3A_2350 = arith.constant 0 : i32
        %lt3A_2351 = vector.broadcast %lt3A_2350 : i32 to vector<16xi32>
        %lt3A_2352 = arith.cmpi slt, %rem3A_2346, %lt3A_2351 : vector<16xi32>
        %lt3A_2353 = arith.constant 0 : i32
        %lt3A_2354 = arith.cmpi slt, %select_n3A_2344, %lt3A_2353 : i32
        %ne3A_2355 = vector.broadcast %lt3A_2354 : i1 to vector<16xi1>
        %ne3A_2356 = vector.broadcast %ne3A_2355 : vector<16xi1> to vector<16xi1>
        %ne3A_2357 = arith.xori %lt3A_2352, %ne3A_2356 : vector<16xi1>
        %and3A_2358 = arith.andi %ne3A_2357, %ne3A_2349 : vector<16xi1>
        %add3A_2359 = vector.broadcast %select_n3A_2344 : i32 to vector<16xi32>
        %add3A_2360 = arith.addi %rem3A_2346, %add3A_2359 : vector<16xi32>
        %select_n3A_2361 = arith.select %and3A_2358, %add3A_2360, %rem3A_2346 : vector<16xi1>, vector<16xi32>
        %mul3A_2362 = arith.constant 50176 : i32
        %mul3A_2363 = vector.broadcast %mul3A_2362 : i32 to vector<16xi32>
        %mul3A_2364 = arith.muli %select_n3A_2361, %mul3A_2363 : vector<16xi32>
        %add3A_2365 = arith.addi %select_n3A_2335, %mul3A_2364 : vector<16xi32>
        %swap3A_2366 = arith.constant 3 : i32
        %swap3A_2367 = arith.index_cast %swap3A_2366 : i32 to index
        %swap3A_2368 = arith.constant 0 : index
        %swap3A_2369 = tpu.vector_load %arg8[%swap3A_2367, %swap3A_2368] {strides = array<i32>} : memref<6x48xi32, #tpu.memory_space<vmem>>, vector<1x16xi32>,
        %swap3A_2370 = vector.shape_cast %swap3A_2369 : vector<1x16xi32> to vector<16xi32>
        %swap3A_2371 = vector.shape_cast %add3A_2365 : vector<16xi32> to vector<1x16xi32>
        tpu.vector_store %arg8[%swap3A_2367, %swap3A_2368], %swap3A_2371 {strides = array<i32>} : memref<6x48xi32, #tpu.memory_space<vmem>>, vector<1x16xi32>,
        %get3A_2372 = arith.constant 160 : index
        %get3A_2373 = tpu.vector_load %arg6[%get3A_2372] {strides = array<i32>} : memref<288xi32, #tpu.memory_space<vmem>>, vector<16xi32>,
        %get3A_2374 = vector.shape_cast %get3A_2373 : vector<16xi32> to vector<16xi32>
        %lt3A_2375 = arith.constant 0 : i32
        %lt3A_2376 = vector.broadcast %lt3A_2375 : i32 to vector<16xi32>
        %lt3A_2377 = arith.cmpi slt, %get3A_2374, %lt3A_2376 : vector<16xi32>
        %jit3A_2378 = arith.constant 50000 : i32
        %broadcast_in_dim3A_2379 = vector.broadcast %jit3A_2378 : i32 to vector<16xi32>
        %select_n3A_2380 = arith.select %lt3A_2377, %broadcast_in_dim3A_2379, %get3A_2374 : vector<16xi1>, vector<16xi32>
        %iota3A_2381 = tpu.iota {dimensions = array<i32: 0>} : vector<16xi32>
        %add3A_2382 = arith.constant 7 : i32
        %add3A_2383 = vector.broadcast %add3A_2382 : i32 to vector<16xi32>
        %add3A_2384 = arith.addi %iota3A_2381, %add3A_2383 : vector<16xi32>
        %jit3A_2385 = arith.constant 9 : i32
        %eq3A_2386 = arith.constant 0 : i32
        %eq3A_2387 = arith.cmpi eq, %jit3A_2385, %eq3A_2386 : i32
        %jit3A_2388 = arith.constant 1 : i32
        %select_n3A_2389 = arith.select %eq3A_2387, %jit3A_2388, %jit3A_2385 : i32
        %rem3A_2390 = vector.broadcast %select_n3A_2389 : i32 to vector<16xi32>
        %rem3A_2391 = arith.remsi %add3A_2384, %rem3A_2390 : vector<16xi32>
        %ne3A_2392 = arith.constant 0 : i32
        %ne3A_2393 = vector.broadcast %ne3A_2392 : i32 to vector<16xi32>
        %ne3A_2394 = arith.cmpi ne, %rem3A_2391, %ne3A_2393 : vector<16xi32>
        %lt3A_2395 = arith.constant 0 : i32
        %lt3A_2396 = vector.broadcast %lt3A_2395 : i32 to vector<16xi32>
        %lt3A_2397 = arith.cmpi slt, %rem3A_2391, %lt3A_2396 : vector<16xi32>
        %lt3A_2398 = arith.constant 0 : i32
        %lt3A_2399 = arith.cmpi slt, %select_n3A_2389, %lt3A_2398 : i32
        %ne3A_2400 = vector.broadcast %lt3A_2399 : i1 to vector<16xi1>
        %ne3A_2401 = vector.broadcast %ne3A_2400 : vector<16xi1> to vector<16xi1>
        %ne3A_2402 = arith.xori %lt3A_2397, %ne3A_2401 : vector<16xi1>
        %and3A_2403 = arith.andi %ne3A_2402, %ne3A_2394 : vector<16xi1>
        %add3A_2404 = vector.broadcast %select_n3A_2389 : i32 to vector<16xi32>
        %add3A_2405 = arith.addi %rem3A_2391, %add3A_2404 : vector<16xi32>
        %select_n3A_2406 = arith.select %and3A_2403, %add3A_2405, %rem3A_2391 : vector<16xi1>, vector<16xi32>
        %mul3A_2407 = arith.constant 50176 : i32
        %mul3A_2408 = vector.broadcast %mul3A_2407 : i32 to vector<16xi32>
        %mul3A_2409 = arith.muli %select_n3A_2406, %mul3A_2408 : vector<16xi32>
        %add3A_2410 = arith.addi %select_n3A_2380, %mul3A_2409 : vector<16xi32>
        %swap3A_2411 = arith.constant 3 : i32
        %swap3A_2412 = arith.index_cast %swap3A_2411 : i32 to index
        %swap3A_2413 = arith.constant 16 : index
        %swap3A_2414 = tpu.vector_load %arg8[%swap3A_2412, %swap3A_2413] {strides = array<i32>} : memref<6x48xi32, #tpu.memory_space<vmem>>, vector<1x16xi32>,
        %swap3A_2415 = vector.shape_cast %swap3A_2414 : vector<1x16xi32> to vector<16xi32>
        %swap3A_2416 = vector.shape_cast %add3A_2410 : vector<16xi32> to vector<1x16xi32>
        tpu.vector_store %arg8[%swap3A_2412, %swap3A_2413], %swap3A_2416 {strides = array<i32>} : memref<6x48xi32, #tpu.memory_space<vmem>>, vector<1x16xi32>,
        %get3A_2417 = arith.constant 176 : index
        %get3A_2418 = tpu.vector_load %arg6[%get3A_2417] {strides = array<i32>} : memref<288xi32, #tpu.memory_space<vmem>>, vector<16xi32>,
        %get3A_2419 = vector.shape_cast %get3A_2418 : vector<16xi32> to vector<16xi32>
        %lt3A_2420 = arith.constant 0 : i32
        %lt3A_2421 = vector.broadcast %lt3A_2420 : i32 to vector<16xi32>
        %lt3A_2422 = arith.cmpi slt, %get3A_2419, %lt3A_2421 : vector<16xi32>
        %jit3A_2423 = arith.constant 50000 : i32
        %broadcast_in_dim3A_2424 = vector.broadcast %jit3A_2423 : i32 to vector<16xi32>
        %select_n3A_2425 = arith.select %lt3A_2422, %broadcast_in_dim3A_2424, %get3A_2419 : vector<16xi1>, vector<16xi32>
        %iota3A_2426 = tpu.iota {dimensions = array<i32: 0>} : vector<16xi32>
        %add3A_2427 = arith.constant 5 : i32
        %add3A_2428 = vector.broadcast %add3A_2427 : i32 to vector<16xi32>
        %add3A_2429 = arith.addi %iota3A_2426, %add3A_2428 : vector<16xi32>
        %jit3A_2430 = arith.constant 9 : i32
        %eq3A_2431 = arith.constant 0 : i32
        %eq3A_2432 = arith.cmpi eq, %jit3A_2430, %eq3A_2431 : i32
        %jit3A_2433 = arith.constant 1 : i32
        %select_n3A_2434 = arith.select %eq3A_2432, %jit3A_2433, %jit3A_2430 : i32
        %rem3A_2435 = vector.broadcast %select_n3A_2434 : i32 to vector<16xi32>
        %rem3A_2436 = arith.remsi %add3A_2429, %rem3A_2435 : vector<16xi32>
        %ne3A_2437 = arith.constant 0 : i32
        %ne3A_2438 = vector.broadcast %ne3A_2437 : i32 to vector<16xi32>
        %ne3A_2439 = arith.cmpi ne, %rem3A_2436, %ne3A_2438 : vector<16xi32>
        %lt3A_2440 = arith.constant 0 : i32
        %lt3A_2441 = vector.broadcast %lt3A_2440 : i32 to vector<16xi32>
        %lt3A_2442 = arith.cmpi slt, %rem3A_2436, %lt3A_2441 : vector<16xi32>
        %lt3A_2443 = arith.constant 0 : i32
        %lt3A_2444 = arith.cmpi slt, %select_n3A_2434, %lt3A_2443 : i32
        %ne3A_2445 = vector.broadcast %lt3A_2444 : i1 to vector<16xi1>
        %ne3A_2446 = vector.broadcast %ne3A_2445 : vector<16xi1> to vector<16xi1>
        %ne3A_2447 = arith.xori %lt3A_2442, %ne3A_2446 : vector<16xi1>
        %and3A_2448 = arith.andi %ne3A_2447, %ne3A_2439 : vector<16xi1>
        %add3A_2449 = vector.broadcast %select_n3A_2434 : i32 to vector<16xi32>
        %add3A_2450 = arith.addi %rem3A_2436, %add3A_2449 : vector<16xi32>
        %select_n3A_2451 = arith.select %and3A_2448, %add3A_2450, %rem3A_2436 : vector<16xi1>, vector<16xi32>
        %mul3A_2452 = arith.constant 50176 : i32
        %mul3A_2453 = vector.broadcast %mul3A_2452 : i32 to vector<16xi32>
        %mul3A_2454 = arith.muli %select_n3A_2451, %mul3A_2453 : vector<16xi32>
        %add3A_2455 = arith.addi %select_n3A_2425, %mul3A_2454 : vector<16xi32>
        %swap3A_2456 = arith.constant 3 : i32
        %swap3A_2457 = arith.index_cast %swap3A_2456 : i32 to index
        %swap3A_2458 = arith.constant 32 : index
        %swap3A_2459 = tpu.vector_load %arg8[%swap3A_2457, %swap3A_2458] {strides = array<i32>} : memref<6x48xi32, #tpu.memory_space<vmem>>, vector<1x16xi32>,
        %swap3A_2460 = vector.shape_cast %swap3A_2459 : vector<1x16xi32> to vector<16xi32>
        %swap3A_2461 = vector.shape_cast %add3A_2455 : vector<16xi32> to vector<1x16xi32>
        tpu.vector_store %arg8[%swap3A_2457, %swap3A_2458], %swap3A_2461 {strides = array<i32>} : memref<6x48xi32, #tpu.memory_space<vmem>>, vector<1x16xi32>,
        %get3A_2462 = arith.constant 192 : index
        %get3A_2463 = tpu.vector_load %arg6[%get3A_2462] {strides = array<i32>} : memref<288xi32, #tpu.memory_space<vmem>>, vector<16xi32>,
        %get3A_2464 = vector.shape_cast %get3A_2463 : vector<16xi32> to vector<16xi32>
        %lt3A_2465 = arith.constant 0 : i32
        %lt3A_2466 = vector.broadcast %lt3A_2465 : i32 to vector<16xi32>
        %lt3A_2467 = arith.cmpi slt, %get3A_2464, %lt3A_2466 : vector<16xi32>
        %jit3A_2468 = arith.constant 50000 : i32
        %broadcast_in_dim3A_2469 = vector.broadcast %jit3A_2468 : i32 to vector<16xi32>
        %select_n3A_2470 = arith.select %lt3A_2467, %broadcast_in_dim3A_2469, %get3A_2464 : vector<16xi1>, vector<16xi32>
        %iota3A_2471 = tpu.iota {dimensions = array<i32: 0>} : vector<16xi32>
        %add3A_2472 = arith.constant 3 : i32
        %add3A_2473 = vector.broadcast %add3A_2472 : i32 to vector<16xi32>
        %add3A_2474 = arith.addi %iota3A_2471, %add3A_2473 : vector<16xi32>
        %jit3A_2475 = arith.constant 9 : i32
        %eq3A_2476 = arith.constant 0 : i32
        %eq3A_2477 = arith.cmpi eq, %jit3A_2475, %eq3A_2476 : i32
        %jit3A_2478 = arith.constant 1 : i32
        %select_n3A_2479 = arith.select %eq3A_2477, %jit3A_2478, %jit3A_2475 : i32
        %rem3A_2480 = vector.broadcast %select_n3A_2479 : i32 to vector<16xi32>
        %rem3A_2481 = arith.remsi %add3A_2474, %rem3A_2480 : vector<16xi32>
        %ne3A_2482 = arith.constant 0 : i32
        %ne3A_2483 = vector.broadcast %ne3A_2482 : i32 to vector<16xi32>
        %ne3A_2484 = arith.cmpi ne, %rem3A_2481, %ne3A_2483 : vector<16xi32>
        %lt3A_2485 = arith.constant 0 : i32
        %lt3A_2486 = vector.broadcast %lt3A_2485 : i32 to vector<16xi32>
        %lt3A_2487 = arith.cmpi slt, %rem3A_2481, %lt3A_2486 : vector<16xi32>
        %lt3A_2488 = arith.constant 0 : i32
        %lt3A_2489 = arith.cmpi slt, %select_n3A_2479, %lt3A_2488 : i32
        %ne3A_2490 = vector.broadcast %lt3A_2489 : i1 to vector<16xi1>
        %ne3A_2491 = vector.broadcast %ne3A_2490 : vector<16xi1> to vector<16xi1>
        %ne3A_2492 = arith.xori %lt3A_2487, %ne3A_2491 : vector<16xi1>
        %and3A_2493 = arith.andi %ne3A_2492, %ne3A_2484 : vector<16xi1>
        %add3A_2494 = vector.broadcast %select_n3A_2479 : i32 to vector<16xi32>
        %add3A_2495 = arith.addi %rem3A_2481, %add3A_2494 : vector<16xi32>
        %select_n3A_2496 = arith.select %and3A_2493, %add3A_2495, %rem3A_2481 : vector<16xi1>, vector<16xi32>
        %mul3A_2497 = arith.constant 50176 : i32
        %mul3A_2498 = vector.broadcast %mul3A_2497 : i32 to vector<16xi32>
        %mul3A_2499 = arith.muli %select_n3A_2496, %mul3A_2498 : vector<16xi32>
        %add3A_2500 = arith.addi %select_n3A_2470, %mul3A_2499 : vector<16xi32>
        %swap3A_2501 = arith.constant 4 : i32
        %swap3A_2502 = arith.index_cast %swap3A_2501 : i32 to index
        %swap3A_2503 = arith.constant 0 : index
        %swap3A_2504 = tpu.vector_load %arg8[%swap3A_2502, %swap3A_2503] {strides = array<i32>} : memref<6x48xi32, #tpu.memory_space<vmem>>, vector<1x16xi32>,
        %swap3A_2505 = vector.shape_cast %swap3A_2504 : vector<1x16xi32> to vector<16xi32>
        %swap3A_2506 = vector.shape_cast %add3A_2500 : vector<16xi32> to vector<1x16xi32>
        tpu.vector_store %arg8[%swap3A_2502, %swap3A_2503], %swap3A_2506 {strides = array<i32>} : memref<6x48xi32, #tpu.memory_space<vmem>>, vector<1x16xi32>,
        %get3A_2507 = arith.constant 208 : index
        %get3A_2508 = tpu.vector_load %arg6[%get3A_2507] {strides = array<i32>} : memref<288xi32, #tpu.memory_space<vmem>>, vector<16xi32>,
        %get3A_2509 = vector.shape_cast %get3A_2508 : vector<16xi32> to vector<16xi32>
        %lt3A_2510 = arith.constant 0 : i32
        %lt3A_2511 = vector.broadcast %lt3A_2510 : i32 to vector<16xi32>
        %lt3A_2512 = arith.cmpi slt, %get3A_2509, %lt3A_2511 : vector<16xi32>
        %jit3A_2513 = arith.constant 50000 : i32
        %broadcast_in_dim3A_2514 = vector.broadcast %jit3A_2513 : i32 to vector<16xi32>
        %select_n3A_2515 = arith.select %lt3A_2512, %broadcast_in_dim3A_2514, %get3A_2509 : vector<16xi1>, vector<16xi32>
        %iota3A_2516 = tpu.iota {dimensions = array<i32: 0>} : vector<16xi32>
        %add3A_2517 = arith.constant 1 : i32
        %add3A_2518 = vector.broadcast %add3A_2517 : i32 to vector<16xi32>
        %add3A_2519 = arith.addi %iota3A_2516, %add3A_2518 : vector<16xi32>
        %jit3A_2520 = arith.constant 9 : i32
        %eq3A_2521 = arith.constant 0 : i32
        %eq3A_2522 = arith.cmpi eq, %jit3A_2520, %eq3A_2521 : i32
        %jit3A_2523 = arith.constant 1 : i32
        %select_n3A_2524 = arith.select %eq3A_2522, %jit3A_2523, %jit3A_2520 : i32
        %rem3A_2525 = vector.broadcast %select_n3A_2524 : i32 to vector<16xi32>
        %rem3A_2526 = arith.remsi %add3A_2519, %rem3A_2525 : vector<16xi32>
        %ne3A_2527 = arith.constant 0 : i32
        %ne3A_2528 = vector.broadcast %ne3A_2527 : i32 to vector<16xi32>
        %ne3A_2529 = arith.cmpi ne, %rem3A_2526, %ne3A_2528 : vector<16xi32>
        %lt3A_2530 = arith.constant 0 : i32
        %lt3A_2531 = vector.broadcast %lt3A_2530 : i32 to vector<16xi32>
        %lt3A_2532 = arith.cmpi slt, %rem3A_2526, %lt3A_2531 : vector<16xi32>
        %lt3A_2533 = arith.constant 0 : i32
        %lt3A_2534 = arith.cmpi slt, %select_n3A_2524, %lt3A_2533 : i32
        %ne3A_2535 = vector.broadcast %lt3A_2534 : i1 to vector<16xi1>
        %ne3A_2536 = vector.broadcast %ne3A_2535 : vector<16xi1> to vector<16xi1>
        %ne3A_2537 = arith.xori %lt3A_2532, %ne3A_2536 : vector<16xi1>
        %and3A_2538 = arith.andi %ne3A_2537, %ne3A_2529 : vector<16xi1>
        %add3A_2539 = vector.broadcast %select_n3A_2524 : i32 to vector<16xi32>
        %add3A_2540 = arith.addi %rem3A_2526, %add3A_2539 : vector<16xi32>
        %select_n3A_2541 = arith.select %and3A_2538, %add3A_2540, %rem3A_2526 : vector<16xi1>, vector<16xi32>
        %mul3A_2542 = arith.constant 50176 : i32
        %mul3A_2543 = vector.broadcast %mul3A_2542 : i32 to vector<16xi32>
        %mul3A_2544 = arith.muli %select_n3A_2541, %mul3A_2543 : vector<16xi32>
        %add3A_2545 = arith.addi %select_n3A_2515, %mul3A_2544 : vector<16xi32>
        %swap3A_2546 = arith.constant 4 : i32
        %swap3A_2547 = arith.index_cast %swap3A_2546 : i32 to index
        %swap3A_2548 = arith.constant 16 : index
        %swap3A_2549 = tpu.vector_load %arg8[%swap3A_2547, %swap3A_2548] {strides = array<i32>} : memref<6x48xi32, #tpu.memory_space<vmem>>, vector<1x16xi32>,
        %swap3A_2550 = vector.shape_cast %swap3A_2549 : vector<1x16xi32> to vector<16xi32>
        %swap3A_2551 = vector.shape_cast %add3A_2545 : vector<16xi32> to vector<1x16xi32>
        tpu.vector_store %arg8[%swap3A_2547, %swap3A_2548], %swap3A_2551 {strides = array<i32>} : memref<6x48xi32, #tpu.memory_space<vmem>>, vector<1x16xi32>,
        %get3A_2552 = arith.constant 224 : index
        %get3A_2553 = tpu.vector_load %arg6[%get3A_2552] {strides = array<i32>} : memref<288xi32, #tpu.memory_space<vmem>>, vector<16xi32>,
        %get3A_2554 = vector.shape_cast %get3A_2553 : vector<16xi32> to vector<16xi32>
        %lt3A_2555 = arith.constant 0 : i32
        %lt3A_2556 = vector.broadcast %lt3A_2555 : i32 to vector<16xi32>
        %lt3A_2557 = arith.cmpi slt, %get3A_2554, %lt3A_2556 : vector<16xi32>
        %jit3A_2558 = arith.constant 50000 : i32
        %broadcast_in_dim3A_2559 = vector.broadcast %jit3A_2558 : i32 to vector<16xi32>
        %select_n3A_2560 = arith.select %lt3A_2557, %broadcast_in_dim3A_2559, %get3A_2554 : vector<16xi1>, vector<16xi32>
        %iota3A_2561 = tpu.iota {dimensions = array<i32: 0>} : vector<16xi32>
        %add3A_2562 = arith.constant 8 : i32
        %add3A_2563 = vector.broadcast %add3A_2562 : i32 to vector<16xi32>
        %add3A_2564 = arith.addi %iota3A_2561, %add3A_2563 : vector<16xi32>
        %jit3A_2565 = arith.constant 9 : i32
        %eq3A_2566 = arith.constant 0 : i32
        %eq3A_2567 = arith.cmpi eq, %jit3A_2565, %eq3A_2566 : i32
        %jit3A_2568 = arith.constant 1 : i32
        %select_n3A_2569 = arith.select %eq3A_2567, %jit3A_2568, %jit3A_2565 : i32
        %rem3A_2570 = vector.broadcast %select_n3A_2569 : i32 to vector<16xi32>
        %rem3A_2571 = arith.remsi %add3A_2564, %rem3A_2570 : vector<16xi32>
        %ne3A_2572 = arith.constant 0 : i32
        %ne3A_2573 = vector.broadcast %ne3A_2572 : i32 to vector<16xi32>
        %ne3A_2574 = arith.cmpi ne, %rem3A_2571, %ne3A_2573 : vector<16xi32>
        %lt3A_2575 = arith.constant 0 : i32
        %lt3A_2576 = vector.broadcast %lt3A_2575 : i32 to vector<16xi32>
        %lt3A_2577 = arith.cmpi slt, %rem3A_2571, %lt3A_2576 : vector<16xi32>
        %lt3A_2578 = arith.constant 0 : i32
        %lt3A_2579 = arith.cmpi slt, %select_n3A_2569, %lt3A_2578 : i32
        %ne3A_2580 = vector.broadcast %lt3A_2579 : i1 to vector<16xi1>
        %ne3A_2581 = vector.broadcast %ne3A_2580 : vector<16xi1> to vector<16xi1>
        %ne3A_2582 = arith.xori %lt3A_2577, %ne3A_2581 : vector<16xi1>
        %and3A_2583 = arith.andi %ne3A_2582, %ne3A_2574 : vector<16xi1>
        %add3A_2584 = vector.broadcast %select_n3A_2569 : i32 to vector<16xi32>
        %add3A_2585 = arith.addi %rem3A_2571, %add3A_2584 : vector<16xi32>
        %select_n3A_2586 = arith.select %and3A_2583, %add3A_2585, %rem3A_2571 : vector<16xi1>, vector<16xi32>
        %mul3A_2587 = arith.constant 50176 : i32
        %mul3A_2588 = vector.broadcast %mul3A_2587 : i32 to vector<16xi32>
        %mul3A_2589 = arith.muli %select_n3A_2586, %mul3A_2588 : vector<16xi32>
        %add3A_2590 = arith.addi %select_n3A_2560, %mul3A_2589 : vector<16xi32>
        %swap3A_2591 = arith.constant 4 : i32
        %swap3A_2592 = arith.index_cast %swap3A_2591 : i32 to index
        %swap3A_2593 = arith.constant 32 : index
        %swap3A_2594 = tpu.vector_load %arg8[%swap3A_2592, %swap3A_2593] {strides = array<i32>} : memref<6x48xi32, #tpu.memory_space<vmem>>, vector<1x16xi32>,
        %swap3A_2595 = vector.shape_cast %swap3A_2594 : vector<1x16xi32> to vector<16xi32>
        %swap3A_2596 = vector.shape_cast %add3A_2590 : vector<16xi32> to vector<1x16xi32>
        tpu.vector_store %arg8[%swap3A_2592, %swap3A_2593], %swap3A_2596 {strides = array<i32>} : memref<6x48xi32, #tpu.memory_space<vmem>>, vector<1x16xi32>,
        %get3A_2597 = arith.constant 240 : index
        %get3A_2598 = tpu.vector_load %arg6[%get3A_2597] {strides = array<i32>} : memref<288xi32, #tpu.memory_space<vmem>>, vector<16xi32>,
        %get3A_2599 = vector.shape_cast %get3A_2598 : vector<16xi32> to vector<16xi32>
        %lt3A_2600 = arith.constant 0 : i32
        %lt3A_2601 = vector.broadcast %lt3A_2600 : i32 to vector<16xi32>
        %lt3A_2602 = arith.cmpi slt, %get3A_2599, %lt3A_2601 : vector<16xi32>
        %jit3A_2603 = arith.constant 50000 : i32
        %broadcast_in_dim3A_2604 = vector.broadcast %jit3A_2603 : i32 to vector<16xi32>
        %select_n3A_2605 = arith.select %lt3A_2602, %broadcast_in_dim3A_2604, %get3A_2599 : vector<16xi1>, vector<16xi32>
        %iota3A_2606 = tpu.iota {dimensions = array<i32: 0>} : vector<16xi32>
        %add3A_2607 = arith.constant 6 : i32
        %add3A_2608 = vector.broadcast %add3A_2607 : i32 to vector<16xi32>
        %add3A_2609 = arith.addi %iota3A_2606, %add3A_2608 : vector<16xi32>
        %jit3A_2610 = arith.constant 9 : i32
        %eq3A_2611 = arith.constant 0 : i32
        %eq3A_2612 = arith.cmpi eq, %jit3A_2610, %eq3A_2611 : i32
        %jit3A_2613 = arith.constant 1 : i32
        %select_n3A_2614 = arith.select %eq3A_2612, %jit3A_2613, %jit3A_2610 : i32
        %rem3A_2615 = vector.broadcast %select_n3A_2614 : i32 to vector<16xi32>
        %rem3A_2616 = arith.remsi %add3A_2609, %rem3A_2615 : vector<16xi32>
        %ne3A_2617 = arith.constant 0 : i32
        %ne3A_2618 = vector.broadcast %ne3A_2617 : i32 to vector<16xi32>
        %ne3A_2619 = arith.cmpi ne, %rem3A_2616, %ne3A_2618 : vector<16xi32>
        %lt3A_2620 = arith.constant 0 : i32
        %lt3A_2621 = vector.broadcast %lt3A_2620 : i32 to vector<16xi32>
        %lt3A_2622 = arith.cmpi slt, %rem3A_2616, %lt3A_2621 : vector<16xi32>
        %lt3A_2623 = arith.constant 0 : i32
        %lt3A_2624 = arith.cmpi slt, %select_n3A_2614, %lt3A_2623 : i32
        %ne3A_2625 = vector.broadcast %lt3A_2624 : i1 to vector<16xi1>
        %ne3A_2626 = vector.broadcast %ne3A_2625 : vector<16xi1> to vector<16xi1>
        %ne3A_2627 = arith.xori %lt3A_2622, %ne3A_2626 : vector<16xi1>
        %and3A_2628 = arith.andi %ne3A_2627, %ne3A_2619 : vector<16xi1>
        %add3A_2629 = vector.broadcast %select_n3A_2614 : i32 to vector<16xi32>
        %add3A_2630 = arith.addi %rem3A_2616, %add3A_2629 : vector<16xi32>
        %select_n3A_2631 = arith.select %and3A_2628, %add3A_2630, %rem3A_2616 : vector<16xi1>, vector<16xi32>
        %mul3A_2632 = arith.constant 50176 : i32
        %mul3A_2633 = vector.broadcast %mul3A_2632 : i32 to vector<16xi32>
        %mul3A_2634 = arith.muli %select_n3A_2631, %mul3A_2633 : vector<16xi32>
        %add3A_2635 = arith.addi %select_n3A_2605, %mul3A_2634 : vector<16xi32>
        %swap3A_2636 = arith.constant 5 : i32
        %swap3A_2637 = arith.index_cast %swap3A_2636 : i32 to index
        %swap3A_2638 = arith.constant 0 : index
        %swap3A_2639 = tpu.vector_load %arg8[%swap3A_2637, %swap3A_2638] {strides = array<i32>} : memref<6x48xi32, #tpu.memory_space<vmem>>, vector<1x16xi32>,
        %swap3A_2640 = vector.shape_cast %swap3A_2639 : vector<1x16xi32> to vector<16xi32>
        %swap3A_2641 = vector.shape_cast %add3A_2635 : vector<16xi32> to vector<1x16xi32>
        tpu.vector_store %arg8[%swap3A_2637, %swap3A_2638], %swap3A_2641 {strides = array<i32>} : memref<6x48xi32, #tpu.memory_space<vmem>>, vector<1x16xi32>,
        %get3A_2642 = arith.constant 256 : index
        %get3A_2643 = tpu.vector_load %arg6[%get3A_2642] {strides = array<i32>} : memref<288xi32, #tpu.memory_space<vmem>>, vector<16xi32>,
        %get3A_2644 = vector.shape_cast %get3A_2643 : vector<16xi32> to vector<16xi32>
        %lt3A_2645 = arith.constant 0 : i32
        %lt3A_2646 = vector.broadcast %lt3A_2645 : i32 to vector<16xi32>
        %lt3A_2647 = arith.cmpi slt, %get3A_2644, %lt3A_2646 : vector<16xi32>
        %jit3A_2648 = arith.constant 50000 : i32
        %broadcast_in_dim3A_2649 = vector.broadcast %jit3A_2648 : i32 to vector<16xi32>
        %select_n3A_2650 = arith.select %lt3A_2647, %broadcast_in_dim3A_2649, %get3A_2644 : vector<16xi1>, vector<16xi32>
        %iota3A_2651 = tpu.iota {dimensions = array<i32: 0>} : vector<16xi32>
        %add3A_2652 = arith.constant 4 : i32
        %add3A_2653 = vector.broadcast %add3A_2652 : i32 to vector<16xi32>
        %add3A_2654 = arith.addi %iota3A_2651, %add3A_2653 : vector<16xi32>
        %jit3A_2655 = arith.constant 9 : i32
        %eq3A_2656 = arith.constant 0 : i32
        %eq3A_2657 = arith.cmpi eq, %jit3A_2655, %eq3A_2656 : i32
        %jit3A_2658 = arith.constant 1 : i32
        %select_n3A_2659 = arith.select %eq3A_2657, %jit3A_2658, %jit3A_2655 : i32
        %rem3A_2660 = vector.broadcast %select_n3A_2659 : i32 to vector<16xi32>
        %rem3A_2661 = arith.remsi %add3A_2654, %rem3A_2660 : vector<16xi32>
        %ne3A_2662 = arith.constant 0 : i32
        %ne3A_2663 = vector.broadcast %ne3A_2662 : i32 to vector<16xi32>
        %ne3A_2664 = arith.cmpi ne, %rem3A_2661, %ne3A_2663 : vector<16xi32>
        %lt3A_2665 = arith.constant 0 : i32
        %lt3A_2666 = vector.broadcast %lt3A_2665 : i32 to vector<16xi32>
        %lt3A_2667 = arith.cmpi slt, %rem3A_2661, %lt3A_2666 : vector<16xi32>
        %lt3A_2668 = arith.constant 0 : i32
        %lt3A_2669 = arith.cmpi slt, %select_n3A_2659, %lt3A_2668 : i32
        %ne3A_2670 = vector.broadcast %lt3A_2669 : i1 to vector<16xi1>
        %ne3A_2671 = vector.broadcast %ne3A_2670 : vector<16xi1> to vector<16xi1>
        %ne3A_2672 = arith.xori %lt3A_2667, %ne3A_2671 : vector<16xi1>
        %and3A_2673 = arith.andi %ne3A_2672, %ne3A_2664 : vector<16xi1>
        %add3A_2674 = vector.broadcast %select_n3A_2659 : i32 to vector<16xi32>
        %add3A_2675 = arith.addi %rem3A_2661, %add3A_2674 : vector<16xi32>
        %select_n3A_2676 = arith.select %and3A_2673, %add3A_2675, %rem3A_2661 : vector<16xi1>, vector<16xi32>
        %mul3A_2677 = arith.constant 50176 : i32
        %mul3A_2678 = vector.broadcast %mul3A_2677 : i32 to vector<16xi32>
        %mul3A_2679 = arith.muli %select_n3A_2676, %mul3A_2678 : vector<16xi32>
        %add3A_2680 = arith.addi %select_n3A_2650, %mul3A_2679 : vector<16xi32>
        %swap3A_2681 = arith.constant 5 : i32
        %swap3A_2682 = arith.index_cast %swap3A_2681 : i32 to index
        %swap3A_2683 = arith.constant 16 : index
        %swap3A_2684 = tpu.vector_load %arg8[%swap3A_2682, %swap3A_2683] {strides = array<i32>} : memref<6x48xi32, #tpu.memory_space<vmem>>, vector<1x16xi32>,
        %swap3A_2685 = vector.shape_cast %swap3A_2684 : vector<1x16xi32> to vector<16xi32>
        %swap3A_2686 = vector.shape_cast %add3A_2680 : vector<16xi32> to vector<1x16xi32>
        tpu.vector_store %arg8[%swap3A_2682, %swap3A_2683], %swap3A_2686 {strides = array<i32>} : memref<6x48xi32, #tpu.memory_space<vmem>>, vector<1x16xi32>,
        %get3A_2687 = arith.constant 272 : index
        %get3A_2688 = tpu.vector_load %arg6[%get3A_2687] {strides = array<i32>} : memref<288xi32, #tpu.memory_space<vmem>>, vector<16xi32>,
        %get3A_2689 = vector.shape_cast %get3A_2688 : vector<16xi32> to vector<16xi32>
        %lt3A_2690 = arith.constant 0 : i32
        %lt3A_2691 = vector.broadcast %lt3A_2690 : i32 to vector<16xi32>
        %lt3A_2692 = arith.cmpi slt, %get3A_2689, %lt3A_2691 : vector<16xi32>
        %jit3A_2693 = arith.constant 50000 : i32
        %broadcast_in_dim3A_2694 = vector.broadcast %jit3A_2693 : i32 to vector<16xi32>
        %select_n3A_2695 = arith.select %lt3A_2692, %broadcast_in_dim3A_2694, %get3A_2689 : vector<16xi1>, vector<16xi32>
        %iota3A_2696 = tpu.iota {dimensions = array<i32: 0>} : vector<16xi32>
        %add3A_2697 = arith.constant 2 : i32
        %add3A_2698 = vector.broadcast %add3A_2697 : i32 to vector<16xi32>
        %add3A_2699 = arith.addi %iota3A_2696, %add3A_2698 : vector<16xi32>
        %jit3A_2700 = arith.constant 9 : i32
        %eq3A_2701 = arith.constant 0 : i32
        %eq3A_2702 = arith.cmpi eq, %jit3A_2700, %eq3A_2701 : i32
        %jit3A_2703 = arith.constant 1 : i32
        %select_n3A_2704 = arith.select %eq3A_2702, %jit3A_2703, %jit3A_2700 : i32
        %rem3A_2705 = vector.broadcast %select_n3A_2704 : i32 to vector<16xi32>
        %rem3A_2706 = arith.remsi %add3A_2699, %rem3A_2705 : vector<16xi32>
        %ne3A_2707 = arith.constant 0 : i32
        %ne3A_2708 = vector.broadcast %ne3A_2707 : i32 to vector<16xi32>
        %ne3A_2709 = arith.cmpi ne, %rem3A_2706, %ne3A_2708 : vector<16xi32>
        %lt3A_2710 = arith.constant 0 : i32
        %lt3A_2711 = vector.broadcast %lt3A_2710 : i32 to vector<16xi32>
        %lt3A_2712 = arith.cmpi slt, %rem3A_2706, %lt3A_2711 : vector<16xi32>
        %lt3A_2713 = arith.constant 0 : i32
        %lt3A_2714 = arith.cmpi slt, %select_n3A_2704, %lt3A_2713 : i32
        %ne3A_2715 = vector.broadcast %lt3A_2714 : i1 to vector<16xi1>
        %ne3A_2716 = vector.broadcast %ne3A_2715 : vector<16xi1> to vector<16xi1>
        %ne3A_2717 = arith.xori %lt3A_2712, %ne3A_2716 : vector<16xi1>
        %and3A_2718 = arith.andi %ne3A_2717, %ne3A_2709 : vector<16xi1>
        %add3A_2719 = vector.broadcast %select_n3A_2704 : i32 to vector<16xi32>
        %add3A_2720 = arith.addi %rem3A_2706, %add3A_2719 : vector<16xi32>
        %select_n3A_2721 = arith.select %and3A_2718, %add3A_2720, %rem3A_2706 : vector<16xi1>, vector<16xi32>
        %mul3A_2722 = arith.constant 50176 : i32
        %mul3A_2723 = vector.broadcast %mul3A_2722 : i32 to vector<16xi32>
        %mul3A_2724 = arith.muli %select_n3A_2721, %mul3A_2723 : vector<16xi32>
        %add3A_2725 = arith.addi %select_n3A_2695, %mul3A_2724 : vector<16xi32>
        %swap3A_2726 = arith.constant 5 : i32
        %swap3A_2727 = arith.index_cast %swap3A_2726 : i32 to index
        %swap3A_2728 = arith.constant 32 : index
        %swap3A_2729 = tpu.vector_load %arg8[%swap3A_2727, %swap3A_2728] {strides = array<i32>} : memref<6x48xi32, #tpu.memory_space<vmem>>, vector<1x16xi32>,
        %swap3A_2730 = vector.shape_cast %swap3A_2729 : vector<1x16xi32> to vector<16xi32>
        %swap3A_2731 = vector.shape_cast %add3A_2725 : vector<16xi32> to vector<1x16xi32>
        tpu.vector_store %arg8[%swap3A_2727, %swap3A_2728], %swap3A_2731 {strides = array<i32>} : memref<6x48xi32, #tpu.memory_space<vmem>>, vector<1x16xi32>,
        %dma_start3A_2732 = arith.constant 0 : i32
        %dma_start3A_2733 = arith.constant 0 : i32
        %dma_start3A_2734 = arith.constant 0 : i32
        %dma_start3A_2735 = tpu.memref_slice %arg10[%dma_start3A_2733, %dma_start3A_2734] : memref<288x128xf32, #tpu.memory_space<vmem>> -> memref<48x128xf32, #tpu.memory_space<vmem>>
        %dma_start3A_2736 = arith.constant 0 : i32
        %dma_start3A_2737 = tpu.memref_slice %arg8[%dma_start3A_2732, %dma_start3A_2736] : memref<6x48xi32, #tpu.memory_space<vmem>> -> memref<1x48xi32, #tpu.memory_space<vmem>>
        %dma_start3A_2738 = tpu.memref_squeeze %dma_start3A_2737 : memref<1x48xi32, #tpu.memory_space<vmem>> -> memref<48xi32, #tpu.memory_space<vmem>>
        %dma_start3A_2739 = arith.constant 0 : i32
        %dma_start3A_2740 = arith.constant 0 : i32
        %dma_start3A_2741 = tpu.memref_slice %arg2[%dma_start3A_2739, %dma_start3A_2740] : memref<451584x128xf32, #tpu.memory_space<hbm>> -> memref<451584x128xf32, #tpu.memory_space<hbm>>
        tpu.enqueue_indirect_dma source(%dma_start3A_2741 : memref<451584x128xf32, #tpu.memory_space<hbm>>) target(%dma_start3A_2735 : memref<48x128xf32, #tpu.memory_space<vmem>>) offsets(%dma_start3A_2738 : memref<48xi32, #tpu.memory_space<vmem>>) semaphore(%arg15 : memref<!tpu.dma_semaphore, #tpu.memory_space<semaphore_mem>>)
        %dma_start3A_2742 = arith.constant 1 : i32
        %dma_start3A_2743 = arith.constant 48 : i32
        %dma_start3A_2744 = arith.constant 0 : i32
        %dma_start3A_2745 = tpu.memref_slice %arg10[%dma_start3A_2743, %dma_start3A_2744] : memref<288x128xf32, #tpu.memory_space<vmem>> -> memref<48x128xf32, #tpu.memory_space<vmem>>
        %dma_start3A_2746 = arith.constant 0 : i32
        %dma_start3A_2747 = tpu.memref_slice %arg8[%dma_start3A_2742, %dma_start3A_2746] : memref<6x48xi32, #tpu.memory_space<vmem>> -> memref<1x48xi32, #tpu.memory_space<vmem>>
        %dma_start3A_2748 = tpu.memref_squeeze %dma_start3A_2747 : memref<1x48xi32, #tpu.memory_space<vmem>> -> memref<48xi32, #tpu.memory_space<vmem>>
        %dma_start3A_2749 = arith.constant 0 : i32
        %dma_start3A_2750 = arith.constant 0 : i32
        %dma_start3A_2751 = tpu.memref_slice %arg2[%dma_start3A_2749, %dma_start3A_2750] : memref<451584x128xf32, #tpu.memory_space<hbm>> -> memref<451584x128xf32, #tpu.memory_space<hbm>>
        tpu.enqueue_indirect_dma source(%dma_start3A_2751 : memref<451584x128xf32, #tpu.memory_space<hbm>>) target(%dma_start3A_2745 : memref<48x128xf32, #tpu.memory_space<vmem>>) offsets(%dma_start3A_2748 : memref<48xi32, #tpu.memory_space<vmem>>) semaphore(%arg15 : memref<!tpu.dma_semaphore, #tpu.memory_space<semaphore_mem>>)
        %dma_start3A_2752 = arith.constant 2 : i32
        %dma_start3A_2753 = arith.constant 96 : i32
        %dma_start3A_2754 = arith.constant 0 : i32
        %dma_start3A_2755 = tpu.memref_slice %arg10[%dma_start3A_2753, %dma_start3A_2754] : memref<288x128xf32, #tpu.memory_space<vmem>> -> memref<48x128xf32, #tpu.memory_space<vmem>>
        %dma_start3A_2756 = arith.constant 0 : i32
        %dma_start3A_2757 = tpu.memref_slice %arg8[%dma_start3A_2752, %dma_start3A_2756] : memref<6x48xi32, #tpu.memory_space<vmem>> -> memref<1x48xi32, #tpu.memory_space<vmem>>
        %dma_start3A_2758 = tpu.memref_squeeze %dma_start3A_2757 : memref<1x48xi32, #tpu.memory_space<vmem>> -> memref<48xi32, #tpu.memory_space<vmem>>
        %dma_start3A_2759 = arith.constant 0 : i32
        %dma_start3A_2760 = arith.constant 0 : i32
        %dma_start3A_2761 = tpu.memref_slice %arg2[%dma_start3A_2759, %dma_start3A_2760] : memref<451584x128xf32, #tpu.memory_space<hbm>> -> memref<451584x128xf32, #tpu.memory_space<hbm>>
        tpu.enqueue_indirect_dma source(%dma_start3A_2761 : memref<451584x128xf32, #tpu.memory_space<hbm>>) target(%dma_start3A_2755 : memref<48x128xf32, #tpu.memory_space<vmem>>) offsets(%dma_start3A_2758 : memref<48xi32, #tpu.memory_space<vmem>>) semaphore(%arg15 : memref<!tpu.dma_semaphore, #tpu.memory_space<semaphore_mem>>)
        %dma_start3A_2762 = arith.constant 3 : i32
        %dma_start3A_2763 = arith.constant 144 : i32
        %dma_start3A_2764 = arith.constant 0 : i32
        %dma_start3A_2765 = tpu.memref_slice %arg10[%dma_start3A_2763, %dma_start3A_2764] : memref<288x128xf32, #tpu.memory_space<vmem>> -> memref<48x128xf32, #tpu.memory_space<vmem>>
        %dma_start3A_2766 = arith.constant 0 : i32
        %dma_start3A_2767 = tpu.memref_slice %arg8[%dma_start3A_2762, %dma_start3A_2766] : memref<6x48xi32, #tpu.memory_space<vmem>> -> memref<1x48xi32, #tpu.memory_space<vmem>>
        %dma_start3A_2768 = tpu.memref_squeeze %dma_start3A_2767 : memref<1x48xi32, #tpu.memory_space<vmem>> -> memref<48xi32, #tpu.memory_space<vmem>>
        %dma_start3A_2769 = arith.constant 0 : i32
        %dma_start3A_2770 = arith.constant 0 : i32
        %dma_start3A_2771 = tpu.memref_slice %arg2[%dma_start3A_2769, %dma_start3A_2770] : memref<451584x128xf32, #tpu.memory_space<hbm>> -> memref<451584x128xf32, #tpu.memory_space<hbm>>
        tpu.enqueue_indirect_dma source(%dma_start3A_2771 : memref<451584x128xf32, #tpu.memory_space<hbm>>) target(%dma_start3A_2765 : memref<48x128xf32, #tpu.memory_space<vmem>>) offsets(%dma_start3A_2768 : memref<48xi32, #tpu.memory_space<vmem>>) semaphore(%arg15 : memref<!tpu.dma_semaphore, #tpu.memory_space<semaphore_mem>>)
        %dma_start3A_2772 = arith.constant 4 : i32
        %dma_start3A_2773 = arith.constant 192 : i32
        %dma_start3A_2774 = arith.constant 0 : i32
        %dma_start3A_2775 = tpu.memref_slice %arg10[%dma_start3A_2773, %dma_start3A_2774] : memref<288x128xf32, #tpu.memory_space<vmem>> -> memref<48x128xf32, #tpu.memory_space<vmem>>
        %dma_start3A_2776 = arith.constant 0 : i32
        %dma_start3A_2777 = tpu.memref_slice %arg8[%dma_start3A_2772, %dma_start3A_2776] : memref<6x48xi32, #tpu.memory_space<vmem>> -> memref<1x48xi32, #tpu.memory_space<vmem>>
        %dma_start3A_2778 = tpu.memref_squeeze %dma_start3A_2777 : memref<1x48xi32, #tpu.memory_space<vmem>> -> memref<48xi32, #tpu.memory_space<vmem>>
        %dma_start3A_2779 = arith.constant 0 : i32
        %dma_start3A_2780 = arith.constant 0 : i32
        %dma_start3A_2781 = tpu.memref_slice %arg2[%dma_start3A_2779, %dma_start3A_2780] : memref<451584x128xf32, #tpu.memory_space<hbm>> -> memref<451584x128xf32, #tpu.memory_space<hbm>>
        tpu.enqueue_indirect_dma source(%dma_start3A_2781 : memref<451584x128xf32, #tpu.memory_space<hbm>>) target(%dma_start3A_2775 : memref<48x128xf32, #tpu.memory_space<vmem>>) offsets(%dma_start3A_2778 : memref<48xi32, #tpu.memory_space<vmem>>) semaphore(%arg15 : memref<!tpu.dma_semaphore, #tpu.memory_space<semaphore_mem>>)
        %dma_start3A_2782 = arith.constant 5 : i32
        %dma_start3A_2783 = arith.constant 240 : i32
        %dma_start3A_2784 = arith.constant 0 : i32
        %dma_start3A_2785 = tpu.memref_slice %arg10[%dma_start3A_2783, %dma_start3A_2784] : memref<288x128xf32, #tpu.memory_space<vmem>> -> memref<48x128xf32, #tpu.memory_space<vmem>>
        %dma_start3A_2786 = arith.constant 0 : i32
        %dma_start3A_2787 = tpu.memref_slice %arg8[%dma_start3A_2782, %dma_start3A_2786] : memref<6x48xi32, #tpu.memory_space<vmem>> -> memref<1x48xi32, #tpu.memory_space<vmem>>
        %dma_start3A_2788 = tpu.memref_squeeze %dma_start3A_2787 : memref<1x48xi32, #tpu.memory_space<vmem>> -> memref<48xi32, #tpu.memory_space<vmem>>
        %dma_start3A_2789 = arith.constant 0 : i32
        %dma_start3A_2790 = arith.constant 0 : i32
        %dma_start3A_2791 = tpu.memref_slice %arg2[%dma_start3A_2789, %dma_start3A_2790] : memref<451584x128xf32, #tpu.memory_space<hbm>> -> memref<451584x128xf32, #tpu.memory_space<hbm>>
        tpu.enqueue_indirect_dma source(%dma_start3A_2791 : memref<451584x128xf32, #tpu.memory_space<hbm>>) target(%dma_start3A_2785 : memref<48x128xf32, #tpu.memory_space<vmem>>) offsets(%dma_start3A_2788 : memref<48xi32, #tpu.memory_space<vmem>>) semaphore(%arg15 : memref<!tpu.dma_semaphore, #tpu.memory_space<semaphore_mem>>)
      } else {
      }
      %add3A_1845 = arith.constant 1 : i32
      %add3A_1846 = arith.addi %mul3A_897, %add3A_1845 : i32
      %dma_wait3A_1847 = arith.constant 0 : i32
      %dma_wait3A_1848 = arith.constant 0 : i32
      %dma_wait3A_1849 = arith.constant 0 : i32
      %dma_wait3A_1850 = tpu.memref_slice %arg11[%dma_wait3A_1848, %dma_wait3A_1849] : memref<288x128xf32, #tpu.memory_space<vmem>> -> memref<48x128xf32, #tpu.memory_space<vmem>>
      %dma_wait3A_1851 = arith.constant 0 : i32
      %dma_wait3A_1852 = tpu.memref_slice %arg9[%dma_wait3A_1847, %dma_wait3A_1851] : memref<6x48xi32, #tpu.memory_space<vmem>> -> memref<1x48xi32, #tpu.memory_space<vmem>>
      %dma_wait3A_1853 = tpu.memref_squeeze %dma_wait3A_1852 : memref<1x48xi32, #tpu.memory_space<vmem>> -> memref<48xi32, #tpu.memory_space<vmem>>
      %dma_wait3A_1854 = arith.constant 0 : i32
      %dma_wait3A_1855 = arith.constant 0 : i32
      %dma_wait3A_1856 = tpu.memref_slice %arg2[%dma_wait3A_1854, %dma_wait3A_1855] : memref<451584x128xf32, #tpu.memory_space<hbm>> -> memref<451584x128xf32, #tpu.memory_space<hbm>>
      tpu.wait_indirect_dma semaphore(%arg16 : memref<!tpu.dma_semaphore, #tpu.memory_space<semaphore_mem>>) src(%dma_wait3A_1856 : memref<451584x128xf32, #tpu.memory_space<hbm>>) dst(%dma_wait3A_1850 : memref<48x128xf32, #tpu.memory_space<vmem>>)
      %dma_wait3A_1857 = arith.constant 1 : i32
      %dma_wait3A_1858 = arith.constant 48 : i32
      %dma_wait3A_1859 = arith.constant 0 : i32
      %dma_wait3A_1860 = tpu.memref_slice %arg11[%dma_wait3A_1858, %dma_wait3A_1859] : memref<288x128xf32, #tpu.memory_space<vmem>> -> memref<48x128xf32, #tpu.memory_space<vmem>>
      %dma_wait3A_1861 = arith.constant 0 : i32
      %dma_wait3A_1862 = tpu.memref_slice %arg9[%dma_wait3A_1857, %dma_wait3A_1861] : memref<6x48xi32, #tpu.memory_space<vmem>> -> memref<1x48xi32, #tpu.memory_space<vmem>>
      %dma_wait3A_1863 = tpu.memref_squeeze %dma_wait3A_1862 : memref<1x48xi32, #tpu.memory_space<vmem>> -> memref<48xi32, #tpu.memory_space<vmem>>
      %dma_wait3A_1864 = arith.constant 0 : i32
      %dma_wait3A_1865 = arith.constant 0 : i32
      %dma_wait3A_1866 = tpu.memref_slice %arg2[%dma_wait3A_1864, %dma_wait3A_1865] : memref<451584x128xf32, #tpu.memory_space<hbm>> -> memref<451584x128xf32, #tpu.memory_space<hbm>>
      tpu.wait_indirect_dma semaphore(%arg16 : memref<!tpu.dma_semaphore, #tpu.memory_space<semaphore_mem>>) src(%dma_wait3A_1866 : memref<451584x128xf32, #tpu.memory_space<hbm>>) dst(%dma_wait3A_1860 : memref<48x128xf32, #tpu.memory_space<vmem>>)
      %dma_wait3A_1867 = arith.constant 2 : i32
      %dma_wait3A_1868 = arith.constant 96 : i32
      %dma_wait3A_1869 = arith.constant 0 : i32
      %dma_wait3A_1870 = tpu.memref_slice %arg11[%dma_wait3A_1868, %dma_wait3A_1869] : memref<288x128xf32, #tpu.memory_space<vmem>> -> memref<48x128xf32, #tpu.memory_space<vmem>>
      %dma_wait3A_1871 = arith.constant 0 : i32
      %dma_wait3A_1872 = tpu.memref_slice %arg9[%dma_wait3A_1867, %dma_wait3A_1871] : memref<6x48xi32, #tpu.memory_space<vmem>> -> memref<1x48xi32, #tpu.memory_space<vmem>>
      %dma_wait3A_1873 = tpu.memref_squeeze %dma_wait3A_1872 : memref<1x48xi32, #tpu.memory_space<vmem>> -> memref<48xi32, #tpu.memory_space<vmem>>
      %dma_wait3A_1874 = arith.constant 0 : i32
      %dma_wait3A_1875 = arith.constant 0 : i32
      %dma_wait3A_1876 = tpu.memref_slice %arg2[%dma_wait3A_1874, %dma_wait3A_1875] : memref<451584x128xf32, #tpu.memory_space<hbm>> -> memref<451584x128xf32, #tpu.memory_space<hbm>>
      tpu.wait_indirect_dma semaphore(%arg16 : memref<!tpu.dma_semaphore, #tpu.memory_space<semaphore_mem>>) src(%dma_wait3A_1876 : memref<451584x128xf32, #tpu.memory_space<hbm>>) dst(%dma_wait3A_1870 : memref<48x128xf32, #tpu.memory_space<vmem>>)
      %dma_wait3A_1877 = arith.constant 3 : i32
      %dma_wait3A_1878 = arith.constant 144 : i32
      %dma_wait3A_1879 = arith.constant 0 : i32
      %dma_wait3A_1880 = tpu.memref_slice %arg11[%dma_wait3A_1878, %dma_wait3A_1879] : memref<288x128xf32, #tpu.memory_space<vmem>> -> memref<48x128xf32, #tpu.memory_space<vmem>>
      %dma_wait3A_1881 = arith.constant 0 : i32
      %dma_wait3A_1882 = tpu.memref_slice %arg9[%dma_wait3A_1877, %dma_wait3A_1881] : memref<6x48xi32, #tpu.memory_space<vmem>> -> memref<1x48xi32, #tpu.memory_space<vmem>>
      %dma_wait3A_1883 = tpu.memref_squeeze %dma_wait3A_1882 : memref<1x48xi32, #tpu.memory_space<vmem>> -> memref<48xi32, #tpu.memory_space<vmem>>
      %dma_wait3A_1884 = arith.constant 0 : i32
      %dma_wait3A_1885 = arith.constant 0 : i32
      %dma_wait3A_1886 = tpu.memref_slice %arg2[%dma_wait3A_1884, %dma_wait3A_1885] : memref<451584x128xf32, #tpu.memory_space<hbm>> -> memref<451584x128xf32, #tpu.memory_space<hbm>>
      tpu.wait_indirect_dma semaphore(%arg16 : memref<!tpu.dma_semaphore, #tpu.memory_space<semaphore_mem>>) src(%dma_wait3A_1886 : memref<451584x128xf32, #tpu.memory_space<hbm>>) dst(%dma_wait3A_1880 : memref<48x128xf32, #tpu.memory_space<vmem>>)
      %dma_wait3A_1887 = arith.constant 4 : i32
      %dma_wait3A_1888 = arith.constant 192 : i32
      %dma_wait3A_1889 = arith.constant 0 : i32
      %dma_wait3A_1890 = tpu.memref_slice %arg11[%dma_wait3A_1888, %dma_wait3A_1889] : memref<288x128xf32, #tpu.memory_space<vmem>> -> memref<48x128xf32, #tpu.memory_space<vmem>>
      %dma_wait3A_1891 = arith.constant 0 : i32
      %dma_wait3A_1892 = tpu.memref_slice %arg9[%dma_wait3A_1887, %dma_wait3A_1891] : memref<6x48xi32, #tpu.memory_space<vmem>> -> memref<1x48xi32, #tpu.memory_space<vmem>>
      %dma_wait3A_1893 = tpu.memref_squeeze %dma_wait3A_1892 : memref<1x48xi32, #tpu.memory_space<vmem>> -> memref<48xi32, #tpu.memory_space<vmem>>
      %dma_wait3A_1894 = arith.constant 0 : i32
      %dma_wait3A_1895 = arith.constant 0 : i32
      %dma_wait3A_1896 = tpu.memref_slice %arg2[%dma_wait3A_1894, %dma_wait3A_1895] : memref<451584x128xf32, #tpu.memory_space<hbm>> -> memref<451584x128xf32, #tpu.memory_space<hbm>>
      tpu.wait_indirect_dma semaphore(%arg16 : memref<!tpu.dma_semaphore, #tpu.memory_space<semaphore_mem>>) src(%dma_wait3A_1896 : memref<451584x128xf32, #tpu.memory_space<hbm>>) dst(%dma_wait3A_1890 : memref<48x128xf32, #tpu.memory_space<vmem>>)
      %dma_wait3A_1897 = arith.constant 5 : i32
      %dma_wait3A_1898 = arith.constant 240 : i32
      %dma_wait3A_1899 = arith.constant 0 : i32
      %dma_wait3A_1900 = tpu.memref_slice %arg11[%dma_wait3A_1898, %dma_wait3A_1899] : memref<288x128xf32, #tpu.memory_space<vmem>> -> memref<48x128xf32, #tpu.memory_space<vmem>>
      %dma_wait3A_1901 = arith.constant 0 : i32
      %dma_wait3A_1902 = tpu.memref_slice %arg9[%dma_wait3A_1897, %dma_wait3A_1901] : memref<6x48xi32, #tpu.memory_space<vmem>> -> memref<1x48xi32, #tpu.memory_space<vmem>>
      %dma_wait3A_1903 = tpu.memref_squeeze %dma_wait3A_1902 : memref<1x48xi32, #tpu.memory_space<vmem>> -> memref<48xi32, #tpu.memory_space<vmem>>
      %dma_wait3A_1904 = arith.constant 0 : i32
      %dma_wait3A_1905 = arith.constant 0 : i32
      %dma_wait3A_1906 = tpu.memref_slice %arg2[%dma_wait3A_1904, %dma_wait3A_1905] : memref<451584x128xf32, #tpu.memory_space<hbm>> -> memref<451584x128xf32, #tpu.memory_space<hbm>>
      tpu.wait_indirect_dma semaphore(%arg16 : memref<!tpu.dma_semaphore, #tpu.memory_space<semaphore_mem>>) src(%dma_wait3A_1906 : memref<451584x128xf32, #tpu.memory_space<hbm>>) dst(%dma_wait3A_1900 : memref<48x128xf32, #tpu.memory_space<vmem>>)
      %scan3A_1907 = arith.constant 0 : i32
      %scan3A_1908 = arith.constant 32 : i32
      %scan3A_1909 = arith.addi %scan3A_1907, %scan3A_1908 : i32
      %scan3A_1910 = arith.constant 1 : i32
      scf.for %scan3A_1915 = %scan3A_1907 to %scan3A_1909 step %scan3A_1910  : i32 {
        %mul3A_1916 = arith.constant 9 : i32
        %mul3A_1917 = arith.muli %scan3A_1915, %mul3A_1916 : i32
        %add3A_1918 = arith.constant 0 : i32
        %add3A_1919 = arith.addi %mul3A_1917, %add3A_1918 : i32
        %get3A_1920 = arith.index_cast %add3A_1919 : i32 to index
        %get3A_1921 = arith.constant 0 : index
        %get3A_1922 = tpu.vector_load %arg11[%get3A_1920, %get3A_1921] {strides = array<i32>} : memref<288x128xf32, #tpu.memory_space<vmem>>, vector<1x16xf32>,
        %get3A_1923 = vector.shape_cast %get3A_1922 : vector<1x16xf32> to vector<16xf32>
        %add3A_1924 = arith.addf %get3A_5, %get3A_1923 : vector<16xf32>
        %add3A_1925 = arith.constant 1 : i32
        %add3A_1926 = arith.addi %mul3A_1917, %add3A_1925 : i32
        %get3A_1927 = arith.index_cast %add3A_1926 : i32 to index
        %get3A_1928 = arith.constant 0 : index
        %get3A_1929 = tpu.vector_load %arg11[%get3A_1927, %get3A_1928] {strides = array<i32>} : memref<288x128xf32, #tpu.memory_space<vmem>>, vector<1x16xf32>,
        %get3A_1930 = vector.shape_cast %get3A_1929 : vector<1x16xf32> to vector<16xf32>
        %add3A_1931 = arith.addf %add3A_1924, %get3A_1930 : vector<16xf32>
        %add3A_1932 = arith.constant 2 : i32
        %add3A_1933 = arith.addi %mul3A_1917, %add3A_1932 : i32
        %get3A_1934 = arith.index_cast %add3A_1933 : i32 to index
        %get3A_1935 = arith.constant 0 : index
        %get3A_1936 = tpu.vector_load %arg11[%get3A_1934, %get3A_1935] {strides = array<i32>} : memref<288x128xf32, #tpu.memory_space<vmem>>, vector<1x16xf32>,
        %get3A_1937 = vector.shape_cast %get3A_1936 : vector<1x16xf32> to vector<16xf32>
        %add3A_1938 = arith.addf %add3A_1931, %get3A_1937 : vector<16xf32>
        %add3A_1939 = arith.constant 3 : i32
        %add3A_1940 = arith.addi %mul3A_1917, %add3A_1939 : i32
        %get3A_1941 = arith.index_cast %add3A_1940 : i32 to index
        %get3A_1942 = arith.constant 0 : index
        %get3A_1943 = tpu.vector_load %arg11[%get3A_1941, %get3A_1942] {strides = array<i32>} : memref<288x128xf32, #tpu.memory_space<vmem>>, vector<1x16xf32>,
        %get3A_1944 = vector.shape_cast %get3A_1943 : vector<1x16xf32> to vector<16xf32>
        %add3A_1945 = arith.addf %add3A_1938, %get3A_1944 : vector<16xf32>
        %add3A_1946 = arith.constant 4 : i32
        %add3A_1947 = arith.addi %mul3A_1917, %add3A_1946 : i32
        %get3A_1948 = arith.index_cast %add3A_1947 : i32 to index
        %get3A_1949 = arith.constant 0 : index
        %get3A_1950 = tpu.vector_load %arg11[%get3A_1948, %get3A_1949] {strides = array<i32>} : memref<288x128xf32, #tpu.memory_space<vmem>>, vector<1x16xf32>,
        %get3A_1951 = vector.shape_cast %get3A_1950 : vector<1x16xf32> to vector<16xf32>
        %add3A_1952 = arith.addf %add3A_1945, %get3A_1951 : vector<16xf32>
        %add3A_1953 = arith.constant 5 : i32
        %add3A_1954 = arith.addi %mul3A_1917, %add3A_1953 : i32
        %get3A_1955 = arith.index_cast %add3A_1954 : i32 to index
        %get3A_1956 = arith.constant 0 : index
        %get3A_1957 = tpu.vector_load %arg11[%get3A_1955, %get3A_1956] {strides = array<i32>} : memref<288x128xf32, #tpu.memory_space<vmem>>, vector<1x16xf32>,
        %get3A_1958 = vector.shape_cast %get3A_1957 : vector<1x16xf32> to vector<16xf32>
        %add3A_1959 = arith.addf %add3A_1952, %get3A_1958 : vector<16xf32>
        %add3A_1960 = arith.constant 6 : i32
        %add3A_1961 = arith.addi %mul3A_1917, %add3A_1960 : i32
        %get3A_1962 = arith.index_cast %add3A_1961 : i32 to index
        %get3A_1963 = arith.constant 0 : index
        %get3A_1964 = tpu.vector_load %arg11[%get3A_1962, %get3A_1963] {strides = array<i32>} : memref<288x128xf32, #tpu.memory_space<vmem>>, vector<1x16xf32>,
        %get3A_1965 = vector.shape_cast %get3A_1964 : vector<1x16xf32> to vector<16xf32>
        %add3A_1966 = arith.addf %add3A_1959, %get3A_1965 : vector<16xf32>
        %add3A_1967 = arith.constant 7 : i32
        %add3A_1968 = arith.addi %mul3A_1917, %add3A_1967 : i32
        %get3A_1969 = arith.index_cast %add3A_1968 : i32 to index
        %get3A_1970 = arith.constant 0 : index
        %get3A_1971 = tpu.vector_load %arg11[%get3A_1969, %get3A_1970] {strides = array<i32>} : memref<288x128xf32, #tpu.memory_space<vmem>>, vector<1x16xf32>,
        %get3A_1972 = vector.shape_cast %get3A_1971 : vector<1x16xf32> to vector<16xf32>
        %add3A_1973 = arith.addf %add3A_1966, %get3A_1972 : vector<16xf32>
        %add3A_1974 = arith.constant 8 : i32
        %add3A_1975 = arith.addi %mul3A_1917, %add3A_1974 : i32
        %get3A_1976 = arith.index_cast %add3A_1975 : i32 to index
        %get3A_1977 = arith.constant 0 : index
        %get3A_1978 = tpu.vector_load %arg11[%get3A_1976, %get3A_1977] {strides = array<i32>} : memref<288x128xf32, #tpu.memory_space<vmem>>, vector<1x16xf32>,
        %get3A_1979 = vector.shape_cast %get3A_1978 : vector<1x16xf32> to vector<16xf32>
        %add3A_1980 = arith.addf %add3A_1973, %get3A_1979 : vector<16xf32>
        %swap3A_1981 = arith.index_cast %scan3A_1915 : i32 to index
        %swap3A_1982 = arith.constant 0 : index
        %swap3A_1983 = tpu.vector_load %arg13[%swap3A_1981, %swap3A_1982] {strides = array<i32>} : memref<32x128xf32, #tpu.memory_space<vmem>>, vector<1x16xf32>,
        %swap3A_1984 = vector.shape_cast %swap3A_1983 : vector<1x16xf32> to vector<16xf32>
        %swap3A_1985 = vector.shape_cast %add3A_1980 : vector<16xf32> to vector<1x16xf32>
        tpu.vector_store %arg13[%swap3A_1981, %swap3A_1982], %swap3A_1985 {strides = array<i32>} : memref<32x128xf32, #tpu.memory_space<vmem>>, vector<1x16xf32>,
        %add3A_1986 = arith.constant 0 : i32
        %add3A_1987 = arith.addi %mul3A_1917, %add3A_1986 : i32
        %get3A_1988 = arith.index_cast %add3A_1987 : i32 to index
        %get3A_1989 = arith.constant 16 : index
        %get3A_1990 = tpu.vector_load %arg11[%get3A_1988, %get3A_1989] {strides = array<i32>} : memref<288x128xf32, #tpu.memory_space<vmem>>, vector<1x16xf32>,
        %get3A_1991 = vector.shape_cast %get3A_1990 : vector<1x16xf32> to vector<16xf32>
        %add3A_1992 = arith.addf %get3A_8, %get3A_1991 : vector<16xf32>
        %add3A_1993 = arith.constant 1 : i32
        %add3A_1994 = arith.addi %mul3A_1917, %add3A_1993 : i32
        %get3A_1995 = arith.index_cast %add3A_1994 : i32 to index
        %get3A_1996 = arith.constant 16 : index
        %get3A_1997 = tpu.vector_load %arg11[%get3A_1995, %get3A_1996] {strides = array<i32>} : memref<288x128xf32, #tpu.memory_space<vmem>>, vector<1x16xf32>,
        %get3A_1998 = vector.shape_cast %get3A_1997 : vector<1x16xf32> to vector<16xf32>
        %add3A_1999 = arith.addf %add3A_1992, %get3A_1998 : vector<16xf32>
        %add3A_2000 = arith.constant 2 : i32
        %add3A_2001 = arith.addi %mul3A_1917, %add3A_2000 : i32
        %get3A_2002 = arith.index_cast %add3A_2001 : i32 to index
        %get3A_2003 = arith.constant 16 : index
        %get3A_2004 = tpu.vector_load %arg11[%get3A_2002, %get3A_2003] {strides = array<i32>} : memref<288x128xf32, #tpu.memory_space<vmem>>, vector<1x16xf32>,
        %get3A_2005 = vector.shape_cast %get3A_2004 : vector<1x16xf32> to vector<16xf32>
        %add3A_2006 = arith.addf %add3A_1999, %get3A_2005 : vector<16xf32>
        %add3A_2007 = arith.constant 3 : i32
        %add3A_2008 = arith.addi %mul3A_1917, %add3A_2007 : i32
        %get3A_2009 = arith.index_cast %add3A_2008 : i32 to index
        %get3A_2010 = arith.constant 16 : index
        %get3A_2011 = tpu.vector_load %arg11[%get3A_2009, %get3A_2010] {strides = array<i32>} : memref<288x128xf32, #tpu.memory_space<vmem>>, vector<1x16xf32>,
        %get3A_2012 = vector.shape_cast %get3A_2011 : vector<1x16xf32> to vector<16xf32>
        %add3A_2013 = arith.addf %add3A_2006, %get3A_2012 : vector<16xf32>
        %add3A_2014 = arith.constant 4 : i32
        %add3A_2015 = arith.addi %mul3A_1917, %add3A_2014 : i32
        %get3A_2016 = arith.index_cast %add3A_2015 : i32 to index
        %get3A_2017 = arith.constant 16 : index
        %get3A_2018 = tpu.vector_load %arg11[%get3A_2016, %get3A_2017] {strides = array<i32>} : memref<288x128xf32, #tpu.memory_space<vmem>>, vector<1x16xf32>,
        %get3A_2019 = vector.shape_cast %get3A_2018 : vector<1x16xf32> to vector<16xf32>
        %add3A_2020 = arith.addf %add3A_2013, %get3A_2019 : vector<16xf32>
        %add3A_2021 = arith.constant 5 : i32
        %add3A_2022 = arith.addi %mul3A_1917, %add3A_2021 : i32
        %get3A_2023 = arith.index_cast %add3A_2022 : i32 to index
        %get3A_2024 = arith.constant 16 : index
        %get3A_2025 = tpu.vector_load %arg11[%get3A_2023, %get3A_2024] {strides = array<i32>} : memref<288x128xf32, #tpu.memory_space<vmem>>, vector<1x16xf32>,
        %get3A_2026 = vector.shape_cast %get3A_2025 : vector<1x16xf32> to vector<16xf32>
        %add3A_2027 = arith.addf %add3A_2020, %get3A_2026 : vector<16xf32>
        %add3A_2028 = arith.constant 6 : i32
        %add3A_2029 = arith.addi %mul3A_1917, %add3A_2028 : i32
        %get3A_2030 = arith.index_cast %add3A_2029 : i32 to index
        %get3A_2031 = arith.constant 16 : index
        %get3A_2032 = tpu.vector_load %arg11[%get3A_2030, %get3A_2031] {strides = array<i32>} : memref<288x128xf32, #tpu.memory_space<vmem>>, vector<1x16xf32>,
        %get3A_2033 = vector.shape_cast %get3A_2032 : vector<1x16xf32> to vector<16xf32>
        %add3A_2034 = arith.addf %add3A_2027, %get3A_2033 : vector<16xf32>
        %add3A_2035 = arith.constant 7 : i32
        %add3A_2036 = arith.addi %mul3A_1917, %add3A_2035 : i32
        %get3A_2037 = arith.index_cast %add3A_2036 : i32 to index
        %get3A_2038 = arith.constant 16 : index
        %get3A_2039 = tpu.vector_load %arg11[%get3A_2037, %get3A_2038] {strides = array<i32>} : memref<288x128xf32, #tpu.memory_space<vmem>>, vector<1x16xf32>,
        %get3A_2040 = vector.shape_cast %get3A_2039 : vector<1x16xf32> to vector<16xf32>
        %add3A_2041 = arith.addf %add3A_2034, %get3A_2040 : vector<16xf32>
        %add3A_2042 = arith.constant 8 : i32
        %add3A_2043 = arith.addi %mul3A_1917, %add3A_2042 : i32
        %get3A_2044 = arith.index_cast %add3A_2043 : i32 to index
        %get3A_2045 = arith.constant 16 : index
        %get3A_2046 = tpu.vector_load %arg11[%get3A_2044, %get3A_2045] {strides = array<i32>} : memref<288x128xf32, #tpu.memory_space<vmem>>, vector<1x16xf32>,
        %get3A_2047 = vector.shape_cast %get3A_2046 : vector<1x16xf32> to vector<16xf32>
        %add3A_2048 = arith.addf %add3A_2041, %get3A_2047 : vector<16xf32>
        %swap3A_2049 = arith.index_cast %scan3A_1915 : i32 to index
        %swap3A_2050 = arith.constant 16 : index
        %swap3A_2051 = tpu.vector_load %arg13[%swap3A_2049, %swap3A_2050] {strides = array<i32>} : memref<32x128xf32, #tpu.memory_space<vmem>>, vector<1x16xf32>,
        %swap3A_2052 = vector.shape_cast %swap3A_2051 : vector<1x16xf32> to vector<16xf32>
        %swap3A_2053 = vector.shape_cast %add3A_2048 : vector<16xf32> to vector<1x16xf32>
        tpu.vector_store %arg13[%swap3A_2049, %swap3A_2050], %swap3A_2053 {strides = array<i32>} : memref<32x128xf32, #tpu.memory_space<vmem>>, vector<1x16xf32>,
        %add3A_2054 = arith.constant 0 : i32
        %add3A_2055 = arith.addi %mul3A_1917, %add3A_2054 : i32
        %get3A_2056 = arith.index_cast %add3A_2055 : i32 to index
        %get3A_2057 = arith.constant 32 : index
        %get3A_2058 = tpu.vector_load %arg11[%get3A_2056, %get3A_2057] {strides = array<i32>} : memref<288x128xf32, #tpu.memory_space<vmem>>, vector<1x16xf32>,
        %get3A_2059 = vector.shape_cast %get3A_2058 : vector<1x16xf32> to vector<16xf32>
        %add3A_2060 = arith.addf %get3A_11, %get3A_2059 : vector<16xf32>
        %add3A_2061 = arith.constant 1 : i32
        %add3A_2062 = arith.addi %mul3A_1917, %add3A_2061 : i32
        %get3A_2063 = arith.index_cast %add3A_2062 : i32 to index
        %get3A_2064 = arith.constant 32 : index
        %get3A_2065 = tpu.vector_load %arg11[%get3A_2063, %get3A_2064] {strides = array<i32>} : memref<288x128xf32, #tpu.memory_space<vmem>>, vector<1x16xf32>,
        %get3A_2066 = vector.shape_cast %get3A_2065 : vector<1x16xf32> to vector<16xf32>
        %add3A_2067 = arith.addf %add3A_2060, %get3A_2066 : vector<16xf32>
        %add3A_2068 = arith.constant 2 : i32
        %add3A_2069 = arith.addi %mul3A_1917, %add3A_2068 : i32
        %get3A_2070 = arith.index_cast %add3A_2069 : i32 to index
        %get3A_2071 = arith.constant 32 : index
        %get3A_2072 = tpu.vector_load %arg11[%get3A_2070, %get3A_2071] {strides = array<i32>} : memref<288x128xf32, #tpu.memory_space<vmem>>, vector<1x16xf32>,
        %get3A_2073 = vector.shape_cast %get3A_2072 : vector<1x16xf32> to vector<16xf32>
        %add3A_2074 = arith.addf %add3A_2067, %get3A_2073 : vector<16xf32>
        %add3A_2075 = arith.constant 3 : i32
        %add3A_2076 = arith.addi %mul3A_1917, %add3A_2075 : i32
        %get3A_2077 = arith.index_cast %add3A_2076 : i32 to index
        %get3A_2078 = arith.constant 32 : index
        %get3A_2079 = tpu.vector_load %arg11[%get3A_2077, %get3A_2078] {strides = array<i32>} : memref<288x128xf32, #tpu.memory_space<vmem>>, vector<1x16xf32>,
        %get3A_2080 = vector.shape_cast %get3A_2079 : vector<1x16xf32> to vector<16xf32>
        %add3A_2081 = arith.addf %add3A_2074, %get3A_2080 : vector<16xf32>
        %add3A_2082 = arith.constant 4 : i32
        %add3A_2083 = arith.addi %mul3A_1917, %add3A_2082 : i32
        %get3A_2084 = arith.index_cast %add3A_2083 : i32 to index
        %get3A_2085 = arith.constant 32 : index
        %get3A_2086 = tpu.vector_load %arg11[%get3A_2084, %get3A_2085] {strides = array<i32>} : memref<288x128xf32, #tpu.memory_space<vmem>>, vector<1x16xf32>,
        %get3A_2087 = vector.shape_cast %get3A_2086 : vector<1x16xf32> to vector<16xf32>
        %add3A_2088 = arith.addf %add3A_2081, %get3A_2087 : vector<16xf32>
        %add3A_2089 = arith.constant 5 : i32
        %add3A_2090 = arith.addi %mul3A_1917, %add3A_2089 : i32
        %get3A_2091 = arith.index_cast %add3A_2090 : i32 to index
        %get3A_2092 = arith.constant 32 : index
        %get3A_2093 = tpu.vector_load %arg11[%get3A_2091, %get3A_2092] {strides = array<i32>} : memref<288x128xf32, #tpu.memory_space<vmem>>, vector<1x16xf32>,
        %get3A_2094 = vector.shape_cast %get3A_2093 : vector<1x16xf32> to vector<16xf32>
        %add3A_2095 = arith.addf %add3A_2088, %get3A_2094 : vector<16xf32>
        %add3A_2096 = arith.constant 6 : i32
        %add3A_2097 = arith.addi %mul3A_1917, %add3A_2096 : i32
        %get3A_2098 = arith.index_cast %add3A_2097 : i32 to index
        %get3A_2099 = arith.constant 32 : index
        %get3A_2100 = tpu.vector_load %arg11[%get3A_2098, %get3A_2099] {strides = array<i32>} : memref<288x128xf32, #tpu.memory_space<vmem>>, vector<1x16xf32>,
        %get3A_2101 = vector.shape_cast %get3A_2100 : vector<1x16xf32> to vector<16xf32>
        %add3A_2102 = arith.addf %add3A_2095, %get3A_2101 : vector<16xf32>
        %add3A_2103 = arith.constant 7 : i32
        %add3A_2104 = arith.addi %mul3A_1917, %add3A_2103 : i32
        %get3A_2105 = arith.index_cast %add3A_2104 : i32 to index
        %get3A_2106 = arith.constant 32 : index
        %get3A_2107 = tpu.vector_load %arg11[%get3A_2105, %get3A_2106] {strides = array<i32>} : memref<288x128xf32, #tpu.memory_space<vmem>>, vector<1x16xf32>,
        %get3A_2108 = vector.shape_cast %get3A_2107 : vector<1x16xf32> to vector<16xf32>
        %add3A_2109 = arith.addf %add3A_2102, %get3A_2108 : vector<16xf32>
        %add3A_2110 = arith.constant 8 : i32
        %add3A_2111 = arith.addi %mul3A_1917, %add3A_2110 : i32
        %get3A_2112 = arith.index_cast %add3A_2111 : i32 to index
        %get3A_2113 = arith.constant 32 : index
        %get3A_2114 = tpu.vector_load %arg11[%get3A_2112, %get3A_2113] {strides = array<i32>} : memref<288x128xf32, #tpu.memory_space<vmem>>, vector<1x16xf32>,
        %get3A_2115 = vector.shape_cast %get3A_2114 : vector<1x16xf32> to vector<16xf32>
        %add3A_2116 = arith.addf %add3A_2109, %get3A_2115 : vector<16xf32>
        %swap3A_2117 = arith.index_cast %scan3A_1915 : i32 to index
        %swap3A_2118 = arith.constant 32 : index
        %swap3A_2119 = tpu.vector_load %arg13[%swap3A_2117, %swap3A_2118] {strides = array<i32>} : memref<32x128xf32, #tpu.memory_space<vmem>>, vector<1x16xf32>,
        %swap3A_2120 = vector.shape_cast %swap3A_2119 : vector<1x16xf32> to vector<16xf32>
        %swap3A_2121 = vector.shape_cast %add3A_2116 : vector<16xf32> to vector<1x16xf32>
        tpu.vector_store %arg13[%swap3A_2117, %swap3A_2118], %swap3A_2121 {strides = array<i32>} : memref<32x128xf32, #tpu.memory_space<vmem>>, vector<1x16xf32>,
        %add3A_2122 = arith.constant 0 : i32
        %add3A_2123 = arith.addi %mul3A_1917, %add3A_2122 : i32
        %get3A_2124 = arith.index_cast %add3A_2123 : i32 to index
        %get3A_2125 = arith.constant 48 : index
        %get3A_2126 = tpu.vector_load %arg11[%get3A_2124, %get3A_2125] {strides = array<i32>} : memref<288x128xf32, #tpu.memory_space<vmem>>, vector<1x16xf32>,
        %get3A_2127 = vector.shape_cast %get3A_2126 : vector<1x16xf32> to vector<16xf32>
        %add3A_2128 = arith.addf %get3A_14, %get3A_2127 : vector<16xf32>
        %add3A_2129 = arith.constant 1 : i32
        %add3A_2130 = arith.addi %mul3A_1917, %add3A_2129 : i32
        %get3A_2131 = arith.index_cast %add3A_2130 : i32 to index
        %get3A_2132 = arith.constant 48 : index
        %get3A_2133 = tpu.vector_load %arg11[%get3A_2131, %get3A_2132] {strides = array<i32>} : memref<288x128xf32, #tpu.memory_space<vmem>>, vector<1x16xf32>,
        %get3A_2134 = vector.shape_cast %get3A_2133 : vector<1x16xf32> to vector<16xf32>
        %add3A_2135 = arith.addf %add3A_2128, %get3A_2134 : vector<16xf32>
        %add3A_2136 = arith.constant 2 : i32
        %add3A_2137 = arith.addi %mul3A_1917, %add3A_2136 : i32
        %get3A_2138 = arith.index_cast %add3A_2137 : i32 to index
        %get3A_2139 = arith.constant 48 : index
        %get3A_2140 = tpu.vector_load %arg11[%get3A_2138, %get3A_2139] {strides = array<i32>} : memref<288x128xf32, #tpu.memory_space<vmem>>, vector<1x16xf32>,
        %get3A_2141 = vector.shape_cast %get3A_2140 : vector<1x16xf32> to vector<16xf32>
        %add3A_2142 = arith.addf %add3A_2135, %get3A_2141 : vector<16xf32>
        %add3A_2143 = arith.constant 3 : i32
        %add3A_2144 = arith.addi %mul3A_1917, %add3A_2143 : i32
        %get3A_2145 = arith.index_cast %add3A_2144 : i32 to index
        %get3A_2146 = arith.constant 48 : index
        %get3A_2147 = tpu.vector_load %arg11[%get3A_2145, %get3A_2146] {strides = array<i32>} : memref<288x128xf32, #tpu.memory_space<vmem>>, vector<1x16xf32>,
        %get3A_2148 = vector.shape_cast %get3A_2147 : vector<1x16xf32> to vector<16xf32>
        %add3A_2149 = arith.addf %add3A_2142, %get3A_2148 : vector<16xf32>
        %add3A_2150 = arith.constant 4 : i32
        %add3A_2151 = arith.addi %mul3A_1917, %add3A_2150 : i32
        %get3A_2152 = arith.index_cast %add3A_2151 : i32 to index
        %get3A_2153 = arith.constant 48 : index
        %get3A_2154 = tpu.vector_load %arg11[%get3A_2152, %get3A_2153] {strides = array<i32>} : memref<288x128xf32, #tpu.memory_space<vmem>>, vector<1x16xf32>,
        %get3A_2155 = vector.shape_cast %get3A_2154 : vector<1x16xf32> to vector<16xf32>
        %add3A_2156 = arith.addf %add3A_2149, %get3A_2155 : vector<16xf32>
        %add3A_2157 = arith.constant 5 : i32
        %add3A_2158 = arith.addi %mul3A_1917, %add3A_2157 : i32
        %get3A_2159 = arith.index_cast %add3A_2158 : i32 to index
        %get3A_2160 = arith.constant 48 : index
        %get3A_2161 = tpu.vector_load %arg11[%get3A_2159, %get3A_2160] {strides = array<i32>} : memref<288x128xf32, #tpu.memory_space<vmem>>, vector<1x16xf32>,
        %get3A_2162 = vector.shape_cast %get3A_2161 : vector<1x16xf32> to vector<16xf32>
        %add3A_2163 = arith.addf %add3A_2156, %get3A_2162 : vector<16xf32>
        %add3A_2164 = arith.constant 6 : i32
        %add3A_2165 = arith.addi %mul3A_1917, %add3A_2164 : i32
        %get3A_2166 = arith.index_cast %add3A_2165 : i32 to index
        %get3A_2167 = arith.constant 48 : index
        %get3A_2168 = tpu.vector_load %arg11[%get3A_2166, %get3A_2167] {strides = array<i32>} : memref<288x128xf32, #tpu.memory_space<vmem>>, vector<1x16xf32>,
        %get3A_2169 = vector.shape_cast %get3A_2168 : vector<1x16xf32> to vector<16xf32>
        %add3A_2170 = arith.addf %add3A_2163, %get3A_2169 : vector<16xf32>
        %add3A_2171 = arith.constant 7 : i32
        %add3A_2172 = arith.addi %mul3A_1917, %add3A_2171 : i32
        %get3A_2173 = arith.index_cast %add3A_2172 : i32 to index
        %get3A_2174 = arith.constant 48 : index
        %get3A_2175 = tpu.vector_load %arg11[%get3A_2173, %get3A_2174] {strides = array<i32>} : memref<288x128xf32, #tpu.memory_space<vmem>>, vector<1x16xf32>,
        %get3A_2176 = vector.shape_cast %get3A_2175 : vector<1x16xf32> to vector<16xf32>
        %add3A_2177 = arith.addf %add3A_2170, %get3A_2176 : vector<16xf32>
        %add3A_2178 = arith.constant 8 : i32
        %add3A_2179 = arith.addi %mul3A_1917, %add3A_2178 : i32
        %get3A_2180 = arith.index_cast %add3A_2179 : i32 to index
        %get3A_2181 = arith.constant 48 : index
        %get3A_2182 = tpu.vector_load %arg11[%get3A_2180, %get3A_2181] {strides = array<i32>} : memref<288x128xf32, #tpu.memory_space<vmem>>, vector<1x16xf32>,
        %get3A_2183 = vector.shape_cast %get3A_2182 : vector<1x16xf32> to vector<16xf32>
        %add3A_2184 = arith.addf %add3A_2177, %get3A_2183 : vector<16xf32>
        %swap3A_2185 = arith.index_cast %scan3A_1915 : i32 to index
        %swap3A_2186 = arith.constant 48 : index
        %swap3A_2187 = tpu.vector_load %arg13[%swap3A_2185, %swap3A_2186] {strides = array<i32>} : memref<32x128xf32, #tpu.memory_space<vmem>>, vector<1x16xf32>,
        %swap3A_2188 = vector.shape_cast %swap3A_2187 : vector<1x16xf32> to vector<16xf32>
        %swap3A_2189 = vector.shape_cast %add3A_2184 : vector<16xf32> to vector<1x16xf32>
        tpu.vector_store %arg13[%swap3A_2185, %swap3A_2186], %swap3A_2189 {strides = array<i32>} : memref<32x128xf32, #tpu.memory_space<vmem>>, vector<1x16xf32>,
        %add3A_2190 = arith.constant 0 : i32
        %add3A_2191 = arith.addi %mul3A_1917, %add3A_2190 : i32
        %get3A_2192 = arith.index_cast %add3A_2191 : i32 to index
        %get3A_2193 = arith.constant 64 : index
        %get3A_2194 = tpu.vector_load %arg11[%get3A_2192, %get3A_2193] {strides = array<i32>} : memref<288x128xf32, #tpu.memory_space<vmem>>, vector<1x16xf32>,
        %get3A_2195 = vector.shape_cast %get3A_2194 : vector<1x16xf32> to vector<16xf32>
        %add3A_2196 = arith.addf %get3A_17, %get3A_2195 : vector<16xf32>
        %add3A_2197 = arith.constant 1 : i32
        %add3A_2198 = arith.addi %mul3A_1917, %add3A_2197 : i32
        %get3A_2199 = arith.index_cast %add3A_2198 : i32 to index
        %get3A_2200 = arith.constant 64 : index
        %get3A_2201 = tpu.vector_load %arg11[%get3A_2199, %get3A_2200] {strides = array<i32>} : memref<288x128xf32, #tpu.memory_space<vmem>>, vector<1x16xf32>,
        %get3A_2202 = vector.shape_cast %get3A_2201 : vector<1x16xf32> to vector<16xf32>
        %add3A_2203 = arith.addf %add3A_2196, %get3A_2202 : vector<16xf32>
        %add3A_2204 = arith.constant 2 : i32
        %add3A_2205 = arith.addi %mul3A_1917, %add3A_2204 : i32
        %get3A_2206 = arith.index_cast %add3A_2205 : i32 to index
        %get3A_2207 = arith.constant 64 : index
        %get3A_2208 = tpu.vector_load %arg11[%get3A_2206, %get3A_2207] {strides = array<i32>} : memref<288x128xf32, #tpu.memory_space<vmem>>, vector<1x16xf32>,
        %get3A_2209 = vector.shape_cast %get3A_2208 : vector<1x16xf32> to vector<16xf32>
        %add3A_2210 = arith.addf %add3A_2203, %get3A_2209 : vector<16xf32>
        %add3A_2211 = arith.constant 3 : i32
        %add3A_2212 = arith.addi %mul3A_1917, %add3A_2211 : i32
        %get3A_2213 = arith.index_cast %add3A_2212 : i32 to index
        %get3A_2214 = arith.constant 64 : index
        %get3A_2215 = tpu.vector_load %arg11[%get3A_2213, %get3A_2214] {strides = array<i32>} : memref<288x128xf32, #tpu.memory_space<vmem>>, vector<1x16xf32>,
        %get3A_2216 = vector.shape_cast %get3A_2215 : vector<1x16xf32> to vector<16xf32>
        %add3A_2217 = arith.addf %add3A_2210, %get3A_2216 : vector<16xf32>
        %add3A_2218 = arith.constant 4 : i32
        %add3A_2219 = arith.addi %mul3A_1917, %add3A_2218 : i32
        %get3A_2220 = arith.index_cast %add3A_2219 : i32 to index
        %get3A_2221 = arith.constant 64 : index
        %get3A_2222 = tpu.vector_load %arg11[%get3A_2220, %get3A_2221] {strides = array<i32>} : memref<288x128xf32, #tpu.memory_space<vmem>>, vector<1x16xf32>,
        %get3A_2223 = vector.shape_cast %get3A_2222 : vector<1x16xf32> to vector<16xf32>
        %add3A_2224 = arith.addf %add3A_2217, %get3A_2223 : vector<16xf32>
        %add3A_2225 = arith.constant 5 : i32
        %add3A_2226 = arith.addi %mul3A_1917, %add3A_2225 : i32
        %get3A_2227 = arith.index_cast %add3A_2226 : i32 to index
        %get3A_2228 = arith.constant 64 : index
        %get3A_2229 = tpu.vector_load %arg11[%get3A_2227, %get3A_2228] {strides = array<i32>} : memref<288x128xf32, #tpu.memory_space<vmem>>, vector<1x16xf32>,
        %get3A_2230 = vector.shape_cast %get3A_2229 : vector<1x16xf32> to vector<16xf32>
        %add3A_2231 = arith.addf %add3A_2224, %get3A_2230 : vector<16xf32>
        %add3A_2232 = arith.constant 6 : i32
        %add3A_2233 = arith.addi %mul3A_1917, %add3A_2232 : i32
        %get3A_2234 = arith.index_cast %add3A_2233 : i32 to index
        %get3A_2235 = arith.constant 64 : index
        %get3A_2236 = tpu.vector_load %arg11[%get3A_2234, %get3A_2235] {strides = array<i32>} : memref<288x128xf32, #tpu.memory_space<vmem>>, vector<1x16xf32>,
        %get3A_2237 = vector.shape_cast %get3A_2236 : vector<1x16xf32> to vector<16xf32>
        %add3A_2238 = arith.addf %add3A_2231, %get3A_2237 : vector<16xf32>
        %add3A_2239 = arith.constant 7 : i32
        %add3A_2240 = arith.addi %mul3A_1917, %add3A_2239 : i32
        %get3A_2241 = arith.index_cast %add3A_2240 : i32 to index
        %get3A_2242 = arith.constant 64 : index
        %get3A_2243 = tpu.vector_load %arg11[%get3A_2241, %get3A_2242] {strides = array<i32>} : memref<288x128xf32, #tpu.memory_space<vmem>>, vector<1x16xf32>,
        %get3A_2244 = vector.shape_cast %get3A_2243 : vector<1x16xf32> to vector<16xf32>
        %add3A_2245 = arith.addf %add3A_2238, %get3A_2244 : vector<16xf32>
        %add3A_2246 = arith.constant 8 : i32
        %add3A_2247 = arith.addi %mul3A_1917, %add3A_2246 : i32
        %get3A_2248 = arith.index_cast %add3A_2247 : i32 to index
        %get3A_2249 = arith.constant 64 : index
        %get3A_2250 = tpu.vector_load %arg11[%get3A_2248, %get3A_2249] {strides = array<i32>} : memref<288x128xf32, #tpu.memory_space<vmem>>, vector<1x16xf32>,
        %get3A_2251 = vector.shape_cast %get3A_2250 : vector<1x16xf32> to vector<16xf32>
        %add3A_2252 = arith.addf %add3A_2245, %get3A_2251 : vector<16xf32>
        %swap3A_2253 = arith.index_cast %scan3A_1915 : i32 to index
        %swap3A_2254 = arith.constant 64 : index
        %swap3A_2255 = tpu.vector_load %arg13[%swap3A_2253, %swap3A_2254] {strides = array<i32>} : memref<32x128xf32, #tpu.memory_space<vmem>>, vector<1x16xf32>,
        %swap3A_2256 = vector.shape_cast %swap3A_2255 : vector<1x16xf32> to vector<16xf32>
        %swap3A_2257 = vector.shape_cast %add3A_2252 : vector<16xf32> to vector<1x16xf32>
        tpu.vector_store %arg13[%swap3A_2253, %swap3A_2254], %swap3A_2257 {strides = array<i32>} : memref<32x128xf32, #tpu.memory_space<vmem>>, vector<1x16xf32>,
        %add3A_2258 = arith.constant 0 : i32
        %add3A_2259 = arith.addi %mul3A_1917, %add3A_2258 : i32
        %get3A_2260 = arith.index_cast %add3A_2259 : i32 to index
        %get3A_2261 = arith.constant 80 : index
        %get3A_2262 = tpu.vector_load %arg11[%get3A_2260, %get3A_2261] {strides = array<i32>} : memref<288x128xf32, #tpu.memory_space<vmem>>, vector<1x16xf32>,
        %get3A_2263 = vector.shape_cast %get3A_2262 : vector<1x16xf32> to vector<16xf32>
        %add3A_2264 = arith.addf %get3A_20, %get3A_2263 : vector<16xf32>
        %add3A_2265 = arith.constant 1 : i32
        %add3A_2266 = arith.addi %mul3A_1917, %add3A_2265 : i32
        %get3A_2267 = arith.index_cast %add3A_2266 : i32 to index
        %get3A_2268 = arith.constant 80 : index
        %get3A_2269 = tpu.vector_load %arg11[%get3A_2267, %get3A_2268] {strides = array<i32>} : memref<288x128xf32, #tpu.memory_space<vmem>>, vector<1x16xf32>,
        %get3A_2270 = vector.shape_cast %get3A_2269 : vector<1x16xf32> to vector<16xf32>
        %add3A_2271 = arith.addf %add3A_2264, %get3A_2270 : vector<16xf32>
        %add3A_2272 = arith.constant 2 : i32
        %add3A_2273 = arith.addi %mul3A_1917, %add3A_2272 : i32
        %get3A_2274 = arith.index_cast %add3A_2273 : i32 to index
        %get3A_2275 = arith.constant 80 : index
        %get3A_2276 = tpu.vector_load %arg11[%get3A_2274, %get3A_2275] {strides = array<i32>} : memref<288x128xf32, #tpu.memory_space<vmem>>, vector<1x16xf32>,
        %get3A_2277 = vector.shape_cast %get3A_2276 : vector<1x16xf32> to vector<16xf32>
        %add3A_2278 = arith.addf %add3A_2271, %get3A_2277 : vector<16xf32>
        %add3A_2279 = arith.constant 3 : i32
        %add3A_2280 = arith.addi %mul3A_1917, %add3A_2279 : i32
        %get3A_2281 = arith.index_cast %add3A_2280 : i32 to index
        %get3A_2282 = arith.constant 80 : index
        %get3A_2283 = tpu.vector_load %arg11[%get3A_2281, %get3A_2282] {strides = array<i32>} : memref<288x128xf32, #tpu.memory_space<vmem>>, vector<1x16xf32>,
        %get3A_2284 = vector.shape_cast %get3A_2283 : vector<1x16xf32> to vector<16xf32>
        %add3A_2285 = arith.addf %add3A_2278, %get3A_2284 : vector<16xf32>
        %add3A_2286 = arith.constant 4 : i32
        %add3A_2287 = arith.addi %mul3A_1917, %add3A_2286 : i32
        %get3A_2288 = arith.index_cast %add3A_2287 : i32 to index
        %get3A_2289 = arith.constant 80 : index
        %get3A_2290 = tpu.vector_load %arg11[%get3A_2288, %get3A_2289] {strides = array<i32>} : memref<288x128xf32, #tpu.memory_space<vmem>>, vector<1x16xf32>,
        %get3A_2291 = vector.shape_cast %get3A_2290 : vector<1x16xf32> to vector<16xf32>
        %add3A_2292 = arith.addf %add3A_2285, %get3A_2291 : vector<16xf32>
        %add3A_2293 = arith.constant 5 : i32
        %add3A_2294 = arith.addi %mul3A_1917, %add3A_2293 : i32
        %get3A_2295 = arith.index_cast %add3A_2294 : i32 to index
        %get3A_2296 = arith.constant 80 : index
        %get3A_2297 = tpu.vector_load %arg11[%get3A_2295, %get3A_2296] {strides = array<i32>} : memref<288x128xf32, #tpu.memory_space<vmem>>, vector<1x16xf32>,
        %get3A_2298 = vector.shape_cast %get3A_2297 : vector<1x16xf32> to vector<16xf32>
        %add3A_2299 = arith.addf %add3A_2292, %get3A_2298 : vector<16xf32>
        %add3A_2300 = arith.constant 6 : i32
        %add3A_2301 = arith.addi %mul3A_1917, %add3A_2300 : i32
        %get3A_2302 = arith.index_cast %add3A_2301 : i32 to index
        %get3A_2303 = arith.constant 80 : index
        %get3A_2304 = tpu.vector_load %arg11[%get3A_2302, %get3A_2303] {strides = array<i32>} : memref<288x128xf32, #tpu.memory_space<vmem>>, vector<1x16xf32>,
        %get3A_2305 = vector.shape_cast %get3A_2304 : vector<1x16xf32> to vector<16xf32>
        %add3A_2306 = arith.addf %add3A_2299, %get3A_2305 : vector<16xf32>
        %add3A_2307 = arith.constant 7 : i32
        %add3A_2308 = arith.addi %mul3A_1917, %add3A_2307 : i32
        %get3A_2309 = arith.index_cast %add3A_2308 : i32 to index
        %get3A_2310 = arith.constant 80 : index
        %get3A_2311 = tpu.vector_load %arg11[%get3A_2309, %get3A_2310] {strides = array<i32>} : memref<288x128xf32, #tpu.memory_space<vmem>>, vector<1x16xf32>,
        %get3A_2312 = vector.shape_cast %get3A_2311 : vector<1x16xf32> to vector<16xf32>
        %add3A_2313 = arith.addf %add3A_2306, %get3A_2312 : vector<16xf32>
        %add3A_2314 = arith.constant 8 : i32
        %add3A_2315 = arith.addi %mul3A_1917, %add3A_2314 : i32
        %get3A_2316 = arith.index_cast %add3A_2315 : i32 to index
        %get3A_2317 = arith.constant 80 : index
        %get3A_2318 = tpu.vector_load %arg11[%get3A_2316, %get3A_2317] {strides = array<i32>} : memref<288x128xf32, #tpu.memory_space<vmem>>, vector<1x16xf32>,
        %get3A_2319 = vector.shape_cast %get3A_2318 : vector<1x16xf32> to vector<16xf32>
        %add3A_2320 = arith.addf %add3A_2313, %get3A_2319 : vector<16xf32>
        %swap3A_2321 = arith.index_cast %scan3A_1915 : i32 to index
        %swap3A_2322 = arith.constant 80 : index
        %swap3A_2323 = tpu.vector_load %arg13[%swap3A_2321, %swap3A_2322] {strides = array<i32>} : memref<32x128xf32, #tpu.memory_space<vmem>>, vector<1x16xf32>,
        %swap3A_2324 = vector.shape_cast %swap3A_2323 : vector<1x16xf32> to vector<16xf32>
        %swap3A_2325 = vector.shape_cast %add3A_2320 : vector<16xf32> to vector<1x16xf32>
        tpu.vector_store %arg13[%swap3A_2321, %swap3A_2322], %swap3A_2325 {strides = array<i32>} : memref<32x128xf32, #tpu.memory_space<vmem>>, vector<1x16xf32>,
        %add3A_2326 = arith.constant 0 : i32
        %add3A_2327 = arith.addi %mul3A_1917, %add3A_2326 : i32
        %get3A_2328 = arith.index_cast %add3A_2327 : i32 to index
        %get3A_2329 = arith.constant 96 : index
        %get3A_2330 = tpu.vector_load %arg11[%get3A_2328, %get3A_2329] {strides = array<i32>} : memref<288x128xf32, #tpu.memory_space<vmem>>, vector<1x16xf32>,
        %get3A_2331 = vector.shape_cast %get3A_2330 : vector<1x16xf32> to vector<16xf32>
        %add3A_2332 = arith.addf %get3A_23, %get3A_2331 : vector<16xf32>
        %add3A_2333 = arith.constant 1 : i32
        %add3A_2334 = arith.addi %mul3A_1917, %add3A_2333 : i32
        %get3A_2335 = arith.index_cast %add3A_2334 : i32 to index
        %get3A_2336 = arith.constant 96 : index
        %get3A_2337 = tpu.vector_load %arg11[%get3A_2335, %get3A_2336] {strides = array<i32>} : memref<288x128xf32, #tpu.memory_space<vmem>>, vector<1x16xf32>,
        %get3A_2338 = vector.shape_cast %get3A_2337 : vector<1x16xf32> to vector<16xf32>
        %add3A_2339 = arith.addf %add3A_2332, %get3A_2338 : vector<16xf32>
        %add3A_2340 = arith.constant 2 : i32
        %add3A_2341 = arith.addi %mul3A_1917, %add3A_2340 : i32
        %get3A_2342 = arith.index_cast %add3A_2341 : i32 to index
        %get3A_2343 = arith.constant 96 : index
        %get3A_2344 = tpu.vector_load %arg11[%get3A_2342, %get3A_2343] {strides = array<i32>} : memref<288x128xf32, #tpu.memory_space<vmem>>, vector<1x16xf32>,
        %get3A_2345 = vector.shape_cast %get3A_2344 : vector<1x16xf32> to vector<16xf32>
        %add3A_2346 = arith.addf %add3A_2339, %get3A_2345 : vector<16xf32>
        %add3A_2347 = arith.constant 3 : i32
        %add3A_2348 = arith.addi %mul3A_1917, %add3A_2347 : i32
        %get3A_2349 = arith.index_cast %add3A_2348 : i32 to index
        %get3A_2350 = arith.constant 96 : index
        %get3A_2351 = tpu.vector_load %arg11[%get3A_2349, %get3A_2350] {strides = array<i32>} : memref<288x128xf32, #tpu.memory_space<vmem>>, vector<1x16xf32>,
        %get3A_2352 = vector.shape_cast %get3A_2351 : vector<1x16xf32> to vector<16xf32>
        %add3A_2353 = arith.addf %add3A_2346, %get3A_2352 : vector<16xf32>
        %add3A_2354 = arith.constant 4 : i32
        %add3A_2355 = arith.addi %mul3A_1917, %add3A_2354 : i32
        %get3A_2356 = arith.index_cast %add3A_2355 : i32 to index
        %get3A_2357 = arith.constant 96 : index
        %get3A_2358 = tpu.vector_load %arg11[%get3A_2356, %get3A_2357] {strides = array<i32>} : memref<288x128xf32, #tpu.memory_space<vmem>>, vector<1x16xf32>,
        %get3A_2359 = vector.shape_cast %get3A_2358 : vector<1x16xf32> to vector<16xf32>
        %add3A_2360 = arith.addf %add3A_2353, %get3A_2359 : vector<16xf32>
        %add3A_2361 = arith.constant 5 : i32
        %add3A_2362 = arith.addi %mul3A_1917, %add3A_2361 : i32
        %get3A_2363 = arith.index_cast %add3A_2362 : i32 to index
        %get3A_2364 = arith.constant 96 : index
        %get3A_2365 = tpu.vector_load %arg11[%get3A_2363, %get3A_2364] {strides = array<i32>} : memref<288x128xf32, #tpu.memory_space<vmem>>, vector<1x16xf32>,
        %get3A_2366 = vector.shape_cast %get3A_2365 : vector<1x16xf32> to vector<16xf32>
        %add3A_2367 = arith.addf %add3A_2360, %get3A_2366 : vector<16xf32>
        %add3A_2368 = arith.constant 6 : i32
        %add3A_2369 = arith.addi %mul3A_1917, %add3A_2368 : i32
        %get3A_2370 = arith.index_cast %add3A_2369 : i32 to index
        %get3A_2371 = arith.constant 96 : index
        %get3A_2372 = tpu.vector_load %arg11[%get3A_2370, %get3A_2371] {strides = array<i32>} : memref<288x128xf32, #tpu.memory_space<vmem>>, vector<1x16xf32>,
        %get3A_2373 = vector.shape_cast %get3A_2372 : vector<1x16xf32> to vector<16xf32>
        %add3A_2374 = arith.addf %add3A_2367, %get3A_2373 : vector<16xf32>
        %add3A_2375 = arith.constant 7 : i32
        %add3A_2376 = arith.addi %mul3A_1917, %add3A_2375 : i32
        %get3A_2377 = arith.index_cast %add3A_2376 : i32 to index
        %get3A_2378 = arith.constant 96 : index
        %get3A_2379 = tpu.vector_load %arg11[%get3A_2377, %get3A_2378] {strides = array<i32>} : memref<288x128xf32, #tpu.memory_space<vmem>>, vector<1x16xf32>,
        %get3A_2380 = vector.shape_cast %get3A_2379 : vector<1x16xf32> to vector<16xf32>
        %add3A_2381 = arith.addf %add3A_2374, %get3A_2380 : vector<16xf32>
        %add3A_2382 = arith.constant 8 : i32
        %add3A_2383 = arith.addi %mul3A_1917, %add3A_2382 : i32
        %get3A_2384 = arith.index_cast %add3A_2383 : i32 to index
        %get3A_2385 = arith.constant 96 : index
        %get3A_2386 = tpu.vector_load %arg11[%get3A_2384, %get3A_2385] {strides = array<i32>} : memref<288x128xf32, #tpu.memory_space<vmem>>, vector<1x16xf32>,
        %get3A_2387 = vector.shape_cast %get3A_2386 : vector<1x16xf32> to vector<16xf32>
        %add3A_2388 = arith.addf %add3A_2381, %get3A_2387 : vector<16xf32>
        %swap3A_2389 = arith.index_cast %scan3A_1915 : i32 to index
        %swap3A_2390 = arith.constant 96 : index
        %swap3A_2391 = tpu.vector_load %arg13[%swap3A_2389, %swap3A_2390] {strides = array<i32>} : memref<32x128xf32, #tpu.memory_space<vmem>>, vector<1x16xf32>,
        %swap3A_2392 = vector.shape_cast %swap3A_2391 : vector<1x16xf32> to vector<16xf32>
        %swap3A_2393 = vector.shape_cast %add3A_2388 : vector<16xf32> to vector<1x16xf32>
        tpu.vector_store %arg13[%swap3A_2389, %swap3A_2390], %swap3A_2393 {strides = array<i32>} : memref<32x128xf32, #tpu.memory_space<vmem>>, vector<1x16xf32>,
        %add3A_2394 = arith.constant 0 : i32
        %add3A_2395 = arith.addi %mul3A_1917, %add3A_2394 : i32
        %get3A_2396 = arith.index_cast %add3A_2395 : i32 to index
        %get3A_2397 = arith.constant 112 : index
        %get3A_2398 = tpu.vector_load %arg11[%get3A_2396, %get3A_2397] {strides = array<i32>} : memref<288x128xf32, #tpu.memory_space<vmem>>, vector<1x16xf32>,
        %get3A_2399 = vector.shape_cast %get3A_2398 : vector<1x16xf32> to vector<16xf32>
        %add3A_2400 = arith.addf %get3A_26, %get3A_2399 : vector<16xf32>
        %add3A_2401 = arith.constant 1 : i32
        %add3A_2402 = arith.addi %mul3A_1917, %add3A_2401 : i32
        %get3A_2403 = arith.index_cast %add3A_2402 : i32 to index
        %get3A_2404 = arith.constant 112 : index
        %get3A_2405 = tpu.vector_load %arg11[%get3A_2403, %get3A_2404] {strides = array<i32>} : memref<288x128xf32, #tpu.memory_space<vmem>>, vector<1x16xf32>,
        %get3A_2406 = vector.shape_cast %get3A_2405 : vector<1x16xf32> to vector<16xf32>
        %add3A_2407 = arith.addf %add3A_2400, %get3A_2406 : vector<16xf32>
        %add3A_2408 = arith.constant 2 : i32
        %add3A_2409 = arith.addi %mul3A_1917, %add3A_2408 : i32
        %get3A_2410 = arith.index_cast %add3A_2409 : i32 to index
        %get3A_2411 = arith.constant 112 : index
        %get3A_2412 = tpu.vector_load %arg11[%get3A_2410, %get3A_2411] {strides = array<i32>} : memref<288x128xf32, #tpu.memory_space<vmem>>, vector<1x16xf32>,
        %get3A_2413 = vector.shape_cast %get3A_2412 : vector<1x16xf32> to vector<16xf32>
        %add3A_2414 = arith.addf %add3A_2407, %get3A_2413 : vector<16xf32>
        %add3A_2415 = arith.constant 3 : i32
        %add3A_2416 = arith.addi %mul3A_1917, %add3A_2415 : i32
        %get3A_2417 = arith.index_cast %add3A_2416 : i32 to index
        %get3A_2418 = arith.constant 112 : index
        %get3A_2419 = tpu.vector_load %arg11[%get3A_2417, %get3A_2418] {strides = array<i32>} : memref<288x128xf32, #tpu.memory_space<vmem>>, vector<1x16xf32>,
        %get3A_2420 = vector.shape_cast %get3A_2419 : vector<1x16xf32> to vector<16xf32>
        %add3A_2421 = arith.addf %add3A_2414, %get3A_2420 : vector<16xf32>
        %add3A_2422 = arith.constant 4 : i32
        %add3A_2423 = arith.addi %mul3A_1917, %add3A_2422 : i32
        %get3A_2424 = arith.index_cast %add3A_2423 : i32 to index
        %get3A_2425 = arith.constant 112 : index
        %get3A_2426 = tpu.vector_load %arg11[%get3A_2424, %get3A_2425] {strides = array<i32>} : memref<288x128xf32, #tpu.memory_space<vmem>>, vector<1x16xf32>,
        %get3A_2427 = vector.shape_cast %get3A_2426 : vector<1x16xf32> to vector<16xf32>
        %add3A_2428 = arith.addf %add3A_2421, %get3A_2427 : vector<16xf32>
        %add3A_2429 = arith.constant 5 : i32
        %add3A_2430 = arith.addi %mul3A_1917, %add3A_2429 : i32
        %get3A_2431 = arith.index_cast %add3A_2430 : i32 to index
        %get3A_2432 = arith.constant 112 : index
        %get3A_2433 = tpu.vector_load %arg11[%get3A_2431, %get3A_2432] {strides = array<i32>} : memref<288x128xf32, #tpu.memory_space<vmem>>, vector<1x16xf32>,
        %get3A_2434 = vector.shape_cast %get3A_2433 : vector<1x16xf32> to vector<16xf32>
        %add3A_2435 = arith.addf %add3A_2428, %get3A_2434 : vector<16xf32>
        %add3A_2436 = arith.constant 6 : i32
        %add3A_2437 = arith.addi %mul3A_1917, %add3A_2436 : i32
        %get3A_2438 = arith.index_cast %add3A_2437 : i32 to index
        %get3A_2439 = arith.constant 112 : index
        %get3A_2440 = tpu.vector_load %arg11[%get3A_2438, %get3A_2439] {strides = array<i32>} : memref<288x128xf32, #tpu.memory_space<vmem>>, vector<1x16xf32>,
        %get3A_2441 = vector.shape_cast %get3A_2440 : vector<1x16xf32> to vector<16xf32>
        %add3A_2442 = arith.addf %add3A_2435, %get3A_2441 : vector<16xf32>
        %add3A_2443 = arith.constant 7 : i32
        %add3A_2444 = arith.addi %mul3A_1917, %add3A_2443 : i32
        %get3A_2445 = arith.index_cast %add3A_2444 : i32 to index
        %get3A_2446 = arith.constant 112 : index
        %get3A_2447 = tpu.vector_load %arg11[%get3A_2445, %get3A_2446] {strides = array<i32>} : memref<288x128xf32, #tpu.memory_space<vmem>>, vector<1x16xf32>,
        %get3A_2448 = vector.shape_cast %get3A_2447 : vector<1x16xf32> to vector<16xf32>
        %add3A_2449 = arith.addf %add3A_2442, %get3A_2448 : vector<16xf32>
        %add3A_2450 = arith.constant 8 : i32
        %add3A_2451 = arith.addi %mul3A_1917, %add3A_2450 : i32
        %get3A_2452 = arith.index_cast %add3A_2451 : i32 to index
        %get3A_2453 = arith.constant 112 : index
        %get3A_2454 = tpu.vector_load %arg11[%get3A_2452, %get3A_2453] {strides = array<i32>} : memref<288x128xf32, #tpu.memory_space<vmem>>, vector<1x16xf32>,
        %get3A_2455 = vector.shape_cast %get3A_2454 : vector<1x16xf32> to vector<16xf32>
        %add3A_2456 = arith.addf %add3A_2449, %get3A_2455 : vector<16xf32>
        %swap3A_2457 = arith.index_cast %scan3A_1915 : i32 to index
        %swap3A_2458 = arith.constant 112 : index
        %swap3A_2459 = tpu.vector_load %arg13[%swap3A_2457, %swap3A_2458] {strides = array<i32>} : memref<32x128xf32, #tpu.memory_space<vmem>>, vector<1x16xf32>,
        %swap3A_2460 = vector.shape_cast %swap3A_2459 : vector<1x16xf32> to vector<16xf32>
        %swap3A_2461 = vector.shape_cast %add3A_2456 : vector<16xf32> to vector<1x16xf32>
        tpu.vector_store %arg13[%swap3A_2457, %swap3A_2458], %swap3A_2461 {strides = array<i32>} : memref<32x128xf32, #tpu.memory_space<vmem>>, vector<1x16xf32>,
      }
      %scan3A_1911 = arith.constant 32 : i32
      %mul3A_1912 = arith.constant 32 : i32
      %mul3A_1913 = arith.muli %add3A_1846, %mul3A_1912 : i32
      %add3A_1914 = arith.addi %min3A_3, %mul3A_1913 : i32
      "tpu.region"() ({
        %run_scoped3A = tpu.sem_alloc : memref<!tpu.dma_semaphore, #tpu.memory_space<semaphore_mem>>
        %dma_start3A_1915 = arith.constant 0 : i32
        %dma_start3A_1916 = tpu.memref_slice %arg5[%add3A_1914, %dma_start3A_1915] : memref<50000x128xf32, #tpu.memory_space<hbm>> -> memref<32x128xf32, #tpu.memory_space<hbm>>
        %dma_start3A_1917 = arith.constant 0 : i32
        %dma_start3A_1918 = tpu.memref_slice %arg5[%add3A_1914, %dma_start3A_1917] : memref<50000x128xf32, #tpu.memory_space<hbm>> -> memref<32x128xf32, #tpu.memory_space<hbm>>
        tpu.enqueue_dma source(%arg13 : memref<32x128xf32, #tpu.memory_space<vmem>>) target(%dma_start3A_1918 : memref<32x128xf32, #tpu.memory_space<hbm>>) target_semaphore(%run_scoped3A : memref<!tpu.dma_semaphore, #tpu.memory_space<semaphore_mem>>)
        %dma_wait3A_1919 = arith.constant 0 : i32
        %dma_wait3A_1920 = tpu.memref_slice %arg5[%add3A_1914, %dma_wait3A_1919] : memref<50000x128xf32, #tpu.memory_space<hbm>> -> memref<32x128xf32, #tpu.memory_space<hbm>>
        %dma_wait3A_1921 = arith.constant 0 : i32
        %dma_wait3A_1922 = tpu.memref_slice %arg5[%add3A_1914, %dma_wait3A_1921] : memref<50000x128xf32, #tpu.memory_space<hbm>> -> memref<32x128xf32, #tpu.memory_space<hbm>>
        tpu.wait_dma2 semaphore(%run_scoped3A : memref<!tpu.dma_semaphore, #tpu.memory_space<semaphore_mem>>) src(%arg13 : memref<32x128xf32, #tpu.memory_space<vmem>>) dst(%dma_wait3A_1922 : memref<32x128xf32, #tpu.memory_space<hbm>>)
        tpu.yield
      }) : () -> ()
    }
    %scan3A_894 = arith.constant 25 : i32
    return
  }
}

module attributes {stable_mosaic.version = 14 : i64} {
  func.func @_mm_body(%arg0: i32, %arg1: memref<1024x128xf32, #tpu.memory_space<vmem>>, %arg2: memref<9x128x128xf32, #tpu.memory_space<vmem>>, %arg3: memref<9x1024x128xf32, #tpu.memory_space<vmem>>) attributes {dimension_semantics = [#tpu.dimension_semantics<arbitrary>], iteration_bounds = array<i64: 49>, scalar_prefetch = 0 : i64, scratch_operands = 0 : i64, tpu.core_type = #tpu.core_type<tc>, window_params = [{transform_indices = @transform_0, window_bounds = array<i64: 1024, 128>}, {pipeline_mode = #tpu.pipeline_mode<synchronous>, transform_indices = @transform_1, window_bounds = array<i64: 9, 128, 128>}, {transform_indices = @transform_2, window_bounds = array<i64: 9, 1024, 128>}]} {
    %mul3A = arith.constant 1024 : i32
    %mul3A_0 = arith.muli %arg0, %mul3A : i32
    %iota3A = tpu.iota {dimensions = array<i32: 0>} : vector<1024x1xi32>
    %add3A = vector.broadcast %mul3A_0 : i32 to vector<1024x1xi32>
    %add3A_1 = arith.addi %add3A, %iota3A : vector<1024x1xi32>
    %lt3A = arith.constant 50000 : i32
    %lt3A_2 = vector.broadcast %lt3A : i32 to vector<1024x1xi32>
    %lt3A_3 = arith.cmpi slt, %add3A_1, %lt3A_2 : vector<1024x1xi32>
    %get3A = arith.constant 0 : index
    %get3A_4 = arith.constant 0 : index
    %get3A_5 = vector.load %arg1[%get3A, %get3A_4] : memref<1024x128xf32, #tpu.memory_space<vmem>>, vector<1024x128xf32>
    %jit3A = arith.constant 0.000000e+00 : f32
    %broadcast_in_dim3A = vector.shape_cast %lt3A_3 : vector<1024x1xi1> to vector<1024x1xi1>
    %broadcast_in_dim3A_6 = vector.broadcast %broadcast_in_dim3A : vector<1024x1xi1> to vector<1024x128xi1>
    %broadcast_in_dim3A_7 = vector.broadcast %jit3A : f32 to vector<1024x128xf32>
    %select_n3A = arith.select %broadcast_in_dim3A_6, %get3A_5, %broadcast_in_dim3A_7 : vector<1024x128xi1>, vector<1024x128xf32>
    %get3A_8 = arith.constant 0 : index
    %get3A_9 = arith.constant 0 : index
    %get3A_10 = arith.constant 0 : index
    %get3A_11 = vector.load %arg2[%get3A_8, %get3A_9, %get3A_10] : memref<9x128x128xf32, #tpu.memory_space<vmem>>, vector<1x128x128xf32>
    %get3A_12 = vector.shape_cast %get3A_11 : vector<1x128x128xf32> to vector<128x128xf32>
    %dot_general3A = arith.constant dense<0.000000e+00> : vector<1024x128xf32>
    %dot_general3A_13 = tpu.matmul %select_n3A, %get3A_12, %dot_general3A {dimension_numbers = #tpu.dot_dimension_numbers<[1], [0], [0], [1], [0, 0, 1, 1], [], []>, transpose_lhs_hint = false} : vector<1024x128xf32>, vector<128x128xf32>, vector<1024x128xf32> -> vector<1024x128xf32>
    %swap3A = arith.constant 0 : index
    %swap3A_14 = arith.constant 0 : index
    %swap3A_15 = arith.constant 0 : index
    %swap3A_16 = vector.load %arg3[%swap3A, %swap3A_14, %swap3A_15] : memref<9x1024x128xf32, #tpu.memory_space<vmem>>, vector<1x1024x128xf32>
    %swap3A_17 = vector.shape_cast %swap3A_16 : vector<1x1024x128xf32> to vector<1024x128xf32>
    %swap3A_18 = vector.shape_cast %dot_general3A_13 : vector<1024x128xf32> to vector<1x1024x128xf32>
    tpu.vector_store %arg3[%swap3A, %swap3A_14, %swap3A_15], %swap3A_18 {strides = array<i32>} : memref<9x1024x128xf32, #tpu.memory_space<vmem>>, vector<1x1024x128xf32>,
    %get3A_19 = arith.constant 1 : index
    %get3A_20 = arith.constant 0 : index
    %get3A_21 = arith.constant 0 : index
    %get3A_22 = vector.load %arg2[%get3A_19, %get3A_20, %get3A_21] : memref<9x128x128xf32, #tpu.memory_space<vmem>>, vector<1x128x128xf32>
    %get3A_23 = vector.shape_cast %get3A_22 : vector<1x128x128xf32> to vector<128x128xf32>
    %dot_general3A_24 = arith.constant dense<0.000000e+00> : vector<1024x128xf32>
    %dot_general3A_25 = tpu.matmul %select_n3A, %get3A_23, %dot_general3A_24 {dimension_numbers = #tpu.dot_dimension_numbers<[1], [0], [0], [1], [0, 0, 1, 1], [], []>, transpose_lhs_hint = false} : vector<1024x128xf32>, vector<128x128xf32>, vector<1024x128xf32> -> vector<1024x128xf32>
    %swap3A_26 = arith.constant 1 : index
    %swap3A_27 = arith.constant 0 : index
    %swap3A_28 = arith.constant 0 : index
    %swap3A_29 = vector.load %arg3[%swap3A_26, %swap3A_27, %swap3A_28] : memref<9x1024x128xf32, #tpu.memory_space<vmem>>, vector<1x1024x128xf32>
    %swap3A_30 = vector.shape_cast %swap3A_29 : vector<1x1024x128xf32> to vector<1024x128xf32>
    %swap3A_31 = vector.shape_cast %dot_general3A_25 : vector<1024x128xf32> to vector<1x1024x128xf32>
    tpu.vector_store %arg3[%swap3A_26, %swap3A_27, %swap3A_28], %swap3A_31 {strides = array<i32>} : memref<9x1024x128xf32, #tpu.memory_space<vmem>>, vector<1x1024x128xf32>,
    %get3A_32 = arith.constant 2 : index
    %get3A_33 = arith.constant 0 : index
    %get3A_34 = arith.constant 0 : index
    %get3A_35 = vector.load %arg2[%get3A_32, %get3A_33, %get3A_34] : memref<9x128x128xf32, #tpu.memory_space<vmem>>, vector<1x128x128xf32>
    %get3A_36 = vector.shape_cast %get3A_35 : vector<1x128x128xf32> to vector<128x128xf32>
    %dot_general3A_37 = arith.constant dense<0.000000e+00> : vector<1024x128xf32>
    %dot_general3A_38 = tpu.matmul %select_n3A, %get3A_36, %dot_general3A_37 {dimension_numbers = #tpu.dot_dimension_numbers<[1], [0], [0], [1], [0, 0, 1, 1], [], []>, transpose_lhs_hint = false} : vector<1024x128xf32>, vector<128x128xf32>, vector<1024x128xf32> -> vector<1024x128xf32>
    %swap3A_39 = arith.constant 2 : index
    %swap3A_40 = arith.constant 0 : index
    %swap3A_41 = arith.constant 0 : index
    %swap3A_42 = vector.load %arg3[%swap3A_39, %swap3A_40, %swap3A_41] : memref<9x1024x128xf32, #tpu.memory_space<vmem>>, vector<1x1024x128xf32>
    %swap3A_43 = vector.shape_cast %swap3A_42 : vector<1x1024x128xf32> to vector<1024x128xf32>
    %swap3A_44 = vector.shape_cast %dot_general3A_38 : vector<1024x128xf32> to vector<1x1024x128xf32>
    tpu.vector_store %arg3[%swap3A_39, %swap3A_40, %swap3A_41], %swap3A_44 {strides = array<i32>} : memref<9x1024x128xf32, #tpu.memory_space<vmem>>, vector<1x1024x128xf32>,
    %get3A_45 = arith.constant 3 : index
    %get3A_46 = arith.constant 0 : index
    %get3A_47 = arith.constant 0 : index
    %get3A_48 = vector.load %arg2[%get3A_45, %get3A_46, %get3A_47] : memref<9x128x128xf32, #tpu.memory_space<vmem>>, vector<1x128x128xf32>
    %get3A_49 = vector.shape_cast %get3A_48 : vector<1x128x128xf32> to vector<128x128xf32>
    %dot_general3A_50 = arith.constant dense<0.000000e+00> : vector<1024x128xf32>
    %dot_general3A_51 = tpu.matmul %select_n3A, %get3A_49, %dot_general3A_50 {dimension_numbers = #tpu.dot_dimension_numbers<[1], [0], [0], [1], [0, 0, 1, 1], [], []>, transpose_lhs_hint = false} : vector<1024x128xf32>, vector<128x128xf32>, vector<1024x128xf32> -> vector<1024x128xf32>
    %swap3A_52 = arith.constant 3 : index
    %swap3A_53 = arith.constant 0 : index
    %swap3A_54 = arith.constant 0 : index
    %swap3A_55 = vector.load %arg3[%swap3A_52, %swap3A_53, %swap3A_54] : memref<9x1024x128xf32, #tpu.memory_space<vmem>>, vector<1x1024x128xf32>
    %swap3A_56 = vector.shape_cast %swap3A_55 : vector<1x1024x128xf32> to vector<1024x128xf32>
    %swap3A_57 = vector.shape_cast %dot_general3A_51 : vector<1024x128xf32> to vector<1x1024x128xf32>
    tpu.vector_store %arg3[%swap3A_52, %swap3A_53, %swap3A_54], %swap3A_57 {strides = array<i32>} : memref<9x1024x128xf32, #tpu.memory_space<vmem>>, vector<1x1024x128xf32>,
    %get3A_58 = arith.constant 4 : index
    %get3A_59 = arith.constant 0 : index
    %get3A_60 = arith.constant 0 : index
    %get3A_61 = vector.load %arg2[%get3A_58, %get3A_59, %get3A_60] : memref<9x128x128xf32, #tpu.memory_space<vmem>>, vector<1x128x128xf32>
    %get3A_62 = vector.shape_cast %get3A_61 : vector<1x128x128xf32> to vector<128x128xf32>
    %dot_general3A_63 = arith.constant dense<0.000000e+00> : vector<1024x128xf32>
    %dot_general3A_64 = tpu.matmul %select_n3A, %get3A_62, %dot_general3A_63 {dimension_numbers = #tpu.dot_dimension_numbers<[1], [0], [0], [1], [0, 0, 1, 1], [], []>, transpose_lhs_hint = false} : vector<1024x128xf32>, vector<128x128xf32>, vector<1024x128xf32> -> vector<1024x128xf32>
    %swap3A_65 = arith.constant 4 : index
    %swap3A_66 = arith.constant 0 : index
    %swap3A_67 = arith.constant 0 : index
    %swap3A_68 = vector.load %arg3[%swap3A_65, %swap3A_66, %swap3A_67] : memref<9x1024x128xf32, #tpu.memory_space<vmem>>, vector<1x1024x128xf32>
    %swap3A_69 = vector.shape_cast %swap3A_68 : vector<1x1024x128xf32> to vector<1024x128xf32>
    %swap3A_70 = vector.shape_cast %dot_general3A_64 : vector<1024x128xf32> to vector<1x1024x128xf32>
    tpu.vector_store %arg3[%swap3A_65, %swap3A_66, %swap3A_67], %swap3A_70 {strides = array<i32>} : memref<9x1024x128xf32, #tpu.memory_space<vmem>>, vector<1x1024x128xf32>,
    %get3A_71 = arith.constant 5 : index
    %get3A_72 = arith.constant 0 : index
    %get3A_73 = arith.constant 0 : index
    %get3A_74 = vector.load %arg2[%get3A_71, %get3A_72, %get3A_73] : memref<9x128x128xf32, #tpu.memory_space<vmem>>, vector<1x128x128xf32>
    %get3A_75 = vector.shape_cast %get3A_74 : vector<1x128x128xf32> to vector<128x128xf32>
    %dot_general3A_76 = arith.constant dense<0.000000e+00> : vector<1024x128xf32>
    %dot_general3A_77 = tpu.matmul %select_n3A, %get3A_75, %dot_general3A_76 {dimension_numbers = #tpu.dot_dimension_numbers<[1], [0], [0], [1], [0, 0, 1, 1], [], []>, transpose_lhs_hint = false} : vector<1024x128xf32>, vector<128x128xf32>, vector<1024x128xf32> -> vector<1024x128xf32>
    %swap3A_78 = arith.constant 5 : index
    %swap3A_79 = arith.constant 0 : index
    %swap3A_80 = arith.constant 0 : index
    %swap3A_81 = vector.load %arg3[%swap3A_78, %swap3A_79, %swap3A_80] : memref<9x1024x128xf32, #tpu.memory_space<vmem>>, vector<1x1024x128xf32>
    %swap3A_82 = vector.shape_cast %swap3A_81 : vector<1x1024x128xf32> to vector<1024x128xf32>
    %swap3A_83 = vector.shape_cast %dot_general3A_77 : vector<1024x128xf32> to vector<1x1024x128xf32>
    tpu.vector_store %arg3[%swap3A_78, %swap3A_79, %swap3A_80], %swap3A_83 {strides = array<i32>} : memref<9x1024x128xf32, #tpu.memory_space<vmem>>, vector<1x1024x128xf32>,
    %get3A_84 = arith.constant 6 : index
    %get3A_85 = arith.constant 0 : index
    %get3A_86 = arith.constant 0 : index
    %get3A_87 = vector.load %arg2[%get3A_84, %get3A_85, %get3A_86] : memref<9x128x128xf32, #tpu.memory_space<vmem>>, vector<1x128x128xf32>
    %get3A_88 = vector.shape_cast %get3A_87 : vector<1x128x128xf32> to vector<128x128xf32>
    %dot_general3A_89 = arith.constant dense<0.000000e+00> : vector<1024x128xf32>
    %dot_general3A_90 = tpu.matmul %select_n3A, %get3A_88, %dot_general3A_89 {dimension_numbers = #tpu.dot_dimension_numbers<[1], [0], [0], [1], [0, 0, 1, 1], [], []>, transpose_lhs_hint = false} : vector<1024x128xf32>, vector<128x128xf32>, vector<1024x128xf32> -> vector<1024x128xf32>
    %swap3A_91 = arith.constant 6 : index
    %swap3A_92 = arith.constant 0 : index
    %swap3A_93 = arith.constant 0 : index
    %swap3A_94 = vector.load %arg3[%swap3A_91, %swap3A_92, %swap3A_93] : memref<9x1024x128xf32, #tpu.memory_space<vmem>>, vector<1x1024x128xf32>
    %swap3A_95 = vector.shape_cast %swap3A_94 : vector<1x1024x128xf32> to vector<1024x128xf32>
    %swap3A_96 = vector.shape_cast %dot_general3A_90 : vector<1024x128xf32> to vector<1x1024x128xf32>
    tpu.vector_store %arg3[%swap3A_91, %swap3A_92, %swap3A_93], %swap3A_96 {strides = array<i32>} : memref<9x1024x128xf32, #tpu.memory_space<vmem>>, vector<1x1024x128xf32>,
    %get3A_97 = arith.constant 7 : index
    %get3A_98 = arith.constant 0 : index
    %get3A_99 = arith.constant 0 : index
    %get3A_100 = vector.load %arg2[%get3A_97, %get3A_98, %get3A_99] : memref<9x128x128xf32, #tpu.memory_space<vmem>>, vector<1x128x128xf32>
    %get3A_101 = vector.shape_cast %get3A_100 : vector<1x128x128xf32> to vector<128x128xf32>
    %dot_general3A_102 = arith.constant dense<0.000000e+00> : vector<1024x128xf32>
    %dot_general3A_103 = tpu.matmul %select_n3A, %get3A_101, %dot_general3A_102 {dimension_numbers = #tpu.dot_dimension_numbers<[1], [0], [0], [1], [0, 0, 1, 1], [], []>, transpose_lhs_hint = false} : vector<1024x128xf32>, vector<128x128xf32>, vector<1024x128xf32> -> vector<1024x128xf32>
    %swap3A_104 = arith.constant 7 : index
    %swap3A_105 = arith.constant 0 : index
    %swap3A_106 = arith.constant 0 : index
    %swap3A_107 = vector.load %arg3[%swap3A_104, %swap3A_105, %swap3A_106] : memref<9x1024x128xf32, #tpu.memory_space<vmem>>, vector<1x1024x128xf32>
    %swap3A_108 = vector.shape_cast %swap3A_107 : vector<1x1024x128xf32> to vector<1024x128xf32>
    %swap3A_109 = vector.shape_cast %dot_general3A_103 : vector<1024x128xf32> to vector<1x1024x128xf32>
    tpu.vector_store %arg3[%swap3A_104, %swap3A_105, %swap3A_106], %swap3A_109 {strides = array<i32>} : memref<9x1024x128xf32, #tpu.memory_space<vmem>>, vector<1x1024x128xf32>,
    %get3A_110 = arith.constant 8 : index
    %get3A_111 = arith.constant 0 : index
    %get3A_112 = arith.constant 0 : index
    %get3A_113 = vector.load %arg2[%get3A_110, %get3A_111, %get3A_112] : memref<9x128x128xf32, #tpu.memory_space<vmem>>, vector<1x128x128xf32>
    %get3A_114 = vector.shape_cast %get3A_113 : vector<1x128x128xf32> to vector<128x128xf32>
    %dot_general3A_115 = arith.constant dense<0.000000e+00> : vector<1024x128xf32>
    %dot_general3A_116 = tpu.matmul %select_n3A, %get3A_114, %dot_general3A_115 {dimension_numbers = #tpu.dot_dimension_numbers<[1], [0], [0], [1], [0, 0, 1, 1], [], []>, transpose_lhs_hint = false} : vector<1024x128xf32>, vector<128x128xf32>, vector<1024x128xf32> -> vector<1024x128xf32>
    %swap3A_117 = arith.constant 8 : index
    %swap3A_118 = arith.constant 0 : index
    %swap3A_119 = arith.constant 0 : index
    %swap3A_120 = vector.load %arg3[%swap3A_117, %swap3A_118, %swap3A_119] : memref<9x1024x128xf32, #tpu.memory_space<vmem>>, vector<1x1024x128xf32>
    %swap3A_121 = vector.shape_cast %swap3A_120 : vector<1x1024x128xf32> to vector<1024x128xf32>
    %swap3A_122 = vector.shape_cast %dot_general3A_116 : vector<1024x128xf32> to vector<1x1024x128xf32>
    tpu.vector_store %arg3[%swap3A_117, %swap3A_118, %swap3A_119], %swap3A_122 {strides = array<i32>} : memref<9x1024x128xf32, #tpu.memory_space<vmem>>, vector<1x1024x128xf32>,
    return
  }
  func.func @transform_0(%arg0: i32) -> (i32, i32) {
    %c0_i32 = arith.constant 0 : i32
    %c0_i32_0 = arith.constant 0 : i32
    return %arg0, %c0_i32 : i32, i32
  }
  func.func @transform_1(%arg0: i32) -> (i32, i32, i32) {
    %c0_i32 = arith.constant 0 : i32
    %c0_i32_0 = arith.constant 0 : i32
    %c0_i32_1 = arith.constant 0 : i32
    %c0_i32_2 = arith.constant 0 : i32
    return %c0_i32, %c0_i32_0, %c0_i32_1 : i32, i32, i32
  }
  func.func @transform_2(%arg0: i32) -> (i32, i32, i32) {
    %c0_i32 = arith.constant 0 : i32
    %c0_i32_0 = arith.constant 0 : i32
    %c0_i32_1 = arith.constant 0 : i32
    return %c0_i32, %arg0, %c0_i32_0 : i32, i32, i32
  }
}

</mosaic_0001>

<sc_bundles>
// kernel: kernel.4.cloned.1.call-start
scs
__scs_entry_jumppad:
0x0: {  	(pc) =	sbr.rel $0x88, $3  }
0x1: {  	(tag) =	ssettag $0x0;
	lr =	simm.s32 $0x1  }
0x2: {  	[smem:$0x3F9D] =	sst lr;
	_ =	strace $0xD0000000  }
0x3: {  	_ = 	snop  }
0x4: {  	_ = 	snop  }
0x5: {  	_ = 	snop  }
0x6: {  	_ = 	snop  }
0x7: {  	_ = 	snop  }
__scs_overlays_trampoline_lowered:
0x8: {  	[smem:$0x3FAC] =	sst s0  }
0x9: {  	[smem:$0x3FAD] =	sst s1  }
0xa: {  	[smem:$0x3FAE] =	sst s2  }
0xb: {  	[smem:$0x3FAF] =	sst s3  }
0xc: {  	[smem:$0x3FB0] =	sst s4  }
0xd: {  	[smem:$0x3FB1] =	sst s5  }
0xe: {  	[smem:$0x3FB2] =	sst s6  }
0xf: {  	[smem:$0x3FB3] =	sst s7  }
0x10: {  	[smem:$0x3FB4] =	sst s8  }
0x11: {  	[smem:$0x3FB5] =	sst s9;
	s0 =	simm.s32 @!p0 $0x0  }
0x12: {  	s1 =	sld [smem:$0x3F9B];
	s0 =	simm.s32 @p0 $0x1  }
0x13: {  	[smem:$0x3FB6] =	sst s0;
	s0 =	simm.s32 @!p1 $0x0  }
0x14: {  	s2 =	sld [smem:$0x3F9A];
	s0 =	simm.s32 @p1 $0x1  }
0x15: {  	[smem:$0x3FB7] =	sst s0;
	s0 =	simm.s32 @!p2 $0x0  }
0x16: {  	s3 =	sld [smem:$0x3FDB];
	s0 =	simm.s32 @p2 $0x1  }
0x17: {  	s4 =	simm.s32 $0x1BF5;
	[smem:$0x3FB9] =	sst s0  }
0x18: {  	s0 =	sld [smem:$0x3F9C];
	_ =	swait.ge [sflag:s4], $0x0  }
0x19: {  	s7 =	sld [smem:$0x3F9D]  }
0x1a: {  	s8 =	sadd.s32 $0xFFFFE003, lr  }
0x1b: {  	s9 =	sadd.s32 $0xFFFFFEF7, lr;
	s5 =	simm.s32 $0xFFFFFFFF;
	p2 =	slt.u32 s8, $0xFFFFF086  }
0x1c: {  	p1 =	slt.u32 s9, $0xF7A;
	s5 =	simm.s32 @!p2 $0x0  }
0x1d: {  	s5 =	simm.s32 @p1 $0x1;
	p0 =	seq.s32 s7, s2  }
0x1e: {  	s7 =	smul.u32 @!p0 $0xF7A, s2;
	p2 =	seq.s32 @!p0 s5, $0x0  }
0x1f: {  	s9 =	smul.u32 $0xF7A, s1;
	s8 =	simm.s32 @!p0 $0x1BF5;
	p2 =	por !p2, p0  }
0x20: {  	[sflag:s8] =	ssyncset.s32 @!p0 $0xFFFFF086;
	s6 =	sadd.s32 @!p0 s3, s7;
	s7 =	simm.s32 @!p0 $0x108  }
0x21: {  	s3 =	sadd.s32 s3, s9;
	s6 =	sadd.s32 @!p0 $0x88, s6;
	s7 =	simm.s32 @p2 $0x1082  }
0x22: {  	[simem:s7], [sflag:s8] =	dma.local @!p0 [hbm:s6], $0xF7A  }
0x23: {  	s9 =	sor.u32 $0xD0000000, s2;
	s6 =	simm.s32 $0x108;
	_ =	swait.ge @!p0 [sflag:s8], $0x0  }
0x24: {  	s3 =	sadd.s32 $0x88, s3;
	s6 =	simm.s32 @!p1 $0x1082;
	[sflag:s4] =	ssyncset.s32 $0xFFFFF086  }
0x25: {  	[simem:s6], [sflag:s4] =	dma.local [hbm:s3], $0xF7A  }
0x26: {  	[smem:$0x3F9D] =	sst s1;
	(tag) =	ssettag s2;
	_ =	strace s9  }
0x27: {  	s1 =	sld [smem:$0x3FAD]  }
0x28: {  	s2 =	sld [smem:$0x3FAE]  }
0x29: {  	s4 =	sld [smem:$0x3FB0]  }
0x2a: {  	p0 =	seq.s32 s5, $0x0;
	s5 =	sld [smem:$0x3FB1]  }
0x2b: {  	s6 =	sld [smem:$0x3FB2]  }
0x2c: {  	s7 =	sld [smem:$0x3FB3]  }
0x2d: {  	s3 =	simm.s32 $0x108;
	s8 =	sld [smem:$0x3FB4]  }
0x2e: {  	s3 =	simm.s32 @!p0 $0x1082;
	s9 =	sld [smem:$0x3FB5]  }
0x2f: {  	lr =	sadd.s32 s0, s3;
	s0 =	sld [smem:$0x3FAC]  }
0x30: {  	s3 =	sld [smem:$0x3FAF]  }
0x31: {  	[smem:$0x3FB8] =	sst s10  }
0x32: {  	s10 =	sld [smem:$0x3FB6];
	_ =	sdelay $0x3  }
0x33: {  	p0 =	seq.s32 s10, $0x1;
	s10 =	sld [smem:$0x3FB8];
	_ =	sdelay $0x3  }
0x34: {  	[smem:$0x3FB8] =	sst s10  }
0x35: {  	s10 =	sld [smem:$0x3FB7];
	_ =	sdelay $0x3  }
0x36: {  	p1 =	seq.s32 s10, $0x1;
	s10 =	sld [smem:$0x3FB8];
	_ =	sdelay $0x3  }
0x37: {  	[smem:$0x3FB8] =	sst s10  }
0x38: {  	s10 =	sld [smem:$0x3FB9]  }
0x39: {  	_ = 	snop;
	(pc) =	sbr.ind lr, $3  }
0x3a: {  	_ = 	snop  }
0x3b: {  	_ = 	snop  }
0x3c: {  	p2 =	seq.s32 s10, $0x1;
	s10 =	sld [smem:$0x3FB8]  }
0x3d: {  	_ =	shalt  }
0x3e: {  	_ =	shalt  }
0x3f: {  	_ =	shalt  }
0x40: {  	_ =	shalt  }
0x41: {  	_ =	shalt  }
0x42: {  	_ =	shalt  }
0x43: {  	_ =	shalt  }
0x44: {  	_ =	shalt  }
0x45: {  	_ =	shalt  }
0x46: {  	_ =	shalt  }
0x47: {  	_ =	shalt  }
0x48: {  	_ =	shalt  }
0x49: {  	_ =	shalt  }
0x4a: {  	_ =	shalt  }
0x4b: {  	_ =	shalt  }
0x4c: {  	_ =	shalt  }
0x4d: {  	_ =	shalt  }
0x4e: {  	_ =	shalt  }
0x4f: {  	_ =	shalt  }
0x50: {  	_ =	shalt  }
0x51: {  	_ =	shalt  }
0x52: {  	_ =	shalt  }
0x53: {  	_ =	shalt  }
0x54: {  	_ =	shalt  }
0x55: {  	_ =	shalt  }
0x56: {  	_ =	shalt  }
0x57: {  	_ =	shalt  }
0x58: {  	_ =	shalt  }
0x59: {  	_ =	shalt  }
0x5a: {  	_ =	shalt  }
0x5b: {  	_ =	shalt  }
0x5c: {  	_ =	shalt  }
0x5d: {  	_ =	shalt  }
0x5e: {  	_ =	shalt  }
0x5f: {  	_ =	shalt  }
0x60: {  	_ =	shalt  }
0x61: {  	_ =	shalt  }
0x62: {  	_ =	shalt  }
0x63: {  	_ =	shalt  }
0x64: {  	_ =	shalt  }
0x65: {  	_ =	shalt  }
0x66: {  	_ =	shalt  }
0x67: {  	_ =	shalt  }
0x68: {  	_ =	shalt  }
0x69: {  	_ =	shalt  }
0x6a: {  	_ =	shalt  }
0x6b: {  	_ =	shalt  }
0x6c: {  	_ =	shalt  }
0x6d: {  	_ =	shalt  }
0x6e: {  	_ =	shalt  }
0x6f: {  	_ =	shalt  }
0x70: {  	_ =	shalt  }
0x71: {  	_ =	shalt  }
0x72: {  	_ =	shalt  }
0x73: {  	_ =	shalt  }
0x74: {  	_ =	shalt  }
0x75: {  	_ =	shalt  }
0x76: {  	_ =	shalt  }
0x77: {  	_ =	shalt  }
0x78: {  	_ =	shalt  }
0x79: {  	_ =	shalt  }
0x7a: {  	_ =	shalt  }
0x7b: {  	_ =	shalt  }
0x7c: {  	_ =	shalt  }
0x7d: {  	_ =	shalt  }
0x7e: {  	_ =	shalt  }
0x7f: {  	_ =	shalt  }
0x80: {  	_ =	shalt  }
0x81: {  	_ =	shalt  }
0x82: {  	_ =	shalt  }
0x83: {  	_ =	shalt  }
0x84: {  	_ =	shalt  }
0x85: {  	_ =	shalt  }
0x86: {  	_ =	shalt  }
0x87: {  	_ =	shalt  }
.Lfunc_end0:
.L_simem_size_0:
called_computation_lowered:
.L_overlay_start_0:
0x88: {  	s2 =	sld [smem:$0x3FD9]  }
0x89: {  	s3 =	sld [smem:$0x3FFE];
	_ =	sdelay $0x1  }
0x8a: {  	s1 =	srdreg.scid  }
0x8b: {  	s0 =	sand.u32 $0x1, s1  }
0x8c: {  	s17 =	sshll.u32 s0, $0xA;
	s2 =	sadd.s32 s3, s2  }
0x8d: {  	s2 =	sadd.s32 s2, s17  }
0x8e: {  	[smem:$0x3FC4] =	sst s2  }
0x8f: {  	_ = 	snop  }
0x90: {  	s2 =	sld [smem:$0x3FC6]  }
0x91: {  	s18 =	sld [smem:$0x3FD0];
	(tm) =	ssettm $0x1  }
0x92: {  	s4 =	sld [smem:$0x3FFB];
	_ =	sdelay $0x3  }
0x93: {  	_ =	strace s4  }
0x94: {  	s4 =	sld [smem:$0x3FFC];
	_ =	sdelay $0x3  }
0x95: {  	_ =	strace s4  }
0x96: {  	s4 =	sld [smem:$0x3FFD];
	_ =	sdelay $0x3  }
0x97: {  	_ =	strace s4  }
0x98: {  	_ =	strace $0x8FFFFFFF  }
0x99: {  	s19 =	sld [smem:$0x3FDB];
	_ =	sdelay $0x1  }
0x9a: {  	s5 =	simm.s32 $_scs_section_size  }
0x9b: {  	s6 =	simm.s32 $_size__tile_overlayer_lowered;
	s7 =	simm.s32 $_tile_overlayer_lowered  }
0x9c: {  	s22 =	simm.s32 $0x1BFF;
	s21 =	sshll.u32 s7, $0x1;
	s4 =	sadd.s32 s5, s19  }
0x9d: {  	s8 =	simm.s32 $0x0;
	s20 =	sshll.u32 s6, $0x1;
	s6 =	sadd.s32 s21, s4  }
0x9e: {  	[timem:s8], [sflag:s22] =	dma.local [hbm:s6], s20  }
0x9f: {  	_ =	swait.ge [sflag:s22], s20  }
0xa0: {  	s5 =	ssub.s32 $0x0, s20;
	[sflag:s22] =	ssyncset.done $0x0  }
0xa1: {  	[sflag:s22] =	ssyncadd.s32 s5;
	_ =	sdelay $0x1  }
0xa2: {  	s23 =	simm.s32 $0x1B8B  }
0xa3: {  	_ =	swait.ge [sflag:s23], $0x1  }
0xa4: {  	[sflag:s23] =	ssyncset.done $0x0  }
0xa5: {  	s25 =	simm.s32 $0x1B8E;
	s24 =	sld [smem:$0x3FFE];
	[sflag:s23] =	ssyncadd.s32 $0xFFFFFFFF  }
0xa6: {  	s26 =	simm.s32 $execute0_lowered;
	[smem:$0x3FD2] =	sst s25  }
0xa7: {  	s6 =	sshll.u32 s26, $0x1;
	_ =	strace $0x80000046;
	[dreg:$0x1] =	wrdreg $0xFFFFFFFF  }
0xa8: {  	s28 =	simm.s32 $_size_execute0_lowered;
	s4 =	sadd.s32 s4, s6;
	[dreg:$0x0] =	wrdreg $0x0  }
0xa9: {  	s6 =	sshll.u32 s28, $0x1;
	[dreg:$0x2] =	wrdreg s4  }
0xaa: {  	[dreg:$0x3] =	wrdreg s6  }
0xab: {  	[dreg:$0x4] =	wrdreg $0xC0  }
0xac: {  	_ =	task [dreg:s8], $0x5FFFF  }
0xad: {  	[dreg:$0x1] =	wrdreg $0xFFFFFFFF  }
0xae: {  	[dreg:$0x0] =	wrdreg $0x60  }
0xaf: {  	[dreg:$0x2] =	wrdreg s24  }
0xb0: {  	[dreg:$0x3] =	wrdreg s2  }
0xb1: {  	[dreg:$0x4] =	wrdreg s18  }
0xb2: {  	[dreg:$0x5] =	wrdreg $0x9  }
0xb3: {  	_ =	task.clear_ibuf [dreg:s8], $0x6FFFF;
	_ =	strace $0x90000046  }
0xb4: {  	s29 =	simm.s32 $0x9;
	_ =	strace $0x80000048  }
0xb5: {  	_ =	swait.ge [sflag:s29], $0x1  }
0xb6: {  	[sflag:s29] =	ssyncadd.s32 $0xFFFFFFFF  }
0xb7: {  	_ =	strace $0x90000048  }
0xb8: {  	_ =	sfence  }
0xb9: {  	s30 =	sld [smem:$0x0];
	_ =	sdelay $0x2  }
0xba: {  	s31 =	sshll.u32 s1, $0xD;
	s1 =	sshrl.u32 s1, $0x2  }
0xbb: {  	s3 =	sand.u32 $0x4000, s31;
	s1 =	sadd.s32 s1, s30  }
0xbc: {  	s0 =	sor.u32 s3, s0;
	s1 =	sshll.u32 s1, $0x11  }
0xbd: {  	s0 =	sor.u32 s1, s0  }
0xbe: {  	s0 =	sadd.s32 $0x8F2B, s0  }
0xbf: {  	[sflag:s0] =	ssyncadd.remote.s32 $0x1  }
0xc0: {  	_ =	sfence.sel $0xFFFF  }
0xc1: {  	[dreg:$0x0] =	wrdreg $0xFFFFFFFF;
	(pc) =	sbr.abs _section_cstart, $3  }
0xc2: {  	[dreg:$0x1] =	wrdreg $0xFFFFFFFF  }
0xc3: {  	_ =	task.clear_ibuf [dreg:s8], $0x2FFFF;
	_ =	strace $0x9FFFFFFF  }
0xc4: {  	(tm) =	ssettm $0x7FFFFFFF  }
0xc5: {  	_ =	shalt  }
tec
execute0_lowered:
.L_overlay_start_1:
0x0: {  	(tag) =	ssettag $0x1  }
0x1: {  	vm13 =	vcmask $0x300;
	v0 =	vimm.s32 $0x49800  }
0x2: {  	vm12 =	vcmask $0x704;
	vm11 =	vcmask $0xB08;
	vm10 =	vcmask $0xF0C  }
0x3: {  	vm9 =	vcmask $0x1310;
	vm8 =	vcmask $0x1714;
	vm7 =	vcmask $0x1F1C  }
0x4: {  	v1 =	vimm.s32 $0x55B50;
	v2 =	vimm.s32 $0x31000;
	vm0 =	vcmask $0x2320  }
0x5: {  	vm1 =	vcmask $0x2724;
	vm2 =	vcmask $0x2B28;
	vm3 =	vcmask $0x2F2C  }
0x6: {  	vm4 =	vcmask $0x3330;
	vm5 =	vcmask $0x3734;
	vm6 =	vcmask $0x3B38  }
0x7: {  	v3 =	vimm.s32 $0x3D350;
	v4 =	vimm.s32 $0x18800;
	v5 =	vimm.s32 $0x24B50  }
0x8: {  	v6 =	vimm.s32 $0x0;
	v7 =	vimm.s32 $0xC350;
	v8 =	vimm.s32 $0x55C00  }
0x9: {  	v9 =	vimm.s32 $0x61F50;
	v10 =	vimm.s32 $0x3D400;
	v11 =	vimm.s32 $0x49750  }
0xa: {  	v12 =	vimm.s32 $0x24C00;
	v13 =	vimm.s32 $0x30F50;
	v14 =	vimm.s32 $0xC400  }
0xb: {  	v15 =	vimm.s32 $0x18750;
	v16 =	vimm.s32 $0x62000;
	v17 =	vimm.s32 $0x6E350  }
0xc: {  	v0 =	vsel vm13, $0x0, v0;
	v1 =	vsel vm13, $0xC350, v1;
	v2 =	vsel vm13, $0x55C00, v2  }
0xd: {  	v3 =	vsel vm13, $0x61F50, v3;
	v4 =	vsel vm13, $0x3D400, v4;
	v5 =	vsel vm13, $0x49750, v5  }
0xe: {  	v6 =	vsel vm13, $0x24C00, v6;
	v7 =	vsel vm13, $0x30F50, v7;
	v8 =	vsel vm13, $0xC400, v8  }
0xf: {  	v9 =	vsel vm13, $0x18750, v9;
	v10 =	vsel vm13, $0x62000, v10;
	v11 =	vsel vm13, $0x6E350, v11  }
0x10: {  	v12 =	vsel vm13, $0x49800, v12;
	v13 =	vsel vm13, $0x55B50, v13;
	v14 =	vsel vm13, $0x31000, v14  }
0x11: {  	v15 =	vsel vm13, $0x3D350, v15;
	v16 =	vsel vm13, $0x18800, v16;
	v17 =	vsel vm13, $0x24B50, v17  }
0x12: {  	v0 =	vsel vm12, $0xC400, v0;
	v1 =	vsel vm12, $0x18750, v1;
	v2 =	vsel vm12, $0x62000, v2  }
0x13: {  	v3 =	vsel vm12, $0x6E350, v3;
	v4 =	vsel vm12, $0x49800, v4;
	v5 =	vsel vm12, $0x55B50, v5  }
0x14: {  	v6 =	vsel vm12, $0x31000, v6;
	v7 =	vsel vm12, $0x3D350, v7;
	v8 =	vsel vm12, $0x18800, v8  }
0x15: {  	v9 =	vsel vm12, $0x24B50, v9;
	v10 =	vsel vm12, $0x0, v10;
	v11 =	vsel vm12, $0xC350, v11  }
0x16: {  	v12 =	vsel vm12, $0x55C00, v12;
	v13 =	vsel vm12, $0x61F50, v13;
	v14 =	vsel vm12, $0x3D400, v14  }
0x17: {  	v15 =	vsel vm12, $0x49750, v15;
	v16 =	vsel vm12, $0x24C00, v16;
	v17 =	vsel vm12, $0x30F50, v17  }
0x18: {  	v0 =	vsel vm11, $0x18800, v0;
	v1 =	vsel vm11, $0x24B50, v1;
	v2 =	vsel vm11, $0x0, v2  }
0x19: {  	v3 =	vsel vm11, $0xC350, v3;
	v4 =	vsel vm11, $0x55C00, v4;
	v5 =	vsel vm11, $0x61F50, v5  }
0x1a: {  	v6 =	vsel vm11, $0x3D400, v6;
	v7 =	vsel vm11, $0x49750, v7;
	v8 =	vsel vm11, $0x24C00, v8  }
0x1b: {  	v9 =	vsel vm11, $0x30F50, v9;
	v10 =	vsel vm11, $0xC400, v10;
	v11 =	vsel vm11, $0x18750, v11  }
0x1c: {  	v12 =	vsel vm11, $0x62000, v12;
	v13 =	vsel vm11, $0x6E350, v13;
	v14 =	vsel vm11, $0x49800, v14  }
0x1d: {  	v15 =	vsel vm11, $0x55B50, v15;
	v16 =	vsel vm11, $0x31000, v16;
	v17 =	vsel vm11, $0x3D350, v17  }
0x1e: {  	v0 =	vsel vm10, $0x24C00, v0;
	v1 =	vsel vm10, $0x30F50, v1;
	v2 =	vsel vm10, $0xC400, v2  }
0x1f: {  	v3 =	vsel vm10, $0x18750, v3;
	v4 =	vsel vm10, $0x62000, v4;
	v5 =	vsel vm10, $0x6E350, v5  }
0x20: {  	v6 =	vsel vm10, $0x49800, v6;
	v7 =	vsel vm10, $0x55B50, v7;
	v8 =	vsel vm10, $0x31000, v8  }
0x21: {  	v9 =	vsel vm10, $0x3D350, v9;
	v10 =	vsel vm10, $0x18800, v10;
	v11 =	vsel vm10, $0x24B50, v11  }
0x22: {  	v12 =	vsel vm10, $0x0, v12;
	v13 =	vsel vm10, $0xC350, v13;
	v14 =	vsel vm10, $0x55C00, v14  }
0x23: {  	v15 =	vsel vm10, $0x61F50, v15;
	v16 =	vsel vm10, $0x3D400, v16;
	v17 =	vsel vm10, $0x49750, v17  }
0x24: {  	v0 =	vsel vm9, $0x31000, v0;
	v1 =	vsel vm9, $0x3D350, v1;
	v2 =	vsel vm9, $0x18800, v2  }
0x25: {  	v3 =	vsel vm9, $0x24B50, v3;
	v4 =	vsel vm9, $0x0, v4;
	v5 =	vsel vm9, $0xC350, v5  }
0x26: {  	v6 =	vsel vm9, $0x55C00, v6;
	v7 =	vsel vm9, $0x61F50, v7;
	v8 =	vsel vm9, $0x3D400, v8  }
0x27: {  	v9 =	vsel vm9, $0x49750, v9;
	v10 =	vsel vm9, $0x24C00, v10;
	v11 =	vsel vm9, $0x30F50, v11  }
0x28: {  	v12 =	vsel vm9, $0xC400, v12;
	v13 =	vsel vm9, $0x18750, v13;
	v14 =	vsel vm9, $0x62000, v14  }
0x29: {  	v15 =	vsel vm9, $0x6E350, v15;
	v16 =	vsel vm9, $0x49800, v16;
	v17 =	vsel vm9, $0x55B50, v17  }
0x2a: {  	v0 =	vsel vm8, $0x3D400, v0;
	v1 =	vsel vm8, $0x49750, v1;
	v2 =	vsel vm8, $0x24C00, v2  }
0x2b: {  	v3 =	vsel vm8, $0x30F50, v3;
	v4 =	vsel vm8, $0xC400, v4;
	v5 =	vsel vm8, $0x18750, v5  }
0x2c: {  	v6 =	vsel vm8, $0x62000, v6;
	v7 =	vsel vm8, $0x6E350, v7;
	v8 =	vsel vm8, $0x49800, v8  }
0x2d: {  	v9 =	vsel vm8, $0x55B50, v9;
	v10 =	vsel vm8, $0x31000, v10;
	v11 =	vsel vm8, $0x3D350, v11  }
0x2e: {  	v12 =	vsel vm8, $0x18800, v12;
	v13 =	vsel vm8, $0x24B50, v13;
	v14 =	vsel vm8, $0x0, v14  }
0x2f: {  	v15 =	vsel vm8, $0xC350, v15;
	v16 =	vsel vm8, $0x55C00, v16;
	v17 =	vsel vm8, $0x61F50, v17  }
0x30: {  	v0 =	vsel vm7, $0x55C00, v0;
	v1 =	vsel vm7, $0x61F50, v1;
	v2 =	vsel vm7, $0x3D400, v2  }
0x31: {  	v3 =	vsel vm7, $0x49750, v3;
	v4 =	vsel vm7, $0x24C00, v4;
	v5 =	vsel vm7, $0x30F50, v5  }
0x32: {  	v6 =	vsel vm7, $0xC400, v6;
	v7 =	vsel vm7, $0x18750, v7;
	v8 =	vsel vm7, $0x62000, v8  }
0x33: {  	v9 =	vsel vm7, $0x6E350, v9;
	v10 =	vsel vm7, $0x49800, v10;
	v11 =	vsel vm7, $0x55B50, v11  }
0x34: {  	v12 =	vsel vm7, $0x31000, v12;
	v13 =	vsel vm7, $0x3D350, v13;
	v14 =	vsel vm7, $0x18800, v14  }
0x35: {  	v15 =	vsel vm7, $0x24B50, v15;
	v16 =	vsel vm7, $0x0, v16;
	v17 =	vsel vm7, $0xC350, v17  }
0x36: {  	v0 =	vsel vm0, $0x62000, v0;
	v1 =	vsel vm0, $0x6E350, v1;
	v2 =	vsel vm0, $0x49800, v2  }
0x37: {  	v3 =	vsel vm0, $0x55B50, v3;
	v4 =	vsel vm0, $0x31000, v4;
	v5 =	vsel vm0, $0x3D350, v5  }
0x38: {  	v6 =	vsel vm0, $0x18800, v6;
	v7 =	vsel vm0, $0x24B50, v7;
	v8 =	vsel vm0, $0x0, v8  }
0x39: {  	v9 =	vsel vm0, $0xC350, v9;
	v10 =	vsel vm0, $0x55C00, v10;
	v11 =	vsel vm0, $0x61F50, v11  }
0x3a: {  	v12 =	vsel vm0, $0x3D400, v12;
	v13 =	vsel vm0, $0x49750, v13;
	v14 =	vsel vm0, $0x24C00, v14  }
0x3b: {  	v15 =	vsel vm0, $0x30F50, v15;
	v16 =	vsel vm0, $0xC400, v16;
	v17 =	vsel vm0, $0x18750, v17  }
0x3c: {  	v0 =	vsel vm1, $0x0, v0;
	v1 =	vsel vm1, $0xC350, v1;
	v2 =	vsel vm1, $0x55C00, v2  }
0x3d: {  	v3 =	vsel vm1, $0x61F50, v3;
	v4 =	vsel vm1, $0x3D400, v4;
	v5 =	vsel vm1, $0x49750, v5  }
0x3e: {  	v6 =	vsel vm1, $0x24C00, v6;
	v7 =	vsel vm1, $0x30F50, v7;
	v8 =	vsel vm1, $0xC400, v8  }
0x3f: {  	v9 =	vsel vm1, $0x18750, v9;
	v10 =	vsel vm1, $0x62000, v10;
	v11 =	vsel vm1, $0x6E350, v11  }
0x40: {  	v12 =	vsel vm1, $0x49800, v12;
	v13 =	vsel vm1, $0x55B50, v13;
	v14 =	vsel vm1, $0x31000, v14  }
0x41: {  	v15 =	vsel vm1, $0x3D350, v15;
	v16 =	vsel vm1, $0x18800, v16;
	v17 =	vsel vm1, $0x24B50, v17  }
0x42: {  	v0 =	vsel vm2, $0xC400, v0;
	v1 =	vsel vm2, $0x18750, v1;
	v2 =	vsel vm2, $0x62000, v2  }
0x43: {  	v3 =	vsel vm2, $0x6E350, v3;
	v4 =	vsel vm2, $0x49800, v4;
	v5 =	vsel vm2, $0x55B50, v5  }
0x44: {  	v6 =	vsel vm2, $0x31000, v6;
	v7 =	vsel vm2, $0x3D350, v7;
	v8 =	vsel vm2, $0x18800, v8  }
0x45: {  	v9 =	vsel vm2, $0x24B50, v9;
	v10 =	vsel vm2, $0x0, v10;
	v11 =	vsel vm2, $0xC350, v11  }
0x46: {  	v12 =	vsel vm2, $0x55C00, v12;
	v13 =	vsel vm2, $0x61F50, v13;
	v14 =	vsel vm2, $0x3D400, v14  }
0x47: {  	v15 =	vsel vm2, $0x49750, v15;
	v16 =	vsel vm2, $0x24C00, v16;
	v17 =	vsel vm2, $0x30F50, v17  }
0x48: {  	v0 =	vsel vm3, $0x18800, v0;
	v1 =	vsel vm3, $0x24B50, v1;
	v2 =	vsel vm3, $0x0, v2  }
0x49: {  	v3 =	vsel vm3, $0xC350, v3;
	v4 =	vsel vm3, $0x55C00, v4;
	v5 =	vsel vm3, $0x61F50, v5  }
0x4a: {  	v6 =	vsel vm3, $0x3D400, v6;
	v7 =	vsel vm3, $0x49750, v7;
	v8 =	vsel vm3, $0x24C00, v8  }
0x4b: {  	v9 =	vsel vm3, $0x30F50, v9;
	v10 =	vsel vm3, $0xC400, v10;
	v11 =	vsel vm3, $0x18750, v11  }
0x4c: {  	v12 =	vsel vm3, $0x62000, v12;
	v13 =	vsel vm3, $0x6E350, v13;
	v14 =	vsel vm3, $0x49800, v14  }
0x4d: {  	v15 =	vsel vm3, $0x55B50, v15;
	v16 =	vsel vm3, $0x31000, v16;
	v17 =	vsel vm3, $0x3D350, v17  }
0x4e: {  	v0 =	vsel vm4, $0x24C00, v0;
	v1 =	vsel vm4, $0x30F50, v1;
	v2 =	vsel vm4, $0xC400, v2  }
0x4f: {  	s0 =	rddreg [dreg:$0x0];
	v3 =	vsel vm4, $0x18750, v3;
	v4 =	vsel vm4, $0x62000, v4;
	v5 =	vsel vm4, $0x6E350, v5  }
0x50: {  	s1 =	srdreg.scid;
	s2 =	stileid.u32;
	v6 =	vsel vm4, $0x49800, v6;
	v7 =	vsel vm4, $0x55B50, v7;
	v8 =	vsel vm4, $0x31000, v8  }
0x51: {  	s8 =	rddreg [dreg:$0x2];
	s4 =	simm.s32 $0x0;
	s13 =	simm.s32 $0x3;
	v9 =	vsel vm4, $0x3D350, v9;
	v10 =	vsel vm4, $0x18800, v10;
	v11 =	vsel vm4, $0x24B50, v11  }
0x52: {  	s14 =	simm.s32 $0x30;
	s28 =	simm.s32 $0x180;
	s29 =	simm.s32 $0x700;
	v12 =	vsel vm4, $0x0, v12;
	v13 =	vsel vm4, $0xC350, v13;
	v14 =	vsel vm4, $0x55C00, v14  }
0x53: {  	s30 =	simm.s32 $0x9B00;
	s31 =	simm.s32 $0x780;
	s12 =	simm.s32 $0x880;
	v15 =	vsel vm4, $0x61F50, v15;
	v16 =	vsel vm4, $0x3D400, v16;
	v17 =	vsel vm4, $0x49750, v17  }
0x54: {  	s11 =	simm.s32 $0x900;
	s15 =	simm.s32 $0xFB00;
	s16 =	simm.s32 $0x980;
	v0 =	vsel vm5, $0x31000, v0;
	v1 =	vsel vm5, $0x3D350, v1;
	v2 =	vsel vm5, $0x18800, v2  }
0x55: {  	s17 =	simm.s32 $0x11300;
	s18 =	simm.s32 $0x1;
	s19 =	simm.s32 $0x12B00;
	v3 =	vsel vm5, $0x24B50, v3;
	v4 =	vsel vm5, $0x0, v4;
	v5 =	vsel vm5, $0xC350, v5  }
0x56: {  	s20 =	simm.s32 $0x2;
	s21 =	simm.s32 $0x13B00;
	s22 =	simm.s32 $0x0;
	v6 =	vsel vm5, $0x55C00, v6;
	v7 =	vsel vm5, $0x61F50, v7;
	v8 =	vsel vm5, $0x3D400, v8  }
0x57: {  	s1 =	sand.u32 $0x1, s1;
	s2 =	sshll.u32 s2, $0x1;
	[smem:$0x7FF] =	sst s4;
	v9 =	vsel vm5, $0x49750, v9;
	v10 =	vsel vm5, $0x24C00, v10;
	v11 =	vsel vm5, $0x30F50, v11  }
0x58: {  	s5 =	sadd.s32 $0xE000, s0;
	s2 =	sor.u32 s1, s2;
	s23 =	ssub.s32 $0x2, s1;
	v12 =	vsel vm5, $0xC400, v12;
	v13 =	vsel vm5, $0x18750, v13;
	v14 =	vsel vm5, $0x62000, v14  }
0x59: {  	s6 =	sadd.s32 $0x400, s0;
	s2 =	smul.u32 $0x640, s2;
	s1 =	sshrl.u32 s23, $0x1;
	v15 =	vsel vm5, $0x6E350, v15;
	v16 =	vsel vm5, $0x49800, v16;
	v17 =	vsel vm5, $0x55B50, v17  }
0x5a: {  	s10 =	smov.u32 s8;
	_ =	strace $0x80000047;
	s0 =	ssub.s32 s23, s1;
	v0 =	vsel vm6, $0x3D400, v0;
	v1 =	vsel vm6, $0x49750, v1;
	v2 =	vsel vm6, $0x24C00, v2  }
0x5b: {  	s1 =	simm.s32 $0x800;
	s7 =	smin.u32 s2, $0xBD10;
	s0 =	smax.u32 s0, $0x1;
	v3 =	vsel vm6, $0x30F50, v3;
	v4 =	vsel vm6, $0xC400, v4;
	v5 =	vsel vm6, $0x18750, v5  }
0x5c: {  	s2 =	sshrl.u32 s7, $0x3;
	s3 =	sadd.s32 s6, s7;
	s25 =	sshll.u32 s7, $0x4;
	v6 =	vsel vm6, $0x62000, v6;
	v7 =	vsel vm6, $0x6E350, v7;
	v8 =	vsel vm6, $0x49800, v8  }
0x5d: {  	s26 =	sadd.s32 $0x40, s7;
	[dreg:$0x6] =	wrdreg s0;
	s0 =	simm.s32 $0xCB00;
	v9 =	vsel vm6, $0x55B50, v9;
	v10 =	vsel vm6, $0x31000, v10;
	v11 =	vsel vm6, $0x3D350, v11  }
0x5e: {  	s24 =	sadd.s32 s2, s3;
	s9 =	sadd.s32 s8, s25;
	[dreg:$0x5] =	wrdreg s26;
	v12 =	vsel vm6, $0x18800, v12;
	v13 =	vsel vm6, $0x24B50, v13;
	v14 =	vsel vm6, $0x0, v14  }
0x5f: {  	s2 =	simm.s32 $0xB300;
	s8 =	simm.s32 $0xE300;
	[dreg:$0x4] =	wrdreg s24;
	v15 =	vsel vm6, $0xC350, v15;
	v16 =	vsel vm6, $0x55C00, v16;
	v17 =	vsel vm6, $0x61F50, v17  }
.LBB2_1:
0x60: {  	[dreg:$0x7] =	wrdreg s22  }
0x61: {  	s3 =	rddreg [dreg:$0x1];
	s26 =	simm.s32 $0x14B00  }
0x62: {  	[tilespmem:s26], [sflag:$0x3] =	stream.linear.gather [hbm4b:s3+s4], $0x80, $0x38;
	[tilespmem:$0x14B80] =	vst v63  }
0x63: {  	_ =	swait.ge [sflag:s13], $0x80  }
0x64: {  	[sflag:s13] =	ssyncset.done $0x0  }
0x65: {  	[sflag:s13] =	ssyncadd.s32 $0xFFFFFF80  }
0x66: {  	v18 =	vld [tilespmem:$0x14B00]  }
0x67: {  	v19 =	vld [tilespmem:$0x14B10]  }
0x68: {  	v20 =	vld [tilespmem:$0x14B20]  }
0x69: {  	v21 =	vld [tilespmem:$0x14B30]  }
0x6a: {  	v22 =	vld [tilespmem:$0x14B40]  }
0x6b: {  	v23 =	vld [tilespmem:$0x14B50]  }
0x6c: {  	s22 =	rddreg [dreg:$0x4];
	v24 =	vld [tilespmem:$0x14B60]  }
0x6d: {  	v25 =	vld [tilespmem:$0x14B70];
	[tilespmem:s4], [sflag:$0x3] =	stream.linear.gather [hbm4b:s22+s4], $0x120, $0x38  }
0x6e: {  	_ =	swait.ge [sflag:s13], $0x120  }
0x6f: {  	[sflag:s13] =	ssyncset.done $0x0  }
0x70: {  	[sflag:s13] =	ssyncadd.s32 $0xFFFFFEE0  }
0x71: {  	v26 =	vld [tilespmem:$0x0]  }
0x72: {  	v27 =	vld [tilespmem:$0x10]  }
0x73: {  	v28 =	vld [tilespmem:$0x20]  }
0x74: {  	v29 =	vld [tilespmem:$0x30]  }
0x75: {  	v30 =	vld [tilespmem:$0x40]  }
0x76: {  	v31 =	vld [tilespmem:$0x50];
	vm0 =	vlt.s32 v26, $0x0;
	v26 =	vadd.s32 v0, v26  }
0x77: {  	v32 =	vld [tilespmem:$0x60];
	vm11 =	vlt.s32 v27, $0x0;
	v27 =	vadd.s32 v2, v27;
	v26 =	vsel vm0, v1, v26  }
0x78: {  	v53 =	vld [tilespmem:$0x70];
	vm12 =	vlt.s32 v28, $0x0;
	[tilespmem:$0x300] =	vst v26;
	v26 =	vsel vm11, v3, v27;
	v27 =	vadd.s32 v4, v28  }
0x79: {  	v54 =	vld [tilespmem:$0x80];
	vm13 =	vlt.s32 v29, $0x0;
	[tilespmem:$0x310] =	vst v26;
	v26 =	vsel vm12, v5, v27;
	v27 =	vadd.s32 v6, v29  }
0x7a: {  	v55 =	vld [tilespmem:$0x90];
	vm14 =	vlt.s32 v30, $0x0;
	[tilespmem:$0x320] =	vst v26;
	v26 =	vsel vm13, v7, v27;
	v27 =	vadd.s32 v8, v30  }
0x7b: {  	v56 =	vld [tilespmem:$0xA0];
	vm15 =	vlt.s32 v31, $0x0;
	[tilespmem:$0x380] =	vst v26;
	v26 =	vsel vm14, v9, v27;
	v27 =	vadd.s32 v10, v31  }
0x7c: {  	v57 =	vld [tilespmem:$0xB0];
	vm4 =	vlt.s32 v32, $0x0;
	[tilespmem:$0x390] =	vst v26;
	v26 =	vsel vm15, v11, v27;
	v27 =	vadd.s32 v12, v32  }
0x7d: {  	v58 =	vld [tilespmem:$0xC0];
	vm5 =	vlt.s32 v53, $0x0;
	[tilespmem:$0x3A0] =	vst v26;
	v26 =	vsel vm4, v13, v27;
	v27 =	vadd.s32 v14, v53  }
0x7e: {  	v59 =	vld [tilespmem:$0xD0];
	vm6 =	vlt.s32 v54, $0x0;
	[tilespmem:$0x400] =	vst v26;
	v26 =	vsel vm5, v15, v27;
	v27 =	vadd.s32 v16, v54  }
0x7f: {  	v60 =	vld [tilespmem:$0xE0];
	vm7 =	vlt.s32 v55, $0x0;
	[tilespmem:$0x410] =	vst v26;
	v26 =	vsel vm6, v17, v27;
	v27 =	vadd.s32 v0, v55  }
0x80: {  	v61 =	vld [tilespmem:$0xF0];
	vm8 =	vlt.s32 v56, $0x0;
	[tilespmem:$0x420] =	vst v26;
	v26 =	vsel vm7, v1, v27;
	v27 =	vadd.s32 v2, v56  }
0x81: {  	v62 =	vld [tilespmem:$0x100];
	vm9 =	vlt.s32 v57, $0x0;
	[tilespmem:$0x480] =	vst v26;
	v26 =	vsel vm8, v3, v27;
	v27 =	vadd.s32 v4, v57  }
0x82: {  	v63 =	vld [tilespmem:$0x110];
	vm10 =	vlt.s32 v58, $0x0;
	[tilespmem:$0x490] =	vst v26;
	v26 =	vsel vm9, v5, v27;
	v27 =	vadd.s32 v6, v58  }
0x83: {  	vm11 =	vlt.s32 v59, $0x0;
	[tilespmem:$0x4A0] =	vst v26;
	v26 =	vsel vm10, v7, v27;
	v27 =	vadd.s32 v8, v59  }
0x84: {  	vm12 =	vlt.s32 v60, $0x0;
	[tilespmem:$0x500] =	vst v26;
	v26 =	vsel vm11, v9, v27;
	v27 =	vadd.s32 v10, v60  }
0x85: {  	vm13 =	vlt.s32 v61, $0x0;
	[tilespmem:$0x510] =	vst v26;
	v26 =	vsel vm12, v11, v27;
	v27 =	vadd.s32 v12, v61  }
0x86: {  	vm14 =	vlt.s32 v62, $0x0;
	[tilespmem:$0x520] =	vst v26;
	v26 =	vsel vm13, v13, v27;
	v27 =	vadd.s32 v14, v62  }
0x87: {  	vm15 =	vlt.s32 v63, $0x0;
	[tilespmem:$0x580] =	vst v26;
	v26 =	vsel vm14, v15, v27;
	v27 =	vadd.s32 v16, v63  }
0x88: {  	[tilespmem:$0x590] =	vst v26;
	v26 =	vsel vm15, v17, v27  }
0x89: {  	s23 =	simm.s32 $0x300;
	s24 =	simm.s32 $0xB00;
	[tilespmem:$0x5A0] =	vst v26  }
0x8a: {  	[tilespmem:s24], [sflag:$0x1] =	stream.indirect.gather [hbm4b:s5+s14], $0x80, s23, s14, $0xb8;
	[tilespmem:$0x14B80] =	vst v63  }
0x8b: {  	s25 =	simm.s32 $0x380;
	s26 =	simm.s32 $0x2300  }
0x8c: {  	[tilespmem:s26], [sflag:$0x1] =	stream.indirect.gather [hbm4b:s5+s14], $0x80, s25, s14, $0xb8;
	[tilespmem:$0x14B80] =	vst v63  }
0x8d: {  	s23 =	simm.s32 $0x400;
	s24 =	simm.s32 $0x3B00  }
0x8e: {  	[tilespmem:s24], [sflag:$0x1] =	stream.indirect.gather [hbm4b:s5+s14], $0x80, s23, s14, $0xb8;
	[tilespmem:$0x14B80] =	vst v63  }
0x8f: {  	s25 =	simm.s32 $0x480;
	s26 =	simm.s32 $0x5300  }
0x90: {  	[tilespmem:s26], [sflag:$0x1] =	stream.indirect.gather [hbm4b:s5+s14], $0x80, s25, s14, $0xb8;
	[tilespmem:$0x14B80] =	vst v63  }
0x91: {  	s23 =	simm.s32 $0x500;
	s24 =	simm.s32 $0x6B00  }
0x92: {  	[tilespmem:s24], [sflag:$0x1] =	stream.indirect.gather [hbm4b:s5+s14], $0x80, s23, s14, $0xb8;
	[tilespmem:$0x14B80] =	vst v63  }
0x93: {  	s22 =	simm.s32 $0x0;
	s25 =	simm.s32 $0x580;
	s26 =	simm.s32 $0x8300  }
0x94: {  	[tilespmem:s26], [sflag:$0x1] =	stream.indirect.gather [hbm4b:s5+s14], $0x80, s25, s14, $0xb8;
	[tilespmem:$0x14B80] =	vst v63  }
.LBB2_2:
0x95: {  	s24 =	sshll.u32 s22, $0x6  }
0x96: {  	s3 =	sadd.s32 s24, s7  }
0x97: {  	s23 =	sadd.s32 $0x20, s3  }
0x98: {  	s3 =	sshrl.u32 s23, $0x3;
	s25 =	sadd.s32 s6, s23  }
0x99: {  	s26 =	simm.s32 $0x0;
	s3 =	sadd.s32 s3, s25  }
0x9a: {  	[tilespmem:s28], [sflag:$0x3] =	stream.linear.gather [hbm4b:s3+s26], $0x120, $0x38;
	[tilespmem:$0x14B80] =	vst v63  }
0x9b: {  	_ =	swait.ge [sflag:s13], $0x120  }
0x9c: {  	[sflag:s13] =	ssyncset.done $0x0  }
0x9d: {  	[sflag:s13] =	ssyncadd.s32 $0xFFFFFEE0  }
0x9e: {  	v26 =	vld [tilespmem:$0x180]  }
0x9f: {  	v27 =	vld [tilespmem:$0x190]  }
0xa0: {  	v28 =	vld [tilespmem:$0x1A0]  }
0xa1: {  	v29 =	vld [tilespmem:$0x1B0]  }
0xa2: {  	v30 =	vld [tilespmem:$0x1C0]  }
0xa3: {  	v31 =	vld [tilespmem:$0x1D0];
	vm0 =	vlt.s32 v26, $0x0;
	v26 =	vadd.s32 v0, v26  }
0xa4: {  	v32 =	vld [tilespmem:$0x1E0];
	vm11 =	vlt.s32 v27, $0x0;
	v27 =	vadd.s32 v2, v27;
	v26 =	vsel vm0, v1, v26  }
0xa5: {  	v45 =	vld [tilespmem:$0x1F0];
	vm12 =	vlt.s32 v28, $0x0;
	[tilespmem:$0x700] =	vst v26;
	v26 =	vsel vm11, v3, v27;
	v27 =	vadd.s32 v4, v28  }
0xa6: {  	v46 =	vld [tilespmem:$0x200];
	vm13 =	vlt.s32 v29, $0x0;
	[tilespmem:$0x710] =	vst v26;
	v26 =	vsel vm12, v5, v27;
	v27 =	vadd.s32 v6, v29  }
0xa7: {  	v47 =	vld [tilespmem:$0x210];
	vm14 =	vlt.s32 v30, $0x0;
	[tilespmem:$0x720] =	vst v26;
	v26 =	vsel vm13, v7, v27;
	v27 =	vadd.s32 v8, v30  }
0xa8: {  	v48 =	vld [tilespmem:$0x220];
	vm15 =	vlt.s32 v31, $0x0;
	[tilespmem:$0x780] =	vst v26;
	v26 =	vsel vm14, v9, v27;
	v27 =	vadd.s32 v10, v31  }
0xa9: {  	v49 =	vld [tilespmem:$0x230];
	vm4 =	vlt.s32 v32, $0x0;
	[tilespmem:$0x790] =	vst v26;
	v26 =	vsel vm15, v11, v27;
	v27 =	vadd.s32 v12, v32  }
0xaa: {  	v50 =	vld [tilespmem:$0x240];
	vm5 =	vlt.s32 v45, $0x0;
	[tilespmem:$0x7A0] =	vst v26;
	v26 =	vsel vm4, v13, v27;
	v27 =	vadd.s32 v14, v45  }
0xab: {  	v51 =	vld [tilespmem:$0x250];
	vm6 =	vlt.s32 v46, $0x0;
	[tilespmem:$0x800] =	vst v26;
	v26 =	vsel vm5, v15, v27;
	v27 =	vadd.s32 v16, v46  }
0xac: {  	v52 =	vld [tilespmem:$0x260];
	vm7 =	vlt.s32 v47, $0x0;
	[tilespmem:$0x810] =	vst v26;
	v26 =	vsel vm6, v17, v27;
	v27 =	vadd.s32 v0, v47  }
0xad: {  	v53 =	vld [tilespmem:$0x270];
	vm8 =	vlt.s32 v48, $0x0;
	[tilespmem:$0x820] =	vst v26;
	v26 =	vsel vm7, v1, v27;
	v27 =	vadd.s32 v2, v48  }
0xae: {  	v54 =	vld [tilespmem:$0x280];
	vm9 =	vlt.s32 v49, $0x0;
	[tilespmem:$0x880] =	vst v26;
	v26 =	vsel vm8, v3, v27;
	v27 =	vadd.s32 v4, v49  }
0xaf: {  	v55 =	vld [tilespmem:$0x290];
	vm10 =	vlt.s32 v50, $0x0;
	[tilespmem:$0x890] =	vst v26;
	v26 =	vsel vm9, v5, v27;
	v27 =	vadd.s32 v6, v50  }
0xb0: {  	vm11 =	vlt.s32 v51, $0x0;
	[tilespmem:$0x8A0] =	vst v26;
	v26 =	vsel vm10, v7, v27;
	v27 =	vadd.s32 v8, v51  }
0xb1: {  	vm12 =	vlt.s32 v52, $0x0;
	[tilespmem:$0x900] =	vst v26;
	v26 =	vsel vm11, v9, v27;
	v27 =	vadd.s32 v10, v52  }
0xb2: {  	vm13 =	vlt.s32 v53, $0x0;
	[tilespmem:$0x910] =	vst v26;
	v26 =	vsel vm12, v11, v27;
	v27 =	vadd.s32 v12, v53  }
0xb3: {  	vm14 =	vlt.s32 v54, $0x0;
	[tilespmem:$0x920] =	vst v26;
	v26 =	vsel vm13, v13, v27;
	v27 =	vadd.s32 v14, v54  }
0xb4: {  	vm15 =	vlt.s32 v55, $0x0;
	[tilespmem:$0x980] =	vst v26;
	v26 =	vsel vm14, v15, v27;
	v27 =	vadd.s32 v16, v55  }
0xb5: {  	[tilespmem:$0x990] =	vst v26;
	v26 =	vsel vm15, v17, v27  }
0xb6: {  	[tilespmem:$0x9A0] =	vst v26  }
0xb7: {  	[tilespmem:s30], [sflag:$0x2] =	stream.indirect.gather [hbm4b:s5+s14], $0x80, s29, s14, $0xb8;
	[tilespmem:$0x14B80] =	vst v63  }
0xb8: {  	_ = 	snop  }
0xb9: {  	[tilespmem:s2], [sflag:$0x2] =	stream.indirect.gather [hbm4b:s5+s14], $0x80, s31, s14, $0xb8;
	[tilespmem:$0x14B80] =	vst v63  }
0xba: {  	_ = 	snop  }
0xbb: {  	[tilespmem:s0], [sflag:$0x2] =	stream.indirect.gather [hbm4b:s5+s14], $0x80, s1, s14, $0xb8;
	[tilespmem:$0x14B80] =	vst v63  }
0xbc: {  	_ = 	snop  }
0xbd: {  	[tilespmem:s8], [sflag:$0x2] =	stream.indirect.gather [hbm4b:s5+s14], $0x80, s12, s14, $0xb8;
	[tilespmem:$0x14B80] =	vst v63  }
0xbe: {  	_ = 	snop  }
0xbf: {  	[tilespmem:s15], [sflag:$0x2] =	stream.indirect.gather [hbm4b:s5+s14], $0x80, s11, s14, $0xb8;
	[tilespmem:$0x14B80] =	vst v63  }
0xc0: {  	_ = 	snop  }
0xc1: {  	[tilespmem:s17], [sflag:$0x2] =	stream.indirect.gather [hbm4b:s5+s14], $0x80, s16, s14, $0xb8;
	[tilespmem:$0x14B80] =	vst v63  }
0xc2: {  	_ =	swait.ge [sflag:s18], $0x1800  }
0xc3: {  	[sflag:s18] =	ssyncset.done $0x0  }
0xc4: {  	[sflag:s18] =	ssyncadd.s32 $0xFFFFE800  }
0xc5: {  	_ =	swait.ge [sflag:s18], $0x1800  }
0xc6: {  	[sflag:s18] =	ssyncset.done $0x0  }
0xc7: {  	[sflag:s18] =	ssyncadd.s32 $0xFFFFE800  }
0xc8: {  	_ =	swait.ge [sflag:s18], $0x1800  }
0xc9: {  	[sflag:s18] =	ssyncset.done $0x0  }
0xca: {  	[sflag:s18] =	ssyncadd.s32 $0xFFFFE800  }
0xcb: {  	_ =	swait.ge [sflag:s18], $0x1800  }
0xcc: {  	[sflag:s18] =	ssyncset.done $0x0  }
0xcd: {  	[sflag:s18] =	ssyncadd.s32 $0xFFFFE800  }
0xce: {  	_ =	swait.ge [sflag:s18], $0x1800  }
0xcf: {  	[sflag:s18] =	ssyncset.done $0x0  }
0xd0: {  	[sflag:s18] =	ssyncadd.s32 $0xFFFFE800  }
0xd1: {  	_ =	swait.ge [sflag:s18], $0x1800  }
0xd2: {  	[sflag:s18] =	ssyncset.done $0x0  }
0xd3: {  	s25 =	simm.s32 $0xD40;
	[sflag:s18] =	ssyncadd.s32 $0xFFFFE800  }
0xd4: {  	v26 =	vld [tilespmem:s25+$0xFFFFFDC0];
	_ =	sdelay $0x1  }
0xd5: {  	v27 =	vld [tilespmem:s25+$0xFFFFFE40];
	_ =	sdelay $0x1  }
0xd6: {  	v56 =	vld [tilespmem:s25+$0xFFFFFEC0]  }
0xd7: {  	v26 =	vadd.f32 v26, v18  }
0xd8: {  	v57 =	vld [tilespmem:s25+$0xFFFFFF40]  }
0xd9: {  	v26 =	vadd.f32 v27, v26  }
0xda: {  	v27 =	vld [tilespmem:s25+$0xFFFFFFC0]  }
0xdb: {  	v26 =	vadd.f32 v56, v26  }
0xdc: {  	v58 =	vld [tilespmem:s25+$0x40]  }
0xdd: {  	v26 =	vadd.f32 v57, v26  }
0xde: {  	v59 =	vld [tilespmem:s25+$0xC0]  }
0xdf: {  	v26 =	vadd.f32 v27, v26  }
0xe0: {  	v27 =	vld [tilespmem:s25+$0x140]  }
0xe1: {  	v26 =	vadd.f32 v58, v26  }
0xe2: {  	v60 =	vld [tilespmem:s25+$0x1C0]  }
0xe3: {  	v26 =	vadd.f32 v59, v26;
	_ =	sdelay $0x1  }
0xe4: {  	v26 =	vadd.f32 v27, v26;
	_ =	sdelay $0x1  }
0xe5: {  	v26 =	vadd.f32 v60, v26  }
0xe6: {  	s26 =	simm.s32 $0x0  }
0xe7: {  	[tilespmem:s26+$0x12B00] =	vst v26  }
0xe8: {  	v26 =	vld [tilespmem:s25+$0xFFFFFDD0];
	_ =	sdelay $0x1  }
0xe9: {  	v27 =	vld [tilespmem:s25+$0xFFFFFE50];
	_ =	sdelay $0x1  }
0xea: {  	v61 =	vld [tilespmem:s25+$0xFFFFFED0]  }
0xeb: {  	v26 =	vadd.f32 v26, v19  }
0xec: {  	v62 =	vld [tilespmem:s25+$0xFFFFFF50]  }
0xed: {  	v26 =	vadd.f32 v27, v26  }
0xee: {  	v27 =	vld [tilespmem:s25+$0xFFFFFFD0]  }
0xef: {  	v26 =	vadd.f32 v61, v26  }
0xf0: {  	v63 =	vld [tilespmem:s25+$0x50]  }
0xf1: {  	v26 =	vadd.f32 v62, v26  }
0xf2: {  	v32 =	vld [tilespmem:s25+$0xD0]  }
0xf3: {  	v26 =	vadd.f32 v27, v26  }
0xf4: {  	v27 =	vld [tilespmem:s25+$0x150]  }
0xf5: {  	v26 =	vadd.f32 v63, v26  }
0xf6: {  	v33 =	vld [tilespmem:s25+$0x1D0]  }
0xf7: {  	v26 =	vadd.f32 v32, v26;
	_ =	sdelay $0x1  }
0xf8: {  	v26 =	vadd.f32 v27, v26;
	_ =	sdelay $0x1  }
0xf9: {  	v26 =	vadd.f32 v33, v26;
	_ =	sdelay $0x1  }
0xfa: {  	[tilespmem:s26+$0x12B10] =	vst v26  }
0xfb: {  	v26 =	vld [tilespmem:s25+$0xFFFFFDE0];
	_ =	sdelay $0x1  }
0xfc: {  	v27 =	vld [tilespmem:s25+$0xFFFFFE60];
	_ =	sdelay $0x1  }
0xfd: {  	v34 =	vld [tilespmem:s25+$0xFFFFFEE0]  }
0xfe: {  	v26 =	vadd.f32 v26, v20  }
0xff: {  	v35 =	vld [tilespmem:s25+$0xFFFFFF60]  }
0x100: {  	v26 =	vadd.f32 v27, v26  }
0x101: {  	v27 =	vld [tilespmem:s25+$0xFFFFFFE0]  }
0x102: {  	v26 =	vadd.f32 v34, v26  }
0x103: {  	v36 =	vld [tilespmem:s25+$0x60]  }
0x104: {  	v26 =	vadd.f32 v35, v26  }
0x105: {  	v37 =	vld [tilespmem:s25+$0xE0]  }
0x106: {  	v26 =	vadd.f32 v27, v26  }
0x107: {  	v27 =	vld [tilespmem:s25+$0x160]  }
0x108: {  	v26 =	vadd.f32 v36, v26  }
0x109: {  	v38 =	vld [tilespmem:s25+$0x1E0]  }
0x10a: {  	v26 =	vadd.f32 v37, v26;
	_ =	sdelay $0x1  }
0x10b: {  	v26 =	vadd.f32 v27, v26;
	_ =	sdelay $0x1  }
0x10c: {  	v26 =	vadd.f32 v38, v26;
	_ =	sdelay $0x1  }
0x10d: {  	[tilespmem:s26+$0x12B20] =	vst v26  }
0x10e: {  	v26 =	vld [tilespmem:s25+$0xFFFFFDF0];
	_ =	sdelay $0x1  }
0x10f: {  	v27 =	vld [tilespmem:s25+$0xFFFFFE70];
	_ =	sdelay $0x1  }
0x110: {  	v39 =	vld [tilespmem:s25+$0xFFFFFEF0]  }
0x111: {  	v26 =	vadd.f32 v26, v21  }
0x112: {  	v40 =	vld [tilespmem:s25+$0xFFFFFF70]  }
0x113: {  	v26 =	vadd.f32 v27, v26  }
0x114: {  	v27 =	vld [tilespmem:s25+$0xFFFFFFF0]  }
0x115: {  	v26 =	vadd.f32 v39, v26  }
0x116: {  	v41 =	vld [tilespmem:s25+$0x70]  }
0x117: {  	v26 =	vadd.f32 v40, v26  }
0x118: {  	v42 =	vld [tilespmem:s25+$0xF0]  }
0x119: {  	v26 =	vadd.f32 v27, v26  }
0x11a: {  	v27 =	vld [tilespmem:s25+$0x170]  }
0x11b: {  	v26 =	vadd.f32 v41, v26  }
0x11c: {  	v43 =	vld [tilespmem:s25+$0x1F0]  }
0x11d: {  	v26 =	vadd.f32 v42, v26;
	_ =	sdelay $0x1  }
0x11e: {  	v26 =	vadd.f32 v27, v26;
	_ =	sdelay $0x1  }
0x11f: {  	v26 =	vadd.f32 v43, v26;
	_ =	sdelay $0x1  }
0x120: {  	[tilespmem:s26+$0x12B30] =	vst v26  }
0x121: {  	v26 =	vld [tilespmem:s25+$0xFFFFFE00];
	_ =	sdelay $0x1  }
0x122: {  	v27 =	vld [tilespmem:s25+$0xFFFFFE80];
	_ =	sdelay $0x1  }
0x123: {  	v44 =	vld [tilespmem:s25+$0xFFFFFF00]  }
0x124: {  	v26 =	vadd.f32 v26, v22  }
0x125: {  	v45 =	vld [tilespmem:s25+$0xFFFFFF80]  }
0x126: {  	v26 =	vadd.f32 v27, v26  }
0x127: {  	v27 =	vld [tilespmem:s25+$0x0]  }
0x128: {  	v26 =	vadd.f32 v44, v26  }
0x129: {  	v46 =	vld [tilespmem:s25+$0x80]  }
0x12a: {  	v26 =	vadd.f32 v45, v26  }
0x12b: {  	v47 =	vld [tilespmem:s25+$0x100]  }
0x12c: {  	v26 =	vadd.f32 v27, v26  }
0x12d: {  	v27 =	vld [tilespmem:s25+$0x180]  }
0x12e: {  	v26 =	vadd.f32 v46, v26  }
0x12f: {  	v48 =	vld [tilespmem:s25+$0x200]  }
0x130: {  	v26 =	vadd.f32 v47, v26;
	_ =	sdelay $0x1  }
0x131: {  	v26 =	vadd.f32 v27, v26;
	_ =	sdelay $0x1  }
0x132: {  	v26 =	vadd.f32 v48, v26;
	_ =	sdelay $0x1  }
0x133: {  	[tilespmem:s26+$0x12B40] =	vst v26  }
0x134: {  	v26 =	vld [tilespmem:s25+$0xFFFFFE10];
	_ =	sdelay $0x1  }
0x135: {  	v27 =	vld [tilespmem:s25+$0xFFFFFE90];
	_ =	sdelay $0x1  }
0x136: {  	v49 =	vld [tilespmem:s25+$0xFFFFFF10]  }
0x137: {  	v26 =	vadd.f32 v26, v23  }
0x138: {  	v50 =	vld [tilespmem:s25+$0xFFFFFF90]  }
0x139: {  	v26 =	vadd.f32 v27, v26  }
0x13a: {  	v27 =	vld [tilespmem:s25+$0x10]  }
0x13b: {  	v26 =	vadd.f32 v49, v26  }
0x13c: {  	v51 =	vld [tilespmem:s25+$0x90]  }
0x13d: {  	v26 =	vadd.f32 v50, v26  }
0x13e: {  	v52 =	vld [tilespmem:s25+$0x110]  }
0x13f: {  	v26 =	vadd.f32 v27, v26  }
0x140: {  	v27 =	vld [tilespmem:s25+$0x190]  }
0x141: {  	v26 =	vadd.f32 v51, v26  }
0x142: {  	v53 =	vld [tilespmem:s25+$0x210]  }
0x143: {  	v26 =	vadd.f32 v52, v26;
	_ =	sdelay $0x1  }
0x144: {  	v26 =	vadd.f32 v27, v26;
	_ =	sdelay $0x1  }
0x145: {  	v26 =	vadd.f32 v53, v26;
	_ =	sdelay $0x1  }
0x146: {  	[tilespmem:s26+$0x12B50] =	vst v26  }
0x147: {  	v26 =	vld [tilespmem:s25+$0xFFFFFE20];
	_ =	sdelay $0x1  }
0x148: {  	v27 =	vld [tilespmem:s25+$0xFFFFFEA0];
	_ =	sdelay $0x1  }
0x149: {  	v54 =	vld [tilespmem:s25+$0xFFFFFF20]  }
0x14a: {  	v26 =	vadd.f32 v26, v24  }
0x14b: {  	v55 =	vld [tilespmem:s25+$0xFFFFFFA0]  }
0x14c: {  	v26 =	vadd.f32 v27, v26  }
0x14d: {  	v27 =	vld [tilespmem:s25+$0x20]  }
0x14e: {  	v26 =	vadd.f32 v54, v26  }
0x14f: {  	v56 =	vld [tilespmem:s25+$0xA0]  }
0x150: {  	v26 =	vadd.f32 v55, v26  }
0x151: {  	v57 =	vld [tilespmem:s25+$0x120]  }
0x152: {  	v26 =	vadd.f32 v27, v26  }
0x153: {  	v27 =	vld [tilespmem:s25+$0x1A0]  }
0x154: {  	v26 =	vadd.f32 v56, v26  }
0x155: {  	v58 =	vld [tilespmem:s25+$0x220]  }
0x156: {  	v26 =	vadd.f32 v57, v26;
	_ =	sdelay $0x1  }
0x157: {  	v26 =	vadd.f32 v27, v26;
	_ =	sdelay $0x1  }
0x158: {  	v26 =	vadd.f32 v58, v26;
	_ =	sdelay $0x1  }
0x159: {  	[tilespmem:s26+$0x12B60] =	vst v26  }
0x15a: {  	v26 =	vld [tilespmem:s25+$0xFFFFFE30];
	_ =	sdelay $0x1  }
0x15b: {  	v27 =	vld [tilespmem:s25+$0xFFFFFEB0];
	_ =	sdelay $0x1  }
0x15c: {  	v59 =	vld [tilespmem:s25+$0xFFFFFF30]  }
0x15d: {  	v26 =	vadd.f32 v26, v25  }
0x15e: {  	v60 =	vld [tilespmem:s25+$0xFFFFFFB0]  }
0x15f: {  	v26 =	vadd.f32 v27, v26  }
0x160: {  	v27 =	vld [tilespmem:s25+$0x30]  }
0x161: {  	v26 =	vadd.f32 v59, v26  }
0x162: {  	v61 =	vld [tilespmem:s25+$0xB0]  }
0x163: {  	v26 =	vadd.f32 v60, v26  }
0x164: {  	v62 =	vld [tilespmem:s25+$0x130]  }
0x165: {  	v26 =	vadd.f32 v27, v26  }
0x166: {  	v27 =	vld [tilespmem:s25+$0x1B0]  }
0x167: {  	v26 =	vadd.f32 v61, v26  }
0x168: {  	v63 =	vld [tilespmem:s25+$0x230]  }
0x169: {  	v26 =	vadd.f32 v62, v26;
	_ =	sdelay $0x1  }
0x16a: {  	v26 =	vadd.f32 v27, v26;
	_ =	sdelay $0x1  }
0x16b: {  	s3 =	simm.s32 $0x200;
	v26 =	vadd.f32 v63, v26  }
.LBB2_3:
0x16c: {  	p0 =	sne.s32 s3, $0x3E00  }
0x16d: {  	s25 =	sadd.s32 $0x480, s25;
	[tilespmem:s26+$0x12B70] =	vst v26;
	s26 =	smov.u32 s3;
	s3 =	sadd.s32 $0x200, s3  }
0x16e: {  	v26 =	vld [tilespmem:s25+$0xFFFFFDC0];
	_ =	sdelay $0x1  }
0x16f: {  	v27 =	vld [tilespmem:s25+$0xFFFFFE40];
	_ =	sdelay $0x1  }
0x170: {  	v28 =	vld [tilespmem:s25+$0xFFFFFEC0]  }
0x171: {  	v26 =	vadd.f32 v26, v18  }
0x172: {  	v29 =	vld [tilespmem:s25+$0xFFFFFF40]  }
0x173: {  	v26 =	vadd.f32 v27, v26  }
0x174: {  	v27 =	vld [tilespmem:s25+$0xFFFFFFC0]  }
0x175: {  	v26 =	vadd.f32 v28, v26  }
0x176: {  	v28 =	vld [tilespmem:s25+$0x40]  }
0x177: {  	v26 =	vadd.f32 v29, v26  }
0x178: {  	v29 =	vld [tilespmem:s25+$0xC0]  }
0x179: {  	v26 =	vadd.f32 v27, v26  }
0x17a: {  	v27 =	vld [tilespmem:s25+$0x140]  }
0x17b: {  	v26 =	vadd.f32 v28, v26  }
0x17c: {  	v28 =	vld [tilespmem:s25+$0x1C0]  }
0x17d: {  	v26 =	vadd.f32 v29, v26;
	_ =	sdelay $0x1  }
0x17e: {  	v26 =	vadd.f32 v27, v26;
	_ =	sdelay $0x1  }
0x17f: {  	v26 =	vadd.f32 v28, v26  }
0x180: {  	s26 =	sshra.s32 s26, $0x2  }
0x181: {  	[tilespmem:s26+$0x12B00] =	vst v26  }
0x182: {  	v26 =	vld [tilespmem:s25+$0xFFFFFDD0];
	_ =	sdelay $0x1  }
0x183: {  	v27 =	vld [tilespmem:s25+$0xFFFFFE50];
	_ =	sdelay $0x1  }
0x184: {  	v28 =	vld [tilespmem:s25+$0xFFFFFED0]  }
0x185: {  	v26 =	vadd.f32 v26, v19  }
0x186: {  	v29 =	vld [tilespmem:s25+$0xFFFFFF50]  }
0x187: {  	v26 =	vadd.f32 v27, v26  }
0x188: {  	v27 =	vld [tilespmem:s25+$0xFFFFFFD0]  }
0x189: {  	v26 =	vadd.f32 v28, v26  }
0x18a: {  	v28 =	vld [tilespmem:s25+$0x50]  }
0x18b: {  	v26 =	vadd.f32 v29, v26  }
0x18c: {  	v29 =	vld [tilespmem:s25+$0xD0]  }
0x18d: {  	v26 =	vadd.f32 v27, v26  }
0x18e: {  	v27 =	vld [tilespmem:s25+$0x150]  }
0x18f: {  	v26 =	vadd.f32 v28, v26  }
0x190: {  	v28 =	vld [tilespmem:s25+$0x1D0]  }
0x191: {  	v26 =	vadd.f32 v29, v26;
	_ =	sdelay $0x1  }
0x192: {  	v26 =	vadd.f32 v27, v26;
	_ =	sdelay $0x1  }
0x193: {  	v26 =	vadd.f32 v28, v26;
	_ =	sdelay $0x1  }
0x194: {  	[tilespmem:s26+$0x12B10] =	vst v26  }
0x195: {  	v26 =	vld [tilespmem:s25+$0xFFFFFDE0];
	_ =	sdelay $0x1  }
0x196: {  	v27 =	vld [tilespmem:s25+$0xFFFFFE60];
	_ =	sdelay $0x1  }
0x197: {  	v28 =	vld [tilespmem:s25+$0xFFFFFEE0]  }
0x198: {  	v26 =	vadd.f32 v26, v20  }
0x199: {  	v29 =	vld [tilespmem:s25+$0xFFFFFF60]  }
0x19a: {  	v26 =	vadd.f32 v27, v26  }
0x19b: {  	v27 =	vld [tilespmem:s25+$0xFFFFFFE0]  }
0x19c: {  	v26 =	vadd.f32 v28, v26  }
0x19d: {  	v28 =	vld [tilespmem:s25+$0x60]  }
0x19e: {  	v26 =	vadd.f32 v29, v26  }
0x19f: {  	v29 =	vld [tilespmem:s25+$0xE0]  }
0x1a0: {  	v26 =	vadd.f32 v27, v26  }
0x1a1: {  	v27 =	vld [tilespmem:s25+$0x160]  }
0x1a2: {  	v26 =	vadd.f32 v28, v26  }
0x1a3: {  	v28 =	vld [tilespmem:s25+$0x1E0]  }
0x1a4: {  	v26 =	vadd.f32 v29, v26;
	_ =	sdelay $0x1  }
0x1a5: {  	v26 =	vadd.f32 v27, v26;
	_ =	sdelay $0x1  }
0x1a6: {  	v26 =	vadd.f32 v28, v26;
	_ =	sdelay $0x1  }
0x1a7: {  	[tilespmem:s26+$0x12B20] =	vst v26  }
0x1a8: {  	v26 =	vld [tilespmem:s25+$0xFFFFFDF0];
	_ =	sdelay $0x1  }
0x1a9: {  	v27 =	vld [tilespmem:s25+$0xFFFFFE70];
	_ =	sdelay $0x1  }
0x1aa: {  	v28 =	vld [tilespmem:s25+$0xFFFFFEF0]  }
0x1ab: {  	v26 =	vadd.f32 v26, v21  }
0x1ac: {  	v29 =	vld [tilespmem:s25+$0xFFFFFF70]  }
0x1ad: {  	v26 =	vadd.f32 v27, v26  }
0x1ae: {  	v27 =	vld [tilespmem:s25+$0xFFFFFFF0]  }
0x1af: {  	v26 =	vadd.f32 v28, v26  }
0x1b0: {  	v28 =	vld [tilespmem:s25+$0x70]  }
0x1b1: {  	v26 =	vadd.f32 v29, v26  }
0x1b2: {  	v29 =	vld [tilespmem:s25+$0xF0]  }
0x1b3: {  	v26 =	vadd.f32 v27, v26  }
0x1b4: {  	v27 =	vld [tilespmem:s25+$0x170]  }
0x1b5: {  	v26 =	vadd.f32 v28, v26  }
0x1b6: {  	v28 =	vld [tilespmem:s25+$0x1F0]  }
0x1b7: {  	v26 =	vadd.f32 v29, v26;
	_ =	sdelay $0x1  }
0x1b8: {  	v26 =	vadd.f32 v27, v26;
	_ =	sdelay $0x1  }
0x1b9: {  	v26 =	vadd.f32 v28, v26;
	_ =	sdelay $0x1  }
0x1ba: {  	[tilespmem:s26+$0x12B30] =	vst v26  }
0x1bb: {  	v26 =	vld [tilespmem:s25+$0xFFFFFE00];
	_ =	sdelay $0x1  }
0x1bc: {  	v27 =	vld [tilespmem:s25+$0xFFFFFE80];
	_ =	sdelay $0x1  }
0x1bd: {  	v28 =	vld [tilespmem:s25+$0xFFFFFF00]  }
0x1be: {  	v26 =	vadd.f32 v26, v22  }
0x1bf: {  	v29 =	vld [tilespmem:s25+$0xFFFFFF80]  }
0x1c0: {  	v26 =	vadd.f32 v27, v26  }
0x1c1: {  	v27 =	vld [tilespmem:s25+$0x0]  }
0x1c2: {  	v26 =	vadd.f32 v28, v26  }
0x1c3: {  	v28 =	vld [tilespmem:s25+$0x80]  }
0x1c4: {  	v26 =	vadd.f32 v29, v26  }
0x1c5: {  	v29 =	vld [tilespmem:s25+$0x100]  }
0x1c6: {  	v26 =	vadd.f32 v27, v26  }
0x1c7: {  	v27 =	vld [tilespmem:s25+$0x180]  }
0x1c8: {  	v26 =	vadd.f32 v28, v26  }
0x1c9: {  	v28 =	vld [tilespmem:s25+$0x200]  }
0x1ca: {  	v26 =	vadd.f32 v29, v26;
	_ =	sdelay $0x1  }
0x1cb: {  	v26 =	vadd.f32 v27, v26;
	_ =	sdelay $0x1  }
0x1cc: {  	v26 =	vadd.f32 v28, v26;
	_ =	sdelay $0x1  }
0x1cd: {  	[tilespmem:s26+$0x12B40] =	vst v26  }
0x1ce: {  	v26 =	vld [tilespmem:s25+$0xFFFFFE10]  }
0x1cf: {  	v27 =	vld [tilespmem:s25+$0xFFFFFE90]  }
0x1d0: {  	v28 =	vld [tilespmem:s25+$0xFFFFFF10]  }
0x1d1: {  	v29 =	vld [tilespmem:s25+$0xFFFFFF90]  }
0x1d2: {  	v30 =	vld [tilespmem:s25+$0x10]  }
0x1d3: {  	v26 =	vadd.f32 v26, v23;
	v31 =	vld [tilespmem:s25+$0x90]  }
0x1d4: {  	v32 =	vld [tilespmem:s25+$0x110]  }
0x1d5: {  	v26 =	vadd.f32 v27, v26;
	v27 =	vld [tilespmem:s25+$0x190]  }
0x1d6: {  	v33 =	vld [tilespmem:s25+$0x210]  }
0x1d7: {  	v26 =	vadd.f32 v28, v26;
	_ =	sdelay $0x1  }
0x1d8: {  	v26 =	vadd.f32 v29, v26;
	_ =	sdelay $0x1  }
0x1d9: {  	v26 =	vadd.f32 v30, v26;
	_ =	sdelay $0x1  }
0x1da: {  	v26 =	vadd.f32 v31, v26;
	_ =	sdelay $0x1  }
0x1db: {  	v26 =	vadd.f32 v32, v26;
	_ =	sdelay $0x1  }
0x1dc: {  	v26 =	vadd.f32 v27, v26;
	_ =	sdelay $0x1  }
0x1dd: {  	v26 =	vadd.f32 v33, v26;
	_ =	sdelay $0x1  }
0x1de: {  	[tilespmem:s26+$0x12B50] =	vst v26  }
0x1df: {  	v26 =	vld [tilespmem:s25+$0xFFFFFE20]  }
0x1e0: {  	v27 =	vld [tilespmem:s25+$0xFFFFFEA0]  }
0x1e1: {  	v28 =	vld [tilespmem:s25+$0xFFFFFF20]  }
0x1e2: {  	v29 =	vld [tilespmem:s25+$0xFFFFFFA0]  }
0x1e3: {  	v30 =	vld [tilespmem:s25+$0x20]  }
0x1e4: {  	v26 =	vadd.f32 v26, v24;
	v31 =	vld [tilespmem:s25+$0xA0]  }
0x1e5: {  	v32 =	vld [tilespmem:s25+$0x120]  }
0x1e6: {  	v26 =	vadd.f32 v27, v26;
	v27 =	vld [tilespmem:s25+$0x1A0]  }
0x1e7: {  	v33 =	vld [tilespmem:s25+$0x220]  }
0x1e8: {  	v26 =	vadd.f32 v28, v26;
	_ =	sdelay $0x1  }
0x1e9: {  	v26 =	vadd.f32 v29, v26;
	_ =	sdelay $0x1  }
0x1ea: {  	v26 =	vadd.f32 v30, v26;
	_ =	sdelay $0x1  }
0x1eb: {  	v26 =	vadd.f32 v31, v26;
	_ =	sdelay $0x1  }
0x1ec: {  	v26 =	vadd.f32 v32, v26;
	_ =	sdelay $0x1  }
0x1ed: {  	v26 =	vadd.f32 v27, v26;
	_ =	sdelay $0x1  }
0x1ee: {  	v26 =	vadd.f32 v33, v26;
	_ =	sdelay $0x1  }
0x1ef: {  	[tilespmem:s26+$0x12B60] =	vst v26  }
0x1f0: {  	v26 =	vld [tilespmem:s25+$0xFFFFFE30]  }
0x1f1: {  	v27 =	vld [tilespmem:s25+$0xFFFFFEB0]  }
0x1f2: {  	v28 =	vld [tilespmem:s25+$0xFFFFFF30]  }
0x1f3: {  	v29 =	vld [tilespmem:s25+$0xFFFFFFB0]  }
0x1f4: {  	v30 =	vld [tilespmem:s25+$0x30]  }
0x1f5: {  	v26 =	vadd.f32 v26, v25;
	v31 =	vld [tilespmem:s25+$0xB0]  }
0x1f6: {  	v32 =	vld [tilespmem:s25+$0x130]  }
0x1f7: {  	v26 =	vadd.f32 v27, v26;
	v27 =	vld [tilespmem:s25+$0x1B0]  }
0x1f8: {  	v33 =	vld [tilespmem:s25+$0x230]  }
0x1f9: {  	v26 =	vadd.f32 v28, v26;
	_ =	sdelay $0x1  }
0x1fa: {  	v26 =	vadd.f32 v29, v26;
	_ =	sdelay $0x1  }
0x1fb: {  	v26 =	vadd.f32 v30, v26;
	_ =	sdelay $0x1  }
0x1fc: {  	v26 =	vadd.f32 v31, v26;
	_ =	sdelay $0x1  }
.Ltmp0:
0x1fd: {  	v26 =	vadd.f32 v32, v26;
	(pc) =	sbr.rel @p0 .LBB2_3-.Ltmp0, $3  }
0x1fe: {  	_ = 	snop  }
0x1ff: {  	v26 =	vadd.f32 v27, v26;
	_ =	sdelay $0x1  }
0x200: {  	v26 =	vadd.f32 v33, v26  }
0x201: {  	s3 =	sshll.u32 s22, $0xA;
	p0 =	seq.s32 s22, $0x18  }
.Ltmp1:
0x202: {  	[tilespmem:s26+$0x12B70] =	vst v26;
	s3 =	sadd.s32 s3, s9;
	(pc) =	sbr.rel @p0 .LBB2_6-.Ltmp1, $4  }
0x203: {  	[hbm4b:s3+s4] =	stream.linear.scatter [tilespmem:s19], [sflag:$0x3], $0x1000, $0x38;
	[tilespmem:$0x14B80] =	vst v63  }
0x204: {  	_ =	swait.ge [sflag:s13], $0x1000  }
0x205: {  	[sflag:s13] =	ssyncset.done $0x0  }
0x206: {  	[sflag:s13] =	ssyncadd.s32 $0xFFFFF000  }
0x207: {  	s3 =	rddreg [dreg:$0x5]  }
0x208: {  	s3 =	sadd.s32 s24, s3  }
0x209: {  	s24 =	sshrl.u32 s3, $0x3;
	s3 =	sadd.s32 s6, s3  }
0x20a: {  	s3 =	sadd.s32 s24, s3  }
0x20b: {  	[tilespmem:s4], [sflag:$0x3] =	stream.linear.gather [hbm4b:s3+s4], $0x120, $0x38;
	[tilespmem:$0x14B80] =	vst v63  }
0x20c: {  	_ =	swait.ge [sflag:s13], $0x120  }
0x20d: {  	[sflag:s13] =	ssyncset.done $0x0  }
0x20e: {  	[sflag:s13] =	ssyncadd.s32 $0xFFFFFEE0  }
0x20f: {  	v26 =	vld [tilespmem:$0x0]  }
0x210: {  	v27 =	vld [tilespmem:$0x10]  }
0x211: {  	v28 =	vld [tilespmem:$0x20]  }
0x212: {  	v29 =	vld [tilespmem:$0x30]  }
0x213: {  	v30 =	vld [tilespmem:$0x40]  }
0x214: {  	v31 =	vld [tilespmem:$0x50];
	vm0 =	vlt.s32 v26, $0x0;
	v26 =	vadd.s32 v0, v26  }
0x215: {  	v32 =	vld [tilespmem:$0x60];
	vm11 =	vlt.s32 v27, $0x0;
	v27 =	vadd.s32 v2, v27;
	v26 =	vsel vm0, v1, v26  }
0x216: {  	v53 =	vld [tilespmem:$0x70];
	vm12 =	vlt.s32 v28, $0x0;
	[tilespmem:$0x300] =	vst v26;
	v26 =	vsel vm11, v3, v27;
	v27 =	vadd.s32 v4, v28  }
0x217: {  	v54 =	vld [tilespmem:$0x80];
	vm13 =	vlt.s32 v29, $0x0;
	[tilespmem:$0x310] =	vst v26;
	v26 =	vsel vm12, v5, v27;
	v27 =	vadd.s32 v6, v29  }
0x218: {  	v55 =	vld [tilespmem:$0x90];
	vm14 =	vlt.s32 v30, $0x0;
	[tilespmem:$0x320] =	vst v26;
	v26 =	vsel vm13, v7, v27;
	v27 =	vadd.s32 v8, v30  }
0x219: {  	v56 =	vld [tilespmem:$0xA0];
	vm15 =	vlt.s32 v31, $0x0;
	[tilespmem:$0x380] =	vst v26;
	v26 =	vsel vm14, v9, v27;
	v27 =	vadd.s32 v10, v31  }
0x21a: {  	v57 =	vld [tilespmem:$0xB0];
	vm4 =	vlt.s32 v32, $0x0;
	[tilespmem:$0x390] =	vst v26;
	v26 =	vsel vm15, v11, v27;
	v27 =	vadd.s32 v12, v32  }
0x21b: {  	v58 =	vld [tilespmem:$0xC0];
	vm5 =	vlt.s32 v53, $0x0;
	[tilespmem:$0x3A0] =	vst v26;
	v26 =	vsel vm4, v13, v27;
	v27 =	vadd.s32 v14, v53  }
0x21c: {  	v59 =	vld [tilespmem:$0xD0];
	vm6 =	vlt.s32 v54, $0x0;
	[tilespmem:$0x400] =	vst v26;
	v26 =	vsel vm5, v15, v27;
	v27 =	vadd.s32 v16, v54  }
0x21d: {  	v60 =	vld [tilespmem:$0xE0];
	vm7 =	vlt.s32 v55, $0x0;
	[tilespmem:$0x410] =	vst v26;
	v26 =	vsel vm6, v17, v27;
	v27 =	vadd.s32 v0, v55  }
0x21e: {  	v61 =	vld [tilespmem:$0xF0];
	vm8 =	vlt.s32 v56, $0x0;
	[tilespmem:$0x420] =	vst v26;
	v26 =	vsel vm7, v1, v27;
	v27 =	vadd.s32 v2, v56  }
0x21f: {  	v62 =	vld [tilespmem:$0x100];
	vm9 =	vlt.s32 v57, $0x0;
	[tilespmem:$0x480] =	vst v26;
	v26 =	vsel vm8, v3, v27;
	v27 =	vadd.s32 v4, v57  }
0x220: {  	v63 =	vld [tilespmem:$0x110];
	vm10 =	vlt.s32 v58, $0x0;
	[tilespmem:$0x490] =	vst v26;
	v26 =	vsel vm9, v5, v27;
	v27 =	vadd.s32 v6, v58  }
0x221: {  	vm11 =	vlt.s32 v59, $0x0;
	[tilespmem:$0x4A0] =	vst v26;
	v26 =	vsel vm10, v7, v27;
	v27 =	vadd.s32 v8, v59  }
0x222: {  	vm12 =	vlt.s32 v60, $0x0;
	[tilespmem:$0x500] =	vst v26;
	v26 =	vsel vm11, v9, v27;
	v27 =	vadd.s32 v10, v60  }
0x223: {  	vm13 =	vlt.s32 v61, $0x0;
	[tilespmem:$0x510] =	vst v26;
	v26 =	vsel vm12, v11, v27;
	v27 =	vadd.s32 v12, v61  }
0x224: {  	vm14 =	vlt.s32 v62, $0x0;
	[tilespmem:$0x520] =	vst v26;
	v26 =	vsel vm13, v13, v27;
	v27 =	vadd.s32 v14, v62  }
0x225: {  	vm15 =	vlt.s32 v63, $0x0;
	[tilespmem:$0x580] =	vst v26;
	v26 =	vsel vm14, v15, v27;
	v27 =	vadd.s32 v16, v63  }
0x226: {  	[tilespmem:$0x590] =	vst v26;
	v26 =	vsel vm15, v17, v27  }
0x227: {  	s25 =	simm.s32 $0x300;
	s26 =	simm.s32 $0xB00;
	[tilespmem:$0x5A0] =	vst v26  }
0x228: {  	[tilespmem:s26], [sflag:$0x1] =	stream.indirect.gather [hbm4b:s5+s14], $0x80, s25, s14, $0xb8;
	[tilespmem:$0x14B80] =	vst v63  }
0x229: {  	s25 =	simm.s32 $0x380;
	s26 =	simm.s32 $0x2300  }
0x22a: {  	[tilespmem:s26], [sflag:$0x1] =	stream.indirect.gather [hbm4b:s5+s14], $0x80, s25, s14, $0xb8;
	[tilespmem:$0x14B80] =	vst v63  }
0x22b: {  	s25 =	simm.s32 $0x400;
	s26 =	simm.s32 $0x3B00  }
0x22c: {  	[tilespmem:s26], [sflag:$0x1] =	stream.indirect.gather [hbm4b:s5+s14], $0x80, s25, s14, $0xb8;
	[tilespmem:$0x14B80] =	vst v63  }
0x22d: {  	s25 =	simm.s32 $0x480;
	s26 =	simm.s32 $0x5300  }
0x22e: {  	[tilespmem:s26], [sflag:$0x1] =	stream.indirect.gather [hbm4b:s5+s14], $0x80, s25, s14, $0xb8;
	[tilespmem:$0x14B80] =	vst v63  }
0x22f: {  	s25 =	simm.s32 $0x500;
	s26 =	simm.s32 $0x6B00  }
0x230: {  	[tilespmem:s26], [sflag:$0x1] =	stream.indirect.gather [hbm4b:s5+s14], $0x80, s25, s14, $0xb8;
	[tilespmem:$0x14B80] =	vst v63  }
0x231: {  	s25 =	simm.s32 $0x580;
	s26 =	simm.s32 $0x8300  }
0x232: {  	[tilespmem:s26], [sflag:$0x1] =	stream.indirect.gather [hbm4b:s5+s14], $0x80, s25, s14, $0xb8;
	[tilespmem:$0x14B80] =	vst v63  }
.LBB2_6:
0x233: {  	_ =	swait.ge [sflag:s20], $0x1800  }
0x234: {  	[sflag:s20] =	ssyncset.done $0x0  }
0x235: {  	[sflag:s20] =	ssyncadd.s32 $0xFFFFE800  }
0x236: {  	_ =	swait.ge [sflag:s20], $0x1800  }
0x237: {  	[sflag:s20] =	ssyncset.done $0x0  }
0x238: {  	[sflag:s20] =	ssyncadd.s32 $0xFFFFE800  }
0x239: {  	_ =	swait.ge [sflag:s20], $0x1800  }
0x23a: {  	[sflag:s20] =	ssyncset.done $0x0  }
0x23b: {  	[sflag:s20] =	ssyncadd.s32 $0xFFFFE800  }
0x23c: {  	_ =	swait.ge [sflag:s20], $0x1800  }
0x23d: {  	[sflag:s20] =	ssyncset.done $0x0  }
0x23e: {  	[sflag:s20] =	ssyncadd.s32 $0xFFFFE800  }
0x23f: {  	_ =	swait.ge [sflag:s20], $0x1800  }
0x240: {  	[sflag:s20] =	ssyncset.done $0x0  }
0x241: {  	[sflag:s20] =	ssyncadd.s32 $0xFFFFE800  }
0x242: {  	_ =	swait.ge [sflag:s20], $0x1800  }
0x243: {  	[sflag:s20] =	ssyncset.done $0x0  }
0x244: {  	s24 =	simm.s32 $0x9D40;
	[sflag:s20] =	ssyncadd.s32 $0xFFFFE800  }
0x245: {  	v26 =	vld [tilespmem:s24+$0xFFFFFDC0];
	_ =	sdelay $0x1  }
0x246: {  	v27 =	vld [tilespmem:s24+$0xFFFFFE40];
	_ =	sdelay $0x1  }
0x247: {  	v28 =	vld [tilespmem:s24+$0xFFFFFEC0]  }
0x248: {  	v26 =	vadd.f32 v26, v18  }
0x249: {  	v29 =	vld [tilespmem:s24+$0xFFFFFF40]  }
0x24a: {  	v26 =	vadd.f32 v27, v26  }
0x24b: {  	v27 =	vld [tilespmem:s24+$0xFFFFFFC0]  }
0x24c: {  	v26 =	vadd.f32 v28, v26  }
0x24d: {  	v58 =	vld [tilespmem:s24+$0x40]  }
0x24e: {  	v26 =	vadd.f32 v29, v26  }
0x24f: {  	v59 =	vld [tilespmem:s24+$0xC0]  }
0x250: {  	v26 =	vadd.f32 v27, v26  }
0x251: {  	v27 =	vld [tilespmem:s24+$0x140]  }
0x252: {  	v26 =	vadd.f32 v58, v26  }
0x253: {  	v60 =	vld [tilespmem:s24+$0x1C0]  }
0x254: {  	v26 =	vadd.f32 v59, v26;
	_ =	sdelay $0x1  }
0x255: {  	v26 =	vadd.f32 v27, v26;
	_ =	sdelay $0x1  }
0x256: {  	v26 =	vadd.f32 v60, v26  }
0x257: {  	s25 =	simm.s32 $0x0  }
0x258: {  	[tilespmem:s25+$0x13B00] =	vst v26  }
0x259: {  	v26 =	vld [tilespmem:s24+$0xFFFFFDD0];
	_ =	sdelay $0x1  }
0x25a: {  	v27 =	vld [tilespmem:s24+$0xFFFFFE50];
	_ =	sdelay $0x1  }
0x25b: {  	v61 =	vld [tilespmem:s24+$0xFFFFFED0]  }
0x25c: {  	v26 =	vadd.f32 v26, v19  }
0x25d: {  	v62 =	vld [tilespmem:s24+$0xFFFFFF50]  }
0x25e: {  	v26 =	vadd.f32 v27, v26  }
0x25f: {  	v27 =	vld [tilespmem:s24+$0xFFFFFFD0]  }
0x260: {  	v26 =	vadd.f32 v61, v26  }
0x261: {  	v63 =	vld [tilespmem:s24+$0x50]  }
0x262: {  	v26 =	vadd.f32 v62, v26  }
0x263: {  	v32 =	vld [tilespmem:s24+$0xD0]  }
0x264: {  	v26 =	vadd.f32 v27, v26  }
0x265: {  	v27 =	vld [tilespmem:s24+$0x150]  }
0x266: {  	v26 =	vadd.f32 v63, v26  }
0x267: {  	v33 =	vld [tilespmem:s24+$0x1D0]  }
0x268: {  	v26 =	vadd.f32 v32, v26;
	_ =	sdelay $0x1  }
0x269: {  	v26 =	vadd.f32 v27, v26;
	_ =	sdelay $0x1  }
0x26a: {  	v26 =	vadd.f32 v33, v26;
	_ =	sdelay $0x1  }
0x26b: {  	[tilespmem:s25+$0x13B10] =	vst v26  }
0x26c: {  	v26 =	vld [tilespmem:s24+$0xFFFFFDE0];
	_ =	sdelay $0x1  }
0x26d: {  	v27 =	vld [tilespmem:s24+$0xFFFFFE60];
	_ =	sdelay $0x1  }
0x26e: {  	v34 =	vld [tilespmem:s24+$0xFFFFFEE0]  }
0x26f: {  	v26 =	vadd.f32 v26, v20  }
0x270: {  	v35 =	vld [tilespmem:s24+$0xFFFFFF60]  }
0x271: {  	v26 =	vadd.f32 v27, v26  }
0x272: {  	v27 =	vld [tilespmem:s24+$0xFFFFFFE0]  }
0x273: {  	v26 =	vadd.f32 v34, v26  }
0x274: {  	v36 =	vld [tilespmem:s24+$0x60]  }
0x275: {  	v26 =	vadd.f32 v35, v26  }
0x276: {  	v37 =	vld [tilespmem:s24+$0xE0]  }
0x277: {  	v26 =	vadd.f32 v27, v26  }
0x278: {  	v27 =	vld [tilespmem:s24+$0x160]  }
0x279: {  	v26 =	vadd.f32 v36, v26  }
0x27a: {  	v38 =	vld [tilespmem:s24+$0x1E0]  }
0x27b: {  	v26 =	vadd.f32 v37, v26;
	_ =	sdelay $0x1  }
0x27c: {  	v26 =	vadd.f32 v27, v26;
	_ =	sdelay $0x1  }
0x27d: {  	v26 =	vadd.f32 v38, v26;
	_ =	sdelay $0x1  }
0x27e: {  	[tilespmem:s25+$0x13B20] =	vst v26  }
0x27f: {  	v26 =	vld [tilespmem:s24+$0xFFFFFDF0];
	_ =	sdelay $0x1  }
0x280: {  	v27 =	vld [tilespmem:s24+$0xFFFFFE70];
	_ =	sdelay $0x1  }
0x281: {  	v39 =	vld [tilespmem:s24+$0xFFFFFEF0]  }
0x282: {  	v26 =	vadd.f32 v26, v21  }
0x283: {  	v40 =	vld [tilespmem:s24+$0xFFFFFF70]  }
0x284: {  	v26 =	vadd.f32 v27, v26  }
0x285: {  	v27 =	vld [tilespmem:s24+$0xFFFFFFF0]  }
0x286: {  	v26 =	vadd.f32 v39, v26  }
0x287: {  	v41 =	vld [tilespmem:s24+$0x70]  }
0x288: {  	v26 =	vadd.f32 v40, v26  }
0x289: {  	v42 =	vld [tilespmem:s24+$0xF0]  }
0x28a: {  	v26 =	vadd.f32 v27, v26  }
0x28b: {  	v27 =	vld [tilespmem:s24+$0x170]  }
0x28c: {  	v26 =	vadd.f32 v41, v26  }
0x28d: {  	v43 =	vld [tilespmem:s24+$0x1F0]  }
0x28e: {  	v26 =	vadd.f32 v42, v26;
	_ =	sdelay $0x1  }
0x28f: {  	v26 =	vadd.f32 v27, v26;
	_ =	sdelay $0x1  }
0x290: {  	v26 =	vadd.f32 v43, v26;
	_ =	sdelay $0x1  }
0x291: {  	[tilespmem:s25+$0x13B30] =	vst v26  }
0x292: {  	v26 =	vld [tilespmem:s24+$0xFFFFFE00];
	_ =	sdelay $0x1  }
0x293: {  	v27 =	vld [tilespmem:s24+$0xFFFFFE80];
	_ =	sdelay $0x1  }
0x294: {  	v44 =	vld [tilespmem:s24+$0xFFFFFF00]  }
0x295: {  	v26 =	vadd.f32 v26, v22  }
0x296: {  	v45 =	vld [tilespmem:s24+$0xFFFFFF80]  }
0x297: {  	v26 =	vadd.f32 v27, v26  }
0x298: {  	v27 =	vld [tilespmem:s24+$0x0]  }
0x299: {  	v26 =	vadd.f32 v44, v26  }
0x29a: {  	v46 =	vld [tilespmem:s24+$0x80]  }
0x29b: {  	v26 =	vadd.f32 v45, v26  }
0x29c: {  	v47 =	vld [tilespmem:s24+$0x100]  }
0x29d: {  	v26 =	vadd.f32 v27, v26  }
0x29e: {  	v27 =	vld [tilespmem:s24+$0x180]  }
0x29f: {  	v26 =	vadd.f32 v46, v26  }
0x2a0: {  	v48 =	vld [tilespmem:s24+$0x200]  }
0x2a1: {  	v26 =	vadd.f32 v47, v26;
	_ =	sdelay $0x1  }
0x2a2: {  	v26 =	vadd.f32 v27, v26;
	_ =	sdelay $0x1  }
0x2a3: {  	v26 =	vadd.f32 v48, v26;
	_ =	sdelay $0x1  }
0x2a4: {  	[tilespmem:s25+$0x13B40] =	vst v26  }
0x2a5: {  	v26 =	vld [tilespmem:s24+$0xFFFFFE10];
	_ =	sdelay $0x1  }
0x2a6: {  	v27 =	vld [tilespmem:s24+$0xFFFFFE90];
	_ =	sdelay $0x1  }
0x2a7: {  	v49 =	vld [tilespmem:s24+$0xFFFFFF10]  }
0x2a8: {  	v26 =	vadd.f32 v26, v23  }
0x2a9: {  	v50 =	vld [tilespmem:s24+$0xFFFFFF90]  }
0x2aa: {  	v26 =	vadd.f32 v27, v26  }
0x2ab: {  	v27 =	vld [tilespmem:s24+$0x10]  }
0x2ac: {  	v26 =	vadd.f32 v49, v26  }
0x2ad: {  	v51 =	vld [tilespmem:s24+$0x90]  }
0x2ae: {  	v26 =	vadd.f32 v50, v26  }
0x2af: {  	v52 =	vld [tilespmem:s24+$0x110]  }
0x2b0: {  	v26 =	vadd.f32 v27, v26  }
0x2b1: {  	v27 =	vld [tilespmem:s24+$0x190]  }
0x2b2: {  	v26 =	vadd.f32 v51, v26  }
0x2b3: {  	v53 =	vld [tilespmem:s24+$0x210]  }
0x2b4: {  	v26 =	vadd.f32 v52, v26;
	_ =	sdelay $0x1  }
0x2b5: {  	v26 =	vadd.f32 v27, v26;
	_ =	sdelay $0x1  }
0x2b6: {  	v26 =	vadd.f32 v53, v26;
	_ =	sdelay $0x1  }
0x2b7: {  	[tilespmem:s25+$0x13B50] =	vst v26  }
0x2b8: {  	v26 =	vld [tilespmem:s24+$0xFFFFFE20];
	_ =	sdelay $0x1  }
0x2b9: {  	v27 =	vld [tilespmem:s24+$0xFFFFFEA0];
	_ =	sdelay $0x1  }
0x2ba: {  	v54 =	vld [tilespmem:s24+$0xFFFFFF20]  }
0x2bb: {  	v26 =	vadd.f32 v26, v24  }
0x2bc: {  	v55 =	vld [tilespmem:s24+$0xFFFFFFA0]  }
0x2bd: {  	v26 =	vadd.f32 v27, v26  }
0x2be: {  	v27 =	vld [tilespmem:s24+$0x20]  }
0x2bf: {  	v26 =	vadd.f32 v54, v26  }
0x2c0: {  	v56 =	vld [tilespmem:s24+$0xA0]  }
0x2c1: {  	v26 =	vadd.f32 v55, v26  }
0x2c2: {  	v57 =	vld [tilespmem:s24+$0x120]  }
0x2c3: {  	v26 =	vadd.f32 v27, v26  }
0x2c4: {  	v27 =	vld [tilespmem:s24+$0x1A0]  }
0x2c5: {  	v26 =	vadd.f32 v56, v26  }
0x2c6: {  	v58 =	vld [tilespmem:s24+$0x220]  }
0x2c7: {  	v26 =	vadd.f32 v57, v26;
	_ =	sdelay $0x1  }
0x2c8: {  	v26 =	vadd.f32 v27, v26;
	_ =	sdelay $0x1  }
0x2c9: {  	v26 =	vadd.f32 v58, v26;
	_ =	sdelay $0x1  }
0x2ca: {  	[tilespmem:s25+$0x13B60] =	vst v26  }
0x2cb: {  	v26 =	vld [tilespmem:s24+$0xFFFFFE30];
	_ =	sdelay $0x1  }
0x2cc: {  	v27 =	vld [tilespmem:s24+$0xFFFFFEB0];
	_ =	sdelay $0x1  }
0x2cd: {  	v59 =	vld [tilespmem:s24+$0xFFFFFF30]  }
0x2ce: {  	v26 =	vadd.f32 v26, v25  }
0x2cf: {  	v60 =	vld [tilespmem:s24+$0xFFFFFFB0]  }
0x2d0: {  	v26 =	vadd.f32 v27, v26  }
0x2d1: {  	v27 =	vld [tilespmem:s24+$0x30]  }
0x2d2: {  	v26 =	vadd.f32 v59, v26  }
0x2d3: {  	v61 =	vld [tilespmem:s24+$0xB0]  }
0x2d4: {  	v26 =	vadd.f32 v60, v26  }
0x2d5: {  	v62 =	vld [tilespmem:s24+$0x130]  }
0x2d6: {  	v26 =	vadd.f32 v27, v26  }
0x2d7: {  	v27 =	vld [tilespmem:s24+$0x1B0]  }
0x2d8: {  	v26 =	vadd.f32 v61, v26  }
0x2d9: {  	v63 =	vld [tilespmem:s24+$0x230]  }
0x2da: {  	v26 =	vadd.f32 v62, v26;
	_ =	sdelay $0x1  }
0x2db: {  	v26 =	vadd.f32 v27, v26;
	_ =	sdelay $0x1  }
0x2dc: {  	s3 =	simm.s32 $0x200;
	v26 =	vadd.f32 v63, v26  }
.LBB2_7:
0x2dd: {  	p0 =	sne.s32 s3, $0x3E00  }
0x2de: {  	s24 =	sadd.s32 $0x480, s24;
	[tilespmem:s25+$0x13B70] =	vst v26;
	s25 =	smov.u32 s3;
	s3 =	sadd.s32 $0x200, s3  }
0x2df: {  	v26 =	vld [tilespmem:s24+$0xFFFFFDC0];
	_ =	sdelay $0x1  }
0x2e0: {  	v27 =	vld [tilespmem:s24+$0xFFFFFE40];
	_ =	sdelay $0x1  }
0x2e1: {  	v28 =	vld [tilespmem:s24+$0xFFFFFEC0]  }
0x2e2: {  	v26 =	vadd.f32 v26, v18  }
0x2e3: {  	v29 =	vld [tilespmem:s24+$0xFFFFFF40]  }
0x2e4: {  	v26 =	vadd.f32 v27, v26  }
0x2e5: {  	v27 =	vld [tilespmem:s24+$0xFFFFFFC0]  }
0x2e6: {  	v26 =	vadd.f32 v28, v26  }
0x2e7: {  	v28 =	vld [tilespmem:s24+$0x40]  }
0x2e8: {  	v26 =	vadd.f32 v29, v26  }
0x2e9: {  	v29 =	vld [tilespmem:s24+$0xC0]  }
0x2ea: {  	v26 =	vadd.f32 v27, v26  }
0x2eb: {  	v27 =	vld [tilespmem:s24+$0x140]  }
0x2ec: {  	v26 =	vadd.f32 v28, v26  }
0x2ed: {  	v28 =	vld [tilespmem:s24+$0x1C0]  }
0x2ee: {  	v26 =	vadd.f32 v29, v26;
	_ =	sdelay $0x1  }
0x2ef: {  	v26 =	vadd.f32 v27, v26;
	_ =	sdelay $0x1  }
0x2f0: {  	v26 =	vadd.f32 v28, v26  }
0x2f1: {  	s25 =	sshra.s32 s25, $0x2  }
0x2f2: {  	[tilespmem:s25+$0x13B00] =	vst v26  }
0x2f3: {  	v26 =	vld [tilespmem:s24+$0xFFFFFDD0];
	_ =	sdelay $0x1  }
0x2f4: {  	v27 =	vld [tilespmem:s24+$0xFFFFFE50];
	_ =	sdelay $0x1  }
0x2f5: {  	v28 =	vld [tilespmem:s24+$0xFFFFFED0]  }
0x2f6: {  	v26 =	vadd.f32 v26, v19  }
0x2f7: {  	v29 =	vld [tilespmem:s24+$0xFFFFFF50]  }
0x2f8: {  	v26 =	vadd.f32 v27, v26  }
0x2f9: {  	v27 =	vld [tilespmem:s24+$0xFFFFFFD0]  }
0x2fa: {  	v26 =	vadd.f32 v28, v26  }
0x2fb: {  	v28 =	vld [tilespmem:s24+$0x50]  }
0x2fc: {  	v26 =	vadd.f32 v29, v26  }
0x2fd: {  	v29 =	vld [tilespmem:s24+$0xD0]  }
0x2fe: {  	v26 =	vadd.f32 v27, v26  }
0x2ff: {  	v27 =	vld [tilespmem:s24+$0x150]  }
0x300: {  	v26 =	vadd.f32 v28, v26  }
0x301: {  	v28 =	vld [tilespmem:s24+$0x1D0]  }
0x302: {  	v26 =	vadd.f32 v29, v26;
	_ =	sdelay $0x1  }
0x303: {  	v26 =	vadd.f32 v27, v26;
	_ =	sdelay $0x1  }
0x304: {  	v26 =	vadd.f32 v28, v26;
	_ =	sdelay $0x1  }
0x305: {  	[tilespmem:s25+$0x13B10] =	vst v26  }
0x306: {  	v26 =	vld [tilespmem:s24+$0xFFFFFDE0];
	_ =	sdelay $0x1  }
0x307: {  	v27 =	vld [tilespmem:s24+$0xFFFFFE60];
	_ =	sdelay $0x1  }
0x308: {  	v28 =	vld [tilespmem:s24+$0xFFFFFEE0]  }
0x309: {  	v26 =	vadd.f32 v26, v20  }
0x30a: {  	v29 =	vld [tilespmem:s24+$0xFFFFFF60]  }
0x30b: {  	v26 =	vadd.f32 v27, v26  }
0x30c: {  	v27 =	vld [tilespmem:s24+$0xFFFFFFE0]  }
0x30d: {  	v26 =	vadd.f32 v28, v26  }
0x30e: {  	v28 =	vld [tilespmem:s24+$0x60]  }
0x30f: {  	v26 =	vadd.f32 v29, v26  }
0x310: {  	v29 =	vld [tilespmem:s24+$0xE0]  }
0x311: {  	v26 =	vadd.f32 v27, v26  }
0x312: {  	v27 =	vld [tilespmem:s24+$0x160]  }
0x313: {  	v26 =	vadd.f32 v28, v26  }
0x314: {  	v28 =	vld [tilespmem:s24+$0x1E0]  }
0x315: {  	v26 =	vadd.f32 v29, v26;
	_ =	sdelay $0x1  }
0x316: {  	v26 =	vadd.f32 v27, v26;
	_ =	sdelay $0x1  }
0x317: {  	v26 =	vadd.f32 v28, v26;
	_ =	sdelay $0x1  }
0x318: {  	[tilespmem:s25+$0x13B20] =	vst v26  }
0x319: {  	v26 =	vld [tilespmem:s24+$0xFFFFFDF0];
	_ =	sdelay $0x1  }
0x31a: {  	v27 =	vld [tilespmem:s24+$0xFFFFFE70];
	_ =	sdelay $0x1  }
0x31b: {  	v28 =	vld [tilespmem:s24+$0xFFFFFEF0]  }
0x31c: {  	v26 =	vadd.f32 v26, v21  }
0x31d: {  	v29 =	vld [tilespmem:s24+$0xFFFFFF70]  }
0x31e: {  	v26 =	vadd.f32 v27, v26  }
0x31f: {  	v27 =	vld [tilespmem:s24+$0xFFFFFFF0]  }
0x320: {  	v26 =	vadd.f32 v28, v26  }
0x321: {  	v28 =	vld [tilespmem:s24+$0x70]  }
0x322: {  	v26 =	vadd.f32 v29, v26  }
0x323: {  	v29 =	vld [tilespmem:s24+$0xF0]  }
0x324: {  	v26 =	vadd.f32 v27, v26  }
0x325: {  	v27 =	vld [tilespmem:s24+$0x170]  }
0x326: {  	v26 =	vadd.f32 v28, v26  }
0x327: {  	v28 =	vld [tilespmem:s24+$0x1F0]  }
0x328: {  	v26 =	vadd.f32 v29, v26;
	_ =	sdelay $0x1  }
0x329: {  	v26 =	vadd.f32 v27, v26;
	_ =	sdelay $0x1  }
0x32a: {  	v26 =	vadd.f32 v28, v26;
	_ =	sdelay $0x1  }
0x32b: {  	[tilespmem:s25+$0x13B30] =	vst v26  }
0x32c: {  	v26 =	vld [tilespmem:s24+$0xFFFFFE00];
	_ =	sdelay $0x1  }
0x32d: {  	v27 =	vld [tilespmem:s24+$0xFFFFFE80];
	_ =	sdelay $0x1  }
0x32e: {  	v28 =	vld [tilespmem:s24+$0xFFFFFF00]  }
0x32f: {  	v26 =	vadd.f32 v26, v22  }
0x330: {  	v29 =	vld [tilespmem:s24+$0xFFFFFF80]  }
0x331: {  	v26 =	vadd.f32 v27, v26  }
0x332: {  	v27 =	vld [tilespmem:s24+$0x0]  }
0x333: {  	v26 =	vadd.f32 v28, v26  }
0x334: {  	v28 =	vld [tilespmem:s24+$0x80]  }
0x335: {  	v26 =	vadd.f32 v29, v26  }
0x336: {  	v29 =	vld [tilespmem:s24+$0x100]  }
0x337: {  	v26 =	vadd.f32 v27, v26  }
0x338: {  	v27 =	vld [tilespmem:s24+$0x180]  }
0x339: {  	v26 =	vadd.f32 v28, v26  }
0x33a: {  	v28 =	vld [tilespmem:s24+$0x200]  }
0x33b: {  	v26 =	vadd.f32 v29, v26;
	_ =	sdelay $0x1  }
0x33c: {  	v26 =	vadd.f32 v27, v26;
	_ =	sdelay $0x1  }
0x33d: {  	v26 =	vadd.f32 v28, v26;
	_ =	sdelay $0x1  }
0x33e: {  	[tilespmem:s25+$0x13B40] =	vst v26  }
0x33f: {  	v26 =	vld [tilespmem:s24+$0xFFFFFE10]  }
0x340: {  	v27 =	vld [tilespmem:s24+$0xFFFFFE90]  }
0x341: {  	v28 =	vld [tilespmem:s24+$0xFFFFFF10]  }
0x342: {  	v29 =	vld [tilespmem:s24+$0xFFFFFF90]  }
0x343: {  	v30 =	vld [tilespmem:s24+$0x10]  }
0x344: {  	v26 =	vadd.f32 v26, v23;
	v31 =	vld [tilespmem:s24+$0x90]  }
0x345: {  	v32 =	vld [tilespmem:s24+$0x110]  }
0x346: {  	v26 =	vadd.f32 v27, v26;
	v27 =	vld [tilespmem:s24+$0x190]  }
0x347: {  	v33 =	vld [tilespmem:s24+$0x210]  }
0x348: {  	v26 =	vadd.f32 v28, v26;
	_ =	sdelay $0x1  }
0x349: {  	v26 =	vadd.f32 v29, v26;
	_ =	sdelay $0x1  }
0x34a: {  	v26 =	vadd.f32 v30, v26;
	_ =	sdelay $0x1  }
0x34b: {  	v26 =	vadd.f32 v31, v26;
	_ =	sdelay $0x1  }
0x34c: {  	v26 =	vadd.f32 v32, v26;
	_ =	sdelay $0x1  }
0x34d: {  	v26 =	vadd.f32 v27, v26;
	_ =	sdelay $0x1  }
0x34e: {  	v26 =	vadd.f32 v33, v26;
	_ =	sdelay $0x1  }
0x34f: {  	[tilespmem:s25+$0x13B50] =	vst v26  }
0x350: {  	v26 =	vld [tilespmem:s24+$0xFFFFFE20]  }
0x351: {  	v27 =	vld [tilespmem:s24+$0xFFFFFEA0]  }
0x352: {  	v28 =	vld [tilespmem:s24+$0xFFFFFF20]  }
0x353: {  	v29 =	vld [tilespmem:s24+$0xFFFFFFA0]  }
0x354: {  	v30 =	vld [tilespmem:s24+$0x20]  }
0x355: {  	v26 =	vadd.f32 v26, v24;
	v31 =	vld [tilespmem:s24+$0xA0]  }
0x356: {  	v32 =	vld [tilespmem:s24+$0x120]  }
0x357: {  	v26 =	vadd.f32 v27, v26;
	v27 =	vld [tilespmem:s24+$0x1A0]  }
0x358: {  	v33 =	vld [tilespmem:s24+$0x220]  }
0x359: {  	v26 =	vadd.f32 v28, v26;
	_ =	sdelay $0x1  }
0x35a: {  	v26 =	vadd.f32 v29, v26;
	_ =	sdelay $0x1  }
0x35b: {  	v26 =	vadd.f32 v30, v26;
	_ =	sdelay $0x1  }
0x35c: {  	v26 =	vadd.f32 v31, v26;
	_ =	sdelay $0x1  }
0x35d: {  	v26 =	vadd.f32 v32, v26;
	_ =	sdelay $0x1  }
0x35e: {  	v26 =	vadd.f32 v27, v26;
	_ =	sdelay $0x1  }
0x35f: {  	v26 =	vadd.f32 v33, v26;
	_ =	sdelay $0x1  }
0x360: {  	[tilespmem:s25+$0x13B60] =	vst v26  }
0x361: {  	v26 =	vld [tilespmem:s24+$0xFFFFFE30]  }
0x362: {  	v27 =	vld [tilespmem:s24+$0xFFFFFEB0]  }
0x363: {  	v28 =	vld [tilespmem:s24+$0xFFFFFF30]  }
0x364: {  	v29 =	vld [tilespmem:s24+$0xFFFFFFB0]  }
0x365: {  	v30 =	vld [tilespmem:s24+$0x30]  }
0x366: {  	v26 =	vadd.f32 v26, v25;
	v31 =	vld [tilespmem:s24+$0xB0]  }
0x367: {  	v32 =	vld [tilespmem:s24+$0x130]  }
0x368: {  	v26 =	vadd.f32 v27, v26;
	v27 =	vld [tilespmem:s24+$0x1B0]  }
0x369: {  	v33 =	vld [tilespmem:s24+$0x230]  }
0x36a: {  	v26 =	vadd.f32 v28, v26;
	_ =	sdelay $0x1  }
0x36b: {  	v26 =	vadd.f32 v29, v26;
	_ =	sdelay $0x1  }
0x36c: {  	v26 =	vadd.f32 v30, v26;
	_ =	sdelay $0x1  }
0x36d: {  	v26 =	vadd.f32 v31, v26;
	_ =	sdelay $0x1  }
.Ltmp2:
0x36e: {  	v26 =	vadd.f32 v32, v26;
	(pc) =	sbr.rel @p0 .LBB2_7-.Ltmp2, $3  }
0x36f: {  	_ = 	snop  }
0x370: {  	v26 =	vadd.f32 v27, v26;
	_ =	sdelay $0x1  }
0x371: {  	v26 =	vadd.f32 v33, v26  }
0x372: {  	s22 =	sadd.s32 $0x1, s22  }
0x373: {  	s3 =	sshll.u32 s23, $0x4;
	p0 =	sne.s32 s22, $0x19  }
.Ltmp3:
0x374: {  	[tilespmem:s25+$0x13B70] =	vst v26;
	s3 =	sadd.s32 s10, s3;
	(pc) =	sbr.rel @p0 .LBB2_2-.Ltmp3, $4  }
0x375: {  	[hbm4b:s3+s4] =	stream.linear.scatter [tilespmem:s21], [sflag:$0x3], $0x1000, $0x38;
	[tilespmem:$0x14B80] =	vst v63  }
0x376: {  	_ =	swait.ge [sflag:s13], $0x1000  }
0x377: {  	[sflag:s13] =	ssyncset.done $0x0  }
0x378: {  	[sflag:s13] =	ssyncadd.s32 $0xFFFFF000  }
0x379: {  	s22 =	rddreg [dreg:$0x7]  }
0x37a: {  	s3 =	rddreg [dreg:$0x6];
	s22 =	sadd.s32 $0x1, s22  }
0x37b: {  	p0 =	sne.s32 s22, s3  }
.Ltmp4:
0x37c: {  	_ = 	snop;
	(pc) =	sbr.rel @p0 .LBB2_1-.Ltmp4, $1  }
0x37d: {  	_ =	sdelay $0x3  }
0x37e: {  	_ =	sfence.sel $0x180000  }
0x37f: {  	[bflag:$0x0] =	sbarrier.arrive $0xFFFF  }
0x380: {  	_ =	strace $0x90000047  }
0x381: {  	s0 =	stileid.u32;
	[bflag:$0x2] =	sbarrier.arrive $0xFFFF  }
0x382: {  	p0 =	sne.s32 s0, $0x0;
	s0 =	rddreg [dreg:$0x3]  }
0x383: {  	s0 =	sadd.s32 @!p0 $0x100000, s0  }
0x384: {  	[sflag:s0] =	ssyncadd.tile.s32 @!p0 $0x1;
	_ =	shalt  }
.Lfunc_end2:
_tile_overlayer_lowered:
.L_overlay_start_2:
0x385: {  	(tag) =	ssettag $0x2  }
0x386: {  	s0 =	rddreg [dreg:$0x0];
	s2 =	stileid.u32  }
0x387: {  	s1 =	rddreg [dreg:$0x1];
	p0 =	sne.s32 s2, $0x0  }
0x388: {  	s3 =	rddreg [dreg:$0x2];
	[bflag:$0x3] =	sbarrier.arrive $0xFFFF;
	s2 =	simm.s32 @!p0 $0x1C03  }
0x389: {  	[timem:s3], [sflag:s2] =	dma.local @!p0 [hbm:s0], s1  }
0x38a: {  	s0 =	simm.s32 @!p0 $0x3  }
0x38b: {  	_ =	swait.ge @!p0 [sflag:s0], s1  }
0x38c: {  	s1 =	ssub.s32 @!p0 $0x0, s1;
	[sflag:s0] =	ssyncset.done @!p0 $0x0  }
0x38d: {  	[sflag:s0] =	ssyncadd.s32 @!p0 s1  }
0x38e: {  	[bflag:$0x3] =	sbarrier.arrive $0xFFFF  }
0x38f: {  	_ =	shalt  }

</sc_bundles>
